<compile_context>
chip_gen: v7x
topology: tpu7x:2x2x1
jax: 0.10.2.dev20260603
libtpu: 0.0.44.dev20260713+nightly
codegen_flags: <defaults>
</compile_context>

<pallas_src>
import dataclasses
import functools

import jax
import jax.numpy as jnp
from jax import lax
from jax.experimental import pallas as pl
from jax.experimental.pallas import tpu as pltpu
from jax.experimental.pallas import tpu_sc as plsc

N = 10000
E = 320000
D = 128
G = 64
LIN = 128
OUT = 8

K = 128
NCHUNK = E // K
CPT = 80
HCPT = 40
NCPAD = 32 * CPT
NCLAST = NCHUNK - 31 * CPT
NTILES = 32
RPT = 624
RTAIL = N - 16 * RPT
HR = 640

_mesh = plsc.VectorSubcoreMesh(core_axis_name="c", subcore_axis_name="s")

_sc_params = pltpu.CompilerParams()
if "needs_layout_passes" in pltpu.CompilerParams.__dataclass_fields__:
    _sc_params = dataclasses.replace(_sc_params, needs_layout_passes=False)



@functools.partial(
    pl.kernel,
    out_type=jax.ShapeDtypeStruct((2, HR, D), jnp.float32),
    mesh=_mesh,
    scratch_types=[
        pltpu.VMEM((CPT, K), jnp.int32),
        pltpu.VMEM((HR, D), jnp.float32),
        pltpu.VMEM((K,), jnp.int32),
        pltpu.VMEM_SHARED((HR, D), jnp.float32),
    ],
    compiler_params=_sc_params,
)
def _sc_hist(dst_hbm, zeros_hbm, out_hbm, dstb, hist, iota_v, acc):
    core = lax.axis_index("c")
    sid = lax.axis_index("s")
    wid = sid * 2 + core
    nc = lax.select(wid == 31, NCLAST, CPT)
    hrt = HR // 16
    r0 = sid * hrt
    pltpu.sync_copy(dst_hbm.at[pl.ds(wid * CPT, CPT)], dstb)
    pltpu.sync_copy(zeros_hbm, hist)
    pltpu.sync_copy(zeros_hbm.at[pl.ds(r0, hrt)], acc.at[pl.ds(r0, hrt)])
    base16 = lax.iota(jnp.int32, 16)
    one16 = jnp.full((16,), 1.0, jnp.float32)

    @pl.loop(0, nc)
    def _(i):
        for j in range(K // 16):
            d16 = dstb[i, pl.ds(j * 16, 16)]
            row = lax.shift_right_logical(d16, 7)
            col = lax.bitwise_and(d16, 127)
            plsc.addupdate_scatter(hist, [row, col], one16)

    plsc.subcore_barrier()

    for k in range(HR // K):
        for j in range(K // 16):
            iota_v[pl.ds(j * 16, 16)] = base16 + (k * K + j * 16)
        pltpu.sync_copy(hist.at[pl.ds(k * K, K)], acc.at[iota_v], add=True)

    plsc.subcore_barrier()
    pltpu.sync_copy(acc.at[pl.ds(r0, hrt)], out_hbm.at[core].at[pl.ds(r0, hrt)])


@functools.partial(
    pl.kernel,
    out_type=jax.ShapeDtypeStruct((2, N, D), jnp.float32),
    mesh=_mesh,
    scratch_types=[
        pltpu.VMEM((HCPT, K), jnp.int32),
        pltpu.VMEM((HCPT, K), jnp.int32),
        pltpu.VMEM((K, D), jnp.float32),
        pltpu.VMEM((K, D), jnp.float32),
        pltpu.VMEM((K,), jnp.int32),
        pltpu.VMEM((K,), jnp.int32),
        pltpu.VMEM_SHARED((N, D), jnp.float32),
        pltpu.SemaphoreType.DMA,
        pltpu.SemaphoreType.DMA,
        pltpu.SemaphoreType.DMA,
        pltpu.SemaphoreType.DMA,
    ],
)
def _sc_agg(y_hbm, zeros_hbm, src_hbm, dst_hbm, out_hbm, srcb, dstb,
            rows0, rows1, didx0, didx1, acc, ssem0, ssem1, gsem0, gsem1):
    core = lax.axis_index("c")
    sid = lax.axis_index("s")
    wid = sid * 2 + core
    nc = lax.select(wid == 31, NCLAST, CPT)
    r0 = sid * RPT

    @pl.when(core == 0)
    def _():
        pltpu.sync_copy(y_hbm.at[pl.ds(r0, RPT)], acc.at[pl.ds(r0, RPT)])

        @pl.when(sid == 15)
        def _():
            pltpu.sync_copy(y_hbm.at[pl.ds(16 * RPT, RTAIL)],
                            acc.at[pl.ds(16 * RPT, RTAIL)])

    @pl.when(core == 1)
    def _():
        pltpu.sync_copy(zeros_hbm.at[pl.ds(r0, RPT)], acc.at[pl.ds(r0, RPT)])

        @pl.when(sid == 15)
        def _():
            pltpu.sync_copy(zeros_hbm.at[pl.ds(16 * RPT, RTAIL)],
                            acc.at[pl.ds(16 * RPT, RTAIL)])

    plsc.subcore_barrier()

    def _half(i, ncp, rows, didx, gsem, ssem):
        pltpu.make_async_copy(y_hbm.at[srcb.at[i]], rows, gsem).wait()
        for j in range(K // 16):
            didx[pl.ds(j * 16, 16)] = dstb[i, pl.ds(j * 16, 16)]
        pltpu.async_copy(rows, acc.at[didx], ssem, add=True)

        @pl.when(i + 2 < ncp)
        def _():
            pltpu.make_async_copy(rows, acc.at[didx], ssem).wait()
            pltpu.async_copy(y_hbm.at[srcb.at[i + 2]], rows, gsem)

    for p in range(CPT // HCPT):
        ncp = jnp.clip(nc - p * HCPT, 0, HCPT)

        @pl.when(ncp > 0)
        def _():
            pltpu.sync_copy(src_hbm.at[pl.ds(wid * CPT + p * HCPT, HCPT)], srcb)
            pltpu.sync_copy(dst_hbm.at[pl.ds(wid * CPT + p * HCPT, HCPT)], dstb)
            if p > 0:
                pltpu.make_async_copy(rows0, acc.at[didx0], ssem0).wait()
                pltpu.make_async_copy(rows1, acc.at[didx1], ssem1).wait()
            pltpu.async_copy(y_hbm.at[srcb.at[0]], rows0, gsem0)
            pltpu.async_copy(y_hbm.at[srcb.at[1]], rows1, gsem1)

            @pl.loop(0, ncp, step=2)
            def _(i):
                _half(i, ncp, rows0, didx0, gsem0, ssem0)
                _half(i + 1, ncp, rows1, didx1, gsem1, ssem1)

    pltpu.make_async_copy(rows0, acc.at[didx0], ssem0).wait()
    pltpu.make_async_copy(rows1, acc.at[didx1], ssem1).wait()
    plsc.subcore_barrier()
    pltpu.sync_copy(acc.at[pl.ds(r0, RPT)], out_hbm.at[core].at[pl.ds(r0, RPT)])

    @pl.when(sid == 15)
    def _():
        pltpu.sync_copy(acc.at[pl.ds(16 * RPT, RTAIL)],
                        out_hbm.at[core].at[pl.ds(16 * RPT, RTAIL)])



R = 1000
GRID = N // R


def _tdinv_body(degp_ref, dinv_ref):
    dinv_ref[...] = lax.rsqrt(1.0 + degp_ref[0] + degp_ref[1])


_tdinv = pl.pallas_call(
    _tdinv_body,
    grid=(1,),
    in_specs=[pl.BlockSpec((2, HR, D), lambda i: (0, 0, 0))],
    out_specs=pl.BlockSpec((HR, D), lambda i: (0, 0)),
    out_shape=jax.ShapeDtypeStruct((HR, D), jnp.float32),
)


def _t1_body(x_ref, w_ref, dinv_ref, y_ref):
    dinv = dinv_ref[...]
    xw = jnp.dot(x_ref[...], w_ref[...], preferred_element_type=jnp.float32)
    y_ref[...] = xw * dinv


_t1 = pl.pallas_call(
    _t1_body,
    grid=(GRID,),
    in_specs=[
        pl.BlockSpec((R, D), lambda i: (i, 0)),
        pl.BlockSpec((D, D), lambda i: (0, 0)),
        pl.BlockSpec((R, 1), lambda i: (i, 0)),
    ],
    out_specs=pl.BlockSpec((R, D), lambda i: (i, 0)),
    out_shape=jax.ShapeDtypeStruct((N, D), jnp.float32),
)


def _t2_body(agg_ref, dinv_ref, b1_ref, w2_ref, y2_ref):
    dinv = dinv_ref[...]
    a = agg_ref[0] + agg_ref[1]
    h = jnp.maximum(a * dinv + b1_ref[...], 0.0)
    y2_ref[...] = jnp.dot(h, w2_ref[...], preferred_element_type=jnp.float32) * dinv


_t2 = pl.pallas_call(
    _t2_body,
    grid=(GRID,),
    in_specs=[
        pl.BlockSpec((2, R, D), lambda i: (0, i, 0)),
        pl.BlockSpec((R, 1), lambda i: (i, 0)),
        pl.BlockSpec((1, D), lambda i: (0, 0)),
        pl.BlockSpec((D, D), lambda i: (0, 0)),
    ],
    out_specs=pl.BlockSpec((R, D), lambda i: (i, 0)),
    out_shape=jax.ShapeDtypeStruct((N, D), jnp.float32),
)


def _t3_body(agg_ref, dinv_ref, b2_ref, batch_ref, lw_ref, lb_ref, ow_ref,
             ob_ref, out_ref, pool_ref):
    i = pl.program_id(0)

    @pl.when(i == 0)
    def _():
        pool_ref[...] = jnp.full((G, D), -jnp.inf, jnp.float32)

    dinv = dinv_ref[...]
    a = agg_ref[0] + agg_ref[1]
    h = jnp.maximum(a * dinv + b2_ref[...], 0.0)
    bidx = batch_ref[...]

    g_lo = bidx[0, 0]
    g_hi = bidx[R - 1, 0]

    def body(g, carry):
        vals = jnp.where(bidx == g, h, -jnp.inf)
        cur = pool_ref[pl.ds(g, 1), :]
        pool_ref[pl.ds(g, 1), :] = jnp.maximum(cur, vals.max(axis=0, keepdims=True))
        return carry

    lax.fori_loop(g_lo, g_hi + 1, body, 0)

    @pl.when(i == GRID - 1)
    def _():
        t = jnp.dot(pool_ref[...], lw_ref[...],
                    preferred_element_type=jnp.float32) + lb_ref[...]
        out_ref[...] = jnp.dot(t, ow_ref[...],
                               preferred_element_type=jnp.float32) + ob_ref[...]


_t3 = pl.pallas_call(
    _t3_body,
    grid=(GRID,),
    in_specs=[
        pl.BlockSpec((2, R, D), lambda i: (0, i, 0)),
        pl.BlockSpec((R, 1), lambda i: (i, 0)),
        pl.BlockSpec((1, D), lambda i: (0, 0)),
        pl.BlockSpec((R, 1), lambda i: (i, 0)),
        pl.BlockSpec((D, LIN), lambda i: (0, 0)),
        pl.BlockSpec((1, LIN), lambda i: (0, 0)),
        pl.BlockSpec((LIN, OUT), lambda i: (0, 0)),
        pl.BlockSpec((1, OUT), lambda i: (0, 0)),
    ],
    out_specs=pl.BlockSpec((G, OUT), lambda i: (0, 0)),
    out_shape=jax.ShapeDtypeStruct((G, OUT), jnp.float32),
    scratch_shapes=[pltpu.VMEM((G, D), jnp.float32)],
)



def kernel(x, edge_index, batch, W1, b1, W2, b2, lin_W, lin_b, out_W, out_b):
    pad = jnp.zeros((NCPAD - NCHUNK, K), jnp.int32)
    src2 = jnp.concatenate([edge_index[0].reshape(NCHUNK, K), pad])
    dst2 = jnp.concatenate([edge_index[1].reshape(NCHUNK, K), pad])
    zeros_nd = jnp.zeros((N, D), jnp.float32)
    zeros_hd = jnp.zeros((HR, D), jnp.float32)

    degp = _sc_hist(dst2, zeros_hd)
    dinv = _tdinv(degp).reshape(HR * D)[:N].reshape(N, 1)
    y1 = _t1(x, W1, dinv)
    agg1 = _sc_agg(y1, zeros_nd, src2, dst2)
    y2 = _t2(agg1, dinv, b1.reshape(1, D), W2)
    agg2 = _sc_agg(y2, zeros_nd, src2, dst2)
    return _t3(agg2, dinv, b2.reshape(1, D), batch.reshape(N, 1),
               lin_W, lin_b.reshape(1, LIN), out_W, out_b.reshape(1, OUT))

# --- scband reference (transcript-rebuilt; emitter-appended) ---
"""Pipeline reference for scband-gcn-86672440033908 (READ-ONLY COPY).

The authoritative reference and input builder live on the scoring server;
editing this copy changes nothing except your own understanding.
"""

import jax, jax.numpy as jnp
import numpy as np

N = 10000
E = 320000
D = 128
LIN = 128
OUT = 8
G = 64


def setup_inputs(seed: int = 0) -> dict:
    key = jax.random.key(seed)
    ks = jax.random.split(key, 12)
    x = jax.random.normal(ks[0], (N, D), dtype=jnp.float32)
    edge_index = jax.random.randint(ks[1], (2, E), 0, N, dtype=jnp.int32)
    batch = jnp.sort(jax.random.randint(ks[2], (N,), 0, G, dtype=jnp.int32))
    s = 1.0 / np.sqrt(D)
    W1 = jax.random.uniform(ks[3], (D, D), jnp.float32, -s, s)
    b1 = jax.random.uniform(ks[4], (D,), jnp.float32, -s, s)
    W2 = jax.random.uniform(ks[5], (D, D), jnp.float32, -s, s)
    b2 = jax.random.uniform(ks[6], (D,), jnp.float32, -s, s)
    lin_W = jax.random.uniform(ks[7], (D, LIN), jnp.float32, -s, s)
    lin_b = jax.random.uniform(ks[8], (LIN,), jnp.float32, -s, s)
    so = 1.0 / np.sqrt(LIN)
    out_W = jax.random.uniform(ks[9], (LIN, OUT), jnp.float32, -so, so)
    out_b = jax.random.uniform(ks[10], (OUT,), jnp.float32, -so, so)
    return {"x": x, "edge_index": edge_index, "batch": batch,
            "W1": W1, "b1": b1, "W2": W2, "b2": b2,
            "lin_W": lin_W, "lin_b": lin_b, "out_W": out_W, "out_b": out_b}


def _gcn_conv(x, src, dst, W, b):
    # PyG-style GCNConv: add self loops, symmetric normalization, scatter-add aggregation
    n = x.shape[0]
    loop = jnp.arange(n, dtype=src.dtype)
    s = jnp.concatenate([src, loop])
    d = jnp.concatenate([dst, loop])
    xw = x @ W
    deg = jax.ops.segment_sum(jnp.ones(d.shape, dtype=xw.dtype), d, num_segments=n)
    dinv = jnp.where(deg > 0, jax.lax.rsqrt(jnp.maximum(deg, 1e-12)), 0.0)
    norm = dinv[s] * dinv[d]
    msg = xw[s] * norm[:, None]
    out = jax.ops.segment_sum(msg, d, num_segments=n)
    return out + b


def reference(x, edge_index, batch, W1, b1, W2, b2, lin_W, lin_b, out_W, out_b):
    src = edge_index[0]
    dst = edge_index[1]
    h = jax.nn.relu(_gcn_conv(x, src, dst, W1, b1))
    h = jax.nn.relu(_gcn_conv(h, src, dst, W2, b2))
    pooled = jax.ops.segment_max(h, batch, num_segments=G)
    h = pooled @ lin_W + lin_b
    return h @ out_W + out_b

if __name__ == "__main__":
    import jax
    _d = setup_inputs()
    print(jax.jit(kernel)(*tuple(_d.values())))

</pallas_src>

<mosaic_0001>
#map = affine_map<(d0, d1) -> (0, 0)>
#map1 = affine_map<(d0, d1) -> (0, 0, 0)>
module attributes {stable_mosaic.version = 14 : i64} {
  func.func @_sc_hist(%arg0: i32, %arg1: i32, %arg2: memref<2560x128xi32, #tpu.memory_space<hbm>>, %arg3: memref<640x128xf32, #tpu.memory_space<hbm>>, %arg4: memref<2x640x128xf32, #tpu.memory_space<hbm>>, %arg5: memref<80x128xi32, #tpu.memory_space<vmem>>, %arg6: memref<640x128xf32, #tpu.memory_space<vmem>>, %arg7: memref<128xi32, #tpu.memory_space<vmem>>, %arg8: memref<640x128xf32, #tpu.memory_space<vmem_shared>>) attributes {dimension_semantics = [#tpu.dimension_semantics<core_parallel>, #tpu.dimension_semantics<subcore_parallel>], iteration_bounds = array<i64: 2, 16>, scalar_prefetch = 0 : i64, scratch_operands = 4 : i64, tpu.core_type = #tpu.core_type<sc_vector_subcore>, window_params = [{transform_indices = #map}, {transform_indices = #map}, {transform_indices = #map1}]} {
    %mul3A = arith.constant 2 : i32
    %mul3A_0 = arith.muli %arg1, %mul3A : i32
    %add3A = arith.addi %mul3A_0, %arg0 : i32
    %eq3A = arith.constant 31 : i32
    %eq3A_1 = arith.cmpi eq, %add3A, %eq3A : i32
    %select_n3A = arith.constant 80 : i32
    %select_n3A_2 = arith.constant 20 : i32
    %select_n3A_3 = arith.select %eq3A_1, %select_n3A_2, %select_n3A : i32
    %mul3A_4 = arith.constant 40 : i32
    %mul3A_5 = arith.muli %arg1, %mul3A_4 : i32
    %mul3A_6 = arith.constant 80 : i32
    %mul3A_7 = arith.muli %add3A, %mul3A_6 : i32
    "tpu.region"() ({
      %run_scoped3A = tpu.sem_alloc : memref<!tpu.dma_semaphore, #tpu.memory_space<semaphore_mem>>
      %dma_start3A = arith.constant 0 : i32
      %dma_start3A_225 = tpu.memref_slice %arg2[%mul3A_7, %dma_start3A] : memref<2560x128xi32, #tpu.memory_space<hbm>> -> memref<80x128xi32, #tpu.memory_space<hbm>>
      %dma_start3A_226 = arith.constant 0 : i32
      %dma_start3A_227 = tpu.memref_slice %arg2[%mul3A_7, %dma_start3A_226] : memref<2560x128xi32, #tpu.memory_space<hbm>> -> memref<80x128xi32, #tpu.memory_space<hbm>>
      tpu.enqueue_dma source(%dma_start3A_227 : memref<80x128xi32, #tpu.memory_space<hbm>>) target(%arg5 : memref<80x128xi32, #tpu.memory_space<vmem>>) target_semaphore(%run_scoped3A : memref<!tpu.dma_semaphore, #tpu.memory_space<semaphore_mem>>)
      %dma_wait3A = arith.constant 0 : i32
      %dma_wait3A_228 = tpu.memref_slice %arg2[%mul3A_7, %dma_wait3A] : memref<2560x128xi32, #tpu.memory_space<hbm>> -> memref<80x128xi32, #tpu.memory_space<hbm>>
      %dma_wait3A_229 = arith.constant 0 : i32
      %dma_wait3A_230 = tpu.memref_slice %arg2[%mul3A_7, %dma_wait3A_229] : memref<2560x128xi32, #tpu.memory_space<hbm>> -> memref<80x128xi32, #tpu.memory_space<hbm>>
      tpu.wait_dma2 semaphore(%run_scoped3A : memref<!tpu.dma_semaphore, #tpu.memory_space<semaphore_mem>>) src(%dma_wait3A_230 : memref<80x128xi32, #tpu.memory_space<hbm>>) dst(%arg5 : memref<80x128xi32, #tpu.memory_space<vmem>>)
      tpu.yield
    }) : () -> ()
    "tpu.region"() ({
      %run_scoped3A = tpu.sem_alloc : memref<!tpu.dma_semaphore, #tpu.memory_space<semaphore_mem>>
      tpu.enqueue_dma source(%arg3 : memref<640x128xf32, #tpu.memory_space<hbm>>) target(%arg6 : memref<640x128xf32, #tpu.memory_space<vmem>>) target_semaphore(%run_scoped3A : memref<!tpu.dma_semaphore, #tpu.memory_space<semaphore_mem>>)
      tpu.wait_dma2 semaphore(%run_scoped3A : memref<!tpu.dma_semaphore, #tpu.memory_space<semaphore_mem>>) src(%arg3 : memref<640x128xf32, #tpu.memory_space<hbm>>) dst(%arg6 : memref<640x128xf32, #tpu.memory_space<vmem>>)
      tpu.yield
    }) : () -> ()
    "tpu.region"() ({
      %run_scoped3A = tpu.sem_alloc : memref<!tpu.dma_semaphore, #tpu.memory_space<semaphore_mem>>
      %dma_start3A = arith.constant 0 : i32
      %dma_start3A_225 = tpu.memref_slice %arg8[%mul3A_5, %dma_start3A] : memref<640x128xf32, #tpu.memory_space<vmem_shared>> -> memref<40x128xf32, #tpu.memory_space<vmem_shared>>
      %dma_start3A_226 = arith.constant 0 : i32
      %dma_start3A_227 = tpu.memref_slice %arg3[%mul3A_5, %dma_start3A_226] : memref<640x128xf32, #tpu.memory_space<hbm>> -> memref<40x128xf32, #tpu.memory_space<hbm>>
      tpu.enqueue_dma source(%dma_start3A_227 : memref<40x128xf32, #tpu.memory_space<hbm>>) target(%dma_start3A_225 : memref<40x128xf32, #tpu.memory_space<vmem_shared>>) target_semaphore(%run_scoped3A : memref<!tpu.dma_semaphore, #tpu.memory_space<semaphore_mem>>)
      %dma_wait3A = arith.constant 0 : i32
      %dma_wait3A_228 = tpu.memref_slice %arg8[%mul3A_5, %dma_wait3A] : memref<640x128xf32, #tpu.memory_space<vmem_shared>> -> memref<40x128xf32, #tpu.memory_space<vmem_shared>>
      %dma_wait3A_229 = arith.constant 0 : i32
      %dma_wait3A_230 = tpu.memref_slice %arg3[%mul3A_5, %dma_wait3A_229] : memref<640x128xf32, #tpu.memory_space<hbm>> -> memref<40x128xf32, #tpu.memory_space<hbm>>
      tpu.wait_dma2 semaphore(%run_scoped3A : memref<!tpu.dma_semaphore, #tpu.memory_space<semaphore_mem>>) src(%dma_wait3A_230 : memref<40x128xf32, #tpu.memory_space<hbm>>) dst(%dma_wait3A_228 : memref<40x128xf32, #tpu.memory_space<vmem_shared>>)
      tpu.yield
    }) : () -> ()
    %iota3A = tpu.iota {dimensions = array<i32: 0>} : vector<16xi32>
    %broadcast_in_dim3A = arith.constant 1.000000e+00 : f32
    %broadcast_in_dim3A_8 = vector.broadcast %broadcast_in_dim3A : f32 to vector<16xf32>
    %sub3A = arith.constant 0 : i32
    %sub3A_9 = arith.subi %select_n3A_3, %sub3A : i32
    %sub3A_10 = arith.constant 1 : i32
    %sub3A_11 = arith.constant 1 : i32
    %sub3A_12 = arith.subi %sub3A_10, %sub3A_11 : i32
    %add3A_13 = arith.addi %sub3A_9, %sub3A_12 : i32
    %div3A = arith.constant 1 : i32
    %div3A_14 = arith.divsi %add3A_13, %div3A : i32
    %while3A = arith.constant 1 : i32
    %while3A_15 = arith.constant 0 : i32
    %while3A_16 = arith.constant 0 : i32
    %while3A_17 = arith.subi %div3A_14, %while3A_16 : i32
    %while3A_18 = arith.addi %while3A_16, %while3A_17 : i32
    %while3A_19 = arith.constant 1 : i32
    %while3A_20 = arith.divsi %while3A_17, %while3A_19 : i32
    %while3A_21 = arith.muli %while3A_20, %while3A_19 : i32
    %while3A_22 = arith.addi %while3A_16, %while3A_21 : i32
    %while3A_23 = arith.constant 1 : i32
    scf.for %while3A_225 = %while3A_16 to %while3A_22 step %while3A_23  : i32 {
      %mul3A_226 = arith.muli %while3A_225, %while3A : i32
      %add3A_227 = arith.addi %while3A_15, %mul3A_226 : i32
      %get3A = arith.index_cast %add3A_227 : i32 to index
      %get3A_228 = arith.constant 0 : index
      %get3A_229 = tpu.vector_load %arg5[%get3A, %get3A_228] {strides = array<i32>} : memref<80x128xi32, #tpu.memory_space<vmem>>, vector<16xi32>,
      %shift_right_logical3A = arith.constant 7 : i32
      %shift_right_logical3A_230 = vector.broadcast %shift_right_logical3A : i32 to vector<16xi32>
      %shift_right_logical3A_231 = arith.shrui %get3A_229, %shift_right_logical3A_230 : vector<16xi32>
      %and3A = arith.constant 127 : i32
      %and3A_232 = vector.broadcast %and3A : i32 to vector<16xi32>
      %and3A_233 = arith.andi %get3A_229, %and3A_232 : vector<16xi32>
      tpu.vector_store_idx %arg6[%shift_right_logical3A_231, %and3A_233], %broadcast_in_dim3A_8 {add = true} : memref<640x128xf32, #tpu.memory_space<vmem>>[vector<16xi32>, vector<16xi32>], vector<16xf32>,
      %get3A_234 = arith.index_cast %add3A_227 : i32 to index
      %get3A_235 = arith.constant 16 : index
      %get3A_236 = tpu.vector_load %arg5[%get3A_234, %get3A_235] {strides = array<i32>} : memref<80x128xi32, #tpu.memory_space<vmem>>, vector<16xi32>,
      %shift_right_logical3A_237 = arith.constant 7 : i32
      %shift_right_logical3A_238 = vector.broadcast %shift_right_logical3A_237 : i32 to vector<16xi32>
      %shift_right_logical3A_239 = arith.shrui %get3A_236, %shift_right_logical3A_238 : vector<16xi32>
      %and3A_240 = arith.constant 127 : i32
      %and3A_241 = vector.broadcast %and3A_240 : i32 to vector<16xi32>
      %and3A_242 = arith.andi %get3A_236, %and3A_241 : vector<16xi32>
      tpu.vector_store_idx %arg6[%shift_right_logical3A_239, %and3A_242], %broadcast_in_dim3A_8 {add = true} : memref<640x128xf32, #tpu.memory_space<vmem>>[vector<16xi32>, vector<16xi32>], vector<16xf32>,
      %get3A_243 = arith.index_cast %add3A_227 : i32 to index
      %get3A_244 = arith.constant 32 : index
      %get3A_245 = tpu.vector_load %arg5[%get3A_243, %get3A_244] {strides = array<i32>} : memref<80x128xi32, #tpu.memory_space<vmem>>, vector<16xi32>,
      %shift_right_logical3A_246 = arith.constant 7 : i32
      %shift_right_logical3A_247 = vector.broadcast %shift_right_logical3A_246 : i32 to vector<16xi32>
      %shift_right_logical3A_248 = arith.shrui %get3A_245, %shift_right_logical3A_247 : vector<16xi32>
      %and3A_249 = arith.constant 127 : i32
      %and3A_250 = vector.broadcast %and3A_249 : i32 to vector<16xi32>
      %and3A_251 = arith.andi %get3A_245, %and3A_250 : vector<16xi32>
      tpu.vector_store_idx %arg6[%shift_right_logical3A_248, %and3A_251], %broadcast_in_dim3A_8 {add = true} : memref<640x128xf32, #tpu.memory_space<vmem>>[vector<16xi32>, vector<16xi32>], vector<16xf32>,
      %get3A_252 = arith.index_cast %add3A_227 : i32 to index
      %get3A_253 = arith.constant 48 : index
      %get3A_254 = tpu.vector_load %arg5[%get3A_252, %get3A_253] {strides = array<i32>} : memref<80x128xi32, #tpu.memory_space<vmem>>, vector<16xi32>,
      %shift_right_logical3A_255 = arith.constant 7 : i32
      %shift_right_logical3A_256 = vector.broadcast %shift_right_logical3A_255 : i32 to vector<16xi32>
      %shift_right_logical3A_257 = arith.shrui %get3A_254, %shift_right_logical3A_256 : vector<16xi32>
      %and3A_258 = arith.constant 127 : i32
      %and3A_259 = vector.broadcast %and3A_258 : i32 to vector<16xi32>
      %and3A_260 = arith.andi %get3A_254, %and3A_259 : vector<16xi32>
      tpu.vector_store_idx %arg6[%shift_right_logical3A_257, %and3A_260], %broadcast_in_dim3A_8 {add = true} : memref<640x128xf32, #tpu.memory_space<vmem>>[vector<16xi32>, vector<16xi32>], vector<16xf32>,
      %get3A_261 = arith.index_cast %add3A_227 : i32 to index
      %get3A_262 = arith.constant 64 : index
      %get3A_263 = tpu.vector_load %arg5[%get3A_261, %get3A_262] {strides = array<i32>} : memref<80x128xi32, #tpu.memory_space<vmem>>, vector<16xi32>,
      %shift_right_logical3A_264 = arith.constant 7 : i32
      %shift_right_logical3A_265 = vector.broadcast %shift_right_logical3A_264 : i32 to vector<16xi32>
      %shift_right_logical3A_266 = arith.shrui %get3A_263, %shift_right_logical3A_265 : vector<16xi32>
      %and3A_267 = arith.constant 127 : i32
      %and3A_268 = vector.broadcast %and3A_267 : i32 to vector<16xi32>
      %and3A_269 = arith.andi %get3A_263, %and3A_268 : vector<16xi32>
      tpu.vector_store_idx %arg6[%shift_right_logical3A_266, %and3A_269], %broadcast_in_dim3A_8 {add = true} : memref<640x128xf32, #tpu.memory_space<vmem>>[vector<16xi32>, vector<16xi32>], vector<16xf32>,
      %get3A_270 = arith.index_cast %add3A_227 : i32 to index
      %get3A_271 = arith.constant 80 : index
      %get3A_272 = tpu.vector_load %arg5[%get3A_270, %get3A_271] {strides = array<i32>} : memref<80x128xi32, #tpu.memory_space<vmem>>, vector<16xi32>,
      %shift_right_logical3A_273 = arith.constant 7 : i32
      %shift_right_logical3A_274 = vector.broadcast %shift_right_logical3A_273 : i32 to vector<16xi32>
      %shift_right_logical3A_275 = arith.shrui %get3A_272, %shift_right_logical3A_274 : vector<16xi32>
      %and3A_276 = arith.constant 127 : i32
      %and3A_277 = vector.broadcast %and3A_276 : i32 to vector<16xi32>
      %and3A_278 = arith.andi %get3A_272, %and3A_277 : vector<16xi32>
      tpu.vector_store_idx %arg6[%shift_right_logical3A_275, %and3A_278], %broadcast_in_dim3A_8 {add = true} : memref<640x128xf32, #tpu.memory_space<vmem>>[vector<16xi32>, vector<16xi32>], vector<16xf32>,
      %get3A_279 = arith.index_cast %add3A_227 : i32 to index
      %get3A_280 = arith.constant 96 : index
      %get3A_281 = tpu.vector_load %arg5[%get3A_279, %get3A_280] {strides = array<i32>} : memref<80x128xi32, #tpu.memory_space<vmem>>, vector<16xi32>,
      %shift_right_logical3A_282 = arith.constant 7 : i32
      %shift_right_logical3A_283 = vector.broadcast %shift_right_logical3A_282 : i32 to vector<16xi32>
      %shift_right_logical3A_284 = arith.shrui %get3A_281, %shift_right_logical3A_283 : vector<16xi32>
      %and3A_285 = arith.constant 127 : i32
      %and3A_286 = vector.broadcast %and3A_285 : i32 to vector<16xi32>
      %and3A_287 = arith.andi %get3A_281, %and3A_286 : vector<16xi32>
      tpu.vector_store_idx %arg6[%shift_right_logical3A_284, %and3A_287], %broadcast_in_dim3A_8 {add = true} : memref<640x128xf32, #tpu.memory_space<vmem>>[vector<16xi32>, vector<16xi32>], vector<16xf32>,
      %get3A_288 = arith.index_cast %add3A_227 : i32 to index
      %get3A_289 = arith.constant 112 : index
      %get3A_290 = tpu.vector_load %arg5[%get3A_288, %get3A_289] {strides = array<i32>} : memref<80x128xi32, #tpu.memory_space<vmem>>, vector<16xi32>,
      %shift_right_logical3A_291 = arith.constant 7 : i32
      %shift_right_logical3A_292 = vector.broadcast %shift_right_logical3A_291 : i32 to vector<16xi32>
      %shift_right_logical3A_293 = arith.shrui %get3A_290, %shift_right_logical3A_292 : vector<16xi32>
      %and3A_294 = arith.constant 127 : i32
      %and3A_295 = vector.broadcast %and3A_294 : i32 to vector<16xi32>
      %and3A_296 = arith.andi %get3A_290, %and3A_295 : vector<16xi32>
      tpu.vector_store_idx %arg6[%shift_right_logical3A_293, %and3A_296], %broadcast_in_dim3A_8 {add = true} : memref<640x128xf32, #tpu.memory_space<vmem>>[vector<16xi32>, vector<16xi32>], vector<16xf32>,
    }
    %while3A_24 = arith.constant 1 : i32
    scf.for %while3A_225 = %while3A_22 to %while3A_18 step %while3A_24  : i32 {
      %mul3A_226 = arith.muli %while3A_225, %while3A : i32
      %add3A_227 = arith.addi %while3A_15, %mul3A_226 : i32
      %get3A = arith.index_cast %add3A_227 : i32 to index
      %get3A_228 = arith.constant 0 : index
      %get3A_229 = tpu.vector_load %arg5[%get3A, %get3A_228] {strides = array<i32>} : memref<80x128xi32, #tpu.memory_space<vmem>>, vector<16xi32>,
      %shift_right_logical3A = arith.constant 7 : i32
      %shift_right_logical3A_230 = vector.broadcast %shift_right_logical3A : i32 to vector<16xi32>
      %shift_right_logical3A_231 = arith.shrui %get3A_229, %shift_right_logical3A_230 : vector<16xi32>
      %and3A = arith.constant 127 : i32
      %and3A_232 = vector.broadcast %and3A : i32 to vector<16xi32>
      %and3A_233 = arith.andi %get3A_229, %and3A_232 : vector<16xi32>
      tpu.vector_store_idx %arg6[%shift_right_logical3A_231, %and3A_233], %broadcast_in_dim3A_8 {add = true} : memref<640x128xf32, #tpu.memory_space<vmem>>[vector<16xi32>, vector<16xi32>], vector<16xf32>,
      %get3A_234 = arith.index_cast %add3A_227 : i32 to index
      %get3A_235 = arith.constant 16 : index
      %get3A_236 = tpu.vector_load %arg5[%get3A_234, %get3A_235] {strides = array<i32>} : memref<80x128xi32, #tpu.memory_space<vmem>>, vector<16xi32>,
      %shift_right_logical3A_237 = arith.constant 7 : i32
      %shift_right_logical3A_238 = vector.broadcast %shift_right_logical3A_237 : i32 to vector<16xi32>
      %shift_right_logical3A_239 = arith.shrui %get3A_236, %shift_right_logical3A_238 : vector<16xi32>
      %and3A_240 = arith.constant 127 : i32
      %and3A_241 = vector.broadcast %and3A_240 : i32 to vector<16xi32>
      %and3A_242 = arith.andi %get3A_236, %and3A_241 : vector<16xi32>
      tpu.vector_store_idx %arg6[%shift_right_logical3A_239, %and3A_242], %broadcast_in_dim3A_8 {add = true} : memref<640x128xf32, #tpu.memory_space<vmem>>[vector<16xi32>, vector<16xi32>], vector<16xf32>,
      %get3A_243 = arith.index_cast %add3A_227 : i32 to index
      %get3A_244 = arith.constant 32 : index
      %get3A_245 = tpu.vector_load %arg5[%get3A_243, %get3A_244] {strides = array<i32>} : memref<80x128xi32, #tpu.memory_space<vmem>>, vector<16xi32>,
      %shift_right_logical3A_246 = arith.constant 7 : i32
      %shift_right_logical3A_247 = vector.broadcast %shift_right_logical3A_246 : i32 to vector<16xi32>
      %shift_right_logical3A_248 = arith.shrui %get3A_245, %shift_right_logical3A_247 : vector<16xi32>
      %and3A_249 = arith.constant 127 : i32
      %and3A_250 = vector.broadcast %and3A_249 : i32 to vector<16xi32>
      %and3A_251 = arith.andi %get3A_245, %and3A_250 : vector<16xi32>
      tpu.vector_store_idx %arg6[%shift_right_logical3A_248, %and3A_251], %broadcast_in_dim3A_8 {add = true} : memref<640x128xf32, #tpu.memory_space<vmem>>[vector<16xi32>, vector<16xi32>], vector<16xf32>,
      %get3A_252 = arith.index_cast %add3A_227 : i32 to index
      %get3A_253 = arith.constant 48 : index
      %get3A_254 = tpu.vector_load %arg5[%get3A_252, %get3A_253] {strides = array<i32>} : memref<80x128xi32, #tpu.memory_space<vmem>>, vector<16xi32>,
      %shift_right_logical3A_255 = arith.constant 7 : i32
      %shift_right_logical3A_256 = vector.broadcast %shift_right_logical3A_255 : i32 to vector<16xi32>
      %shift_right_logical3A_257 = arith.shrui %get3A_254, %shift_right_logical3A_256 : vector<16xi32>
      %and3A_258 = arith.constant 127 : i32
      %and3A_259 = vector.broadcast %and3A_258 : i32 to vector<16xi32>
      %and3A_260 = arith.andi %get3A_254, %and3A_259 : vector<16xi32>
      tpu.vector_store_idx %arg6[%shift_right_logical3A_257, %and3A_260], %broadcast_in_dim3A_8 {add = true} : memref<640x128xf32, #tpu.memory_space<vmem>>[vector<16xi32>, vector<16xi32>], vector<16xf32>,
      %get3A_261 = arith.index_cast %add3A_227 : i32 to index
      %get3A_262 = arith.constant 64 : index
      %get3A_263 = tpu.vector_load %arg5[%get3A_261, %get3A_262] {strides = array<i32>} : memref<80x128xi32, #tpu.memory_space<vmem>>, vector<16xi32>,
      %shift_right_logical3A_264 = arith.constant 7 : i32
      %shift_right_logical3A_265 = vector.broadcast %shift_right_logical3A_264 : i32 to vector<16xi32>
      %shift_right_logical3A_266 = arith.shrui %get3A_263, %shift_right_logical3A_265 : vector<16xi32>
      %and3A_267 = arith.constant 127 : i32
      %and3A_268 = vector.broadcast %and3A_267 : i32 to vector<16xi32>
      %and3A_269 = arith.andi %get3A_263, %and3A_268 : vector<16xi32>
      tpu.vector_store_idx %arg6[%shift_right_logical3A_266, %and3A_269], %broadcast_in_dim3A_8 {add = true} : memref<640x128xf32, #tpu.memory_space<vmem>>[vector<16xi32>, vector<16xi32>], vector<16xf32>,
      %get3A_270 = arith.index_cast %add3A_227 : i32 to index
      %get3A_271 = arith.constant 80 : index
      %get3A_272 = tpu.vector_load %arg5[%get3A_270, %get3A_271] {strides = array<i32>} : memref<80x128xi32, #tpu.memory_space<vmem>>, vector<16xi32>,
      %shift_right_logical3A_273 = arith.constant 7 : i32
      %shift_right_logical3A_274 = vector.broadcast %shift_right_logical3A_273 : i32 to vector<16xi32>
      %shift_right_logical3A_275 = arith.shrui %get3A_272, %shift_right_logical3A_274 : vector<16xi32>
      %and3A_276 = arith.constant 127 : i32
      %and3A_277 = vector.broadcast %and3A_276 : i32 to vector<16xi32>
      %and3A_278 = arith.andi %get3A_272, %and3A_277 : vector<16xi32>
      tpu.vector_store_idx %arg6[%shift_right_logical3A_275, %and3A_278], %broadcast_in_dim3A_8 {add = true} : memref<640x128xf32, #tpu.memory_space<vmem>>[vector<16xi32>, vector<16xi32>], vector<16xf32>,
      %get3A_279 = arith.index_cast %add3A_227 : i32 to index
      %get3A_280 = arith.constant 96 : index
      %get3A_281 = tpu.vector_load %arg5[%get3A_279, %get3A_280] {strides = array<i32>} : memref<80x128xi32, #tpu.memory_space<vmem>>, vector<16xi32>,
      %shift_right_logical3A_282 = arith.constant 7 : i32
      %shift_right_logical3A_283 = vector.broadcast %shift_right_logical3A_282 : i32 to vector<16xi32>
      %shift_right_logical3A_284 = arith.shrui %get3A_281, %shift_right_logical3A_283 : vector<16xi32>
      %and3A_285 = arith.constant 127 : i32
      %and3A_286 = vector.broadcast %and3A_285 : i32 to vector<16xi32>
      %and3A_287 = arith.andi %get3A_281, %and3A_286 : vector<16xi32>
      tpu.vector_store_idx %arg6[%shift_right_logical3A_284, %and3A_287], %broadcast_in_dim3A_8 {add = true} : memref<640x128xf32, #tpu.memory_space<vmem>>[vector<16xi32>, vector<16xi32>], vector<16xf32>,
      %get3A_288 = arith.index_cast %add3A_227 : i32 to index
      %get3A_289 = arith.constant 112 : index
      %get3A_290 = tpu.vector_load %arg5[%get3A_288, %get3A_289] {strides = array<i32>} : memref<80x128xi32, #tpu.memory_space<vmem>>, vector<16xi32>,
      %shift_right_logical3A_291 = arith.constant 7 : i32
      %shift_right_logical3A_292 = vector.broadcast %shift_right_logical3A_291 : i32 to vector<16xi32>
      %shift_right_logical3A_293 = arith.shrui %get3A_290, %shift_right_logical3A_292 : vector<16xi32>
      %and3A_294 = arith.constant 127 : i32
      %and3A_295 = vector.broadcast %and3A_294 : i32 to vector<16xi32>
      %and3A_296 = arith.andi %get3A_290, %and3A_295 : vector<16xi32>
      tpu.vector_store_idx %arg6[%shift_right_logical3A_293, %and3A_296], %broadcast_in_dim3A_8 {add = true} : memref<640x128xf32, #tpu.memory_space<vmem>>[vector<16xi32>, vector<16xi32>], vector<16xf32>,
    }
    %barrier3A = arith.constant 0 : index
    tpu.barrier barrier_id(%barrier3A)
    %add3A_25 = arith.constant 0 : i32
    %add3A_26 = vector.broadcast %add3A_25 : i32 to vector<16xi32>
    %add3A_27 = arith.addi %iota3A, %add3A_26 : vector<16xi32>
    %swap3A = arith.constant 0 : index
    %swap3A_28 = tpu.vector_load %arg7[%swap3A] {strides = array<i32>} : memref<128xi32, #tpu.memory_space<vmem>>, vector<16xi32>,
    tpu.vector_store %arg7[%swap3A], %add3A_27 {strides = array<i32>} : memref<128xi32, #tpu.memory_space<vmem>>, vector<16xi32>,
    %add3A_29 = arith.constant 16 : i32
    %add3A_30 = vector.broadcast %add3A_29 : i32 to vector<16xi32>
    %add3A_31 = arith.addi %iota3A, %add3A_30 : vector<16xi32>
    %swap3A_32 = arith.constant 16 : index
    %swap3A_33 = tpu.vector_load %arg7[%swap3A_32] {strides = array<i32>} : memref<128xi32, #tpu.memory_space<vmem>>, vector<16xi32>,
    tpu.vector_store %arg7[%swap3A_32], %add3A_31 {strides = array<i32>} : memref<128xi32, #tpu.memory_space<vmem>>, vector<16xi32>,
    %add3A_34 = arith.constant 32 : i32
    %add3A_35 = vector.broadcast %add3A_34 : i32 to vector<16xi32>
    %add3A_36 = arith.addi %iota3A, %add3A_35 : vector<16xi32>
    %swap3A_37 = arith.constant 32 : index
    %swap3A_38 = tpu.vector_load %arg7[%swap3A_37] {strides = array<i32>} : memref<128xi32, #tpu.memory_space<vmem>>, vector<16xi32>,
    tpu.vector_store %arg7[%swap3A_37], %add3A_36 {strides = array<i32>} : memref<128xi32, #tpu.memory_space<vmem>>, vector<16xi32>,
    %add3A_39 = arith.constant 48 : i32
    %add3A_40 = vector.broadcast %add3A_39 : i32 to vector<16xi32>
    %add3A_41 = arith.addi %iota3A, %add3A_40 : vector<16xi32>
    %swap3A_42 = arith.constant 48 : index
    %swap3A_43 = tpu.vector_load %arg7[%swap3A_42] {strides = array<i32>} : memref<128xi32, #tpu.memory_space<vmem>>, vector<16xi32>,
    tpu.vector_store %arg7[%swap3A_42], %add3A_41 {strides = array<i32>} : memref<128xi32, #tpu.memory_space<vmem>>, vector<16xi32>,
    %add3A_44 = arith.constant 64 : i32
    %add3A_45 = vector.broadcast %add3A_44 : i32 to vector<16xi32>
    %add3A_46 = arith.addi %iota3A, %add3A_45 : vector<16xi32>
    %swap3A_47 = arith.constant 64 : index
    %swap3A_48 = tpu.vector_load %arg7[%swap3A_47] {strides = array<i32>} : memref<128xi32, #tpu.memory_space<vmem>>, vector<16xi32>,
    tpu.vector_store %arg7[%swap3A_47], %add3A_46 {strides = array<i32>} : memref<128xi32, #tpu.memory_space<vmem>>, vector<16xi32>,
    %add3A_49 = arith.constant 80 : i32
    %add3A_50 = vector.broadcast %add3A_49 : i32 to vector<16xi32>
    %add3A_51 = arith.addi %iota3A, %add3A_50 : vector<16xi32>
    %swap3A_52 = arith.constant 80 : index
    %swap3A_53 = tpu.vector_load %arg7[%swap3A_52] {strides = array<i32>} : memref<128xi32, #tpu.memory_space<vmem>>, vector<16xi32>,
    tpu.vector_store %arg7[%swap3A_52], %add3A_51 {strides = array<i32>} : memref<128xi32, #tpu.memory_space<vmem>>, vector<16xi32>,
    %add3A_54 = arith.constant 96 : i32
    %add3A_55 = vector.broadcast %add3A_54 : i32 to vector<16xi32>
    %add3A_56 = arith.addi %iota3A, %add3A_55 : vector<16xi32>
    %swap3A_57 = arith.constant 96 : index
    %swap3A_58 = tpu.vector_load %arg7[%swap3A_57] {strides = array<i32>} : memref<128xi32, #tpu.memory_space<vmem>>, vector<16xi32>,
    tpu.vector_store %arg7[%swap3A_57], %add3A_56 {strides = array<i32>} : memref<128xi32, #tpu.memory_space<vmem>>, vector<16xi32>,
    %add3A_59 = arith.constant 112 : i32
    %add3A_60 = vector.broadcast %add3A_59 : i32 to vector<16xi32>
    %add3A_61 = arith.addi %iota3A, %add3A_60 : vector<16xi32>
    %swap3A_62 = arith.constant 112 : index
    %swap3A_63 = tpu.vector_load %arg7[%swap3A_62] {strides = array<i32>} : memref<128xi32, #tpu.memory_space<vmem>>, vector<16xi32>,
    tpu.vector_store %arg7[%swap3A_62], %add3A_61 {strides = array<i32>} : memref<128xi32, #tpu.memory_space<vmem>>, vector<16xi32>,
    "tpu.region"() ({
      %run_scoped3A = tpu.sem_alloc : memref<!tpu.dma_semaphore, #tpu.memory_space<semaphore_mem>>
      %dma_start3A = arith.constant 0 : i32
      %dma_start3A_225 = arith.constant 0 : i32
      %dma_start3A_226 = tpu.memref_slice %arg6[%dma_start3A, %dma_start3A_225] : memref<640x128xf32, #tpu.memory_space<vmem>> -> memref<128x128xf32, #tpu.memory_space<vmem>>
      %dma_start3A_227 = arith.constant 0 : i32
      %dma_start3A_228 = arith.constant 0 : i32
      %dma_start3A_229 = tpu.memref_slice %arg8[%dma_start3A_227, %dma_start3A_228] : memref<640x128xf32, #tpu.memory_space<vmem_shared>> -> memref<640x128xf32, #tpu.memory_space<vmem_shared>>
      tpu.enqueue_indirect_dma source(%dma_start3A_226 : memref<128x128xf32, #tpu.memory_space<vmem>>) target(%dma_start3A_229 : memref<640x128xf32, #tpu.memory_space<vmem_shared>>) offsets(%arg7 : memref<128xi32, #tpu.memory_space<vmem>>) semaphore(%run_scoped3A : memref<!tpu.dma_semaphore, #tpu.memory_space<semaphore_mem>>) {add = true}
      %dma_wait3A = arith.constant 0 : i32
      %dma_wait3A_230 = arith.constant 0 : i32
      %dma_wait3A_231 = tpu.memref_slice %arg6[%dma_wait3A, %dma_wait3A_230] : memref<640x128xf32, #tpu.memory_space<vmem>> -> memref<128x128xf32, #tpu.memory_space<vmem>>
      %dma_wait3A_232 = arith.constant 0 : i32
      %dma_wait3A_233 = arith.constant 0 : i32
      %dma_wait3A_234 = tpu.memref_slice %arg8[%dma_wait3A_232, %dma_wait3A_233] : memref<640x128xf32, #tpu.memory_space<vmem_shared>> -> memref<640x128xf32, #tpu.memory_space<vmem_shared>>
      tpu.wait_indirect_dma semaphore(%run_scoped3A : memref<!tpu.dma_semaphore, #tpu.memory_space<semaphore_mem>>) src(%dma_wait3A_231 : memref<128x128xf32, #tpu.memory_space<vmem>>) dst(%dma_wait3A_234 : memref<640x128xf32, #tpu.memory_space<vmem_shared>>)
      tpu.yield
    }) : () -> ()
    %add3A_64 = arith.constant 128 : i32
    %add3A_65 = vector.broadcast %add3A_64 : i32 to vector<16xi32>
    %add3A_66 = arith.addi %iota3A, %add3A_65 : vector<16xi32>
    %swap3A_67 = arith.constant 0 : index
    %swap3A_68 = tpu.vector_load %arg7[%swap3A_67] {strides = array<i32>} : memref<128xi32, #tpu.memory_space<vmem>>, vector<16xi32>,
    tpu.vector_store %arg7[%swap3A_67], %add3A_66 {strides = array<i32>} : memref<128xi32, #tpu.memory_space<vmem>>, vector<16xi32>,
    %add3A_69 = arith.constant 144 : i32
    %add3A_70 = vector.broadcast %add3A_69 : i32 to vector<16xi32>
    %add3A_71 = arith.addi %iota3A, %add3A_70 : vector<16xi32>
    %swap3A_72 = arith.constant 16 : index
    %swap3A_73 = tpu.vector_load %arg7[%swap3A_72] {strides = array<i32>} : memref<128xi32, #tpu.memory_space<vmem>>, vector<16xi32>,
    tpu.vector_store %arg7[%swap3A_72], %add3A_71 {strides = array<i32>} : memref<128xi32, #tpu.memory_space<vmem>>, vector<16xi32>,
    %add3A_74 = arith.constant 160 : i32
    %add3A_75 = vector.broadcast %add3A_74 : i32 to vector<16xi32>
    %add3A_76 = arith.addi %iota3A, %add3A_75 : vector<16xi32>
    %swap3A_77 = arith.constant 32 : index
    %swap3A_78 = tpu.vector_load %arg7[%swap3A_77] {strides = array<i32>} : memref<128xi32, #tpu.memory_space<vmem>>, vector<16xi32>,
    tpu.vector_store %arg7[%swap3A_77], %add3A_76 {strides = array<i32>} : memref<128xi32, #tpu.memory_space<vmem>>, vector<16xi32>,
    %add3A_79 = arith.constant 176 : i32
    %add3A_80 = vector.broadcast %add3A_79 : i32 to vector<16xi32>
    %add3A_81 = arith.addi %iota3A, %add3A_80 : vector<16xi32>
    %swap3A_82 = arith.constant 48 : index
    %swap3A_83 = tpu.vector_load %arg7[%swap3A_82] {strides = array<i32>} : memref<128xi32, #tpu.memory_space<vmem>>, vector<16xi32>,
    tpu.vector_store %arg7[%swap3A_82], %add3A_81 {strides = array<i32>} : memref<128xi32, #tpu.memory_space<vmem>>, vector<16xi32>,
    %add3A_84 = arith.constant 192 : i32
    %add3A_85 = vector.broadcast %add3A_84 : i32 to vector<16xi32>
    %add3A_86 = arith.addi %iota3A, %add3A_85 : vector<16xi32>
    %swap3A_87 = arith.constant 64 : index
    %swap3A_88 = tpu.vector_load %arg7[%swap3A_87] {strides = array<i32>} : memref<128xi32, #tpu.memory_space<vmem>>, vector<16xi32>,
    tpu.vector_store %arg7[%swap3A_87], %add3A_86 {strides = array<i32>} : memref<128xi32, #tpu.memory_space<vmem>>, vector<16xi32>,
    %add3A_89 = arith.constant 208 : i32
    %add3A_90 = vector.broadcast %add3A_89 : i32 to vector<16xi32>
    %add3A_91 = arith.addi %iota3A, %add3A_90 : vector<16xi32>
    %swap3A_92 = arith.constant 80 : index
    %swap3A_93 = tpu.vector_load %arg7[%swap3A_92] {strides = array<i32>} : memref<128xi32, #tpu.memory_space<vmem>>, vector<16xi32>,
    tpu.vector_store %arg7[%swap3A_92], %add3A_91 {strides = array<i32>} : memref<128xi32, #tpu.memory_space<vmem>>, vector<16xi32>,
    %add3A_94 = arith.constant 224 : i32
    %add3A_95 = vector.broadcast %add3A_94 : i32 to vector<16xi32>
    %add3A_96 = arith.addi %iota3A, %add3A_95 : vector<16xi32>
    %swap3A_97 = arith.constant 96 : index
    %swap3A_98 = tpu.vector_load %arg7[%swap3A_97] {strides = array<i32>} : memref<128xi32, #tpu.memory_space<vmem>>, vector<16xi32>,
    tpu.vector_store %arg7[%swap3A_97], %add3A_96 {strides = array<i32>} : memref<128xi32, #tpu.memory_space<vmem>>, vector<16xi32>,
    %add3A_99 = arith.constant 240 : i32
    %add3A_100 = vector.broadcast %add3A_99 : i32 to vector<16xi32>
    %add3A_101 = arith.addi %iota3A, %add3A_100 : vector<16xi32>
    %swap3A_102 = arith.constant 112 : index
    %swap3A_103 = tpu.vector_load %arg7[%swap3A_102] {strides = array<i32>} : memref<128xi32, #tpu.memory_space<vmem>>, vector<16xi32>,
    tpu.vector_store %arg7[%swap3A_102], %add3A_101 {strides = array<i32>} : memref<128xi32, #tpu.memory_space<vmem>>, vector<16xi32>,
    "tpu.region"() ({
      %run_scoped3A = tpu.sem_alloc : memref<!tpu.dma_semaphore, #tpu.memory_space<semaphore_mem>>
      %dma_start3A = arith.constant 128 : i32
      %dma_start3A_225 = arith.constant 0 : i32
      %dma_start3A_226 = tpu.memref_slice %arg6[%dma_start3A, %dma_start3A_225] : memref<640x128xf32, #tpu.memory_space<vmem>> -> memref<128x128xf32, #tpu.memory_space<vmem>>
      %dma_start3A_227 = arith.constant 0 : i32
      %dma_start3A_228 = arith.constant 0 : i32
      %dma_start3A_229 = tpu.memref_slice %arg8[%dma_start3A_227, %dma_start3A_228] : memref<640x128xf32, #tpu.memory_space<vmem_shared>> -> memref<640x128xf32, #tpu.memory_space<vmem_shared>>
      tpu.enqueue_indirect_dma source(%dma_start3A_226 : memref<128x128xf32, #tpu.memory_space<vmem>>) target(%dma_start3A_229 : memref<640x128xf32, #tpu.memory_space<vmem_shared>>) offsets(%arg7 : memref<128xi32, #tpu.memory_space<vmem>>) semaphore(%run_scoped3A : memref<!tpu.dma_semaphore, #tpu.memory_space<semaphore_mem>>) {add = true}
      %dma_wait3A = arith.constant 128 : i32
      %dma_wait3A_230 = arith.constant 0 : i32
      %dma_wait3A_231 = tpu.memref_slice %arg6[%dma_wait3A, %dma_wait3A_230] : memref<640x128xf32, #tpu.memory_space<vmem>> -> memref<128x128xf32, #tpu.memory_space<vmem>>
      %dma_wait3A_232 = arith.constant 0 : i32
      %dma_wait3A_233 = arith.constant 0 : i32
      %dma_wait3A_234 = tpu.memref_slice %arg8[%dma_wait3A_232, %dma_wait3A_233] : memref<640x128xf32, #tpu.memory_space<vmem_shared>> -> memref<640x128xf32, #tpu.memory_space<vmem_shared>>
      tpu.wait_indirect_dma semaphore(%run_scoped3A : memref<!tpu.dma_semaphore, #tpu.memory_space<semaphore_mem>>) src(%dma_wait3A_231 : memref<128x128xf32, #tpu.memory_space<vmem>>) dst(%dma_wait3A_234 : memref<640x128xf32, #tpu.memory_space<vmem_shared>>)
      tpu.yield
    }) : () -> ()
    %add3A_104 = arith.constant 256 : i32
    %add3A_105 = vector.broadcast %add3A_104 : i32 to vector<16xi32>
    %add3A_106 = arith.addi %iota3A, %add3A_105 : vector<16xi32>
    %swap3A_107 = arith.constant 0 : index
    %swap3A_108 = tpu.vector_load %arg7[%swap3A_107] {strides = array<i32>} : memref<128xi32, #tpu.memory_space<vmem>>, vector<16xi32>,
    tpu.vector_store %arg7[%swap3A_107], %add3A_106 {strides = array<i32>} : memref<128xi32, #tpu.memory_space<vmem>>, vector<16xi32>,
    %add3A_109 = arith.constant 272 : i32
    %add3A_110 = vector.broadcast %add3A_109 : i32 to vector<16xi32>
    %add3A_111 = arith.addi %iota3A, %add3A_110 : vector<16xi32>
    %swap3A_112 = arith.constant 16 : index
    %swap3A_113 = tpu.vector_load %arg7[%swap3A_112] {strides = array<i32>} : memref<128xi32, #tpu.memory_space<vmem>>, vector<16xi32>,
    tpu.vector_store %arg7[%swap3A_112], %add3A_111 {strides = array<i32>} : memref<128xi32, #tpu.memory_space<vmem>>, vector<16xi32>,
    %add3A_114 = arith.constant 288 : i32
    %add3A_115 = vector.broadcast %add3A_114 : i32 to vector<16xi32>
    %add3A_116 = arith.addi %iota3A, %add3A_115 : vector<16xi32>
    %swap3A_117 = arith.constant 32 : index
    %swap3A_118 = tpu.vector_load %arg7[%swap3A_117] {strides = array<i32>} : memref<128xi32, #tpu.memory_space<vmem>>, vector<16xi32>,
    tpu.vector_store %arg7[%swap3A_117], %add3A_116 {strides = array<i32>} : memref<128xi32, #tpu.memory_space<vmem>>, vector<16xi32>,
    %add3A_119 = arith.constant 304 : i32
    %add3A_120 = vector.broadcast %add3A_119 : i32 to vector<16xi32>
    %add3A_121 = arith.addi %iota3A, %add3A_120 : vector<16xi32>
    %swap3A_122 = arith.constant 48 : index
    %swap3A_123 = tpu.vector_load %arg7[%swap3A_122] {strides = array<i32>} : memref<128xi32, #tpu.memory_space<vmem>>, vector<16xi32>,
    tpu.vector_store %arg7[%swap3A_122], %add3A_121 {strides = array<i32>} : memref<128xi32, #tpu.memory_space<vmem>>, vector<16xi32>,
    %add3A_124 = arith.constant 320 : i32
    %add3A_125 = vector.broadcast %add3A_124 : i32 to vector<16xi32>
    %add3A_126 = arith.addi %iota3A, %add3A_125 : vector<16xi32>
    %swap3A_127 = arith.constant 64 : index
    %swap3A_128 = tpu.vector_load %arg7[%swap3A_127] {strides = array<i32>} : memref<128xi32, #tpu.memory_space<vmem>>, vector<16xi32>,
    tpu.vector_store %arg7[%swap3A_127], %add3A_126 {strides = array<i32>} : memref<128xi32, #tpu.memory_space<vmem>>, vector<16xi32>,
    %add3A_129 = arith.constant 336 : i32
    %add3A_130 = vector.broadcast %add3A_129 : i32 to vector<16xi32>
    %add3A_131 = arith.addi %iota3A, %add3A_130 : vector<16xi32>
    %swap3A_132 = arith.constant 80 : index
    %swap3A_133 = tpu.vector_load %arg7[%swap3A_132] {strides = array<i32>} : memref<128xi32, #tpu.memory_space<vmem>>, vector<16xi32>,
    tpu.vector_store %arg7[%swap3A_132], %add3A_131 {strides = array<i32>} : memref<128xi32, #tpu.memory_space<vmem>>, vector<16xi32>,
    %add3A_134 = arith.constant 352 : i32
    %add3A_135 = vector.broadcast %add3A_134 : i32 to vector<16xi32>
    %add3A_136 = arith.addi %iota3A, %add3A_135 : vector<16xi32>
    %swap3A_137 = arith.constant 96 : index
    %swap3A_138 = tpu.vector_load %arg7[%swap3A_137] {strides = array<i32>} : memref<128xi32, #tpu.memory_space<vmem>>, vector<16xi32>,
    tpu.vector_store %arg7[%swap3A_137], %add3A_136 {strides = array<i32>} : memref<128xi32, #tpu.memory_space<vmem>>, vector<16xi32>,
    %add3A_139 = arith.constant 368 : i32
    %add3A_140 = vector.broadcast %add3A_139 : i32 to vector<16xi32>
    %add3A_141 = arith.addi %iota3A, %add3A_140 : vector<16xi32>
    %swap3A_142 = arith.constant 112 : index
    %swap3A_143 = tpu.vector_load %arg7[%swap3A_142] {strides = array<i32>} : memref<128xi32, #tpu.memory_space<vmem>>, vector<16xi32>,
    tpu.vector_store %arg7[%swap3A_142], %add3A_141 {strides = array<i32>} : memref<128xi32, #tpu.memory_space<vmem>>, vector<16xi32>,
    "tpu.region"() ({
      %run_scoped3A = tpu.sem_alloc : memref<!tpu.dma_semaphore, #tpu.memory_space<semaphore_mem>>
      %dma_start3A = arith.constant 256 : i32
      %dma_start3A_225 = arith.constant 0 : i32
      %dma_start3A_226 = tpu.memref_slice %arg6[%dma_start3A, %dma_start3A_225] : memref<640x128xf32, #tpu.memory_space<vmem>> -> memref<128x128xf32, #tpu.memory_space<vmem>>
      %dma_start3A_227 = arith.constant 0 : i32
      %dma_start3A_228 = arith.constant 0 : i32
      %dma_start3A_229 = tpu.memref_slice %arg8[%dma_start3A_227, %dma_start3A_228] : memref<640x128xf32, #tpu.memory_space<vmem_shared>> -> memref<640x128xf32, #tpu.memory_space<vmem_shared>>
      tpu.enqueue_indirect_dma source(%dma_start3A_226 : memref<128x128xf32, #tpu.memory_space<vmem>>) target(%dma_start3A_229 : memref<640x128xf32, #tpu.memory_space<vmem_shared>>) offsets(%arg7 : memref<128xi32, #tpu.memory_space<vmem>>) semaphore(%run_scoped3A : memref<!tpu.dma_semaphore, #tpu.memory_space<semaphore_mem>>) {add = true}
      %dma_wait3A = arith.constant 256 : i32
      %dma_wait3A_230 = arith.constant 0 : i32
      %dma_wait3A_231 = tpu.memref_slice %arg6[%dma_wait3A, %dma_wait3A_230] : memref<640x128xf32, #tpu.memory_space<vmem>> -> memref<128x128xf32, #tpu.memory_space<vmem>>
      %dma_wait3A_232 = arith.constant 0 : i32
      %dma_wait3A_233 = arith.constant 0 : i32
      %dma_wait3A_234 = tpu.memref_slice %arg8[%dma_wait3A_232, %dma_wait3A_233] : memref<640x128xf32, #tpu.memory_space<vmem_shared>> -> memref<640x128xf32, #tpu.memory_space<vmem_shared>>
      tpu.wait_indirect_dma semaphore(%run_scoped3A : memref<!tpu.dma_semaphore, #tpu.memory_space<semaphore_mem>>) src(%dma_wait3A_231 : memref<128x128xf32, #tpu.memory_space<vmem>>) dst(%dma_wait3A_234 : memref<640x128xf32, #tpu.memory_space<vmem_shared>>)
      tpu.yield
    }) : () -> ()
    %add3A_144 = arith.constant 384 : i32
    %add3A_145 = vector.broadcast %add3A_144 : i32 to vector<16xi32>
    %add3A_146 = arith.addi %iota3A, %add3A_145 : vector<16xi32>
    %swap3A_147 = arith.constant 0 : index
    %swap3A_148 = tpu.vector_load %arg7[%swap3A_147] {strides = array<i32>} : memref<128xi32, #tpu.memory_space<vmem>>, vector<16xi32>,
    tpu.vector_store %arg7[%swap3A_147], %add3A_146 {strides = array<i32>} : memref<128xi32, #tpu.memory_space<vmem>>, vector<16xi32>,
    %add3A_149 = arith.constant 400 : i32
    %add3A_150 = vector.broadcast %add3A_149 : i32 to vector<16xi32>
    %add3A_151 = arith.addi %iota3A, %add3A_150 : vector<16xi32>
    %swap3A_152 = arith.constant 16 : index
    %swap3A_153 = tpu.vector_load %arg7[%swap3A_152] {strides = array<i32>} : memref<128xi32, #tpu.memory_space<vmem>>, vector<16xi32>,
    tpu.vector_store %arg7[%swap3A_152], %add3A_151 {strides = array<i32>} : memref<128xi32, #tpu.memory_space<vmem>>, vector<16xi32>,
    %add3A_154 = arith.constant 416 : i32
    %add3A_155 = vector.broadcast %add3A_154 : i32 to vector<16xi32>
    %add3A_156 = arith.addi %iota3A, %add3A_155 : vector<16xi32>
    %swap3A_157 = arith.constant 32 : index
    %swap3A_158 = tpu.vector_load %arg7[%swap3A_157] {strides = array<i32>} : memref<128xi32, #tpu.memory_space<vmem>>, vector<16xi32>,
    tpu.vector_store %arg7[%swap3A_157], %add3A_156 {strides = array<i32>} : memref<128xi32, #tpu.memory_space<vmem>>, vector<16xi32>,
    %add3A_159 = arith.constant 432 : i32
    %add3A_160 = vector.broadcast %add3A_159 : i32 to vector<16xi32>
    %add3A_161 = arith.addi %iota3A, %add3A_160 : vector<16xi32>
    %swap3A_162 = arith.constant 48 : index
    %swap3A_163 = tpu.vector_load %arg7[%swap3A_162] {strides = array<i32>} : memref<128xi32, #tpu.memory_space<vmem>>, vector<16xi32>,
    tpu.vector_store %arg7[%swap3A_162], %add3A_161 {strides = array<i32>} : memref<128xi32, #tpu.memory_space<vmem>>, vector<16xi32>,
    %add3A_164 = arith.constant 448 : i32
    %add3A_165 = vector.broadcast %add3A_164 : i32 to vector<16xi32>
    %add3A_166 = arith.addi %iota3A, %add3A_165 : vector<16xi32>
    %swap3A_167 = arith.constant 64 : index
    %swap3A_168 = tpu.vector_load %arg7[%swap3A_167] {strides = array<i32>} : memref<128xi32, #tpu.memory_space<vmem>>, vector<16xi32>,
    tpu.vector_store %arg7[%swap3A_167], %add3A_166 {strides = array<i32>} : memref<128xi32, #tpu.memory_space<vmem>>, vector<16xi32>,
    %add3A_169 = arith.constant 464 : i32
    %add3A_170 = vector.broadcast %add3A_169 : i32 to vector<16xi32>
    %add3A_171 = arith.addi %iota3A, %add3A_170 : vector<16xi32>
    %swap3A_172 = arith.constant 80 : index
    %swap3A_173 = tpu.vector_load %arg7[%swap3A_172] {strides = array<i32>} : memref<128xi32, #tpu.memory_space<vmem>>, vector<16xi32>,
    tpu.vector_store %arg7[%swap3A_172], %add3A_171 {strides = array<i32>} : memref<128xi32, #tpu.memory_space<vmem>>, vector<16xi32>,
    %add3A_174 = arith.constant 480 : i32
    %add3A_175 = vector.broadcast %add3A_174 : i32 to vector<16xi32>
    %add3A_176 = arith.addi %iota3A, %add3A_175 : vector<16xi32>
    %swap3A_177 = arith.constant 96 : index
    %swap3A_178 = tpu.vector_load %arg7[%swap3A_177] {strides = array<i32>} : memref<128xi32, #tpu.memory_space<vmem>>, vector<16xi32>,
    tpu.vector_store %arg7[%swap3A_177], %add3A_176 {strides = array<i32>} : memref<128xi32, #tpu.memory_space<vmem>>, vector<16xi32>,
    %add3A_179 = arith.constant 496 : i32
    %add3A_180 = vector.broadcast %add3A_179 : i32 to vector<16xi32>
    %add3A_181 = arith.addi %iota3A, %add3A_180 : vector<16xi32>
    %swap3A_182 = arith.constant 112 : index
    %swap3A_183 = tpu.vector_load %arg7[%swap3A_182] {strides = array<i32>} : memref<128xi32, #tpu.memory_space<vmem>>, vector<16xi32>,
    tpu.vector_store %arg7[%swap3A_182], %add3A_181 {strides = array<i32>} : memref<128xi32, #tpu.memory_space<vmem>>, vector<16xi32>,
    "tpu.region"() ({
      %run_scoped3A = tpu.sem_alloc : memref<!tpu.dma_semaphore, #tpu.memory_space<semaphore_mem>>
      %dma_start3A = arith.constant 384 : i32
      %dma_start3A_225 = arith.constant 0 : i32
      %dma_start3A_226 = tpu.memref_slice %arg6[%dma_start3A, %dma_start3A_225] : memref<640x128xf32, #tpu.memory_space<vmem>> -> memref<128x128xf32, #tpu.memory_space<vmem>>
      %dma_start3A_227 = arith.constant 0 : i32
      %dma_start3A_228 = arith.constant 0 : i32
      %dma_start3A_229 = tpu.memref_slice %arg8[%dma_start3A_227, %dma_start3A_228] : memref<640x128xf32, #tpu.memory_space<vmem_shared>> -> memref<640x128xf32, #tpu.memory_space<vmem_shared>>
      tpu.enqueue_indirect_dma source(%dma_start3A_226 : memref<128x128xf32, #tpu.memory_space<vmem>>) target(%dma_start3A_229 : memref<640x128xf32, #tpu.memory_space<vmem_shared>>) offsets(%arg7 : memref<128xi32, #tpu.memory_space<vmem>>) semaphore(%run_scoped3A : memref<!tpu.dma_semaphore, #tpu.memory_space<semaphore_mem>>) {add = true}
      %dma_wait3A = arith.constant 384 : i32
      %dma_wait3A_230 = arith.constant 0 : i32
      %dma_wait3A_231 = tpu.memref_slice %arg6[%dma_wait3A, %dma_wait3A_230] : memref<640x128xf32, #tpu.memory_space<vmem>> -> memref<128x128xf32, #tpu.memory_space<vmem>>
      %dma_wait3A_232 = arith.constant 0 : i32
      %dma_wait3A_233 = arith.constant 0 : i32
      %dma_wait3A_234 = tpu.memref_slice %arg8[%dma_wait3A_232, %dma_wait3A_233] : memref<640x128xf32, #tpu.memory_space<vmem_shared>> -> memref<640x128xf32, #tpu.memory_space<vmem_shared>>
      tpu.wait_indirect_dma semaphore(%run_scoped3A : memref<!tpu.dma_semaphore, #tpu.memory_space<semaphore_mem>>) src(%dma_wait3A_231 : memref<128x128xf32, #tpu.memory_space<vmem>>) dst(%dma_wait3A_234 : memref<640x128xf32, #tpu.memory_space<vmem_shared>>)
      tpu.yield
    }) : () -> ()
    %add3A_184 = arith.constant 512 : i32
    %add3A_185 = vector.broadcast %add3A_184 : i32 to vector<16xi32>
    %add3A_186 = arith.addi %iota3A, %add3A_185 : vector<16xi32>
    %swap3A_187 = arith.constant 0 : index
    %swap3A_188 = tpu.vector_load %arg7[%swap3A_187] {strides = array<i32>} : memref<128xi32, #tpu.memory_space<vmem>>, vector<16xi32>,
    tpu.vector_store %arg7[%swap3A_187], %add3A_186 {strides = array<i32>} : memref<128xi32, #tpu.memory_space<vmem>>, vector<16xi32>,
    %add3A_189 = arith.constant 528 : i32
    %add3A_190 = vector.broadcast %add3A_189 : i32 to vector<16xi32>
    %add3A_191 = arith.addi %iota3A, %add3A_190 : vector<16xi32>
    %swap3A_192 = arith.constant 16 : index
    %swap3A_193 = tpu.vector_load %arg7[%swap3A_192] {strides = array<i32>} : memref<128xi32, #tpu.memory_space<vmem>>, vector<16xi32>,
    tpu.vector_store %arg7[%swap3A_192], %add3A_191 {strides = array<i32>} : memref<128xi32, #tpu.memory_space<vmem>>, vector<16xi32>,
    %add3A_194 = arith.constant 544 : i32
    %add3A_195 = vector.broadcast %add3A_194 : i32 to vector<16xi32>
    %add3A_196 = arith.addi %iota3A, %add3A_195 : vector<16xi32>
    %swap3A_197 = arith.constant 32 : index
    %swap3A_198 = tpu.vector_load %arg7[%swap3A_197] {strides = array<i32>} : memref<128xi32, #tpu.memory_space<vmem>>, vector<16xi32>,
    tpu.vector_store %arg7[%swap3A_197], %add3A_196 {strides = array<i32>} : memref<128xi32, #tpu.memory_space<vmem>>, vector<16xi32>,
    %add3A_199 = arith.constant 560 : i32
    %add3A_200 = vector.broadcast %add3A_199 : i32 to vector<16xi32>
    %add3A_201 = arith.addi %iota3A, %add3A_200 : vector<16xi32>
    %swap3A_202 = arith.constant 48 : index
    %swap3A_203 = tpu.vector_load %arg7[%swap3A_202] {strides = array<i32>} : memref<128xi32, #tpu.memory_space<vmem>>, vector<16xi32>,
    tpu.vector_store %arg7[%swap3A_202], %add3A_201 {strides = array<i32>} : memref<128xi32, #tpu.memory_space<vmem>>, vector<16xi32>,
    %add3A_204 = arith.constant 576 : i32
    %add3A_205 = vector.broadcast %add3A_204 : i32 to vector<16xi32>
    %add3A_206 = arith.addi %iota3A, %add3A_205 : vector<16xi32>
    %swap3A_207 = arith.constant 64 : index
    %swap3A_208 = tpu.vector_load %arg7[%swap3A_207] {strides = array<i32>} : memref<128xi32, #tpu.memory_space<vmem>>, vector<16xi32>,
    tpu.vector_store %arg7[%swap3A_207], %add3A_206 {strides = array<i32>} : memref<128xi32, #tpu.memory_space<vmem>>, vector<16xi32>,
    %add3A_209 = arith.constant 592 : i32
    %add3A_210 = vector.broadcast %add3A_209 : i32 to vector<16xi32>
    %add3A_211 = arith.addi %iota3A, %add3A_210 : vector<16xi32>
    %swap3A_212 = arith.constant 80 : index
    %swap3A_213 = tpu.vector_load %arg7[%swap3A_212] {strides = array<i32>} : memref<128xi32, #tpu.memory_space<vmem>>, vector<16xi32>,
    tpu.vector_store %arg7[%swap3A_212], %add3A_211 {strides = array<i32>} : memref<128xi32, #tpu.memory_space<vmem>>, vector<16xi32>,
    %add3A_214 = arith.constant 608 : i32
    %add3A_215 = vector.broadcast %add3A_214 : i32 to vector<16xi32>
    %add3A_216 = arith.addi %iota3A, %add3A_215 : vector<16xi32>
    %swap3A_217 = arith.constant 96 : index
    %swap3A_218 = tpu.vector_load %arg7[%swap3A_217] {strides = array<i32>} : memref<128xi32, #tpu.memory_space<vmem>>, vector<16xi32>,
    tpu.vector_store %arg7[%swap3A_217], %add3A_216 {strides = array<i32>} : memref<128xi32, #tpu.memory_space<vmem>>, vector<16xi32>,
    %add3A_219 = arith.constant 624 : i32
    %add3A_220 = vector.broadcast %add3A_219 : i32 to vector<16xi32>
    %add3A_221 = arith.addi %iota3A, %add3A_220 : vector<16xi32>
    %swap3A_222 = arith.constant 112 : index
    %swap3A_223 = tpu.vector_load %arg7[%swap3A_222] {strides = array<i32>} : memref<128xi32, #tpu.memory_space<vmem>>, vector<16xi32>,
    tpu.vector_store %arg7[%swap3A_222], %add3A_221 {strides = array<i32>} : memref<128xi32, #tpu.memory_space<vmem>>, vector<16xi32>,
    "tpu.region"() ({
      %run_scoped3A = tpu.sem_alloc : memref<!tpu.dma_semaphore, #tpu.memory_space<semaphore_mem>>
      %dma_start3A = arith.constant 512 : i32
      %dma_start3A_225 = arith.constant 0 : i32
      %dma_start3A_226 = tpu.memref_slice %arg6[%dma_start3A, %dma_start3A_225] : memref<640x128xf32, #tpu.memory_space<vmem>> -> memref<128x128xf32, #tpu.memory_space<vmem>>
      %dma_start3A_227 = arith.constant 0 : i32
      %dma_start3A_228 = arith.constant 0 : i32
      %dma_start3A_229 = tpu.memref_slice %arg8[%dma_start3A_227, %dma_start3A_228] : memref<640x128xf32, #tpu.memory_space<vmem_shared>> -> memref<640x128xf32, #tpu.memory_space<vmem_shared>>
      tpu.enqueue_indirect_dma source(%dma_start3A_226 : memref<128x128xf32, #tpu.memory_space<vmem>>) target(%dma_start3A_229 : memref<640x128xf32, #tpu.memory_space<vmem_shared>>) offsets(%arg7 : memref<128xi32, #tpu.memory_space<vmem>>) semaphore(%run_scoped3A : memref<!tpu.dma_semaphore, #tpu.memory_space<semaphore_mem>>) {add = true}
      %dma_wait3A = arith.constant 512 : i32
      %dma_wait3A_230 = arith.constant 0 : i32
      %dma_wait3A_231 = tpu.memref_slice %arg6[%dma_wait3A, %dma_wait3A_230] : memref<640x128xf32, #tpu.memory_space<vmem>> -> memref<128x128xf32, #tpu.memory_space<vmem>>
      %dma_wait3A_232 = arith.constant 0 : i32
      %dma_wait3A_233 = arith.constant 0 : i32
      %dma_wait3A_234 = tpu.memref_slice %arg8[%dma_wait3A_232, %dma_wait3A_233] : memref<640x128xf32, #tpu.memory_space<vmem_shared>> -> memref<640x128xf32, #tpu.memory_space<vmem_shared>>
      tpu.wait_indirect_dma semaphore(%run_scoped3A : memref<!tpu.dma_semaphore, #tpu.memory_space<semaphore_mem>>) src(%dma_wait3A_231 : memref<128x128xf32, #tpu.memory_space<vmem>>) dst(%dma_wait3A_234 : memref<640x128xf32, #tpu.memory_space<vmem_shared>>)
      tpu.yield
    }) : () -> ()
    %barrier3A_224 = arith.constant 0 : index
    tpu.barrier barrier_id(%barrier3A_224)
    "tpu.region"() ({
      %run_scoped3A = tpu.sem_alloc : memref<!tpu.dma_semaphore, #tpu.memory_space<semaphore_mem>>
      %dma_start3A = arith.constant 0 : i32
      %dma_start3A_225 = arith.constant 0 : i32
      %dma_start3A_226 = tpu.memref_slice %arg4[%arg0, %dma_start3A, %dma_start3A_225] : memref<2x640x128xf32, #tpu.memory_space<hbm>> -> memref<1x640x128xf32, #tpu.memory_space<hbm>>
      %dma_start3A_227 = tpu.memref_squeeze %dma_start3A_226 : memref<1x640x128xf32, #tpu.memory_space<hbm>> -> memref<640x128xf32, #tpu.memory_space<hbm>>
      %dma_start3A_228 = arith.constant 0 : i32
      %dma_start3A_229 = tpu.memref_slice %dma_start3A_227[%mul3A_5, %dma_start3A_228] : memref<640x128xf32, #tpu.memory_space<hbm>> -> memref<40x128xf32, #tpu.memory_space<hbm>>
      %dma_start3A_230 = arith.constant 0 : i32
      %dma_start3A_231 = tpu.memref_slice %arg8[%mul3A_5, %dma_start3A_230] : memref<640x128xf32, #tpu.memory_space<vmem_shared>> -> memref<40x128xf32, #tpu.memory_space<vmem_shared>>
      tpu.enqueue_dma source(%dma_start3A_231 : memref<40x128xf32, #tpu.memory_space<vmem_shared>>) target(%dma_start3A_229 : memref<40x128xf32, #tpu.memory_space<hbm>>) target_semaphore(%run_scoped3A : memref<!tpu.dma_semaphore, #tpu.memory_space<semaphore_mem>>)
      %dma_wait3A = arith.constant 0 : i32
      %dma_wait3A_232 = arith.constant 0 : i32
      %dma_wait3A_233 = tpu.memref_slice %arg4[%arg0, %dma_wait3A, %dma_wait3A_232] : memref<2x640x128xf32, #tpu.memory_space<hbm>> -> memref<1x640x128xf32, #tpu.memory_space<hbm>>
      %dma_wait3A_234 = tpu.memref_squeeze %dma_wait3A_233 : memref<1x640x128xf32, #tpu.memory_space<hbm>> -> memref<640x128xf32, #tpu.memory_space<hbm>>
      %dma_wait3A_235 = arith.constant 0 : i32
      %dma_wait3A_236 = tpu.memref_slice %dma_wait3A_234[%mul3A_5, %dma_wait3A_235] : memref<640x128xf32, #tpu.memory_space<hbm>> -> memref<40x128xf32, #tpu.memory_space<hbm>>
      %dma_wait3A_237 = arith.constant 0 : i32
      %dma_wait3A_238 = tpu.memref_slice %arg8[%mul3A_5, %dma_wait3A_237] : memref<640x128xf32, #tpu.memory_space<vmem_shared>> -> memref<40x128xf32, #tpu.memory_space<vmem_shared>>
      tpu.wait_dma2 semaphore(%run_scoped3A : memref<!tpu.dma_semaphore, #tpu.memory_space<semaphore_mem>>) src(%dma_wait3A_238 : memref<40x128xf32, #tpu.memory_space<vmem_shared>>) dst(%dma_wait3A_236 : memref<40x128xf32, #tpu.memory_space<hbm>>)
      tpu.yield
    }) : () -> ()
    return
  }
}

#map = affine_map<(d0, d1) -> (0, 0)>
#map1 = affine_map<(d0, d1) -> (0, 0, 0)>
module attributes {stable_mosaic.version = 14 : i64} {
  func.func @_sc_agg(%arg0: i32, %arg1: i32, %arg2: memref<10000x128xf32, #tpu.memory_space<hbm>>, %arg3: memref<10000x128xf32, #tpu.memory_space<hbm>>, %arg4: memref<2560x128xi32, #tpu.memory_space<hbm>>, %arg5: memref<2560x128xi32, #tpu.memory_space<hbm>>, %arg6: memref<2x10000x128xf32, #tpu.memory_space<hbm>>, %arg7: memref<40x128xi32, #tpu.memory_space<vmem>>, %arg8: memref<40x128xi32, #tpu.memory_space<vmem>>, %arg9: memref<128x128xf32, #tpu.memory_space<vmem>>, %arg10: memref<128x128xf32, #tpu.memory_space<vmem>>, %arg11: memref<128xi32, #tpu.memory_space<vmem>>, %arg12: memref<128xi32, #tpu.memory_space<vmem>>, %arg13: memref<10000x128xf32, #tpu.memory_space<vmem_shared>>, %arg14: memref<!tpu.dma_semaphore, #tpu.memory_space<semaphore_mem>>, %arg15: memref<!tpu.dma_semaphore, #tpu.memory_space<semaphore_mem>>, %arg16: memref<!tpu.dma_semaphore, #tpu.memory_space<semaphore_mem>>, %arg17: memref<!tpu.dma_semaphore, #tpu.memory_space<semaphore_mem>>) attributes {dimension_semantics = [#tpu.dimension_semantics<core_parallel>, #tpu.dimension_semantics<subcore_parallel>], iteration_bounds = array<i64: 2, 16>, scalar_prefetch = 0 : i64, scratch_operands = 11 : i64, tpu.core_type = #tpu.core_type<sc_vector_subcore>, window_params = [{transform_indices = #map}, {transform_indices = #map}, {transform_indices = #map}, {transform_indices = #map}, {transform_indices = #map1}]} {
    %mul3A = arith.constant 2 : i32
    %mul3A_0 = arith.muli %arg1, %mul3A : i32
    %add3A = arith.addi %mul3A_0, %arg0 : i32
    %eq3A = arith.constant 31 : i32
    %eq3A_1 = arith.cmpi eq, %add3A, %eq3A : i32
    %select_n3A = arith.constant 80 : i32
    %select_n3A_2 = arith.constant 20 : i32
    %select_n3A_3 = arith.select %eq3A_1, %select_n3A_2, %select_n3A : i32
    %mul3A_4 = arith.constant 624 : i32
    %mul3A_5 = arith.muli %arg1, %mul3A_4 : i32
    %eq3A_6 = arith.constant 0 : i32
    %eq3A_7 = arith.cmpi eq, %arg0, %eq3A_6 : i32
    %convert_element_type3A = arith.extui %eq3A_7 : i1 to i32
    %cond3A = arith.constant 0 : i32
    %cond3A_8 = arith.cmpi ne, %convert_element_type3A, %cond3A : i32
    scf.if %cond3A_8 {
      "tpu.region"() ({
        %run_scoped3A = tpu.sem_alloc : memref<!tpu.dma_semaphore, #tpu.memory_space<semaphore_mem>>
        %dma_start3A = arith.constant 0 : i32
        %dma_start3A_47 = tpu.memref_slice %arg13[%mul3A_5, %dma_start3A] : memref<10000x128xf32, #tpu.memory_space<vmem_shared>> -> memref<624x128xf32, #tpu.memory_space<vmem_shared>>
        %dma_start3A_48 = arith.constant 0 : i32
        %dma_start3A_49 = tpu.memref_slice %arg2[%mul3A_5, %dma_start3A_48] : memref<10000x128xf32, #tpu.memory_space<hbm>> -> memref<624x128xf32, #tpu.memory_space<hbm>>
        tpu.enqueue_dma source(%dma_start3A_49 : memref<624x128xf32, #tpu.memory_space<hbm>>) target(%dma_start3A_47 : memref<624x128xf32, #tpu.memory_space<vmem_shared>>) target_semaphore(%run_scoped3A : memref<!tpu.dma_semaphore, #tpu.memory_space<semaphore_mem>>)
        %dma_wait3A_50 = arith.constant 0 : i32
        %dma_wait3A_51 = tpu.memref_slice %arg13[%mul3A_5, %dma_wait3A_50] : memref<10000x128xf32, #tpu.memory_space<vmem_shared>> -> memref<624x128xf32, #tpu.memory_space<vmem_shared>>
        %dma_wait3A_52 = arith.constant 0 : i32
        %dma_wait3A_53 = tpu.memref_slice %arg2[%mul3A_5, %dma_wait3A_52] : memref<10000x128xf32, #tpu.memory_space<hbm>> -> memref<624x128xf32, #tpu.memory_space<hbm>>
        tpu.wait_dma2 semaphore(%run_scoped3A : memref<!tpu.dma_semaphore, #tpu.memory_space<semaphore_mem>>) src(%dma_wait3A_53 : memref<624x128xf32, #tpu.memory_space<hbm>>) dst(%dma_wait3A_51 : memref<624x128xf32, #tpu.memory_space<vmem_shared>>)
        tpu.yield
      }) : () -> ()
      %eq3A_42 = arith.constant 15 : i32
      %eq3A_43 = arith.cmpi eq, %arg1, %eq3A_42 : i32
      %convert_element_type3A_44 = arith.extui %eq3A_43 : i1 to i32
      %cond3A_45 = arith.constant 0 : i32
      %cond3A_46 = arith.cmpi ne, %convert_element_type3A_44, %cond3A_45 : i32
      scf.if %cond3A_46 {
        "tpu.region"() ({
          %run_scoped3A = tpu.sem_alloc : memref<!tpu.dma_semaphore, #tpu.memory_space<semaphore_mem>>
          %dma_start3A = arith.constant 9984 : i32
          %dma_start3A_47 = arith.constant 0 : i32
          %dma_start3A_48 = tpu.memref_slice %arg13[%dma_start3A, %dma_start3A_47] : memref<10000x128xf32, #tpu.memory_space<vmem_shared>> -> memref<16x128xf32, #tpu.memory_space<vmem_shared>>
          %dma_start3A_49 = arith.constant 9984 : i32
          %dma_start3A_50 = arith.constant 0 : i32
          %dma_start3A_51 = tpu.memref_slice %arg2[%dma_start3A_49, %dma_start3A_50] : memref<10000x128xf32, #tpu.memory_space<hbm>> -> memref<16x128xf32, #tpu.memory_space<hbm>>
          tpu.enqueue_dma source(%dma_start3A_51 : memref<16x128xf32, #tpu.memory_space<hbm>>) target(%dma_start3A_48 : memref<16x128xf32, #tpu.memory_space<vmem_shared>>) target_semaphore(%run_scoped3A : memref<!tpu.dma_semaphore, #tpu.memory_space<semaphore_mem>>)
          %dma_wait3A_52 = arith.constant 9984 : i32
          %dma_wait3A_53 = arith.constant 0 : i32
          %dma_wait3A_54 = tpu.memref_slice %arg13[%dma_wait3A_52, %dma_wait3A_53] : memref<10000x128xf32, #tpu.memory_space<vmem_shared>> -> memref<16x128xf32, #tpu.memory_space<vmem_shared>>
          %dma_wait3A_55 = arith.constant 9984 : i32
          %dma_wait3A_56 = arith.constant 0 : i32
          %dma_wait3A_57 = tpu.memref_slice %arg2[%dma_wait3A_55, %dma_wait3A_56] : memref<10000x128xf32, #tpu.memory_space<hbm>> -> memref<16x128xf32, #tpu.memory_space<hbm>>
          tpu.wait_dma2 semaphore(%run_scoped3A : memref<!tpu.dma_semaphore, #tpu.memory_space<semaphore_mem>>) src(%dma_wait3A_57 : memref<16x128xf32, #tpu.memory_space<hbm>>) dst(%dma_wait3A_54 : memref<16x128xf32, #tpu.memory_space<vmem_shared>>)
          tpu.yield
        }) : () -> ()
      } else {
      }
    } else {
    }
    %eq3A_9 = arith.constant 1 : i32
    %eq3A_10 = arith.cmpi eq, %arg0, %eq3A_9 : i32
    %convert_element_type3A_11 = arith.extui %eq3A_10 : i1 to i32
    %cond3A_12 = arith.constant 0 : i32
    %cond3A_13 = arith.cmpi ne, %convert_element_type3A_11, %cond3A_12 : i32
    scf.if %cond3A_13 {
      "tpu.region"() ({
        %run_scoped3A = tpu.sem_alloc : memref<!tpu.dma_semaphore, #tpu.memory_space<semaphore_mem>>
        %dma_start3A = arith.constant 0 : i32
        %dma_start3A_47 = tpu.memref_slice %arg13[%mul3A_5, %dma_start3A] : memref<10000x128xf32, #tpu.memory_space<vmem_shared>> -> memref<624x128xf32, #tpu.memory_space<vmem_shared>>
        %dma_start3A_48 = arith.constant 0 : i32
        %dma_start3A_49 = tpu.memref_slice %arg3[%mul3A_5, %dma_start3A_48] : memref<10000x128xf32, #tpu.memory_space<hbm>> -> memref<624x128xf32, #tpu.memory_space<hbm>>
        tpu.enqueue_dma source(%dma_start3A_49 : memref<624x128xf32, #tpu.memory_space<hbm>>) target(%dma_start3A_47 : memref<624x128xf32, #tpu.memory_space<vmem_shared>>) target_semaphore(%run_scoped3A : memref<!tpu.dma_semaphore, #tpu.memory_space<semaphore_mem>>)
        %dma_wait3A_50 = arith.constant 0 : i32
        %dma_wait3A_51 = tpu.memref_slice %arg13[%mul3A_5, %dma_wait3A_50] : memref<10000x128xf32, #tpu.memory_space<vmem_shared>> -> memref<624x128xf32, #tpu.memory_space<vmem_shared>>
        %dma_wait3A_52 = arith.constant 0 : i32
        %dma_wait3A_53 = tpu.memref_slice %arg3[%mul3A_5, %dma_wait3A_52] : memref<10000x128xf32, #tpu.memory_space<hbm>> -> memref<624x128xf32, #tpu.memory_space<hbm>>
        tpu.wait_dma2 semaphore(%run_scoped3A : memref<!tpu.dma_semaphore, #tpu.memory_space<semaphore_mem>>) src(%dma_wait3A_53 : memref<624x128xf32, #tpu.memory_space<hbm>>) dst(%dma_wait3A_51 : memref<624x128xf32, #tpu.memory_space<vmem_shared>>)
        tpu.yield
      }) : () -> ()
      %eq3A_42 = arith.constant 15 : i32
      %eq3A_43 = arith.cmpi eq, %arg1, %eq3A_42 : i32
      %convert_element_type3A_44 = arith.extui %eq3A_43 : i1 to i32
      %cond3A_45 = arith.constant 0 : i32
      %cond3A_46 = arith.cmpi ne, %convert_element_type3A_44, %cond3A_45 : i32
      scf.if %cond3A_46 {
        "tpu.region"() ({
          %run_scoped3A = tpu.sem_alloc : memref<!tpu.dma_semaphore, #tpu.memory_space<semaphore_mem>>
          %dma_start3A = arith.constant 9984 : i32
          %dma_start3A_47 = arith.constant 0 : i32
          %dma_start3A_48 = tpu.memref_slice %arg13[%dma_start3A, %dma_start3A_47] : memref<10000x128xf32, #tpu.memory_space<vmem_shared>> -> memref<16x128xf32, #tpu.memory_space<vmem_shared>>
          %dma_start3A_49 = arith.constant 9984 : i32
          %dma_start3A_50 = arith.constant 0 : i32
          %dma_start3A_51 = tpu.memref_slice %arg3[%dma_start3A_49, %dma_start3A_50] : memref<10000x128xf32, #tpu.memory_space<hbm>> -> memref<16x128xf32, #tpu.memory_space<hbm>>
          tpu.enqueue_dma source(%dma_start3A_51 : memref<16x128xf32, #tpu.memory_space<hbm>>) target(%dma_start3A_48 : memref<16x128xf32, #tpu.memory_space<vmem_shared>>) target_semaphore(%run_scoped3A : memref<!tpu.dma_semaphore, #tpu.memory_space<semaphore_mem>>)
          %dma_wait3A_52 = arith.constant 9984 : i32
          %dma_wait3A_53 = arith.constant 0 : i32
          %dma_wait3A_54 = tpu.memref_slice %arg13[%dma_wait3A_52, %dma_wait3A_53] : memref<10000x128xf32, #tpu.memory_space<vmem_shared>> -> memref<16x128xf32, #tpu.memory_space<vmem_shared>>
          %dma_wait3A_55 = arith.constant 9984 : i32
          %dma_wait3A_56 = arith.constant 0 : i32
          %dma_wait3A_57 = tpu.memref_slice %arg3[%dma_wait3A_55, %dma_wait3A_56] : memref<10000x128xf32, #tpu.memory_space<hbm>> -> memref<16x128xf32, #tpu.memory_space<hbm>>
          tpu.wait_dma2 semaphore(%run_scoped3A : memref<!tpu.dma_semaphore, #tpu.memory_space<semaphore_mem>>) src(%dma_wait3A_57 : memref<16x128xf32, #tpu.memory_space<hbm>>) dst(%dma_wait3A_54 : memref<16x128xf32, #tpu.memory_space<vmem_shared>>)
          tpu.yield
        }) : () -> ()
      } else {
      }
    } else {
    }
    %barrier3A = arith.constant 0 : index
    tpu.barrier barrier_id(%barrier3A)
    %sub3A = arith.constant 0 : i32
    %sub3A_14 = arith.subi %select_n3A_3, %sub3A : i32
    %jit3A = arith.constant 0 : i32
    %jit3A_15 = arith.constant 40 : i32
    %max3A = arith.maxsi %jit3A, %sub3A_14 : i32
    %min3A = arith.minsi %jit3A_15, %max3A : i32
    %gt3A = arith.constant 0 : i32
    %gt3A_16 = arith.cmpi sgt, %min3A, %gt3A : i32
    %convert_element_type3A_17 = arith.extui %gt3A_16 : i1 to i32
    %cond3A_18 = arith.constant 0 : i32
    %cond3A_19 = arith.cmpi ne, %convert_element_type3A_17, %cond3A_18 : i32
    scf.if %cond3A_19 {
      %mul3A_42 = arith.constant 80 : i32
      %mul3A_43 = arith.muli %add3A, %mul3A_42 : i32
      %add3A_44 = arith.constant 0 : i32
      %add3A_45 = arith.addi %mul3A_43, %add3A_44 : i32
      "tpu.region"() ({
        %run_scoped3A = tpu.sem_alloc : memref<!tpu.dma_semaphore, #tpu.memory_space<semaphore_mem>>
        %dma_start3A_80 = arith.constant 0 : i32
        %dma_start3A_81 = tpu.memref_slice %arg4[%add3A_45, %dma_start3A_80] : memref<2560x128xi32, #tpu.memory_space<hbm>> -> memref<40x128xi32, #tpu.memory_space<hbm>>
        %dma_start3A_82 = arith.constant 0 : i32
        %dma_start3A_83 = tpu.memref_slice %arg4[%add3A_45, %dma_start3A_82] : memref<2560x128xi32, #tpu.memory_space<hbm>> -> memref<40x128xi32, #tpu.memory_space<hbm>>
        tpu.enqueue_dma source(%dma_start3A_83 : memref<40x128xi32, #tpu.memory_space<hbm>>) target(%arg7 : memref<40x128xi32, #tpu.memory_space<vmem>>) target_semaphore(%run_scoped3A : memref<!tpu.dma_semaphore, #tpu.memory_space<semaphore_mem>>)
        %dma_wait3A_84 = arith.constant 0 : i32
        %dma_wait3A_85 = tpu.memref_slice %arg4[%add3A_45, %dma_wait3A_84] : memref<2560x128xi32, #tpu.memory_space<hbm>> -> memref<40x128xi32, #tpu.memory_space<hbm>>
        %dma_wait3A_86 = arith.constant 0 : i32
        %dma_wait3A_87 = tpu.memref_slice %arg4[%add3A_45, %dma_wait3A_86] : memref<2560x128xi32, #tpu.memory_space<hbm>> -> memref<40x128xi32, #tpu.memory_space<hbm>>
        tpu.wait_dma2 semaphore(%run_scoped3A : memref<!tpu.dma_semaphore, #tpu.memory_space<semaphore_mem>>) src(%dma_wait3A_87 : memref<40x128xi32, #tpu.memory_space<hbm>>) dst(%arg7 : memref<40x128xi32, #tpu.memory_space<vmem>>)
        tpu.yield
      }) : () -> ()
      %mul3A_46 = arith.constant 80 : i32
      %mul3A_47 = arith.muli %add3A, %mul3A_46 : i32
      %add3A_48 = arith.constant 0 : i32
      %add3A_49 = arith.addi %mul3A_47, %add3A_48 : i32
      "tpu.region"() ({
        %run_scoped3A = tpu.sem_alloc : memref<!tpu.dma_semaphore, #tpu.memory_space<semaphore_mem>>
        %dma_start3A_80 = arith.constant 0 : i32
        %dma_start3A_81 = tpu.memref_slice %arg5[%add3A_49, %dma_start3A_80] : memref<2560x128xi32, #tpu.memory_space<hbm>> -> memref<40x128xi32, #tpu.memory_space<hbm>>
        %dma_start3A_82 = arith.constant 0 : i32
        %dma_start3A_83 = tpu.memref_slice %arg5[%add3A_49, %dma_start3A_82] : memref<2560x128xi32, #tpu.memory_space<hbm>> -> memref<40x128xi32, #tpu.memory_space<hbm>>
        tpu.enqueue_dma source(%dma_start3A_83 : memref<40x128xi32, #tpu.memory_space<hbm>>) target(%arg8 : memref<40x128xi32, #tpu.memory_space<vmem>>) target_semaphore(%run_scoped3A : memref<!tpu.dma_semaphore, #tpu.memory_space<semaphore_mem>>)
        %dma_wait3A_84 = arith.constant 0 : i32
        %dma_wait3A_85 = tpu.memref_slice %arg5[%add3A_49, %dma_wait3A_84] : memref<2560x128xi32, #tpu.memory_space<hbm>> -> memref<40x128xi32, #tpu.memory_space<hbm>>
        %dma_wait3A_86 = arith.constant 0 : i32
        %dma_wait3A_87 = tpu.memref_slice %arg5[%add3A_49, %dma_wait3A_86] : memref<2560x128xi32, #tpu.memory_space<hbm>> -> memref<40x128xi32, #tpu.memory_space<hbm>>
        tpu.wait_dma2 semaphore(%run_scoped3A : memref<!tpu.dma_semaphore, #tpu.memory_space<semaphore_mem>>) src(%dma_wait3A_87 : memref<40x128xi32, #tpu.memory_space<hbm>>) dst(%arg8 : memref<40x128xi32, #tpu.memory_space<vmem>>)
        tpu.yield
      }) : () -> ()
      %dma_start3A = arith.constant 0 : i32
      %dma_start3A_50 = arith.constant 0 : i32
      %dma_start3A_51 = tpu.memref_slice %arg7[%dma_start3A, %dma_start3A_50] : memref<40x128xi32, #tpu.memory_space<vmem>> -> memref<1x128xi32, #tpu.memory_space<vmem>>
      %dma_start3A_52 = tpu.memref_squeeze %dma_start3A_51 : memref<1x128xi32, #tpu.memory_space<vmem>> -> memref<128xi32, #tpu.memory_space<vmem>>
      %dma_start3A_53 = arith.constant 0 : i32
      %dma_start3A_54 = arith.constant 0 : i32
      %dma_start3A_55 = tpu.memref_slice %arg2[%dma_start3A_53, %dma_start3A_54] : memref<10000x128xf32, #tpu.memory_space<hbm>> -> memref<10000x128xf32, #tpu.memory_space<hbm>>
      tpu.enqueue_indirect_dma source(%dma_start3A_55 : memref<10000x128xf32, #tpu.memory_space<hbm>>) target(%arg9 : memref<128x128xf32, #tpu.memory_space<vmem>>) offsets(%dma_start3A_52 : memref<128xi32, #tpu.memory_space<vmem>>) semaphore(%arg16 : memref<!tpu.dma_semaphore, #tpu.memory_space<semaphore_mem>>)
      %dma_start3A_56 = arith.constant 1 : i32
      %dma_start3A_57 = arith.constant 0 : i32
      %dma_start3A_58 = tpu.memref_slice %arg7[%dma_start3A_56, %dma_start3A_57] : memref<40x128xi32, #tpu.memory_space<vmem>> -> memref<1x128xi32, #tpu.memory_space<vmem>>
      %dma_start3A_59 = tpu.memref_squeeze %dma_start3A_58 : memref<1x128xi32, #tpu.memory_space<vmem>> -> memref<128xi32, #tpu.memory_space<vmem>>
      %dma_start3A_60 = arith.constant 0 : i32
      %dma_start3A_61 = arith.constant 0 : i32
      %dma_start3A_62 = tpu.memref_slice %arg2[%dma_start3A_60, %dma_start3A_61] : memref<10000x128xf32, #tpu.memory_space<hbm>> -> memref<10000x128xf32, #tpu.memory_space<hbm>>
      tpu.enqueue_indirect_dma source(%dma_start3A_62 : memref<10000x128xf32, #tpu.memory_space<hbm>>) target(%arg10 : memref<128x128xf32, #tpu.memory_space<vmem>>) offsets(%dma_start3A_59 : memref<128xi32, #tpu.memory_space<vmem>>) semaphore(%arg17 : memref<!tpu.dma_semaphore, #tpu.memory_space<semaphore_mem>>)
      %sub3A_63 = arith.constant 0 : i32
      %sub3A_64 = arith.subi %min3A, %sub3A_63 : i32
      %sub3A_65 = arith.constant 2 : i32
      %sub3A_66 = arith.constant 1 : i32
      %sub3A_67 = arith.subi %sub3A_65, %sub3A_66 : i32
      %add3A_68 = arith.addi %sub3A_64, %sub3A_67 : i32
      %div3A = arith.constant 2 : i32
      %div3A_69 = arith.divsi %add3A_68, %div3A : i32
      %while3A = arith.constant 2 : i32
      %while3A_70 = arith.constant 0 : i32
      %while3A_71 = arith.constant 0 : i32
      %while3A_72 = arith.subi %div3A_69, %while3A_71 : i32
      %while3A_73 = arith.addi %while3A_71, %while3A_72 : i32
      %while3A_74 = arith.constant 1 : i32
      %while3A_75 = arith.divsi %while3A_72, %while3A_74 : i32
      %while3A_76 = arith.muli %while3A_75, %while3A_74 : i32
      %while3A_77 = arith.addi %while3A_71, %while3A_76 : i32
      %while3A_78 = arith.constant 1 : i32
      scf.for %while3A_80 = %while3A_71 to %while3A_77 step %while3A_78  : i32 {
        %mul3A_81 = arith.muli %while3A_80, %while3A : i32
        %add3A_82 = arith.addi %while3A_70, %mul3A_81 : i32
        %dma_wait3A_83 = arith.constant 0 : i32
        %dma_wait3A_84 = tpu.memref_slice %arg7[%add3A_82, %dma_wait3A_83] : memref<40x128xi32, #tpu.memory_space<vmem>> -> memref<1x128xi32, #tpu.memory_space<vmem>>
        %dma_wait3A_85 = tpu.memref_squeeze %dma_wait3A_84 : memref<1x128xi32, #tpu.memory_space<vmem>> -> memref<128xi32, #tpu.memory_space<vmem>>
        %dma_wait3A_86 = arith.constant 0 : i32
        %dma_wait3A_87 = arith.constant 0 : i32
        %dma_wait3A_88 = tpu.memref_slice %arg2[%dma_wait3A_86, %dma_wait3A_87] : memref<10000x128xf32, #tpu.memory_space<hbm>> -> memref<10000x128xf32, #tpu.memory_space<hbm>>
        tpu.wait_indirect_dma semaphore(%arg16 : memref<!tpu.dma_semaphore, #tpu.memory_space<semaphore_mem>>) src(%dma_wait3A_88 : memref<10000x128xf32, #tpu.memory_space<hbm>>) dst(%arg9 : memref<128x128xf32, #tpu.memory_space<vmem>>)
        %get3A = arith.index_cast %add3A_82 : i32 to index
        %get3A_89 = arith.constant 0 : index
        %get3A_90 = tpu.vector_load %arg8[%get3A, %get3A_89] {strides = array<i32>} : memref<40x128xi32, #tpu.memory_space<vmem>>, vector<1x16xi32>,
        %get3A_91 = vector.shape_cast %get3A_90 : vector<1x16xi32> to vector<16xi32>
        %swap3A = arith.constant 0 : index
        %swap3A_92 = tpu.vector_load %arg11[%swap3A] {strides = array<i32>} : memref<128xi32, #tpu.memory_space<vmem>>, vector<16xi32>,
        tpu.vector_store %arg11[%swap3A], %get3A_91 {strides = array<i32>} : memref<128xi32, #tpu.memory_space<vmem>>, vector<16xi32>,
        %get3A_93 = arith.index_cast %add3A_82 : i32 to index
        %get3A_94 = arith.constant 16 : index
        %get3A_95 = tpu.vector_load %arg8[%get3A_93, %get3A_94] {strides = array<i32>} : memref<40x128xi32, #tpu.memory_space<vmem>>, vector<1x16xi32>,
        %get3A_96 = vector.shape_cast %get3A_95 : vector<1x16xi32> to vector<16xi32>
        %swap3A_97 = arith.constant 16 : index
        %swap3A_98 = tpu.vector_load %arg11[%swap3A_97] {strides = array<i32>} : memref<128xi32, #tpu.memory_space<vmem>>, vector<16xi32>,
        tpu.vector_store %arg11[%swap3A_97], %get3A_96 {strides = array<i32>} : memref<128xi32, #tpu.memory_space<vmem>>, vector<16xi32>,
        %get3A_99 = arith.index_cast %add3A_82 : i32 to index
        %get3A_100 = arith.constant 32 : index
        %get3A_101 = tpu.vector_load %arg8[%get3A_99, %get3A_100] {strides = array<i32>} : memref<40x128xi32, #tpu.memory_space<vmem>>, vector<1x16xi32>,
        %get3A_102 = vector.shape_cast %get3A_101 : vector<1x16xi32> to vector<16xi32>
        %swap3A_103 = arith.constant 32 : index
        %swap3A_104 = tpu.vector_load %arg11[%swap3A_103] {strides = array<i32>} : memref<128xi32, #tpu.memory_space<vmem>>, vector<16xi32>,
        tpu.vector_store %arg11[%swap3A_103], %get3A_102 {strides = array<i32>} : memref<128xi32, #tpu.memory_space<vmem>>, vector<16xi32>,
        %get3A_105 = arith.index_cast %add3A_82 : i32 to index
        %get3A_106 = arith.constant 48 : index
        %get3A_107 = tpu.vector_load %arg8[%get3A_105, %get3A_106] {strides = array<i32>} : memref<40x128xi32, #tpu.memory_space<vmem>>, vector<1x16xi32>,
        %get3A_108 = vector.shape_cast %get3A_107 : vector<1x16xi32> to vector<16xi32>
        %swap3A_109 = arith.constant 48 : index
        %swap3A_110 = tpu.vector_load %arg11[%swap3A_109] {strides = array<i32>} : memref<128xi32, #tpu.memory_space<vmem>>, vector<16xi32>,
        tpu.vector_store %arg11[%swap3A_109], %get3A_108 {strides = array<i32>} : memref<128xi32, #tpu.memory_space<vmem>>, vector<16xi32>,
        %get3A_111 = arith.index_cast %add3A_82 : i32 to index
        %get3A_112 = arith.constant 64 : index
        %get3A_113 = tpu.vector_load %arg8[%get3A_111, %get3A_112] {strides = array<i32>} : memref<40x128xi32, #tpu.memory_space<vmem>>, vector<1x16xi32>,
        %get3A_114 = vector.shape_cast %get3A_113 : vector<1x16xi32> to vector<16xi32>
        %swap3A_115 = arith.constant 64 : index
        %swap3A_116 = tpu.vector_load %arg11[%swap3A_115] {strides = array<i32>} : memref<128xi32, #tpu.memory_space<vmem>>, vector<16xi32>,
        tpu.vector_store %arg11[%swap3A_115], %get3A_114 {strides = array<i32>} : memref<128xi32, #tpu.memory_space<vmem>>, vector<16xi32>,
        %get3A_117 = arith.index_cast %add3A_82 : i32 to index
        %get3A_118 = arith.constant 80 : index
        %get3A_119 = tpu.vector_load %arg8[%get3A_117, %get3A_118] {strides = array<i32>} : memref<40x128xi32, #tpu.memory_space<vmem>>, vector<1x16xi32>,
        %get3A_120 = vector.shape_cast %get3A_119 : vector<1x16xi32> to vector<16xi32>
        %swap3A_121 = arith.constant 80 : index
        %swap3A_122 = tpu.vector_load %arg11[%swap3A_121] {strides = array<i32>} : memref<128xi32, #tpu.memory_space<vmem>>, vector<16xi32>,
        tpu.vector_store %arg11[%swap3A_121], %get3A_120 {strides = array<i32>} : memref<128xi32, #tpu.memory_space<vmem>>, vector<16xi32>,
        %get3A_123 = arith.index_cast %add3A_82 : i32 to index
        %get3A_124 = arith.constant 96 : index
        %get3A_125 = tpu.vector_load %arg8[%get3A_123, %get3A_124] {strides = array<i32>} : memref<40x128xi32, #tpu.memory_space<vmem>>, vector<1x16xi32>,
        %get3A_126 = vector.shape_cast %get3A_125 : vector<1x16xi32> to vector<16xi32>
        %swap3A_127 = arith.constant 96 : index
        %swap3A_128 = tpu.vector_load %arg11[%swap3A_127] {strides = array<i32>} : memref<128xi32, #tpu.memory_space<vmem>>, vector<16xi32>,
        tpu.vector_store %arg11[%swap3A_127], %get3A_126 {strides = array<i32>} : memref<128xi32, #tpu.memory_space<vmem>>, vector<16xi32>,
        %get3A_129 = arith.index_cast %add3A_82 : i32 to index
        %get3A_130 = arith.constant 112 : index
        %get3A_131 = tpu.vector_load %arg8[%get3A_129, %get3A_130] {strides = array<i32>} : memref<40x128xi32, #tpu.memory_space<vmem>>, vector<1x16xi32>,
        %get3A_132 = vector.shape_cast %get3A_131 : vector<1x16xi32> to vector<16xi32>
        %swap3A_133 = arith.constant 112 : index
        %swap3A_134 = tpu.vector_load %arg11[%swap3A_133] {strides = array<i32>} : memref<128xi32, #tpu.memory_space<vmem>>, vector<16xi32>,
        tpu.vector_store %arg11[%swap3A_133], %get3A_132 {strides = array<i32>} : memref<128xi32, #tpu.memory_space<vmem>>, vector<16xi32>,
        %dma_start3A_135 = arith.constant 0 : i32
        %dma_start3A_136 = arith.constant 0 : i32
        %dma_start3A_137 = tpu.memref_slice %arg13[%dma_start3A_135, %dma_start3A_136] : memref<10000x128xf32, #tpu.memory_space<vmem_shared>> -> memref<10000x128xf32, #tpu.memory_space<vmem_shared>>
        tpu.enqueue_indirect_dma source(%arg9 : memref<128x128xf32, #tpu.memory_space<vmem>>) target(%dma_start3A_137 : memref<10000x128xf32, #tpu.memory_space<vmem_shared>>) offsets(%arg11 : memref<128xi32, #tpu.memory_space<vmem>>) semaphore(%arg14 : memref<!tpu.dma_semaphore, #tpu.memory_space<semaphore_mem>>) {add = true}
        %add3A_138 = arith.constant 2 : i32
        %add3A_139 = arith.addi %add3A_82, %add3A_138 : i32
        %lt3A = arith.cmpi slt, %add3A_139, %min3A : i32
        %convert_element_type3A_140 = arith.extui %lt3A : i1 to i32
        %cond3A_141 = arith.constant 0 : i32
        %cond3A_142 = arith.cmpi ne, %convert_element_type3A_140, %cond3A_141 : i32
        scf.if %cond3A_142 {
          %dma_wait3A_208 = arith.constant 0 : i32
          %dma_wait3A_209 = arith.constant 0 : i32
          %dma_wait3A_210 = tpu.memref_slice %arg13[%dma_wait3A_208, %dma_wait3A_209] : memref<10000x128xf32, #tpu.memory_space<vmem_shared>> -> memref<10000x128xf32, #tpu.memory_space<vmem_shared>>
          tpu.wait_indirect_dma semaphore(%arg14 : memref<!tpu.dma_semaphore, #tpu.memory_space<semaphore_mem>>) src(%arg9 : memref<128x128xf32, #tpu.memory_space<vmem>>) dst(%dma_wait3A_210 : memref<10000x128xf32, #tpu.memory_space<vmem_shared>>)
          %add3A_211 = arith.constant 2 : i32
          %add3A_212 = arith.addi %add3A_82, %add3A_211 : i32
          %dma_start3A_213 = arith.constant 0 : i32
          %dma_start3A_214 = tpu.memref_slice %arg7[%add3A_212, %dma_start3A_213] : memref<40x128xi32, #tpu.memory_space<vmem>> -> memref<1x128xi32, #tpu.memory_space<vmem>>
          %dma_start3A_215 = tpu.memref_squeeze %dma_start3A_214 : memref<1x128xi32, #tpu.memory_space<vmem>> -> memref<128xi32, #tpu.memory_space<vmem>>
          %dma_start3A_216 = arith.constant 0 : i32
          %dma_start3A_217 = arith.constant 0 : i32
          %dma_start3A_218 = tpu.memref_slice %arg2[%dma_start3A_216, %dma_start3A_217] : memref<10000x128xf32, #tpu.memory_space<hbm>> -> memref<10000x128xf32, #tpu.memory_space<hbm>>
          tpu.enqueue_indirect_dma source(%dma_start3A_218 : memref<10000x128xf32, #tpu.memory_space<hbm>>) target(%arg9 : memref<128x128xf32, #tpu.memory_space<vmem>>) offsets(%dma_start3A_215 : memref<128xi32, #tpu.memory_space<vmem>>) semaphore(%arg16 : memref<!tpu.dma_semaphore, #tpu.memory_space<semaphore_mem>>)
        } else {
        }
        %add3A_143 = arith.constant 1 : i32
        %add3A_144 = arith.addi %add3A_82, %add3A_143 : i32
        %dma_wait3A_145 = arith.constant 0 : i32
        %dma_wait3A_146 = tpu.memref_slice %arg7[%add3A_144, %dma_wait3A_145] : memref<40x128xi32, #tpu.memory_space<vmem>> -> memref<1x128xi32, #tpu.memory_space<vmem>>
        %dma_wait3A_147 = tpu.memref_squeeze %dma_wait3A_146 : memref<1x128xi32, #tpu.memory_space<vmem>> -> memref<128xi32, #tpu.memory_space<vmem>>
        %dma_wait3A_148 = arith.constant 0 : i32
        %dma_wait3A_149 = arith.constant 0 : i32
        %dma_wait3A_150 = tpu.memref_slice %arg2[%dma_wait3A_148, %dma_wait3A_149] : memref<10000x128xf32, #tpu.memory_space<hbm>> -> memref<10000x128xf32, #tpu.memory_space<hbm>>
        tpu.wait_indirect_dma semaphore(%arg17 : memref<!tpu.dma_semaphore, #tpu.memory_space<semaphore_mem>>) src(%dma_wait3A_150 : memref<10000x128xf32, #tpu.memory_space<hbm>>) dst(%arg10 : memref<128x128xf32, #tpu.memory_space<vmem>>)
        %get3A_151 = arith.index_cast %add3A_144 : i32 to index
        %get3A_152 = arith.constant 0 : index
        %get3A_153 = tpu.vector_load %arg8[%get3A_151, %get3A_152] {strides = array<i32>} : memref<40x128xi32, #tpu.memory_space<vmem>>, vector<1x16xi32>,
        %get3A_154 = vector.shape_cast %get3A_153 : vector<1x16xi32> to vector<16xi32>
        %swap3A_155 = arith.constant 0 : index
        %swap3A_156 = tpu.vector_load %arg12[%swap3A_155] {strides = array<i32>} : memref<128xi32, #tpu.memory_space<vmem>>, vector<16xi32>,
        tpu.vector_store %arg12[%swap3A_155], %get3A_154 {strides = array<i32>} : memref<128xi32, #tpu.memory_space<vmem>>, vector<16xi32>,
        %get3A_157 = arith.index_cast %add3A_144 : i32 to index
        %get3A_158 = arith.constant 16 : index
        %get3A_159 = tpu.vector_load %arg8[%get3A_157, %get3A_158] {strides = array<i32>} : memref<40x128xi32, #tpu.memory_space<vmem>>, vector<1x16xi32>,
        %get3A_160 = vector.shape_cast %get3A_159 : vector<1x16xi32> to vector<16xi32>
        %swap3A_161 = arith.constant 16 : index
        %swap3A_162 = tpu.vector_load %arg12[%swap3A_161] {strides = array<i32>} : memref<128xi32, #tpu.memory_space<vmem>>, vector<16xi32>,
        tpu.vector_store %arg12[%swap3A_161], %get3A_160 {strides = array<i32>} : memref<128xi32, #tpu.memory_space<vmem>>, vector<16xi32>,
        %get3A_163 = arith.index_cast %add3A_144 : i32 to index
        %get3A_164 = arith.constant 32 : index
        %get3A_165 = tpu.vector_load %arg8[%get3A_163, %get3A_164] {strides = array<i32>} : memref<40x128xi32, #tpu.memory_space<vmem>>, vector<1x16xi32>,
        %get3A_166 = vector.shape_cast %get3A_165 : vector<1x16xi32> to vector<16xi32>
        %swap3A_167 = arith.constant 32 : index
        %swap3A_168 = tpu.vector_load %arg12[%swap3A_167] {strides = array<i32>} : memref<128xi32, #tpu.memory_space<vmem>>, vector<16xi32>,
        tpu.vector_store %arg12[%swap3A_167], %get3A_166 {strides = array<i32>} : memref<128xi32, #tpu.memory_space<vmem>>, vector<16xi32>,
        %get3A_169 = arith.index_cast %add3A_144 : i32 to index
        %get3A_170 = arith.constant 48 : index
        %get3A_171 = tpu.vector_load %arg8[%get3A_169, %get3A_170] {strides = array<i32>} : memref<40x128xi32, #tpu.memory_space<vmem>>, vector<1x16xi32>,
        %get3A_172 = vector.shape_cast %get3A_171 : vector<1x16xi32> to vector<16xi32>
        %swap3A_173 = arith.constant 48 : index
        %swap3A_174 = tpu.vector_load %arg12[%swap3A_173] {strides = array<i32>} : memref<128xi32, #tpu.memory_space<vmem>>, vector<16xi32>,
        tpu.vector_store %arg12[%swap3A_173], %get3A_172 {strides = array<i32>} : memref<128xi32, #tpu.memory_space<vmem>>, vector<16xi32>,
        %get3A_175 = arith.index_cast %add3A_144 : i32 to index
        %get3A_176 = arith.constant 64 : index
        %get3A_177 = tpu.vector_load %arg8[%get3A_175, %get3A_176] {strides = array<i32>} : memref<40x128xi32, #tpu.memory_space<vmem>>, vector<1x16xi32>,
        %get3A_178 = vector.shape_cast %get3A_177 : vector<1x16xi32> to vector<16xi32>
        %swap3A_179 = arith.constant 64 : index
        %swap3A_180 = tpu.vector_load %arg12[%swap3A_179] {strides = array<i32>} : memref<128xi32, #tpu.memory_space<vmem>>, vector<16xi32>,
        tpu.vector_store %arg12[%swap3A_179], %get3A_178 {strides = array<i32>} : memref<128xi32, #tpu.memory_space<vmem>>, vector<16xi32>,
        %get3A_181 = arith.index_cast %add3A_144 : i32 to index
        %get3A_182 = arith.constant 80 : index
        %get3A_183 = tpu.vector_load %arg8[%get3A_181, %get3A_182] {strides = array<i32>} : memref<40x128xi32, #tpu.memory_space<vmem>>, vector<1x16xi32>,
        %get3A_184 = vector.shape_cast %get3A_183 : vector<1x16xi32> to vector<16xi32>
        %swap3A_185 = arith.constant 80 : index
        %swap3A_186 = tpu.vector_load %arg12[%swap3A_185] {strides = array<i32>} : memref<128xi32, #tpu.memory_space<vmem>>, vector<16xi32>,
        tpu.vector_store %arg12[%swap3A_185], %get3A_184 {strides = array<i32>} : memref<128xi32, #tpu.memory_space<vmem>>, vector<16xi32>,
        %get3A_187 = arith.index_cast %add3A_144 : i32 to index
        %get3A_188 = arith.constant 96 : index
        %get3A_189 = tpu.vector_load %arg8[%get3A_187, %get3A_188] {strides = array<i32>} : memref<40x128xi32, #tpu.memory_space<vmem>>, vector<1x16xi32>,
        %get3A_190 = vector.shape_cast %get3A_189 : vector<1x16xi32> to vector<16xi32>
        %swap3A_191 = arith.constant 96 : index
        %swap3A_192 = tpu.vector_load %arg12[%swap3A_191] {strides = array<i32>} : memref<128xi32, #tpu.memory_space<vmem>>, vector<16xi32>,
        tpu.vector_store %arg12[%swap3A_191], %get3A_190 {strides = array<i32>} : memref<128xi32, #tpu.memory_space<vmem>>, vector<16xi32>,
        %get3A_193 = arith.index_cast %add3A_144 : i32 to index
        %get3A_194 = arith.constant 112 : index
        %get3A_195 = tpu.vector_load %arg8[%get3A_193, %get3A_194] {strides = array<i32>} : memref<40x128xi32, #tpu.memory_space<vmem>>, vector<1x16xi32>,
        %get3A_196 = vector.shape_cast %get3A_195 : vector<1x16xi32> to vector<16xi32>
        %swap3A_197 = arith.constant 112 : index
        %swap3A_198 = tpu.vector_load %arg12[%swap3A_197] {strides = array<i32>} : memref<128xi32, #tpu.memory_space<vmem>>, vector<16xi32>,
        tpu.vector_store %arg12[%swap3A_197], %get3A_196 {strides = array<i32>} : memref<128xi32, #tpu.memory_space<vmem>>, vector<16xi32>,
        %dma_start3A_199 = arith.constant 0 : i32
        %dma_start3A_200 = arith.constant 0 : i32
        %dma_start3A_201 = tpu.memref_slice %arg13[%dma_start3A_199, %dma_start3A_200] : memref<10000x128xf32, #tpu.memory_space<vmem_shared>> -> memref<10000x128xf32, #tpu.memory_space<vmem_shared>>
        tpu.enqueue_indirect_dma source(%arg10 : memref<128x128xf32, #tpu.memory_space<vmem>>) target(%dma_start3A_201 : memref<10000x128xf32, #tpu.memory_space<vmem_shared>>) offsets(%arg12 : memref<128xi32, #tpu.memory_space<vmem>>) semaphore(%arg15 : memref<!tpu.dma_semaphore, #tpu.memory_space<semaphore_mem>>) {add = true}
        %add3A_202 = arith.constant 2 : i32
        %add3A_203 = arith.addi %add3A_144, %add3A_202 : i32
        %lt3A_204 = arith.cmpi slt, %add3A_203, %min3A : i32
        %convert_element_type3A_205 = arith.extui %lt3A_204 : i1 to i32
        %cond3A_206 = arith.constant 0 : i32
        %cond3A_207 = arith.cmpi ne, %convert_element_type3A_205, %cond3A_206 : i32
        scf.if %cond3A_207 {
          %dma_wait3A_208 = arith.constant 0 : i32
          %dma_wait3A_209 = arith.constant 0 : i32
          %dma_wait3A_210 = tpu.memref_slice %arg13[%dma_wait3A_208, %dma_wait3A_209] : memref<10000x128xf32, #tpu.memory_space<vmem_shared>> -> memref<10000x128xf32, #tpu.memory_space<vmem_shared>>
          tpu.wait_indirect_dma semaphore(%arg15 : memref<!tpu.dma_semaphore, #tpu.memory_space<semaphore_mem>>) src(%arg10 : memref<128x128xf32, #tpu.memory_space<vmem>>) dst(%dma_wait3A_210 : memref<10000x128xf32, #tpu.memory_space<vmem_shared>>)
          %add3A_211 = arith.constant 2 : i32
          %add3A_212 = arith.addi %add3A_144, %add3A_211 : i32
          %dma_start3A_213 = arith.constant 0 : i32
          %dma_start3A_214 = tpu.memref_slice %arg7[%add3A_212, %dma_start3A_213] : memref<40x128xi32, #tpu.memory_space<vmem>> -> memref<1x128xi32, #tpu.memory_space<vmem>>
          %dma_start3A_215 = tpu.memref_squeeze %dma_start3A_214 : memref<1x128xi32, #tpu.memory_space<vmem>> -> memref<128xi32, #tpu.memory_space<vmem>>
          %dma_start3A_216 = arith.constant 0 : i32
          %dma_start3A_217 = arith.constant 0 : i32
          %dma_start3A_218 = tpu.memref_slice %arg2[%dma_start3A_216, %dma_start3A_217] : memref<10000x128xf32, #tpu.memory_space<hbm>> -> memref<10000x128xf32, #tpu.memory_space<hbm>>
          tpu.enqueue_indirect_dma source(%dma_start3A_218 : memref<10000x128xf32, #tpu.memory_space<hbm>>) target(%arg10 : memref<128x128xf32, #tpu.memory_space<vmem>>) offsets(%dma_start3A_215 : memref<128xi32, #tpu.memory_space<vmem>>) semaphore(%arg17 : memref<!tpu.dma_semaphore, #tpu.memory_space<semaphore_mem>>)
        } else {
        }
      }
      %while3A_79 = arith.constant 1 : i32
      scf.for %while3A_80 = %while3A_77 to %while3A_73 step %while3A_79  : i32 {
        %mul3A_81 = arith.muli %while3A_80, %while3A : i32
        %add3A_82 = arith.addi %while3A_70, %mul3A_81 : i32
        %dma_wait3A_83 = arith.constant 0 : i32
        %dma_wait3A_84 = tpu.memref_slice %arg7[%add3A_82, %dma_wait3A_83] : memref<40x128xi32, #tpu.memory_space<vmem>> -> memref<1x128xi32, #tpu.memory_space<vmem>>
        %dma_wait3A_85 = tpu.memref_squeeze %dma_wait3A_84 : memref<1x128xi32, #tpu.memory_space<vmem>> -> memref<128xi32, #tpu.memory_space<vmem>>
        %dma_wait3A_86 = arith.constant 0 : i32
        %dma_wait3A_87 = arith.constant 0 : i32
        %dma_wait3A_88 = tpu.memref_slice %arg2[%dma_wait3A_86, %dma_wait3A_87] : memref<10000x128xf32, #tpu.memory_space<hbm>> -> memref<10000x128xf32, #tpu.memory_space<hbm>>
        tpu.wait_indirect_dma semaphore(%arg16 : memref<!tpu.dma_semaphore, #tpu.memory_space<semaphore_mem>>) src(%dma_wait3A_88 : memref<10000x128xf32, #tpu.memory_space<hbm>>) dst(%arg9 : memref<128x128xf32, #tpu.memory_space<vmem>>)
        %get3A = arith.index_cast %add3A_82 : i32 to index
        %get3A_89 = arith.constant 0 : index
        %get3A_90 = tpu.vector_load %arg8[%get3A, %get3A_89] {strides = array<i32>} : memref<40x128xi32, #tpu.memory_space<vmem>>, vector<1x16xi32>,
        %get3A_91 = vector.shape_cast %get3A_90 : vector<1x16xi32> to vector<16xi32>
        %swap3A = arith.constant 0 : index
        %swap3A_92 = tpu.vector_load %arg11[%swap3A] {strides = array<i32>} : memref<128xi32, #tpu.memory_space<vmem>>, vector<16xi32>,
        tpu.vector_store %arg11[%swap3A], %get3A_91 {strides = array<i32>} : memref<128xi32, #tpu.memory_space<vmem>>, vector<16xi32>,
        %get3A_93 = arith.index_cast %add3A_82 : i32 to index
        %get3A_94 = arith.constant 16 : index
        %get3A_95 = tpu.vector_load %arg8[%get3A_93, %get3A_94] {strides = array<i32>} : memref<40x128xi32, #tpu.memory_space<vmem>>, vector<1x16xi32>,
        %get3A_96 = vector.shape_cast %get3A_95 : vector<1x16xi32> to vector<16xi32>
        %swap3A_97 = arith.constant 16 : index
        %swap3A_98 = tpu.vector_load %arg11[%swap3A_97] {strides = array<i32>} : memref<128xi32, #tpu.memory_space<vmem>>, vector<16xi32>,
        tpu.vector_store %arg11[%swap3A_97], %get3A_96 {strides = array<i32>} : memref<128xi32, #tpu.memory_space<vmem>>, vector<16xi32>,
        %get3A_99 = arith.index_cast %add3A_82 : i32 to index
        %get3A_100 = arith.constant 32 : index
        %get3A_101 = tpu.vector_load %arg8[%get3A_99, %get3A_100] {strides = array<i32>} : memref<40x128xi32, #tpu.memory_space<vmem>>, vector<1x16xi32>,
        %get3A_102 = vector.shape_cast %get3A_101 : vector<1x16xi32> to vector<16xi32>
        %swap3A_103 = arith.constant 32 : index
        %swap3A_104 = tpu.vector_load %arg11[%swap3A_103] {strides = array<i32>} : memref<128xi32, #tpu.memory_space<vmem>>, vector<16xi32>,
        tpu.vector_store %arg11[%swap3A_103], %get3A_102 {strides = array<i32>} : memref<128xi32, #tpu.memory_space<vmem>>, vector<16xi32>,
        %get3A_105 = arith.index_cast %add3A_82 : i32 to index
        %get3A_106 = arith.constant 48 : index
        %get3A_107 = tpu.vector_load %arg8[%get3A_105, %get3A_106] {strides = array<i32>} : memref<40x128xi32, #tpu.memory_space<vmem>>, vector<1x16xi32>,
        %get3A_108 = vector.shape_cast %get3A_107 : vector<1x16xi32> to vector<16xi32>
        %swap3A_109 = arith.constant 48 : index
        %swap3A_110 = tpu.vector_load %arg11[%swap3A_109] {strides = array<i32>} : memref<128xi32, #tpu.memory_space<vmem>>, vector<16xi32>,
        tpu.vector_store %arg11[%swap3A_109], %get3A_108 {strides = array<i32>} : memref<128xi32, #tpu.memory_space<vmem>>, vector<16xi32>,
        %get3A_111 = arith.index_cast %add3A_82 : i32 to index
        %get3A_112 = arith.constant 64 : index
        %get3A_113 = tpu.vector_load %arg8[%get3A_111, %get3A_112] {strides = array<i32>} : memref<40x128xi32, #tpu.memory_space<vmem>>, vector<1x16xi32>,
        %get3A_114 = vector.shape_cast %get3A_113 : vector<1x16xi32> to vector<16xi32>
        %swap3A_115 = arith.constant 64 : index
        %swap3A_116 = tpu.vector_load %arg11[%swap3A_115] {strides = array<i32>} : memref<128xi32, #tpu.memory_space<vmem>>, vector<16xi32>,
        tpu.vector_store %arg11[%swap3A_115], %get3A_114 {strides = array<i32>} : memref<128xi32, #tpu.memory_space<vmem>>, vector<16xi32>,
        %get3A_117 = arith.index_cast %add3A_82 : i32 to index
        %get3A_118 = arith.constant 80 : index
        %get3A_119 = tpu.vector_load %arg8[%get3A_117, %get3A_118] {strides = array<i32>} : memref<40x128xi32, #tpu.memory_space<vmem>>, vector<1x16xi32>,
        %get3A_120 = vector.shape_cast %get3A_119 : vector<1x16xi32> to vector<16xi32>
        %swap3A_121 = arith.constant 80 : index
        %swap3A_122 = tpu.vector_load %arg11[%swap3A_121] {strides = array<i32>} : memref<128xi32, #tpu.memory_space<vmem>>, vector<16xi32>,
        tpu.vector_store %arg11[%swap3A_121], %get3A_120 {strides = array<i32>} : memref<128xi32, #tpu.memory_space<vmem>>, vector<16xi32>,
        %get3A_123 = arith.index_cast %add3A_82 : i32 to index
        %get3A_124 = arith.constant 96 : index
        %get3A_125 = tpu.vector_load %arg8[%get3A_123, %get3A_124] {strides = array<i32>} : memref<40x128xi32, #tpu.memory_space<vmem>>, vector<1x16xi32>,
        %get3A_126 = vector.shape_cast %get3A_125 : vector<1x16xi32> to vector<16xi32>
        %swap3A_127 = arith.constant 96 : index
        %swap3A_128 = tpu.vector_load %arg11[%swap3A_127] {strides = array<i32>} : memref<128xi32, #tpu.memory_space<vmem>>, vector<16xi32>,
        tpu.vector_store %arg11[%swap3A_127], %get3A_126 {strides = array<i32>} : memref<128xi32, #tpu.memory_space<vmem>>, vector<16xi32>,
        %get3A_129 = arith.index_cast %add3A_82 : i32 to index
        %get3A_130 = arith.constant 112 : index
        %get3A_131 = tpu.vector_load %arg8[%get3A_129, %get3A_130] {strides = array<i32>} : memref<40x128xi32, #tpu.memory_space<vmem>>, vector<1x16xi32>,
        %get3A_132 = vector.shape_cast %get3A_131 : vector<1x16xi32> to vector<16xi32>
        %swap3A_133 = arith.constant 112 : index
        %swap3A_134 = tpu.vector_load %arg11[%swap3A_133] {strides = array<i32>} : memref<128xi32, #tpu.memory_space<vmem>>, vector<16xi32>,
        tpu.vector_store %arg11[%swap3A_133], %get3A_132 {strides = array<i32>} : memref<128xi32, #tpu.memory_space<vmem>>, vector<16xi32>,
        %dma_start3A_135 = arith.constant 0 : i32
        %dma_start3A_136 = arith.constant 0 : i32
        %dma_start3A_137 = tpu.memref_slice %arg13[%dma_start3A_135, %dma_start3A_136] : memref<10000x128xf32, #tpu.memory_space<vmem_shared>> -> memref<10000x128xf32, #tpu.memory_space<vmem_shared>>
        tpu.enqueue_indirect_dma source(%arg9 : memref<128x128xf32, #tpu.memory_space<vmem>>) target(%dma_start3A_137 : memref<10000x128xf32, #tpu.memory_space<vmem_shared>>) offsets(%arg11 : memref<128xi32, #tpu.memory_space<vmem>>) semaphore(%arg14 : memref<!tpu.dma_semaphore, #tpu.memory_space<semaphore_mem>>) {add = true}
        %add3A_138 = arith.constant 2 : i32
        %add3A_139 = arith.addi %add3A_82, %add3A_138 : i32
        %lt3A = arith.cmpi slt, %add3A_139, %min3A : i32
        %convert_element_type3A_140 = arith.extui %lt3A : i1 to i32
        %cond3A_141 = arith.constant 0 : i32
        %cond3A_142 = arith.cmpi ne, %convert_element_type3A_140, %cond3A_141 : i32
        scf.if %cond3A_142 {
          %dma_wait3A_208 = arith.constant 0 : i32
          %dma_wait3A_209 = arith.constant 0 : i32
          %dma_wait3A_210 = tpu.memref_slice %arg13[%dma_wait3A_208, %dma_wait3A_209] : memref<10000x128xf32, #tpu.memory_space<vmem_shared>> -> memref<10000x128xf32, #tpu.memory_space<vmem_shared>>
          tpu.wait_indirect_dma semaphore(%arg14 : memref<!tpu.dma_semaphore, #tpu.memory_space<semaphore_mem>>) src(%arg9 : memref<128x128xf32, #tpu.memory_space<vmem>>) dst(%dma_wait3A_210 : memref<10000x128xf32, #tpu.memory_space<vmem_shared>>)
          %add3A_211 = arith.constant 2 : i32
          %add3A_212 = arith.addi %add3A_82, %add3A_211 : i32
          %dma_start3A_213 = arith.constant 0 : i32
          %dma_start3A_214 = tpu.memref_slice %arg7[%add3A_212, %dma_start3A_213] : memref<40x128xi32, #tpu.memory_space<vmem>> -> memref<1x128xi32, #tpu.memory_space<vmem>>
          %dma_start3A_215 = tpu.memref_squeeze %dma_start3A_214 : memref<1x128xi32, #tpu.memory_space<vmem>> -> memref<128xi32, #tpu.memory_space<vmem>>
          %dma_start3A_216 = arith.constant 0 : i32
          %dma_start3A_217 = arith.constant 0 : i32
          %dma_start3A_218 = tpu.memref_slice %arg2[%dma_start3A_216, %dma_start3A_217] : memref<10000x128xf32, #tpu.memory_space<hbm>> -> memref<10000x128xf32, #tpu.memory_space<hbm>>
          tpu.enqueue_indirect_dma source(%dma_start3A_218 : memref<10000x128xf32, #tpu.memory_space<hbm>>) target(%arg9 : memref<128x128xf32, #tpu.memory_space<vmem>>) offsets(%dma_start3A_215 : memref<128xi32, #tpu.memory_space<vmem>>) semaphore(%arg16 : memref<!tpu.dma_semaphore, #tpu.memory_space<semaphore_mem>>)
        } else {
        }
        %add3A_143 = arith.constant 1 : i32
        %add3A_144 = arith.addi %add3A_82, %add3A_143 : i32
        %dma_wait3A_145 = arith.constant 0 : i32
        %dma_wait3A_146 = tpu.memref_slice %arg7[%add3A_144, %dma_wait3A_145] : memref<40x128xi32, #tpu.memory_space<vmem>> -> memref<1x128xi32, #tpu.memory_space<vmem>>
        %dma_wait3A_147 = tpu.memref_squeeze %dma_wait3A_146 : memref<1x128xi32, #tpu.memory_space<vmem>> -> memref<128xi32, #tpu.memory_space<vmem>>
        %dma_wait3A_148 = arith.constant 0 : i32
        %dma_wait3A_149 = arith.constant 0 : i32
        %dma_wait3A_150 = tpu.memref_slice %arg2[%dma_wait3A_148, %dma_wait3A_149] : memref<10000x128xf32, #tpu.memory_space<hbm>> -> memref<10000x128xf32, #tpu.memory_space<hbm>>
        tpu.wait_indirect_dma semaphore(%arg17 : memref<!tpu.dma_semaphore, #tpu.memory_space<semaphore_mem>>) src(%dma_wait3A_150 : memref<10000x128xf32, #tpu.memory_space<hbm>>) dst(%arg10 : memref<128x128xf32, #tpu.memory_space<vmem>>)
        %get3A_151 = arith.index_cast %add3A_144 : i32 to index
        %get3A_152 = arith.constant 0 : index
        %get3A_153 = tpu.vector_load %arg8[%get3A_151, %get3A_152] {strides = array<i32>} : memref<40x128xi32, #tpu.memory_space<vmem>>, vector<1x16xi32>,
        %get3A_154 = vector.shape_cast %get3A_153 : vector<1x16xi32> to vector<16xi32>
        %swap3A_155 = arith.constant 0 : index
        %swap3A_156 = tpu.vector_load %arg12[%swap3A_155] {strides = array<i32>} : memref<128xi32, #tpu.memory_space<vmem>>, vector<16xi32>,
        tpu.vector_store %arg12[%swap3A_155], %get3A_154 {strides = array<i32>} : memref<128xi32, #tpu.memory_space<vmem>>, vector<16xi32>,
        %get3A_157 = arith.index_cast %add3A_144 : i32 to index
        %get3A_158 = arith.constant 16 : index
        %get3A_159 = tpu.vector_load %arg8[%get3A_157, %get3A_158] {strides = array<i32>} : memref<40x128xi32, #tpu.memory_space<vmem>>, vector<1x16xi32>,
        %get3A_160 = vector.shape_cast %get3A_159 : vector<1x16xi32> to vector<16xi32>
        %swap3A_161 = arith.constant 16 : index
        %swap3A_162 = tpu.vector_load %arg12[%swap3A_161] {strides = array<i32>} : memref<128xi32, #tpu.memory_space<vmem>>, vector<16xi32>,
        tpu.vector_store %arg12[%swap3A_161], %get3A_160 {strides = array<i32>} : memref<128xi32, #tpu.memory_space<vmem>>, vector<16xi32>,
        %get3A_163 = arith.index_cast %add3A_144 : i32 to index
        %get3A_164 = arith.constant 32 : index
        %get3A_165 = tpu.vector_load %arg8[%get3A_163, %get3A_164] {strides = array<i32>} : memref<40x128xi32, #tpu.memory_space<vmem>>, vector<1x16xi32>,
        %get3A_166 = vector.shape_cast %get3A_165 : vector<1x16xi32> to vector<16xi32>
        %swap3A_167 = arith.constant 32 : index
        %swap3A_168 = tpu.vector_load %arg12[%swap3A_167] {strides = array<i32>} : memref<128xi32, #tpu.memory_space<vmem>>, vector<16xi32>,
        tpu.vector_store %arg12[%swap3A_167], %get3A_166 {strides = array<i32>} : memref<128xi32, #tpu.memory_space<vmem>>, vector<16xi32>,
        %get3A_169 = arith.index_cast %add3A_144 : i32 to index
        %get3A_170 = arith.constant 48 : index
        %get3A_171 = tpu.vector_load %arg8[%get3A_169, %get3A_170] {strides = array<i32>} : memref<40x128xi32, #tpu.memory_space<vmem>>, vector<1x16xi32>,
        %get3A_172 = vector.shape_cast %get3A_171 : vector<1x16xi32> to vector<16xi32>
        %swap3A_173 = arith.constant 48 : index
        %swap3A_174 = tpu.vector_load %arg12[%swap3A_173] {strides = array<i32>} : memref<128xi32, #tpu.memory_space<vmem>>, vector<16xi32>,
        tpu.vector_store %arg12[%swap3A_173], %get3A_172 {strides = array<i32>} : memref<128xi32, #tpu.memory_space<vmem>>, vector<16xi32>,
        %get3A_175 = arith.index_cast %add3A_144 : i32 to index
        %get3A_176 = arith.constant 64 : index
        %get3A_177 = tpu.vector_load %arg8[%get3A_175, %get3A_176] {strides = array<i32>} : memref<40x128xi32, #tpu.memory_space<vmem>>, vector<1x16xi32>,
        %get3A_178 = vector.shape_cast %get3A_177 : vector<1x16xi32> to vector<16xi32>
        %swap3A_179 = arith.constant 64 : index
        %swap3A_180 = tpu.vector_load %arg12[%swap3A_179] {strides = array<i32>} : memref<128xi32, #tpu.memory_space<vmem>>, vector<16xi32>,
        tpu.vector_store %arg12[%swap3A_179], %get3A_178 {strides = array<i32>} : memref<128xi32, #tpu.memory_space<vmem>>, vector<16xi32>,
        %get3A_181 = arith.index_cast %add3A_144 : i32 to index
        %get3A_182 = arith.constant 80 : index
        %get3A_183 = tpu.vector_load %arg8[%get3A_181, %get3A_182] {strides = array<i32>} : memref<40x128xi32, #tpu.memory_space<vmem>>, vector<1x16xi32>,
        %get3A_184 = vector.shape_cast %get3A_183 : vector<1x16xi32> to vector<16xi32>
        %swap3A_185 = arith.constant 80 : index
        %swap3A_186 = tpu.vector_load %arg12[%swap3A_185] {strides = array<i32>} : memref<128xi32, #tpu.memory_space<vmem>>, vector<16xi32>,
        tpu.vector_store %arg12[%swap3A_185], %get3A_184 {strides = array<i32>} : memref<128xi32, #tpu.memory_space<vmem>>, vector<16xi32>,
        %get3A_187 = arith.index_cast %add3A_144 : i32 to index
        %get3A_188 = arith.constant 96 : index
        %get3A_189 = tpu.vector_load %arg8[%get3A_187, %get3A_188] {strides = array<i32>} : memref<40x128xi32, #tpu.memory_space<vmem>>, vector<1x16xi32>,
        %get3A_190 = vector.shape_cast %get3A_189 : vector<1x16xi32> to vector<16xi32>
        %swap3A_191 = arith.constant 96 : index
        %swap3A_192 = tpu.vector_load %arg12[%swap3A_191] {strides = array<i32>} : memref<128xi32, #tpu.memory_space<vmem>>, vector<16xi32>,
        tpu.vector_store %arg12[%swap3A_191], %get3A_190 {strides = array<i32>} : memref<128xi32, #tpu.memory_space<vmem>>, vector<16xi32>,
        %get3A_193 = arith.index_cast %add3A_144 : i32 to index
        %get3A_194 = arith.constant 112 : index
        %get3A_195 = tpu.vector_load %arg8[%get3A_193, %get3A_194] {strides = array<i32>} : memref<40x128xi32, #tpu.memory_space<vmem>>, vector<1x16xi32>,
        %get3A_196 = vector.shape_cast %get3A_195 : vector<1x16xi32> to vector<16xi32>
        %swap3A_197 = arith.constant 112 : index
        %swap3A_198 = tpu.vector_load %arg12[%swap3A_197] {strides = array<i32>} : memref<128xi32, #tpu.memory_space<vmem>>, vector<16xi32>,
        tpu.vector_store %arg12[%swap3A_197], %get3A_196 {strides = array<i32>} : memref<128xi32, #tpu.memory_space<vmem>>, vector<16xi32>,
        %dma_start3A_199 = arith.constant 0 : i32
        %dma_start3A_200 = arith.constant 0 : i32
        %dma_start3A_201 = tpu.memref_slice %arg13[%dma_start3A_199, %dma_start3A_200] : memref<10000x128xf32, #tpu.memory_space<vmem_shared>> -> memref<10000x128xf32, #tpu.memory_space<vmem_shared>>
        tpu.enqueue_indirect_dma source(%arg10 : memref<128x128xf32, #tpu.memory_space<vmem>>) target(%dma_start3A_201 : memref<10000x128xf32, #tpu.memory_space<vmem_shared>>) offsets(%arg12 : memref<128xi32, #tpu.memory_space<vmem>>) semaphore(%arg15 : memref<!tpu.dma_semaphore, #tpu.memory_space<semaphore_mem>>) {add = true}
        %add3A_202 = arith.constant 2 : i32
        %add3A_203 = arith.addi %add3A_144, %add3A_202 : i32
        %lt3A_204 = arith.cmpi slt, %add3A_203, %min3A : i32
        %convert_element_type3A_205 = arith.extui %lt3A_204 : i1 to i32
        %cond3A_206 = arith.constant 0 : i32
        %cond3A_207 = arith.cmpi ne, %convert_element_type3A_205, %cond3A_206 : i32
        scf.if %cond3A_207 {
          %dma_wait3A_208 = arith.constant 0 : i32
          %dma_wait3A_209 = arith.constant 0 : i32
          %dma_wait3A_210 = tpu.memref_slice %arg13[%dma_wait3A_208, %dma_wait3A_209] : memref<10000x128xf32, #tpu.memory_space<vmem_shared>> -> memref<10000x128xf32, #tpu.memory_space<vmem_shared>>
          tpu.wait_indirect_dma semaphore(%arg15 : memref<!tpu.dma_semaphore, #tpu.memory_space<semaphore_mem>>) src(%arg10 : memref<128x128xf32, #tpu.memory_space<vmem>>) dst(%dma_wait3A_210 : memref<10000x128xf32, #tpu.memory_space<vmem_shared>>)
          %add3A_211 = arith.constant 2 : i32
          %add3A_212 = arith.addi %add3A_144, %add3A_211 : i32
          %dma_start3A_213 = arith.constant 0 : i32
          %dma_start3A_214 = tpu.memref_slice %arg7[%add3A_212, %dma_start3A_213] : memref<40x128xi32, #tpu.memory_space<vmem>> -> memref<1x128xi32, #tpu.memory_space<vmem>>
          %dma_start3A_215 = tpu.memref_squeeze %dma_start3A_214 : memref<1x128xi32, #tpu.memory_space<vmem>> -> memref<128xi32, #tpu.memory_space<vmem>>
          %dma_start3A_216 = arith.constant 0 : i32
          %dma_start3A_217 = arith.constant 0 : i32
          %dma_start3A_218 = tpu.memref_slice %arg2[%dma_start3A_216, %dma_start3A_217] : memref<10000x128xf32, #tpu.memory_space<hbm>> -> memref<10000x128xf32, #tpu.memory_space<hbm>>
          tpu.enqueue_indirect_dma source(%dma_start3A_218 : memref<10000x128xf32, #tpu.memory_space<hbm>>) target(%arg10 : memref<128x128xf32, #tpu.memory_space<vmem>>) offsets(%dma_start3A_215 : memref<128xi32, #tpu.memory_space<vmem>>) semaphore(%arg17 : memref<!tpu.dma_semaphore, #tpu.memory_space<semaphore_mem>>)
        } else {
        }
      }
    } else {
    }
    %sub3A_20 = arith.constant 40 : i32
    %sub3A_21 = arith.subi %select_n3A_3, %sub3A_20 : i32
    %jit3A_22 = arith.constant 0 : i32
    %jit3A_23 = arith.constant 40 : i32
    %max3A_24 = arith.maxsi %jit3A_22, %sub3A_21 : i32
    %min3A_25 = arith.minsi %jit3A_23, %max3A_24 : i32
    %gt3A_26 = arith.constant 0 : i32
    %gt3A_27 = arith.cmpi sgt, %min3A_25, %gt3A_26 : i32
    %convert_element_type3A_28 = arith.extui %gt3A_27 : i1 to i32
    %cond3A_29 = arith.constant 0 : i32
    %cond3A_30 = arith.cmpi ne, %convert_element_type3A_28, %cond3A_29 : i32
    scf.if %cond3A_30 {
      %mul3A_42 = arith.constant 80 : i32
      %mul3A_43 = arith.muli %add3A, %mul3A_42 : i32
      %add3A_44 = arith.constant 40 : i32
      %add3A_45 = arith.addi %mul3A_43, %add3A_44 : i32
      "tpu.region"() ({
        %run_scoped3A = tpu.sem_alloc : memref<!tpu.dma_semaphore, #tpu.memory_space<semaphore_mem>>
        %dma_start3A_86 = arith.constant 0 : i32
        %dma_start3A_87 = tpu.memref_slice %arg4[%add3A_45, %dma_start3A_86] : memref<2560x128xi32, #tpu.memory_space<hbm>> -> memref<40x128xi32, #tpu.memory_space<hbm>>
        %dma_start3A_88 = arith.constant 0 : i32
        %dma_start3A_89 = tpu.memref_slice %arg4[%add3A_45, %dma_start3A_88] : memref<2560x128xi32, #tpu.memory_space<hbm>> -> memref<40x128xi32, #tpu.memory_space<hbm>>
        tpu.enqueue_dma source(%dma_start3A_89 : memref<40x128xi32, #tpu.memory_space<hbm>>) target(%arg7 : memref<40x128xi32, #tpu.memory_space<vmem>>) target_semaphore(%run_scoped3A : memref<!tpu.dma_semaphore, #tpu.memory_space<semaphore_mem>>)
        %dma_wait3A_90 = arith.constant 0 : i32
        %dma_wait3A_91 = tpu.memref_slice %arg4[%add3A_45, %dma_wait3A_90] : memref<2560x128xi32, #tpu.memory_space<hbm>> -> memref<40x128xi32, #tpu.memory_space<hbm>>
        %dma_wait3A_92 = arith.constant 0 : i32
        %dma_wait3A_93 = tpu.memref_slice %arg4[%add3A_45, %dma_wait3A_92] : memref<2560x128xi32, #tpu.memory_space<hbm>> -> memref<40x128xi32, #tpu.memory_space<hbm>>
        tpu.wait_dma2 semaphore(%run_scoped3A : memref<!tpu.dma_semaphore, #tpu.memory_space<semaphore_mem>>) src(%dma_wait3A_93 : memref<40x128xi32, #tpu.memory_space<hbm>>) dst(%arg7 : memref<40x128xi32, #tpu.memory_space<vmem>>)
        tpu.yield
      }) : () -> ()
      %mul3A_46 = arith.constant 80 : i32
      %mul3A_47 = arith.muli %add3A, %mul3A_46 : i32
      %add3A_48 = arith.constant 40 : i32
      %add3A_49 = arith.addi %mul3A_47, %add3A_48 : i32
      "tpu.region"() ({
        %run_scoped3A = tpu.sem_alloc : memref<!tpu.dma_semaphore, #tpu.memory_space<semaphore_mem>>
        %dma_start3A_86 = arith.constant 0 : i32
        %dma_start3A_87 = tpu.memref_slice %arg5[%add3A_49, %dma_start3A_86] : memref<2560x128xi32, #tpu.memory_space<hbm>> -> memref<40x128xi32, #tpu.memory_space<hbm>>
        %dma_start3A_88 = arith.constant 0 : i32
        %dma_start3A_89 = tpu.memref_slice %arg5[%add3A_49, %dma_start3A_88] : memref<2560x128xi32, #tpu.memory_space<hbm>> -> memref<40x128xi32, #tpu.memory_space<hbm>>
        tpu.enqueue_dma source(%dma_start3A_89 : memref<40x128xi32, #tpu.memory_space<hbm>>) target(%arg8 : memref<40x128xi32, #tpu.memory_space<vmem>>) target_semaphore(%run_scoped3A : memref<!tpu.dma_semaphore, #tpu.memory_space<semaphore_mem>>)
        %dma_wait3A_90 = arith.constant 0 : i32
        %dma_wait3A_91 = tpu.memref_slice %arg5[%add3A_49, %dma_wait3A_90] : memref<2560x128xi32, #tpu.memory_space<hbm>> -> memref<40x128xi32, #tpu.memory_space<hbm>>
        %dma_wait3A_92 = arith.constant 0 : i32
        %dma_wait3A_93 = tpu.memref_slice %arg5[%add3A_49, %dma_wait3A_92] : memref<2560x128xi32, #tpu.memory_space<hbm>> -> memref<40x128xi32, #tpu.memory_space<hbm>>
        tpu.wait_dma2 semaphore(%run_scoped3A : memref<!tpu.dma_semaphore, #tpu.memory_space<semaphore_mem>>) src(%dma_wait3A_93 : memref<40x128xi32, #tpu.memory_space<hbm>>) dst(%arg8 : memref<40x128xi32, #tpu.memory_space<vmem>>)
        tpu.yield
      }) : () -> ()
      %dma_wait3A_50 = arith.constant 0 : i32
      %dma_wait3A_51 = arith.constant 0 : i32
      %dma_wait3A_52 = tpu.memref_slice %arg13[%dma_wait3A_50, %dma_wait3A_51] : memref<10000x128xf32, #tpu.memory_space<vmem_shared>> -> memref<10000x128xf32, #tpu.memory_space<vmem_shared>>
      tpu.wait_indirect_dma semaphore(%arg14 : memref<!tpu.dma_semaphore, #tpu.memory_space<semaphore_mem>>) src(%arg9 : memref<128x128xf32, #tpu.memory_space<vmem>>) dst(%dma_wait3A_52 : memref<10000x128xf32, #tpu.memory_space<vmem_shared>>)
      %dma_wait3A_53 = arith.constant 0 : i32
      %dma_wait3A_54 = arith.constant 0 : i32
      %dma_wait3A_55 = tpu.memref_slice %arg13[%dma_wait3A_53, %dma_wait3A_54] : memref<10000x128xf32, #tpu.memory_space<vmem_shared>> -> memref<10000x128xf32, #tpu.memory_space<vmem_shared>>
      tpu.wait_indirect_dma semaphore(%arg15 : memref<!tpu.dma_semaphore, #tpu.memory_space<semaphore_mem>>) src(%arg10 : memref<128x128xf32, #tpu.memory_space<vmem>>) dst(%dma_wait3A_55 : memref<10000x128xf32, #tpu.memory_space<vmem_shared>>)
      %dma_start3A = arith.constant 0 : i32
      %dma_start3A_56 = arith.constant 0 : i32
      %dma_start3A_57 = tpu.memref_slice %arg7[%dma_start3A, %dma_start3A_56] : memref<40x128xi32, #tpu.memory_space<vmem>> -> memref<1x128xi32, #tpu.memory_space<vmem>>
      %dma_start3A_58 = tpu.memref_squeeze %dma_start3A_57 : memref<1x128xi32, #tpu.memory_space<vmem>> -> memref<128xi32, #tpu.memory_space<vmem>>
      %dma_start3A_59 = arith.constant 0 : i32
      %dma_start3A_60 = arith.constant 0 : i32
      %dma_start3A_61 = tpu.memref_slice %arg2[%dma_start3A_59, %dma_start3A_60] : memref<10000x128xf32, #tpu.memory_space<hbm>> -> memref<10000x128xf32, #tpu.memory_space<hbm>>
      tpu.enqueue_indirect_dma source(%dma_start3A_61 : memref<10000x128xf32, #tpu.memory_space<hbm>>) target(%arg9 : memref<128x128xf32, #tpu.memory_space<vmem>>) offsets(%dma_start3A_58 : memref<128xi32, #tpu.memory_space<vmem>>) semaphore(%arg16 : memref<!tpu.dma_semaphore, #tpu.memory_space<semaphore_mem>>)
      %dma_start3A_62 = arith.constant 1 : i32
      %dma_start3A_63 = arith.constant 0 : i32
      %dma_start3A_64 = tpu.memref_slice %arg7[%dma_start3A_62, %dma_start3A_63] : memref<40x128xi32, #tpu.memory_space<vmem>> -> memref<1x128xi32, #tpu.memory_space<vmem>>
      %dma_start3A_65 = tpu.memref_squeeze %dma_start3A_64 : memref<1x128xi32, #tpu.memory_space<vmem>> -> memref<128xi32, #tpu.memory_space<vmem>>
      %dma_start3A_66 = arith.constant 0 : i32
      %dma_start3A_67 = arith.constant 0 : i32
      %dma_start3A_68 = tpu.memref_slice %arg2[%dma_start3A_66, %dma_start3A_67] : memref<10000x128xf32, #tpu.memory_space<hbm>> -> memref<10000x128xf32, #tpu.memory_space<hbm>>
      tpu.enqueue_indirect_dma source(%dma_start3A_68 : memref<10000x128xf32, #tpu.memory_space<hbm>>) target(%arg10 : memref<128x128xf32, #tpu.memory_space<vmem>>) offsets(%dma_start3A_65 : memref<128xi32, #tpu.memory_space<vmem>>) semaphore(%arg17 : memref<!tpu.dma_semaphore, #tpu.memory_space<semaphore_mem>>)
      %sub3A_69 = arith.constant 0 : i32
      %sub3A_70 = arith.subi %min3A_25, %sub3A_69 : i32
      %sub3A_71 = arith.constant 2 : i32
      %sub3A_72 = arith.constant 1 : i32
      %sub3A_73 = arith.subi %sub3A_71, %sub3A_72 : i32
      %add3A_74 = arith.addi %sub3A_70, %sub3A_73 : i32
      %div3A = arith.constant 2 : i32
      %div3A_75 = arith.divsi %add3A_74, %div3A : i32
      %while3A = arith.constant 2 : i32
      %while3A_76 = arith.constant 0 : i32
      %while3A_77 = arith.constant 0 : i32
      %while3A_78 = arith.subi %div3A_75, %while3A_77 : i32
      %while3A_79 = arith.addi %while3A_77, %while3A_78 : i32
      %while3A_80 = arith.constant 1 : i32
      %while3A_81 = arith.divsi %while3A_78, %while3A_80 : i32
      %while3A_82 = arith.muli %while3A_81, %while3A_80 : i32
      %while3A_83 = arith.addi %while3A_77, %while3A_82 : i32
      %while3A_84 = arith.constant 1 : i32
      scf.for %while3A_86 = %while3A_77 to %while3A_83 step %while3A_84  : i32 {
        %mul3A_87 = arith.muli %while3A_86, %while3A : i32
        %add3A_88 = arith.addi %while3A_76, %mul3A_87 : i32
        %dma_wait3A_89 = arith.constant 0 : i32
        %dma_wait3A_90 = tpu.memref_slice %arg7[%add3A_88, %dma_wait3A_89] : memref<40x128xi32, #tpu.memory_space<vmem>> -> memref<1x128xi32, #tpu.memory_space<vmem>>
        %dma_wait3A_91 = tpu.memref_squeeze %dma_wait3A_90 : memref<1x128xi32, #tpu.memory_space<vmem>> -> memref<128xi32, #tpu.memory_space<vmem>>
        %dma_wait3A_92 = arith.constant 0 : i32
        %dma_wait3A_93 = arith.constant 0 : i32
        %dma_wait3A_94 = tpu.memref_slice %arg2[%dma_wait3A_92, %dma_wait3A_93] : memref<10000x128xf32, #tpu.memory_space<hbm>> -> memref<10000x128xf32, #tpu.memory_space<hbm>>
        tpu.wait_indirect_dma semaphore(%arg16 : memref<!tpu.dma_semaphore, #tpu.memory_space<semaphore_mem>>) src(%dma_wait3A_94 : memref<10000x128xf32, #tpu.memory_space<hbm>>) dst(%arg9 : memref<128x128xf32, #tpu.memory_space<vmem>>)
        %get3A = arith.index_cast %add3A_88 : i32 to index
        %get3A_95 = arith.constant 0 : index
        %get3A_96 = tpu.vector_load %arg8[%get3A, %get3A_95] {strides = array<i32>} : memref<40x128xi32, #tpu.memory_space<vmem>>, vector<1x16xi32>,
        %get3A_97 = vector.shape_cast %get3A_96 : vector<1x16xi32> to vector<16xi32>
        %swap3A = arith.constant 0 : index
        %swap3A_98 = tpu.vector_load %arg11[%swap3A] {strides = array<i32>} : memref<128xi32, #tpu.memory_space<vmem>>, vector<16xi32>,
        tpu.vector_store %arg11[%swap3A], %get3A_97 {strides = array<i32>} : memref<128xi32, #tpu.memory_space<vmem>>, vector<16xi32>,
        %get3A_99 = arith.index_cast %add3A_88 : i32 to index
        %get3A_100 = arith.constant 16 : index
        %get3A_101 = tpu.vector_load %arg8[%get3A_99, %get3A_100] {strides = array<i32>} : memref<40x128xi32, #tpu.memory_space<vmem>>, vector<1x16xi32>,
        %get3A_102 = vector.shape_cast %get3A_101 : vector<1x16xi32> to vector<16xi32>
        %swap3A_103 = arith.constant 16 : index
        %swap3A_104 = tpu.vector_load %arg11[%swap3A_103] {strides = array<i32>} : memref<128xi32, #tpu.memory_space<vmem>>, vector<16xi32>,
        tpu.vector_store %arg11[%swap3A_103], %get3A_102 {strides = array<i32>} : memref<128xi32, #tpu.memory_space<vmem>>, vector<16xi32>,
        %get3A_105 = arith.index_cast %add3A_88 : i32 to index
        %get3A_106 = arith.constant 32 : index
        %get3A_107 = tpu.vector_load %arg8[%get3A_105, %get3A_106] {strides = array<i32>} : memref<40x128xi32, #tpu.memory_space<vmem>>, vector<1x16xi32>,
        %get3A_108 = vector.shape_cast %get3A_107 : vector<1x16xi32> to vector<16xi32>
        %swap3A_109 = arith.constant 32 : index
        %swap3A_110 = tpu.vector_load %arg11[%swap3A_109] {strides = array<i32>} : memref<128xi32, #tpu.memory_space<vmem>>, vector<16xi32>,
        tpu.vector_store %arg11[%swap3A_109], %get3A_108 {strides = array<i32>} : memref<128xi32, #tpu.memory_space<vmem>>, vector<16xi32>,
        %get3A_111 = arith.index_cast %add3A_88 : i32 to index
        %get3A_112 = arith.constant 48 : index
        %get3A_113 = tpu.vector_load %arg8[%get3A_111, %get3A_112] {strides = array<i32>} : memref<40x128xi32, #tpu.memory_space<vmem>>, vector<1x16xi32>,
        %get3A_114 = vector.shape_cast %get3A_113 : vector<1x16xi32> to vector<16xi32>
        %swap3A_115 = arith.constant 48 : index
        %swap3A_116 = tpu.vector_load %arg11[%swap3A_115] {strides = array<i32>} : memref<128xi32, #tpu.memory_space<vmem>>, vector<16xi32>,
        tpu.vector_store %arg11[%swap3A_115], %get3A_114 {strides = array<i32>} : memref<128xi32, #tpu.memory_space<vmem>>, vector<16xi32>,
        %get3A_117 = arith.index_cast %add3A_88 : i32 to index
        %get3A_118 = arith.constant 64 : index
        %get3A_119 = tpu.vector_load %arg8[%get3A_117, %get3A_118] {strides = array<i32>} : memref<40x128xi32, #tpu.memory_space<vmem>>, vector<1x16xi32>,
        %get3A_120 = vector.shape_cast %get3A_119 : vector<1x16xi32> to vector<16xi32>
        %swap3A_121 = arith.constant 64 : index
        %swap3A_122 = tpu.vector_load %arg11[%swap3A_121] {strides = array<i32>} : memref<128xi32, #tpu.memory_space<vmem>>, vector<16xi32>,
        tpu.vector_store %arg11[%swap3A_121], %get3A_120 {strides = array<i32>} : memref<128xi32, #tpu.memory_space<vmem>>, vector<16xi32>,
        %get3A_123 = arith.index_cast %add3A_88 : i32 to index
        %get3A_124 = arith.constant 80 : index
        %get3A_125 = tpu.vector_load %arg8[%get3A_123, %get3A_124] {strides = array<i32>} : memref<40x128xi32, #tpu.memory_space<vmem>>, vector<1x16xi32>,
        %get3A_126 = vector.shape_cast %get3A_125 : vector<1x16xi32> to vector<16xi32>
        %swap3A_127 = arith.constant 80 : index
        %swap3A_128 = tpu.vector_load %arg11[%swap3A_127] {strides = array<i32>} : memref<128xi32, #tpu.memory_space<vmem>>, vector<16xi32>,
        tpu.vector_store %arg11[%swap3A_127], %get3A_126 {strides = array<i32>} : memref<128xi32, #tpu.memory_space<vmem>>, vector<16xi32>,
        %get3A_129 = arith.index_cast %add3A_88 : i32 to index
        %get3A_130 = arith.constant 96 : index
        %get3A_131 = tpu.vector_load %arg8[%get3A_129, %get3A_130] {strides = array<i32>} : memref<40x128xi32, #tpu.memory_space<vmem>>, vector<1x16xi32>,
        %get3A_132 = vector.shape_cast %get3A_131 : vector<1x16xi32> to vector<16xi32>
        %swap3A_133 = arith.constant 96 : index
        %swap3A_134 = tpu.vector_load %arg11[%swap3A_133] {strides = array<i32>} : memref<128xi32, #tpu.memory_space<vmem>>, vector<16xi32>,
        tpu.vector_store %arg11[%swap3A_133], %get3A_132 {strides = array<i32>} : memref<128xi32, #tpu.memory_space<vmem>>, vector<16xi32>,
        %get3A_135 = arith.index_cast %add3A_88 : i32 to index
        %get3A_136 = arith.constant 112 : index
        %get3A_137 = tpu.vector_load %arg8[%get3A_135, %get3A_136] {strides = array<i32>} : memref<40x128xi32, #tpu.memory_space<vmem>>, vector<1x16xi32>,
        %get3A_138 = vector.shape_cast %get3A_137 : vector<1x16xi32> to vector<16xi32>
        %swap3A_139 = arith.constant 112 : index
        %swap3A_140 = tpu.vector_load %arg11[%swap3A_139] {strides = array<i32>} : memref<128xi32, #tpu.memory_space<vmem>>, vector<16xi32>,
        tpu.vector_store %arg11[%swap3A_139], %get3A_138 {strides = array<i32>} : memref<128xi32, #tpu.memory_space<vmem>>, vector<16xi32>,
        %dma_start3A_141 = arith.constant 0 : i32
        %dma_start3A_142 = arith.constant 0 : i32
        %dma_start3A_143 = tpu.memref_slice %arg13[%dma_start3A_141, %dma_start3A_142] : memref<10000x128xf32, #tpu.memory_space<vmem_shared>> -> memref<10000x128xf32, #tpu.memory_space<vmem_shared>>
        tpu.enqueue_indirect_dma source(%arg9 : memref<128x128xf32, #tpu.memory_space<vmem>>) target(%dma_start3A_143 : memref<10000x128xf32, #tpu.memory_space<vmem_shared>>) offsets(%arg11 : memref<128xi32, #tpu.memory_space<vmem>>) semaphore(%arg14 : memref<!tpu.dma_semaphore, #tpu.memory_space<semaphore_mem>>) {add = true}
        %add3A_144 = arith.constant 2 : i32
        %add3A_145 = arith.addi %add3A_88, %add3A_144 : i32
        %lt3A = arith.cmpi slt, %add3A_145, %min3A_25 : i32
        %convert_element_type3A_146 = arith.extui %lt3A : i1 to i32
        %cond3A_147 = arith.constant 0 : i32
        %cond3A_148 = arith.cmpi ne, %convert_element_type3A_146, %cond3A_147 : i32
        scf.if %cond3A_148 {
          %dma_wait3A_214 = arith.constant 0 : i32
          %dma_wait3A_215 = arith.constant 0 : i32
          %dma_wait3A_216 = tpu.memref_slice %arg13[%dma_wait3A_214, %dma_wait3A_215] : memref<10000x128xf32, #tpu.memory_space<vmem_shared>> -> memref<10000x128xf32, #tpu.memory_space<vmem_shared>>
          tpu.wait_indirect_dma semaphore(%arg14 : memref<!tpu.dma_semaphore, #tpu.memory_space<semaphore_mem>>) src(%arg9 : memref<128x128xf32, #tpu.memory_space<vmem>>) dst(%dma_wait3A_216 : memref<10000x128xf32, #tpu.memory_space<vmem_shared>>)
          %add3A_217 = arith.constant 2 : i32
          %add3A_218 = arith.addi %add3A_88, %add3A_217 : i32
          %dma_start3A_219 = arith.constant 0 : i32
          %dma_start3A_220 = tpu.memref_slice %arg7[%add3A_218, %dma_start3A_219] : memref<40x128xi32, #tpu.memory_space<vmem>> -> memref<1x128xi32, #tpu.memory_space<vmem>>
          %dma_start3A_221 = tpu.memref_squeeze %dma_start3A_220 : memref<1x128xi32, #tpu.memory_space<vmem>> -> memref<128xi32, #tpu.memory_space<vmem>>
          %dma_start3A_222 = arith.constant 0 : i32
          %dma_start3A_223 = arith.constant 0 : i32
          %dma_start3A_224 = tpu.memref_slice %arg2[%dma_start3A_222, %dma_start3A_223] : memref<10000x128xf32, #tpu.memory_space<hbm>> -> memref<10000x128xf32, #tpu.memory_space<hbm>>
          tpu.enqueue_indirect_dma source(%dma_start3A_224 : memref<10000x128xf32, #tpu.memory_space<hbm>>) target(%arg9 : memref<128x128xf32, #tpu.memory_space<vmem>>) offsets(%dma_start3A_221 : memref<128xi32, #tpu.memory_space<vmem>>) semaphore(%arg16 : memref<!tpu.dma_semaphore, #tpu.memory_space<semaphore_mem>>)
        } else {
        }
        %add3A_149 = arith.constant 1 : i32
        %add3A_150 = arith.addi %add3A_88, %add3A_149 : i32
        %dma_wait3A_151 = arith.constant 0 : i32
        %dma_wait3A_152 = tpu.memref_slice %arg7[%add3A_150, %dma_wait3A_151] : memref<40x128xi32, #tpu.memory_space<vmem>> -> memref<1x128xi32, #tpu.memory_space<vmem>>
        %dma_wait3A_153 = tpu.memref_squeeze %dma_wait3A_152 : memref<1x128xi32, #tpu.memory_space<vmem>> -> memref<128xi32, #tpu.memory_space<vmem>>
        %dma_wait3A_154 = arith.constant 0 : i32
        %dma_wait3A_155 = arith.constant 0 : i32
        %dma_wait3A_156 = tpu.memref_slice %arg2[%dma_wait3A_154, %dma_wait3A_155] : memref<10000x128xf32, #tpu.memory_space<hbm>> -> memref<10000x128xf32, #tpu.memory_space<hbm>>
        tpu.wait_indirect_dma semaphore(%arg17 : memref<!tpu.dma_semaphore, #tpu.memory_space<semaphore_mem>>) src(%dma_wait3A_156 : memref<10000x128xf32, #tpu.memory_space<hbm>>) dst(%arg10 : memref<128x128xf32, #tpu.memory_space<vmem>>)
        %get3A_157 = arith.index_cast %add3A_150 : i32 to index
        %get3A_158 = arith.constant 0 : index
        %get3A_159 = tpu.vector_load %arg8[%get3A_157, %get3A_158] {strides = array<i32>} : memref<40x128xi32, #tpu.memory_space<vmem>>, vector<1x16xi32>,
        %get3A_160 = vector.shape_cast %get3A_159 : vector<1x16xi32> to vector<16xi32>
        %swap3A_161 = arith.constant 0 : index
        %swap3A_162 = tpu.vector_load %arg12[%swap3A_161] {strides = array<i32>} : memref<128xi32, #tpu.memory_space<vmem>>, vector<16xi32>,
        tpu.vector_store %arg12[%swap3A_161], %get3A_160 {strides = array<i32>} : memref<128xi32, #tpu.memory_space<vmem>>, vector<16xi32>,
        %get3A_163 = arith.index_cast %add3A_150 : i32 to index
        %get3A_164 = arith.constant 16 : index
        %get3A_165 = tpu.vector_load %arg8[%get3A_163, %get3A_164] {strides = array<i32>} : memref<40x128xi32, #tpu.memory_space<vmem>>, vector<1x16xi32>,
        %get3A_166 = vector.shape_cast %get3A_165 : vector<1x16xi32> to vector<16xi32>
        %swap3A_167 = arith.constant 16 : index
        %swap3A_168 = tpu.vector_load %arg12[%swap3A_167] {strides = array<i32>} : memref<128xi32, #tpu.memory_space<vmem>>, vector<16xi32>,
        tpu.vector_store %arg12[%swap3A_167], %get3A_166 {strides = array<i32>} : memref<128xi32, #tpu.memory_space<vmem>>, vector<16xi32>,
        %get3A_169 = arith.index_cast %add3A_150 : i32 to index
        %get3A_170 = arith.constant 32 : index
        %get3A_171 = tpu.vector_load %arg8[%get3A_169, %get3A_170] {strides = array<i32>} : memref<40x128xi32, #tpu.memory_space<vmem>>, vector<1x16xi32>,
        %get3A_172 = vector.shape_cast %get3A_171 : vector<1x16xi32> to vector<16xi32>
        %swap3A_173 = arith.constant 32 : index
        %swap3A_174 = tpu.vector_load %arg12[%swap3A_173] {strides = array<i32>} : memref<128xi32, #tpu.memory_space<vmem>>, vector<16xi32>,
        tpu.vector_store %arg12[%swap3A_173], %get3A_172 {strides = array<i32>} : memref<128xi32, #tpu.memory_space<vmem>>, vector<16xi32>,
        %get3A_175 = arith.index_cast %add3A_150 : i32 to index
        %get3A_176 = arith.constant 48 : index
        %get3A_177 = tpu.vector_load %arg8[%get3A_175, %get3A_176] {strides = array<i32>} : memref<40x128xi32, #tpu.memory_space<vmem>>, vector<1x16xi32>,
        %get3A_178 = vector.shape_cast %get3A_177 : vector<1x16xi32> to vector<16xi32>
        %swap3A_179 = arith.constant 48 : index
        %swap3A_180 = tpu.vector_load %arg12[%swap3A_179] {strides = array<i32>} : memref<128xi32, #tpu.memory_space<vmem>>, vector<16xi32>,
        tpu.vector_store %arg12[%swap3A_179], %get3A_178 {strides = array<i32>} : memref<128xi32, #tpu.memory_space<vmem>>, vector<16xi32>,
        %get3A_181 = arith.index_cast %add3A_150 : i32 to index
        %get3A_182 = arith.constant 64 : index
        %get3A_183 = tpu.vector_load %arg8[%get3A_181, %get3A_182] {strides = array<i32>} : memref<40x128xi32, #tpu.memory_space<vmem>>, vector<1x16xi32>,
        %get3A_184 = vector.shape_cast %get3A_183 : vector<1x16xi32> to vector<16xi32>
        %swap3A_185 = arith.constant 64 : index
        %swap3A_186 = tpu.vector_load %arg12[%swap3A_185] {strides = array<i32>} : memref<128xi32, #tpu.memory_space<vmem>>, vector<16xi32>,
        tpu.vector_store %arg12[%swap3A_185], %get3A_184 {strides = array<i32>} : memref<128xi32, #tpu.memory_space<vmem>>, vector<16xi32>,
        %get3A_187 = arith.index_cast %add3A_150 : i32 to index
        %get3A_188 = arith.constant 80 : index
        %get3A_189 = tpu.vector_load %arg8[%get3A_187, %get3A_188] {strides = array<i32>} : memref<40x128xi32, #tpu.memory_space<vmem>>, vector<1x16xi32>,
        %get3A_190 = vector.shape_cast %get3A_189 : vector<1x16xi32> to vector<16xi32>
        %swap3A_191 = arith.constant 80 : index
        %swap3A_192 = tpu.vector_load %arg12[%swap3A_191] {strides = array<i32>} : memref<128xi32, #tpu.memory_space<vmem>>, vector<16xi32>,
        tpu.vector_store %arg12[%swap3A_191], %get3A_190 {strides = array<i32>} : memref<128xi32, #tpu.memory_space<vmem>>, vector<16xi32>,
        %get3A_193 = arith.index_cast %add3A_150 : i32 to index
        %get3A_194 = arith.constant 96 : index
        %get3A_195 = tpu.vector_load %arg8[%get3A_193, %get3A_194] {strides = array<i32>} : memref<40x128xi32, #tpu.memory_space<vmem>>, vector<1x16xi32>,
        %get3A_196 = vector.shape_cast %get3A_195 : vector<1x16xi32> to vector<16xi32>
        %swap3A_197 = arith.constant 96 : index
        %swap3A_198 = tpu.vector_load %arg12[%swap3A_197] {strides = array<i32>} : memref<128xi32, #tpu.memory_space<vmem>>, vector<16xi32>,
        tpu.vector_store %arg12[%swap3A_197], %get3A_196 {strides = array<i32>} : memref<128xi32, #tpu.memory_space<vmem>>, vector<16xi32>,
        %get3A_199 = arith.index_cast %add3A_150 : i32 to index
        %get3A_200 = arith.constant 112 : index
        %get3A_201 = tpu.vector_load %arg8[%get3A_199, %get3A_200] {strides = array<i32>} : memref<40x128xi32, #tpu.memory_space<vmem>>, vector<1x16xi32>,
        %get3A_202 = vector.shape_cast %get3A_201 : vector<1x16xi32> to vector<16xi32>
        %swap3A_203 = arith.constant 112 : index
        %swap3A_204 = tpu.vector_load %arg12[%swap3A_203] {strides = array<i32>} : memref<128xi32, #tpu.memory_space<vmem>>, vector<16xi32>,
        tpu.vector_store %arg12[%swap3A_203], %get3A_202 {strides = array<i32>} : memref<128xi32, #tpu.memory_space<vmem>>, vector<16xi32>,
        %dma_start3A_205 = arith.constant 0 : i32
        %dma_start3A_206 = arith.constant 0 : i32
        %dma_start3A_207 = tpu.memref_slice %arg13[%dma_start3A_205, %dma_start3A_206] : memref<10000x128xf32, #tpu.memory_space<vmem_shared>> -> memref<10000x128xf32, #tpu.memory_space<vmem_shared>>
        tpu.enqueue_indirect_dma source(%arg10 : memref<128x128xf32, #tpu.memory_space<vmem>>) target(%dma_start3A_207 : memref<10000x128xf32, #tpu.memory_space<vmem_shared>>) offsets(%arg12 : memref<128xi32, #tpu.memory_space<vmem>>) semaphore(%arg15 : memref<!tpu.dma_semaphore, #tpu.memory_space<semaphore_mem>>) {add = true}
        %add3A_208 = arith.constant 2 : i32
        %add3A_209 = arith.addi %add3A_150, %add3A_208 : i32
        %lt3A_210 = arith.cmpi slt, %add3A_209, %min3A_25 : i32
        %convert_element_type3A_211 = arith.extui %lt3A_210 : i1 to i32
        %cond3A_212 = arith.constant 0 : i32
        %cond3A_213 = arith.cmpi ne, %convert_element_type3A_211, %cond3A_212 : i32
        scf.if %cond3A_213 {
          %dma_wait3A_214 = arith.constant 0 : i32
          %dma_wait3A_215 = arith.constant 0 : i32
          %dma_wait3A_216 = tpu.memref_slice %arg13[%dma_wait3A_214, %dma_wait3A_215] : memref<10000x128xf32, #tpu.memory_space<vmem_shared>> -> memref<10000x128xf32, #tpu.memory_space<vmem_shared>>
          tpu.wait_indirect_dma semaphore(%arg15 : memref<!tpu.dma_semaphore, #tpu.memory_space<semaphore_mem>>) src(%arg10 : memref<128x128xf32, #tpu.memory_space<vmem>>) dst(%dma_wait3A_216 : memref<10000x128xf32, #tpu.memory_space<vmem_shared>>)
          %add3A_217 = arith.constant 2 : i32
          %add3A_218 = arith.addi %add3A_150, %add3A_217 : i32
          %dma_start3A_219 = arith.constant 0 : i32
          %dma_start3A_220 = tpu.memref_slice %arg7[%add3A_218, %dma_start3A_219] : memref<40x128xi32, #tpu.memory_space<vmem>> -> memref<1x128xi32, #tpu.memory_space<vmem>>
          %dma_start3A_221 = tpu.memref_squeeze %dma_start3A_220 : memref<1x128xi32, #tpu.memory_space<vmem>> -> memref<128xi32, #tpu.memory_space<vmem>>
          %dma_start3A_222 = arith.constant 0 : i32
          %dma_start3A_223 = arith.constant 0 : i32
          %dma_start3A_224 = tpu.memref_slice %arg2[%dma_start3A_222, %dma_start3A_223] : memref<10000x128xf32, #tpu.memory_space<hbm>> -> memref<10000x128xf32, #tpu.memory_space<hbm>>
          tpu.enqueue_indirect_dma source(%dma_start3A_224 : memref<10000x128xf32, #tpu.memory_space<hbm>>) target(%arg10 : memref<128x128xf32, #tpu.memory_space<vmem>>) offsets(%dma_start3A_221 : memref<128xi32, #tpu.memory_space<vmem>>) semaphore(%arg17 : memref<!tpu.dma_semaphore, #tpu.memory_space<semaphore_mem>>)
        } else {
        }
      }
      %while3A_85 = arith.constant 1 : i32
      scf.for %while3A_86 = %while3A_83 to %while3A_79 step %while3A_85  : i32 {
        %mul3A_87 = arith.muli %while3A_86, %while3A : i32
        %add3A_88 = arith.addi %while3A_76, %mul3A_87 : i32
        %dma_wait3A_89 = arith.constant 0 : i32
        %dma_wait3A_90 = tpu.memref_slice %arg7[%add3A_88, %dma_wait3A_89] : memref<40x128xi32, #tpu.memory_space<vmem>> -> memref<1x128xi32, #tpu.memory_space<vmem>>
        %dma_wait3A_91 = tpu.memref_squeeze %dma_wait3A_90 : memref<1x128xi32, #tpu.memory_space<vmem>> -> memref<128xi32, #tpu.memory_space<vmem>>
        %dma_wait3A_92 = arith.constant 0 : i32
        %dma_wait3A_93 = arith.constant 0 : i32
        %dma_wait3A_94 = tpu.memref_slice %arg2[%dma_wait3A_92, %dma_wait3A_93] : memref<10000x128xf32, #tpu.memory_space<hbm>> -> memref<10000x128xf32, #tpu.memory_space<hbm>>
        tpu.wait_indirect_dma semaphore(%arg16 : memref<!tpu.dma_semaphore, #tpu.memory_space<semaphore_mem>>) src(%dma_wait3A_94 : memref<10000x128xf32, #tpu.memory_space<hbm>>) dst(%arg9 : memref<128x128xf32, #tpu.memory_space<vmem>>)
        %get3A = arith.index_cast %add3A_88 : i32 to index
        %get3A_95 = arith.constant 0 : index
        %get3A_96 = tpu.vector_load %arg8[%get3A, %get3A_95] {strides = array<i32>} : memref<40x128xi32, #tpu.memory_space<vmem>>, vector<1x16xi32>,
        %get3A_97 = vector.shape_cast %get3A_96 : vector<1x16xi32> to vector<16xi32>
        %swap3A = arith.constant 0 : index
        %swap3A_98 = tpu.vector_load %arg11[%swap3A] {strides = array<i32>} : memref<128xi32, #tpu.memory_space<vmem>>, vector<16xi32>,
        tpu.vector_store %arg11[%swap3A], %get3A_97 {strides = array<i32>} : memref<128xi32, #tpu.memory_space<vmem>>, vector<16xi32>,
        %get3A_99 = arith.index_cast %add3A_88 : i32 to index
        %get3A_100 = arith.constant 16 : index
        %get3A_101 = tpu.vector_load %arg8[%get3A_99, %get3A_100] {strides = array<i32>} : memref<40x128xi32, #tpu.memory_space<vmem>>, vector<1x16xi32>,
        %get3A_102 = vector.shape_cast %get3A_101 : vector<1x16xi32> to vector<16xi32>
        %swap3A_103 = arith.constant 16 : index
        %swap3A_104 = tpu.vector_load %arg11[%swap3A_103] {strides = array<i32>} : memref<128xi32, #tpu.memory_space<vmem>>, vector<16xi32>,
        tpu.vector_store %arg11[%swap3A_103], %get3A_102 {strides = array<i32>} : memref<128xi32, #tpu.memory_space<vmem>>, vector<16xi32>,
        %get3A_105 = arith.index_cast %add3A_88 : i32 to index
        %get3A_106 = arith.constant 32 : index
        %get3A_107 = tpu.vector_load %arg8[%get3A_105, %get3A_106] {strides = array<i32>} : memref<40x128xi32, #tpu.memory_space<vmem>>, vector<1x16xi32>,
        %get3A_108 = vector.shape_cast %get3A_107 : vector<1x16xi32> to vector<16xi32>
        %swap3A_109 = arith.constant 32 : index
        %swap3A_110 = tpu.vector_load %arg11[%swap3A_109] {strides = array<i32>} : memref<128xi32, #tpu.memory_space<vmem>>, vector<16xi32>,
        tpu.vector_store %arg11[%swap3A_109], %get3A_108 {strides = array<i32>} : memref<128xi32, #tpu.memory_space<vmem>>, vector<16xi32>,
        %get3A_111 = arith.index_cast %add3A_88 : i32 to index
        %get3A_112 = arith.constant 48 : index
        %get3A_113 = tpu.vector_load %arg8[%get3A_111, %get3A_112] {strides = array<i32>} : memref<40x128xi32, #tpu.memory_space<vmem>>, vector<1x16xi32>,
        %get3A_114 = vector.shape_cast %get3A_113 : vector<1x16xi32> to vector<16xi32>
        %swap3A_115 = arith.constant 48 : index
        %swap3A_116 = tpu.vector_load %arg11[%swap3A_115] {strides = array<i32>} : memref<128xi32, #tpu.memory_space<vmem>>, vector<16xi32>,
        tpu.vector_store %arg11[%swap3A_115], %get3A_114 {strides = array<i32>} : memref<128xi32, #tpu.memory_space<vmem>>, vector<16xi32>,
        %get3A_117 = arith.index_cast %add3A_88 : i32 to index
        %get3A_118 = arith.constant 64 : index
        %get3A_119 = tpu.vector_load %arg8[%get3A_117, %get3A_118] {strides = array<i32>} : memref<40x128xi32, #tpu.memory_space<vmem>>, vector<1x16xi32>,
        %get3A_120 = vector.shape_cast %get3A_119 : vector<1x16xi32> to vector<16xi32>
        %swap3A_121 = arith.constant 64 : index
        %swap3A_122 = tpu.vector_load %arg11[%swap3A_121] {strides = array<i32>} : memref<128xi32, #tpu.memory_space<vmem>>, vector<16xi32>,
        tpu.vector_store %arg11[%swap3A_121], %get3A_120 {strides = array<i32>} : memref<128xi32, #tpu.memory_space<vmem>>, vector<16xi32>,
        %get3A_123 = arith.index_cast %add3A_88 : i32 to index
        %get3A_124 = arith.constant 80 : index
        %get3A_125 = tpu.vector_load %arg8[%get3A_123, %get3A_124] {strides = array<i32>} : memref<40x128xi32, #tpu.memory_space<vmem>>, vector<1x16xi32>,
        %get3A_126 = vector.shape_cast %get3A_125 : vector<1x16xi32> to vector<16xi32>
        %swap3A_127 = arith.constant 80 : index
        %swap3A_128 = tpu.vector_load %arg11[%swap3A_127] {strides = array<i32>} : memref<128xi32, #tpu.memory_space<vmem>>, vector<16xi32>,
        tpu.vector_store %arg11[%swap3A_127], %get3A_126 {strides = array<i32>} : memref<128xi32, #tpu.memory_space<vmem>>, vector<16xi32>,
        %get3A_129 = arith.index_cast %add3A_88 : i32 to index
        %get3A_130 = arith.constant 96 : index
        %get3A_131 = tpu.vector_load %arg8[%get3A_129, %get3A_130] {strides = array<i32>} : memref<40x128xi32, #tpu.memory_space<vmem>>, vector<1x16xi32>,
        %get3A_132 = vector.shape_cast %get3A_131 : vector<1x16xi32> to vector<16xi32>
        %swap3A_133 = arith.constant 96 : index
        %swap3A_134 = tpu.vector_load %arg11[%swap3A_133] {strides = array<i32>} : memref<128xi32, #tpu.memory_space<vmem>>, vector<16xi32>,
        tpu.vector_store %arg11[%swap3A_133], %get3A_132 {strides = array<i32>} : memref<128xi32, #tpu.memory_space<vmem>>, vector<16xi32>,
        %get3A_135 = arith.index_cast %add3A_88 : i32 to index
        %get3A_136 = arith.constant 112 : index
        %get3A_137 = tpu.vector_load %arg8[%get3A_135, %get3A_136] {strides = array<i32>} : memref<40x128xi32, #tpu.memory_space<vmem>>, vector<1x16xi32>,
        %get3A_138 = vector.shape_cast %get3A_137 : vector<1x16xi32> to vector<16xi32>
        %swap3A_139 = arith.constant 112 : index
        %swap3A_140 = tpu.vector_load %arg11[%swap3A_139] {strides = array<i32>} : memref<128xi32, #tpu.memory_space<vmem>>, vector<16xi32>,
        tpu.vector_store %arg11[%swap3A_139], %get3A_138 {strides = array<i32>} : memref<128xi32, #tpu.memory_space<vmem>>, vector<16xi32>,
        %dma_start3A_141 = arith.constant 0 : i32
        %dma_start3A_142 = arith.constant 0 : i32
        %dma_start3A_143 = tpu.memref_slice %arg13[%dma_start3A_141, %dma_start3A_142] : memref<10000x128xf32, #tpu.memory_space<vmem_shared>> -> memref<10000x128xf32, #tpu.memory_space<vmem_shared>>
        tpu.enqueue_indirect_dma source(%arg9 : memref<128x128xf32, #tpu.memory_space<vmem>>) target(%dma_start3A_143 : memref<10000x128xf32, #tpu.memory_space<vmem_shared>>) offsets(%arg11 : memref<128xi32, #tpu.memory_space<vmem>>) semaphore(%arg14 : memref<!tpu.dma_semaphore, #tpu.memory_space<semaphore_mem>>) {add = true}
        %add3A_144 = arith.constant 2 : i32
        %add3A_145 = arith.addi %add3A_88, %add3A_144 : i32
        %lt3A = arith.cmpi slt, %add3A_145, %min3A_25 : i32
        %convert_element_type3A_146 = arith.extui %lt3A : i1 to i32
        %cond3A_147 = arith.constant 0 : i32
        %cond3A_148 = arith.cmpi ne, %convert_element_type3A_146, %cond3A_147 : i32
        scf.if %cond3A_148 {
          %dma_wait3A_214 = arith.constant 0 : i32
          %dma_wait3A_215 = arith.constant 0 : i32
          %dma_wait3A_216 = tpu.memref_slice %arg13[%dma_wait3A_214, %dma_wait3A_215] : memref<10000x128xf32, #tpu.memory_space<vmem_shared>> -> memref<10000x128xf32, #tpu.memory_space<vmem_shared>>
          tpu.wait_indirect_dma semaphore(%arg14 : memref<!tpu.dma_semaphore, #tpu.memory_space<semaphore_mem>>) src(%arg9 : memref<128x128xf32, #tpu.memory_space<vmem>>) dst(%dma_wait3A_216 : memref<10000x128xf32, #tpu.memory_space<vmem_shared>>)
          %add3A_217 = arith.constant 2 : i32
          %add3A_218 = arith.addi %add3A_88, %add3A_217 : i32
          %dma_start3A_219 = arith.constant 0 : i32
          %dma_start3A_220 = tpu.memref_slice %arg7[%add3A_218, %dma_start3A_219] : memref<40x128xi32, #tpu.memory_space<vmem>> -> memref<1x128xi32, #tpu.memory_space<vmem>>
          %dma_start3A_221 = tpu.memref_squeeze %dma_start3A_220 : memref<1x128xi32, #tpu.memory_space<vmem>> -> memref<128xi32, #tpu.memory_space<vmem>>
          %dma_start3A_222 = arith.constant 0 : i32
          %dma_start3A_223 = arith.constant 0 : i32
          %dma_start3A_224 = tpu.memref_slice %arg2[%dma_start3A_222, %dma_start3A_223] : memref<10000x128xf32, #tpu.memory_space<hbm>> -> memref<10000x128xf32, #tpu.memory_space<hbm>>
          tpu.enqueue_indirect_dma source(%dma_start3A_224 : memref<10000x128xf32, #tpu.memory_space<hbm>>) target(%arg9 : memref<128x128xf32, #tpu.memory_space<vmem>>) offsets(%dma_start3A_221 : memref<128xi32, #tpu.memory_space<vmem>>) semaphore(%arg16 : memref<!tpu.dma_semaphore, #tpu.memory_space<semaphore_mem>>)
        } else {
        }
        %add3A_149 = arith.constant 1 : i32
        %add3A_150 = arith.addi %add3A_88, %add3A_149 : i32
        %dma_wait3A_151 = arith.constant 0 : i32
        %dma_wait3A_152 = tpu.memref_slice %arg7[%add3A_150, %dma_wait3A_151] : memref<40x128xi32, #tpu.memory_space<vmem>> -> memref<1x128xi32, #tpu.memory_space<vmem>>
        %dma_wait3A_153 = tpu.memref_squeeze %dma_wait3A_152 : memref<1x128xi32, #tpu.memory_space<vmem>> -> memref<128xi32, #tpu.memory_space<vmem>>
        %dma_wait3A_154 = arith.constant 0 : i32
        %dma_wait3A_155 = arith.constant 0 : i32
        %dma_wait3A_156 = tpu.memref_slice %arg2[%dma_wait3A_154, %dma_wait3A_155] : memref<10000x128xf32, #tpu.memory_space<hbm>> -> memref<10000x128xf32, #tpu.memory_space<hbm>>
        tpu.wait_indirect_dma semaphore(%arg17 : memref<!tpu.dma_semaphore, #tpu.memory_space<semaphore_mem>>) src(%dma_wait3A_156 : memref<10000x128xf32, #tpu.memory_space<hbm>>) dst(%arg10 : memref<128x128xf32, #tpu.memory_space<vmem>>)
        %get3A_157 = arith.index_cast %add3A_150 : i32 to index
        %get3A_158 = arith.constant 0 : index
        %get3A_159 = tpu.vector_load %arg8[%get3A_157, %get3A_158] {strides = array<i32>} : memref<40x128xi32, #tpu.memory_space<vmem>>, vector<1x16xi32>,
        %get3A_160 = vector.shape_cast %get3A_159 : vector<1x16xi32> to vector<16xi32>
        %swap3A_161 = arith.constant 0 : index
        %swap3A_162 = tpu.vector_load %arg12[%swap3A_161] {strides = array<i32>} : memref<128xi32, #tpu.memory_space<vmem>>, vector<16xi32>,
        tpu.vector_store %arg12[%swap3A_161], %get3A_160 {strides = array<i32>} : memref<128xi32, #tpu.memory_space<vmem>>, vector<16xi32>,
        %get3A_163 = arith.index_cast %add3A_150 : i32 to index
        %get3A_164 = arith.constant 16 : index
        %get3A_165 = tpu.vector_load %arg8[%get3A_163, %get3A_164] {strides = array<i32>} : memref<40x128xi32, #tpu.memory_space<vmem>>, vector<1x16xi32>,
        %get3A_166 = vector.shape_cast %get3A_165 : vector<1x16xi32> to vector<16xi32>
        %swap3A_167 = arith.constant 16 : index
        %swap3A_168 = tpu.vector_load %arg12[%swap3A_167] {strides = array<i32>} : memref<128xi32, #tpu.memory_space<vmem>>, vector<16xi32>,
        tpu.vector_store %arg12[%swap3A_167], %get3A_166 {strides = array<i32>} : memref<128xi32, #tpu.memory_space<vmem>>, vector<16xi32>,
        %get3A_169 = arith.index_cast %add3A_150 : i32 to index
        %get3A_170 = arith.constant 32 : index
        %get3A_171 = tpu.vector_load %arg8[%get3A_169, %get3A_170] {strides = array<i32>} : memref<40x128xi32, #tpu.memory_space<vmem>>, vector<1x16xi32>,
        %get3A_172 = vector.shape_cast %get3A_171 : vector<1x16xi32> to vector<16xi32>
        %swap3A_173 = arith.constant 32 : index
        %swap3A_174 = tpu.vector_load %arg12[%swap3A_173] {strides = array<i32>} : memref<128xi32, #tpu.memory_space<vmem>>, vector<16xi32>,
        tpu.vector_store %arg12[%swap3A_173], %get3A_172 {strides = array<i32>} : memref<128xi32, #tpu.memory_space<vmem>>, vector<16xi32>,
        %get3A_175 = arith.index_cast %add3A_150 : i32 to index
        %get3A_176 = arith.constant 48 : index
        %get3A_177 = tpu.vector_load %arg8[%get3A_175, %get3A_176] {strides = array<i32>} : memref<40x128xi32, #tpu.memory_space<vmem>>, vector<1x16xi32>,
        %get3A_178 = vector.shape_cast %get3A_177 : vector<1x16xi32> to vector<16xi32>
        %swap3A_179 = arith.constant 48 : index
        %swap3A_180 = tpu.vector_load %arg12[%swap3A_179] {strides = array<i32>} : memref<128xi32, #tpu.memory_space<vmem>>, vector<16xi32>,
        tpu.vector_store %arg12[%swap3A_179], %get3A_178 {strides = array<i32>} : memref<128xi32, #tpu.memory_space<vmem>>, vector<16xi32>,
        %get3A_181 = arith.index_cast %add3A_150 : i32 to index
        %get3A_182 = arith.constant 64 : index
        %get3A_183 = tpu.vector_load %arg8[%get3A_181, %get3A_182] {strides = array<i32>} : memref<40x128xi32, #tpu.memory_space<vmem>>, vector<1x16xi32>,
        %get3A_184 = vector.shape_cast %get3A_183 : vector<1x16xi32> to vector<16xi32>
        %swap3A_185 = arith.constant 64 : index
        %swap3A_186 = tpu.vector_load %arg12[%swap3A_185] {strides = array<i32>} : memref<128xi32, #tpu.memory_space<vmem>>, vector<16xi32>,
        tpu.vector_store %arg12[%swap3A_185], %get3A_184 {strides = array<i32>} : memref<128xi32, #tpu.memory_space<vmem>>, vector<16xi32>,
        %get3A_187 = arith.index_cast %add3A_150 : i32 to index
        %get3A_188 = arith.constant 80 : index
        %get3A_189 = tpu.vector_load %arg8[%get3A_187, %get3A_188] {strides = array<i32>} : memref<40x128xi32, #tpu.memory_space<vmem>>, vector<1x16xi32>,
        %get3A_190 = vector.shape_cast %get3A_189 : vector<1x16xi32> to vector<16xi32>
        %swap3A_191 = arith.constant 80 : index
        %swap3A_192 = tpu.vector_load %arg12[%swap3A_191] {strides = array<i32>} : memref<128xi32, #tpu.memory_space<vmem>>, vector<16xi32>,
        tpu.vector_store %arg12[%swap3A_191], %get3A_190 {strides = array<i32>} : memref<128xi32, #tpu.memory_space<vmem>>, vector<16xi32>,
        %get3A_193 = arith.index_cast %add3A_150 : i32 to index
        %get3A_194 = arith.constant 96 : index
        %get3A_195 = tpu.vector_load %arg8[%get3A_193, %get3A_194] {strides = array<i32>} : memref<40x128xi32, #tpu.memory_space<vmem>>, vector<1x16xi32>,
        %get3A_196 = vector.shape_cast %get3A_195 : vector<1x16xi32> to vector<16xi32>
        %swap3A_197 = arith.constant 96 : index
        %swap3A_198 = tpu.vector_load %arg12[%swap3A_197] {strides = array<i32>} : memref<128xi32, #tpu.memory_space<vmem>>, vector<16xi32>,
        tpu.vector_store %arg12[%swap3A_197], %get3A_196 {strides = array<i32>} : memref<128xi32, #tpu.memory_space<vmem>>, vector<16xi32>,
        %get3A_199 = arith.index_cast %add3A_150 : i32 to index
        %get3A_200 = arith.constant 112 : index
        %get3A_201 = tpu.vector_load %arg8[%get3A_199, %get3A_200] {strides = array<i32>} : memref<40x128xi32, #tpu.memory_space<vmem>>, vector<1x16xi32>,
        %get3A_202 = vector.shape_cast %get3A_201 : vector<1x16xi32> to vector<16xi32>
        %swap3A_203 = arith.constant 112 : index
        %swap3A_204 = tpu.vector_load %arg12[%swap3A_203] {strides = array<i32>} : memref<128xi32, #tpu.memory_space<vmem>>, vector<16xi32>,
        tpu.vector_store %arg12[%swap3A_203], %get3A_202 {strides = array<i32>} : memref<128xi32, #tpu.memory_space<vmem>>, vector<16xi32>,
        %dma_start3A_205 = arith.constant 0 : i32
        %dma_start3A_206 = arith.constant 0 : i32
        %dma_start3A_207 = tpu.memref_slice %arg13[%dma_start3A_205, %dma_start3A_206] : memref<10000x128xf32, #tpu.memory_space<vmem_shared>> -> memref<10000x128xf32, #tpu.memory_space<vmem_shared>>
        tpu.enqueue_indirect_dma source(%arg10 : memref<128x128xf32, #tpu.memory_space<vmem>>) target(%dma_start3A_207 : memref<10000x128xf32, #tpu.memory_space<vmem_shared>>) offsets(%arg12 : memref<128xi32, #tpu.memory_space<vmem>>) semaphore(%arg15 : memref<!tpu.dma_semaphore, #tpu.memory_space<semaphore_mem>>) {add = true}
        %add3A_208 = arith.constant 2 : i32
        %add3A_209 = arith.addi %add3A_150, %add3A_208 : i32
        %lt3A_210 = arith.cmpi slt, %add3A_209, %min3A_25 : i32
        %convert_element_type3A_211 = arith.extui %lt3A_210 : i1 to i32
        %cond3A_212 = arith.constant 0 : i32
        %cond3A_213 = arith.cmpi ne, %convert_element_type3A_211, %cond3A_212 : i32
        scf.if %cond3A_213 {
          %dma_wait3A_214 = arith.constant 0 : i32
          %dma_wait3A_215 = arith.constant 0 : i32
          %dma_wait3A_216 = tpu.memref_slice %arg13[%dma_wait3A_214, %dma_wait3A_215] : memref<10000x128xf32, #tpu.memory_space<vmem_shared>> -> memref<10000x128xf32, #tpu.memory_space<vmem_shared>>
          tpu.wait_indirect_dma semaphore(%arg15 : memref<!tpu.dma_semaphore, #tpu.memory_space<semaphore_mem>>) src(%arg10 : memref<128x128xf32, #tpu.memory_space<vmem>>) dst(%dma_wait3A_216 : memref<10000x128xf32, #tpu.memory_space<vmem_shared>>)
          %add3A_217 = arith.constant 2 : i32
          %add3A_218 = arith.addi %add3A_150, %add3A_217 : i32
          %dma_start3A_219 = arith.constant 0 : i32
          %dma_start3A_220 = tpu.memref_slice %arg7[%add3A_218, %dma_start3A_219] : memref<40x128xi32, #tpu.memory_space<vmem>> -> memref<1x128xi32, #tpu.memory_space<vmem>>
          %dma_start3A_221 = tpu.memref_squeeze %dma_start3A_220 : memref<1x128xi32, #tpu.memory_space<vmem>> -> memref<128xi32, #tpu.memory_space<vmem>>
          %dma_start3A_222 = arith.constant 0 : i32
          %dma_start3A_223 = arith.constant 0 : i32
          %dma_start3A_224 = tpu.memref_slice %arg2[%dma_start3A_222, %dma_start3A_223] : memref<10000x128xf32, #tpu.memory_space<hbm>> -> memref<10000x128xf32, #tpu.memory_space<hbm>>
          tpu.enqueue_indirect_dma source(%dma_start3A_224 : memref<10000x128xf32, #tpu.memory_space<hbm>>) target(%arg10 : memref<128x128xf32, #tpu.memory_space<vmem>>) offsets(%dma_start3A_221 : memref<128xi32, #tpu.memory_space<vmem>>) semaphore(%arg17 : memref<!tpu.dma_semaphore, #tpu.memory_space<semaphore_mem>>)
        } else {
        }
      }
    } else {
    }
    %dma_wait3A = arith.constant 0 : i32
    %dma_wait3A_31 = arith.constant 0 : i32
    %dma_wait3A_32 = tpu.memref_slice %arg13[%dma_wait3A, %dma_wait3A_31] : memref<10000x128xf32, #tpu.memory_space<vmem_shared>> -> memref<10000x128xf32, #tpu.memory_space<vmem_shared>>
    tpu.wait_indirect_dma semaphore(%arg14 : memref<!tpu.dma_semaphore, #tpu.memory_space<semaphore_mem>>) src(%arg9 : memref<128x128xf32, #tpu.memory_space<vmem>>) dst(%dma_wait3A_32 : memref<10000x128xf32, #tpu.memory_space<vmem_shared>>)
    %dma_wait3A_33 = arith.constant 0 : i32
    %dma_wait3A_34 = arith.constant 0 : i32
    %dma_wait3A_35 = tpu.memref_slice %arg13[%dma_wait3A_33, %dma_wait3A_34] : memref<10000x128xf32, #tpu.memory_space<vmem_shared>> -> memref<10000x128xf32, #tpu.memory_space<vmem_shared>>
    tpu.wait_indirect_dma semaphore(%arg15 : memref<!tpu.dma_semaphore, #tpu.memory_space<semaphore_mem>>) src(%arg10 : memref<128x128xf32, #tpu.memory_space<vmem>>) dst(%dma_wait3A_35 : memref<10000x128xf32, #tpu.memory_space<vmem_shared>>)
    %barrier3A_36 = arith.constant 0 : index
    tpu.barrier barrier_id(%barrier3A_36)
    "tpu.region"() ({
      %run_scoped3A = tpu.sem_alloc : memref<!tpu.dma_semaphore, #tpu.memory_space<semaphore_mem>>
      %dma_start3A = arith.constant 0 : i32
      %dma_start3A_42 = arith.constant 0 : i32
      %dma_start3A_43 = tpu.memref_slice %arg6[%arg0, %dma_start3A, %dma_start3A_42] : memref<2x10000x128xf32, #tpu.memory_space<hbm>> -> memref<1x10000x128xf32, #tpu.memory_space<hbm>>
      %dma_start3A_44 = tpu.memref_squeeze %dma_start3A_43 : memref<1x10000x128xf32, #tpu.memory_space<hbm>> -> memref<10000x128xf32, #tpu.memory_space<hbm>>
      %dma_start3A_45 = arith.constant 0 : i32
      %dma_start3A_46 = tpu.memref_slice %dma_start3A_44[%mul3A_5, %dma_start3A_45] : memref<10000x128xf32, #tpu.memory_space<hbm>> -> memref<624x128xf32, #tpu.memory_space<hbm>>
      %dma_start3A_47 = arith.constant 0 : i32
      %dma_start3A_48 = tpu.memref_slice %arg13[%mul3A_5, %dma_start3A_47] : memref<10000x128xf32, #tpu.memory_space<vmem_shared>> -> memref<624x128xf32, #tpu.memory_space<vmem_shared>>
      tpu.enqueue_dma source(%dma_start3A_48 : memref<624x128xf32, #tpu.memory_space<vmem_shared>>) target(%dma_start3A_46 : memref<624x128xf32, #tpu.memory_space<hbm>>) target_semaphore(%run_scoped3A : memref<!tpu.dma_semaphore, #tpu.memory_space<semaphore_mem>>)
      %dma_wait3A_49 = arith.constant 0 : i32
      %dma_wait3A_50 = arith.constant 0 : i32
      %dma_wait3A_51 = tpu.memref_slice %arg6[%arg0, %dma_wait3A_49, %dma_wait3A_50] : memref<2x10000x128xf32, #tpu.memory_space<hbm>> -> memref<1x10000x128xf32, #tpu.memory_space<hbm>>
      %dma_wait3A_52 = tpu.memref_squeeze %dma_wait3A_51 : memref<1x10000x128xf32, #tpu.memory_space<hbm>> -> memref<10000x128xf32, #tpu.memory_space<hbm>>
      %dma_wait3A_53 = arith.constant 0 : i32
      %dma_wait3A_54 = tpu.memref_slice %dma_wait3A_52[%mul3A_5, %dma_wait3A_53] : memref<10000x128xf32, #tpu.memory_space<hbm>> -> memref<624x128xf32, #tpu.memory_space<hbm>>
      %dma_wait3A_55 = arith.constant 0 : i32
      %dma_wait3A_56 = tpu.memref_slice %arg13[%mul3A_5, %dma_wait3A_55] : memref<10000x128xf32, #tpu.memory_space<vmem_shared>> -> memref<624x128xf32, #tpu.memory_space<vmem_shared>>
      tpu.wait_dma2 semaphore(%run_scoped3A : memref<!tpu.dma_semaphore, #tpu.memory_space<semaphore_mem>>) src(%dma_wait3A_56 : memref<624x128xf32, #tpu.memory_space<vmem_shared>>) dst(%dma_wait3A_54 : memref<624x128xf32, #tpu.memory_space<hbm>>)
      tpu.yield
    }) : () -> ()
    %eq3A_37 = arith.constant 15 : i32
    %eq3A_38 = arith.cmpi eq, %arg1, %eq3A_37 : i32
    %convert_element_type3A_39 = arith.extui %eq3A_38 : i1 to i32
    %cond3A_40 = arith.constant 0 : i32
    %cond3A_41 = arith.cmpi ne, %convert_element_type3A_39, %cond3A_40 : i32
    scf.if %cond3A_41 {
      "tpu.region"() ({
        %run_scoped3A = tpu.sem_alloc : memref<!tpu.dma_semaphore, #tpu.memory_space<semaphore_mem>>
        %dma_start3A = arith.constant 0 : i32
        %dma_start3A_42 = arith.constant 0 : i32
        %dma_start3A_43 = tpu.memref_slice %arg6[%arg0, %dma_start3A, %dma_start3A_42] : memref<2x10000x128xf32, #tpu.memory_space<hbm>> -> memref<1x10000x128xf32, #tpu.memory_space<hbm>>
        %dma_start3A_44 = tpu.memref_squeeze %dma_start3A_43 : memref<1x10000x128xf32, #tpu.memory_space<hbm>> -> memref<10000x128xf32, #tpu.memory_space<hbm>>
        %dma_start3A_45 = arith.constant 9984 : i32
        %dma_start3A_46 = arith.constant 0 : i32
        %dma_start3A_47 = tpu.memref_slice %dma_start3A_44[%dma_start3A_45, %dma_start3A_46] : memref<10000x128xf32, #tpu.memory_space<hbm>> -> memref<16x128xf32, #tpu.memory_space<hbm>>
        %dma_start3A_48 = arith.constant 9984 : i32
        %dma_start3A_49 = arith.constant 0 : i32
        %dma_start3A_50 = tpu.memref_slice %arg13[%dma_start3A_48, %dma_start3A_49] : memref<10000x128xf32, #tpu.memory_space<vmem_shared>> -> memref<16x128xf32, #tpu.memory_space<vmem_shared>>
        tpu.enqueue_dma source(%dma_start3A_50 : memref<16x128xf32, #tpu.memory_space<vmem_shared>>) target(%dma_start3A_47 : memref<16x128xf32, #tpu.memory_space<hbm>>) target_semaphore(%run_scoped3A : memref<!tpu.dma_semaphore, #tpu.memory_space<semaphore_mem>>)
        %dma_wait3A_51 = arith.constant 0 : i32
        %dma_wait3A_52 = arith.constant 0 : i32
        %dma_wait3A_53 = tpu.memref_slice %arg6[%arg0, %dma_wait3A_51, %dma_wait3A_52] : memref<2x10000x128xf32, #tpu.memory_space<hbm>> -> memref<1x10000x128xf32, #tpu.memory_space<hbm>>
        %dma_wait3A_54 = tpu.memref_squeeze %dma_wait3A_53 : memref<1x10000x128xf32, #tpu.memory_space<hbm>> -> memref<10000x128xf32, #tpu.memory_space<hbm>>
        %dma_wait3A_55 = arith.constant 9984 : i32
        %dma_wait3A_56 = arith.constant 0 : i32
        %dma_wait3A_57 = tpu.memref_slice %dma_wait3A_54[%dma_wait3A_55, %dma_wait3A_56] : memref<10000x128xf32, #tpu.memory_space<hbm>> -> memref<16x128xf32, #tpu.memory_space<hbm>>
        %dma_wait3A_58 = arith.constant 9984 : i32
        %dma_wait3A_59 = arith.constant 0 : i32
        %dma_wait3A_60 = tpu.memref_slice %arg13[%dma_wait3A_58, %dma_wait3A_59] : memref<10000x128xf32, #tpu.memory_space<vmem_shared>> -> memref<16x128xf32, #tpu.memory_space<vmem_shared>>
        tpu.wait_dma2 semaphore(%run_scoped3A : memref<!tpu.dma_semaphore, #tpu.memory_space<semaphore_mem>>) src(%dma_wait3A_60 : memref<16x128xf32, #tpu.memory_space<vmem_shared>>) dst(%dma_wait3A_57 : memref<16x128xf32, #tpu.memory_space<hbm>>)
        tpu.yield
      }) : () -> ()
    } else {
    }
    return
  }
}

#map = affine_map<(d0, d1) -> (0, 0)>
#map1 = affine_map<(d0, d1) -> (0, 0, 0)>
module attributes {stable_mosaic.version = 14 : i64} {
  func.func @_sc_agg(%arg0: i32, %arg1: i32, %arg2: memref<10000x128xf32, #tpu.memory_space<hbm>>, %arg3: memref<10000x128xf32, #tpu.memory_space<hbm>>, %arg4: memref<2560x128xi32, #tpu.memory_space<hbm>>, %arg5: memref<2560x128xi32, #tpu.memory_space<hbm>>, %arg6: memref<2x10000x128xf32, #tpu.memory_space<hbm>>, %arg7: memref<40x128xi32, #tpu.memory_space<vmem>>, %arg8: memref<40x128xi32, #tpu.memory_space<vmem>>, %arg9: memref<128x128xf32, #tpu.memory_space<vmem>>, %arg10: memref<128x128xf32, #tpu.memory_space<vmem>>, %arg11: memref<128xi32, #tpu.memory_space<vmem>>, %arg12: memref<128xi32, #tpu.memory_space<vmem>>, %arg13: memref<10000x128xf32, #tpu.memory_space<vmem_shared>>, %arg14: memref<!tpu.dma_semaphore, #tpu.memory_space<semaphore_mem>>, %arg15: memref<!tpu.dma_semaphore, #tpu.memory_space<semaphore_mem>>, %arg16: memref<!tpu.dma_semaphore, #tpu.memory_space<semaphore_mem>>, %arg17: memref<!tpu.dma_semaphore, #tpu.memory_space<semaphore_mem>>) attributes {dimension_semantics = [#tpu.dimension_semantics<core_parallel>, #tpu.dimension_semantics<subcore_parallel>], iteration_bounds = array<i64: 2, 16>, scalar_prefetch = 0 : i64, scratch_operands = 11 : i64, tpu.core_type = #tpu.core_type<sc_vector_subcore>, window_params = [{transform_indices = #map}, {transform_indices = #map}, {transform_indices = #map}, {transform_indices = #map}, {transform_indices = #map1}]} {
    %mul3A = arith.constant 2 : i32
    %mul3A_0 = arith.muli %arg1, %mul3A : i32
    %add3A = arith.addi %mul3A_0, %arg0 : i32
    %eq3A = arith.constant 31 : i32
    %eq3A_1 = arith.cmpi eq, %add3A, %eq3A : i32
    %select_n3A = arith.constant 80 : i32
    %select_n3A_2 = arith.constant 20 : i32
    %select_n3A_3 = arith.select %eq3A_1, %select_n3A_2, %select_n3A : i32
    %mul3A_4 = arith.constant 624 : i32
    %mul3A_5 = arith.muli %arg1, %mul3A_4 : i32
    %eq3A_6 = arith.constant 0 : i32
    %eq3A_7 = arith.cmpi eq, %arg0, %eq3A_6 : i32
    %convert_element_type3A = arith.extui %eq3A_7 : i1 to i32
    %cond3A = arith.constant 0 : i32
    %cond3A_8 = arith.cmpi ne, %convert_element_type3A, %cond3A : i32
    scf.if %cond3A_8 {
      "tpu.region"() ({
        %run_scoped3A = tpu.sem_alloc : memref<!tpu.dma_semaphore, #tpu.memory_space<semaphore_mem>>
        %dma_start3A = arith.constant 0 : i32
        %dma_start3A_47 = tpu.memref_slice %arg13[%mul3A_5, %dma_start3A] : memref<10000x128xf32, #tpu.memory_space<vmem_shared>> -> memref<624x128xf32, #tpu.memory_space<vmem_shared>>
        %dma_start3A_48 = arith.constant 0 : i32
        %dma_start3A_49 = tpu.memref_slice %arg2[%mul3A_5, %dma_start3A_48] : memref<10000x128xf32, #tpu.memory_space<hbm>> -> memref<624x128xf32, #tpu.memory_space<hbm>>
        tpu.enqueue_dma source(%dma_start3A_49 : memref<624x128xf32, #tpu.memory_space<hbm>>) target(%dma_start3A_47 : memref<624x128xf32, #tpu.memory_space<vmem_shared>>) target_semaphore(%run_scoped3A : memref<!tpu.dma_semaphore, #tpu.memory_space<semaphore_mem>>)
        %dma_wait3A_50 = arith.constant 0 : i32
        %dma_wait3A_51 = tpu.memref_slice %arg13[%mul3A_5, %dma_wait3A_50] : memref<10000x128xf32, #tpu.memory_space<vmem_shared>> -> memref<624x128xf32, #tpu.memory_space<vmem_shared>>
        %dma_wait3A_52 = arith.constant 0 : i32
        %dma_wait3A_53 = tpu.memref_slice %arg2[%mul3A_5, %dma_wait3A_52] : memref<10000x128xf32, #tpu.memory_space<hbm>> -> memref<624x128xf32, #tpu.memory_space<hbm>>
        tpu.wait_dma2 semaphore(%run_scoped3A : memref<!tpu.dma_semaphore, #tpu.memory_space<semaphore_mem>>) src(%dma_wait3A_53 : memref<624x128xf32, #tpu.memory_space<hbm>>) dst(%dma_wait3A_51 : memref<624x128xf32, #tpu.memory_space<vmem_shared>>)
        tpu.yield
      }) : () -> ()
      %eq3A_42 = arith.constant 15 : i32
      %eq3A_43 = arith.cmpi eq, %arg1, %eq3A_42 : i32
      %convert_element_type3A_44 = arith.extui %eq3A_43 : i1 to i32
      %cond3A_45 = arith.constant 0 : i32
      %cond3A_46 = arith.cmpi ne, %convert_element_type3A_44, %cond3A_45 : i32
      scf.if %cond3A_46 {
        "tpu.region"() ({
          %run_scoped3A = tpu.sem_alloc : memref<!tpu.dma_semaphore, #tpu.memory_space<semaphore_mem>>
          %dma_start3A = arith.constant 9984 : i32
          %dma_start3A_47 = arith.constant 0 : i32
          %dma_start3A_48 = tpu.memref_slice %arg13[%dma_start3A, %dma_start3A_47] : memref<10000x128xf32, #tpu.memory_space<vmem_shared>> -> memref<16x128xf32, #tpu.memory_space<vmem_shared>>
          %dma_start3A_49 = arith.constant 9984 : i32
          %dma_start3A_50 = arith.constant 0 : i32
          %dma_start3A_51 = tpu.memref_slice %arg2[%dma_start3A_49, %dma_start3A_50] : memref<10000x128xf32, #tpu.memory_space<hbm>> -> memref<16x128xf32, #tpu.memory_space<hbm>>
          tpu.enqueue_dma source(%dma_start3A_51 : memref<16x128xf32, #tpu.memory_space<hbm>>) target(%dma_start3A_48 : memref<16x128xf32, #tpu.memory_space<vmem_shared>>) target_semaphore(%run_scoped3A : memref<!tpu.dma_semaphore, #tpu.memory_space<semaphore_mem>>)
          %dma_wait3A_52 = arith.constant 9984 : i32
          %dma_wait3A_53 = arith.constant 0 : i32
          %dma_wait3A_54 = tpu.memref_slice %arg13[%dma_wait3A_52, %dma_wait3A_53] : memref<10000x128xf32, #tpu.memory_space<vmem_shared>> -> memref<16x128xf32, #tpu.memory_space<vmem_shared>>
          %dma_wait3A_55 = arith.constant 9984 : i32
          %dma_wait3A_56 = arith.constant 0 : i32
          %dma_wait3A_57 = tpu.memref_slice %arg2[%dma_wait3A_55, %dma_wait3A_56] : memref<10000x128xf32, #tpu.memory_space<hbm>> -> memref<16x128xf32, #tpu.memory_space<hbm>>
          tpu.wait_dma2 semaphore(%run_scoped3A : memref<!tpu.dma_semaphore, #tpu.memory_space<semaphore_mem>>) src(%dma_wait3A_57 : memref<16x128xf32, #tpu.memory_space<hbm>>) dst(%dma_wait3A_54 : memref<16x128xf32, #tpu.memory_space<vmem_shared>>)
          tpu.yield
        }) : () -> ()
      } else {
      }
    } else {
    }
    %eq3A_9 = arith.constant 1 : i32
    %eq3A_10 = arith.cmpi eq, %arg0, %eq3A_9 : i32
    %convert_element_type3A_11 = arith.extui %eq3A_10 : i1 to i32
    %cond3A_12 = arith.constant 0 : i32
    %cond3A_13 = arith.cmpi ne, %convert_element_type3A_11, %cond3A_12 : i32
    scf.if %cond3A_13 {
      "tpu.region"() ({
        %run_scoped3A = tpu.sem_alloc : memref<!tpu.dma_semaphore, #tpu.memory_space<semaphore_mem>>
        %dma_start3A = arith.constant 0 : i32
        %dma_start3A_47 = tpu.memref_slice %arg13[%mul3A_5, %dma_start3A] : memref<10000x128xf32, #tpu.memory_space<vmem_shared>> -> memref<624x128xf32, #tpu.memory_space<vmem_shared>>
        %dma_start3A_48 = arith.constant 0 : i32
        %dma_start3A_49 = tpu.memref_slice %arg3[%mul3A_5, %dma_start3A_48] : memref<10000x128xf32, #tpu.memory_space<hbm>> -> memref<624x128xf32, #tpu.memory_space<hbm>>
        tpu.enqueue_dma source(%dma_start3A_49 : memref<624x128xf32, #tpu.memory_space<hbm>>) target(%dma_start3A_47 : memref<624x128xf32, #tpu.memory_space<vmem_shared>>) target_semaphore(%run_scoped3A : memref<!tpu.dma_semaphore, #tpu.memory_space<semaphore_mem>>)
        %dma_wait3A_50 = arith.constant 0 : i32
        %dma_wait3A_51 = tpu.memref_slice %arg13[%mul3A_5, %dma_wait3A_50] : memref<10000x128xf32, #tpu.memory_space<vmem_shared>> -> memref<624x128xf32, #tpu.memory_space<vmem_shared>>
        %dma_wait3A_52 = arith.constant 0 : i32
        %dma_wait3A_53 = tpu.memref_slice %arg3[%mul3A_5, %dma_wait3A_52] : memref<10000x128xf32, #tpu.memory_space<hbm>> -> memref<624x128xf32, #tpu.memory_space<hbm>>
        tpu.wait_dma2 semaphore(%run_scoped3A : memref<!tpu.dma_semaphore, #tpu.memory_space<semaphore_mem>>) src(%dma_wait3A_53 : memref<624x128xf32, #tpu.memory_space<hbm>>) dst(%dma_wait3A_51 : memref<624x128xf32, #tpu.memory_space<vmem_shared>>)
        tpu.yield
      }) : () -> ()
      %eq3A_42 = arith.constant 15 : i32
      %eq3A_43 = arith.cmpi eq, %arg1, %eq3A_42 : i32
      %convert_element_type3A_44 = arith.extui %eq3A_43 : i1 to i32
      %cond3A_45 = arith.constant 0 : i32
      %cond3A_46 = arith.cmpi ne, %convert_element_type3A_44, %cond3A_45 : i32
      scf.if %cond3A_46 {
        "tpu.region"() ({
          %run_scoped3A = tpu.sem_alloc : memref<!tpu.dma_semaphore, #tpu.memory_space<semaphore_mem>>
          %dma_start3A = arith.constant 9984 : i32
          %dma_start3A_47 = arith.constant 0 : i32
          %dma_start3A_48 = tpu.memref_slice %arg13[%dma_start3A, %dma_start3A_47] : memref<10000x128xf32, #tpu.memory_space<vmem_shared>> -> memref<16x128xf32, #tpu.memory_space<vmem_shared>>
          %dma_start3A_49 = arith.constant 9984 : i32
          %dma_start3A_50 = arith.constant 0 : i32
          %dma_start3A_51 = tpu.memref_slice %arg3[%dma_start3A_49, %dma_start3A_50] : memref<10000x128xf32, #tpu.memory_space<hbm>> -> memref<16x128xf32, #tpu.memory_space<hbm>>
          tpu.enqueue_dma source(%dma_start3A_51 : memref<16x128xf32, #tpu.memory_space<hbm>>) target(%dma_start3A_48 : memref<16x128xf32, #tpu.memory_space<vmem_shared>>) target_semaphore(%run_scoped3A : memref<!tpu.dma_semaphore, #tpu.memory_space<semaphore_mem>>)
          %dma_wait3A_52 = arith.constant 9984 : i32
          %dma_wait3A_53 = arith.constant 0 : i32
          %dma_wait3A_54 = tpu.memref_slice %arg13[%dma_wait3A_52, %dma_wait3A_53] : memref<10000x128xf32, #tpu.memory_space<vmem_shared>> -> memref<16x128xf32, #tpu.memory_space<vmem_shared>>
          %dma_wait3A_55 = arith.constant 9984 : i32
          %dma_wait3A_56 = arith.constant 0 : i32
          %dma_wait3A_57 = tpu.memref_slice %arg3[%dma_wait3A_55, %dma_wait3A_56] : memref<10000x128xf32, #tpu.memory_space<hbm>> -> memref<16x128xf32, #tpu.memory_space<hbm>>
          tpu.wait_dma2 semaphore(%run_scoped3A : memref<!tpu.dma_semaphore, #tpu.memory_space<semaphore_mem>>) src(%dma_wait3A_57 : memref<16x128xf32, #tpu.memory_space<hbm>>) dst(%dma_wait3A_54 : memref<16x128xf32, #tpu.memory_space<vmem_shared>>)
          tpu.yield
        }) : () -> ()
      } else {
      }
    } else {
    }
    %barrier3A = arith.constant 0 : index
    tpu.barrier barrier_id(%barrier3A)
    %sub3A = arith.constant 0 : i32
    %sub3A_14 = arith.subi %select_n3A_3, %sub3A : i32
    %jit3A = arith.constant 0 : i32
    %jit3A_15 = arith.constant 40 : i32
    %max3A = arith.maxsi %jit3A, %sub3A_14 : i32
    %min3A = arith.minsi %jit3A_15, %max3A : i32
    %gt3A = arith.constant 0 : i32
    %gt3A_16 = arith.cmpi sgt, %min3A, %gt3A : i32
    %convert_element_type3A_17 = arith.extui %gt3A_16 : i1 to i32
    %cond3A_18 = arith.constant 0 : i32
    %cond3A_19 = arith.cmpi ne, %convert_element_type3A_17, %cond3A_18 : i32
    scf.if %cond3A_19 {
      %mul3A_42 = arith.constant 80 : i32
      %mul3A_43 = arith.muli %add3A, %mul3A_42 : i32
      %add3A_44 = arith.constant 0 : i32
      %add3A_45 = arith.addi %mul3A_43, %add3A_44 : i32
      "tpu.region"() ({
        %run_scoped3A = tpu.sem_alloc : memref<!tpu.dma_semaphore, #tpu.memory_space<semaphore_mem>>
        %dma_start3A_80 = arith.constant 0 : i32
        %dma_start3A_81 = tpu.memref_slice %arg4[%add3A_45, %dma_start3A_80] : memref<2560x128xi32, #tpu.memory_space<hbm>> -> memref<40x128xi32, #tpu.memory_space<hbm>>
        %dma_start3A_82 = arith.constant 0 : i32
        %dma_start3A_83 = tpu.memref_slice %arg4[%add3A_45, %dma_start3A_82] : memref<2560x128xi32, #tpu.memory_space<hbm>> -> memref<40x128xi32, #tpu.memory_space<hbm>>
        tpu.enqueue_dma source(%dma_start3A_83 : memref<40x128xi32, #tpu.memory_space<hbm>>) target(%arg7 : memref<40x128xi32, #tpu.memory_space<vmem>>) target_semaphore(%run_scoped3A : memref<!tpu.dma_semaphore, #tpu.memory_space<semaphore_mem>>)
        %dma_wait3A_84 = arith.constant 0 : i32
        %dma_wait3A_85 = tpu.memref_slice %arg4[%add3A_45, %dma_wait3A_84] : memref<2560x128xi32, #tpu.memory_space<hbm>> -> memref<40x128xi32, #tpu.memory_space<hbm>>
        %dma_wait3A_86 = arith.constant 0 : i32
        %dma_wait3A_87 = tpu.memref_slice %arg4[%add3A_45, %dma_wait3A_86] : memref<2560x128xi32, #tpu.memory_space<hbm>> -> memref<40x128xi32, #tpu.memory_space<hbm>>
        tpu.wait_dma2 semaphore(%run_scoped3A : memref<!tpu.dma_semaphore, #tpu.memory_space<semaphore_mem>>) src(%dma_wait3A_87 : memref<40x128xi32, #tpu.memory_space<hbm>>) dst(%arg7 : memref<40x128xi32, #tpu.memory_space<vmem>>)
        tpu.yield
      }) : () -> ()
      %mul3A_46 = arith.constant 80 : i32
      %mul3A_47 = arith.muli %add3A, %mul3A_46 : i32
      %add3A_48 = arith.constant 0 : i32
      %add3A_49 = arith.addi %mul3A_47, %add3A_48 : i32
      "tpu.region"() ({
        %run_scoped3A = tpu.sem_alloc : memref<!tpu.dma_semaphore, #tpu.memory_space<semaphore_mem>>
        %dma_start3A_80 = arith.constant 0 : i32
        %dma_start3A_81 = tpu.memref_slice %arg5[%add3A_49, %dma_start3A_80] : memref<2560x128xi32, #tpu.memory_space<hbm>> -> memref<40x128xi32, #tpu.memory_space<hbm>>
        %dma_start3A_82 = arith.constant 0 : i32
        %dma_start3A_83 = tpu.memref_slice %arg5[%add3A_49, %dma_start3A_82] : memref<2560x128xi32, #tpu.memory_space<hbm>> -> memref<40x128xi32, #tpu.memory_space<hbm>>
        tpu.enqueue_dma source(%dma_start3A_83 : memref<40x128xi32, #tpu.memory_space<hbm>>) target(%arg8 : memref<40x128xi32, #tpu.memory_space<vmem>>) target_semaphore(%run_scoped3A : memref<!tpu.dma_semaphore, #tpu.memory_space<semaphore_mem>>)
        %dma_wait3A_84 = arith.constant 0 : i32
        %dma_wait3A_85 = tpu.memref_slice %arg5[%add3A_49, %dma_wait3A_84] : memref<2560x128xi32, #tpu.memory_space<hbm>> -> memref<40x128xi32, #tpu.memory_space<hbm>>
        %dma_wait3A_86 = arith.constant 0 : i32
        %dma_wait3A_87 = tpu.memref_slice %arg5[%add3A_49, %dma_wait3A_86] : memref<2560x128xi32, #tpu.memory_space<hbm>> -> memref<40x128xi32, #tpu.memory_space<hbm>>
        tpu.wait_dma2 semaphore(%run_scoped3A : memref<!tpu.dma_semaphore, #tpu.memory_space<semaphore_mem>>) src(%dma_wait3A_87 : memref<40x128xi32, #tpu.memory_space<hbm>>) dst(%arg8 : memref<40x128xi32, #tpu.memory_space<vmem>>)
        tpu.yield
      }) : () -> ()
      %dma_start3A = arith.constant 0 : i32
      %dma_start3A_50 = arith.constant 0 : i32
      %dma_start3A_51 = tpu.memref_slice %arg7[%dma_start3A, %dma_start3A_50] : memref<40x128xi32, #tpu.memory_space<vmem>> -> memref<1x128xi32, #tpu.memory_space<vmem>>
      %dma_start3A_52 = tpu.memref_squeeze %dma_start3A_51 : memref<1x128xi32, #tpu.memory_space<vmem>> -> memref<128xi32, #tpu.memory_space<vmem>>
      %dma_start3A_53 = arith.constant 0 : i32
      %dma_start3A_54 = arith.constant 0 : i32
      %dma_start3A_55 = tpu.memref_slice %arg2[%dma_start3A_53, %dma_start3A_54] : memref<10000x128xf32, #tpu.memory_space<hbm>> -> memref<10000x128xf32, #tpu.memory_space<hbm>>
      tpu.enqueue_indirect_dma source(%dma_start3A_55 : memref<10000x128xf32, #tpu.memory_space<hbm>>) target(%arg9 : memref<128x128xf32, #tpu.memory_space<vmem>>) offsets(%dma_start3A_52 : memref<128xi32, #tpu.memory_space<vmem>>) semaphore(%arg16 : memref<!tpu.dma_semaphore, #tpu.memory_space<semaphore_mem>>)
      %dma_start3A_56 = arith.constant 1 : i32
      %dma_start3A_57 = arith.constant 0 : i32
      %dma_start3A_58 = tpu.memref_slice %arg7[%dma_start3A_56, %dma_start3A_57] : memref<40x128xi32, #tpu.memory_space<vmem>> -> memref<1x128xi32, #tpu.memory_space<vmem>>
      %dma_start3A_59 = tpu.memref_squeeze %dma_start3A_58 : memref<1x128xi32, #tpu.memory_space<vmem>> -> memref<128xi32, #tpu.memory_space<vmem>>
      %dma_start3A_60 = arith.constant 0 : i32
      %dma_start3A_61 = arith.constant 0 : i32
      %dma_start3A_62 = tpu.memref_slice %arg2[%dma_start3A_60, %dma_start3A_61] : memref<10000x128xf32, #tpu.memory_space<hbm>> -> memref<10000x128xf32, #tpu.memory_space<hbm>>
      tpu.enqueue_indirect_dma source(%dma_start3A_62 : memref<10000x128xf32, #tpu.memory_space<hbm>>) target(%arg10 : memref<128x128xf32, #tpu.memory_space<vmem>>) offsets(%dma_start3A_59 : memref<128xi32, #tpu.memory_space<vmem>>) semaphore(%arg17 : memref<!tpu.dma_semaphore, #tpu.memory_space<semaphore_mem>>)
      %sub3A_63 = arith.constant 0 : i32
      %sub3A_64 = arith.subi %min3A, %sub3A_63 : i32
      %sub3A_65 = arith.constant 2 : i32
      %sub3A_66 = arith.constant 1 : i32
      %sub3A_67 = arith.subi %sub3A_65, %sub3A_66 : i32
      %add3A_68 = arith.addi %sub3A_64, %sub3A_67 : i32
      %div3A = arith.constant 2 : i32
      %div3A_69 = arith.divsi %add3A_68, %div3A : i32
      %while3A = arith.constant 2 : i32
      %while3A_70 = arith.constant 0 : i32
      %while3A_71 = arith.constant 0 : i32
      %while3A_72 = arith.subi %div3A_69, %while3A_71 : i32
      %while3A_73 = arith.addi %while3A_71, %while3A_72 : i32
      %while3A_74 = arith.constant 1 : i32
      %while3A_75 = arith.divsi %while3A_72, %while3A_74 : i32
      %while3A_76 = arith.muli %while3A_75, %while3A_74 : i32
      %while3A_77 = arith.addi %while3A_71, %while3A_76 : i32
      %while3A_78 = arith.constant 1 : i32
      scf.for %while3A_80 = %while3A_71 to %while3A_77 step %while3A_78  : i32 {
        %mul3A_81 = arith.muli %while3A_80, %while3A : i32
        %add3A_82 = arith.addi %while3A_70, %mul3A_81 : i32
        %dma_wait3A_83 = arith.constant 0 : i32
        %dma_wait3A_84 = tpu.memref_slice %arg7[%add3A_82, %dma_wait3A_83] : memref<40x128xi32, #tpu.memory_space<vmem>> -> memref<1x128xi32, #tpu.memory_space<vmem>>
        %dma_wait3A_85 = tpu.memref_squeeze %dma_wait3A_84 : memref<1x128xi32, #tpu.memory_space<vmem>> -> memref<128xi32, #tpu.memory_space<vmem>>
        %dma_wait3A_86 = arith.constant 0 : i32
        %dma_wait3A_87 = arith.constant 0 : i32
        %dma_wait3A_88 = tpu.memref_slice %arg2[%dma_wait3A_86, %dma_wait3A_87] : memref<10000x128xf32, #tpu.memory_space<hbm>> -> memref<10000x128xf32, #tpu.memory_space<hbm>>
        tpu.wait_indirect_dma semaphore(%arg16 : memref<!tpu.dma_semaphore, #tpu.memory_space<semaphore_mem>>) src(%dma_wait3A_88 : memref<10000x128xf32, #tpu.memory_space<hbm>>) dst(%arg9 : memref<128x128xf32, #tpu.memory_space<vmem>>)
        %get3A = arith.index_cast %add3A_82 : i32 to index
        %get3A_89 = arith.constant 0 : index
        %get3A_90 = tpu.vector_load %arg8[%get3A, %get3A_89] {strides = array<i32>} : memref<40x128xi32, #tpu.memory_space<vmem>>, vector<1x16xi32>,
        %get3A_91 = vector.shape_cast %get3A_90 : vector<1x16xi32> to vector<16xi32>
        %swap3A = arith.constant 0 : index
        %swap3A_92 = tpu.vector_load %arg11[%swap3A] {strides = array<i32>} : memref<128xi32, #tpu.memory_space<vmem>>, vector<16xi32>,
        tpu.vector_store %arg11[%swap3A], %get3A_91 {strides = array<i32>} : memref<128xi32, #tpu.memory_space<vmem>>, vector<16xi32>,
        %get3A_93 = arith.index_cast %add3A_82 : i32 to index
        %get3A_94 = arith.constant 16 : index
        %get3A_95 = tpu.vector_load %arg8[%get3A_93, %get3A_94] {strides = array<i32>} : memref<40x128xi32, #tpu.memory_space<vmem>>, vector<1x16xi32>,
        %get3A_96 = vector.shape_cast %get3A_95 : vector<1x16xi32> to vector<16xi32>
        %swap3A_97 = arith.constant 16 : index
        %swap3A_98 = tpu.vector_load %arg11[%swap3A_97] {strides = array<i32>} : memref<128xi32, #tpu.memory_space<vmem>>, vector<16xi32>,
        tpu.vector_store %arg11[%swap3A_97], %get3A_96 {strides = array<i32>} : memref<128xi32, #tpu.memory_space<vmem>>, vector<16xi32>,
        %get3A_99 = arith.index_cast %add3A_82 : i32 to index
        %get3A_100 = arith.constant 32 : index
        %get3A_101 = tpu.vector_load %arg8[%get3A_99, %get3A_100] {strides = array<i32>} : memref<40x128xi32, #tpu.memory_space<vmem>>, vector<1x16xi32>,
        %get3A_102 = vector.shape_cast %get3A_101 : vector<1x16xi32> to vector<16xi32>
        %swap3A_103 = arith.constant 32 : index
        %swap3A_104 = tpu.vector_load %arg11[%swap3A_103] {strides = array<i32>} : memref<128xi32, #tpu.memory_space<vmem>>, vector<16xi32>,
        tpu.vector_store %arg11[%swap3A_103], %get3A_102 {strides = array<i32>} : memref<128xi32, #tpu.memory_space<vmem>>, vector<16xi32>,
        %get3A_105 = arith.index_cast %add3A_82 : i32 to index
        %get3A_106 = arith.constant 48 : index
        %get3A_107 = tpu.vector_load %arg8[%get3A_105, %get3A_106] {strides = array<i32>} : memref<40x128xi32, #tpu.memory_space<vmem>>, vector<1x16xi32>,
        %get3A_108 = vector.shape_cast %get3A_107 : vector<1x16xi32> to vector<16xi32>
        %swap3A_109 = arith.constant 48 : index
        %swap3A_110 = tpu.vector_load %arg11[%swap3A_109] {strides = array<i32>} : memref<128xi32, #tpu.memory_space<vmem>>, vector<16xi32>,
        tpu.vector_store %arg11[%swap3A_109], %get3A_108 {strides = array<i32>} : memref<128xi32, #tpu.memory_space<vmem>>, vector<16xi32>,
        %get3A_111 = arith.index_cast %add3A_82 : i32 to index
        %get3A_112 = arith.constant 64 : index
        %get3A_113 = tpu.vector_load %arg8[%get3A_111, %get3A_112] {strides = array<i32>} : memref<40x128xi32, #tpu.memory_space<vmem>>, vector<1x16xi32>,
        %get3A_114 = vector.shape_cast %get3A_113 : vector<1x16xi32> to vector<16xi32>
        %swap3A_115 = arith.constant 64 : index
        %swap3A_116 = tpu.vector_load %arg11[%swap3A_115] {strides = array<i32>} : memref<128xi32, #tpu.memory_space<vmem>>, vector<16xi32>,
        tpu.vector_store %arg11[%swap3A_115], %get3A_114 {strides = array<i32>} : memref<128xi32, #tpu.memory_space<vmem>>, vector<16xi32>,
        %get3A_117 = arith.index_cast %add3A_82 : i32 to index
        %get3A_118 = arith.constant 80 : index
        %get3A_119 = tpu.vector_load %arg8[%get3A_117, %get3A_118] {strides = array<i32>} : memref<40x128xi32, #tpu.memory_space<vmem>>, vector<1x16xi32>,
        %get3A_120 = vector.shape_cast %get3A_119 : vector<1x16xi32> to vector<16xi32>
        %swap3A_121 = arith.constant 80 : index
        %swap3A_122 = tpu.vector_load %arg11[%swap3A_121] {strides = array<i32>} : memref<128xi32, #tpu.memory_space<vmem>>, vector<16xi32>,
        tpu.vector_store %arg11[%swap3A_121], %get3A_120 {strides = array<i32>} : memref<128xi32, #tpu.memory_space<vmem>>, vector<16xi32>,
        %get3A_123 = arith.index_cast %add3A_82 : i32 to index
        %get3A_124 = arith.constant 96 : index
        %get3A_125 = tpu.vector_load %arg8[%get3A_123, %get3A_124] {strides = array<i32>} : memref<40x128xi32, #tpu.memory_space<vmem>>, vector<1x16xi32>,
        %get3A_126 = vector.shape_cast %get3A_125 : vector<1x16xi32> to vector<16xi32>
        %swap3A_127 = arith.constant 96 : index
        %swap3A_128 = tpu.vector_load %arg11[%swap3A_127] {strides = array<i32>} : memref<128xi32, #tpu.memory_space<vmem>>, vector<16xi32>,
        tpu.vector_store %arg11[%swap3A_127], %get3A_126 {strides = array<i32>} : memref<128xi32, #tpu.memory_space<vmem>>, vector<16xi32>,
        %get3A_129 = arith.index_cast %add3A_82 : i32 to index
        %get3A_130 = arith.constant 112 : index
        %get3A_131 = tpu.vector_load %arg8[%get3A_129, %get3A_130] {strides = array<i32>} : memref<40x128xi32, #tpu.memory_space<vmem>>, vector<1x16xi32>,
        %get3A_132 = vector.shape_cast %get3A_131 : vector<1x16xi32> to vector<16xi32>
        %swap3A_133 = arith.constant 112 : index
        %swap3A_134 = tpu.vector_load %arg11[%swap3A_133] {strides = array<i32>} : memref<128xi32, #tpu.memory_space<vmem>>, vector<16xi32>,
        tpu.vector_store %arg11[%swap3A_133], %get3A_132 {strides = array<i32>} : memref<128xi32, #tpu.memory_space<vmem>>, vector<16xi32>,
        %dma_start3A_135 = arith.constant 0 : i32
        %dma_start3A_136 = arith.constant 0 : i32
        %dma_start3A_137 = tpu.memref_slice %arg13[%dma_start3A_135, %dma_start3A_136] : memref<10000x128xf32, #tpu.memory_space<vmem_shared>> -> memref<10000x128xf32, #tpu.memory_space<vmem_shared>>
        tpu.enqueue_indirect_dma source(%arg9 : memref<128x128xf32, #tpu.memory_space<vmem>>) target(%dma_start3A_137 : memref<10000x128xf32, #tpu.memory_space<vmem_shared>>) offsets(%arg11 : memref<128xi32, #tpu.memory_space<vmem>>) semaphore(%arg14 : memref<!tpu.dma_semaphore, #tpu.memory_space<semaphore_mem>>) {add = true}
        %add3A_138 = arith.constant 2 : i32
        %add3A_139 = arith.addi %add3A_82, %add3A_138 : i32
        %lt3A = arith.cmpi slt, %add3A_139, %min3A : i32
        %convert_element_type3A_140 = arith.extui %lt3A : i1 to i32
        %cond3A_141 = arith.constant 0 : i32
        %cond3A_142 = arith.cmpi ne, %convert_element_type3A_140, %cond3A_141 : i32
        scf.if %cond3A_142 {
          %dma_wait3A_208 = arith.constant 0 : i32
          %dma_wait3A_209 = arith.constant 0 : i32
          %dma_wait3A_210 = tpu.memref_slice %arg13[%dma_wait3A_208, %dma_wait3A_209] : memref<10000x128xf32, #tpu.memory_space<vmem_shared>> -> memref<10000x128xf32, #tpu.memory_space<vmem_shared>>
          tpu.wait_indirect_dma semaphore(%arg14 : memref<!tpu.dma_semaphore, #tpu.memory_space<semaphore_mem>>) src(%arg9 : memref<128x128xf32, #tpu.memory_space<vmem>>) dst(%dma_wait3A_210 : memref<10000x128xf32, #tpu.memory_space<vmem_shared>>)
          %add3A_211 = arith.constant 2 : i32
          %add3A_212 = arith.addi %add3A_82, %add3A_211 : i32
          %dma_start3A_213 = arith.constant 0 : i32
          %dma_start3A_214 = tpu.memref_slice %arg7[%add3A_212, %dma_start3A_213] : memref<40x128xi32, #tpu.memory_space<vmem>> -> memref<1x128xi32, #tpu.memory_space<vmem>>
          %dma_start3A_215 = tpu.memref_squeeze %dma_start3A_214 : memref<1x128xi32, #tpu.memory_space<vmem>> -> memref<128xi32, #tpu.memory_space<vmem>>
          %dma_start3A_216 = arith.constant 0 : i32
          %dma_start3A_217 = arith.constant 0 : i32
          %dma_start3A_218 = tpu.memref_slice %arg2[%dma_start3A_216, %dma_start3A_217] : memref<10000x128xf32, #tpu.memory_space<hbm>> -> memref<10000x128xf32, #tpu.memory_space<hbm>>
          tpu.enqueue_indirect_dma source(%dma_start3A_218 : memref<10000x128xf32, #tpu.memory_space<hbm>>) target(%arg9 : memref<128x128xf32, #tpu.memory_space<vmem>>) offsets(%dma_start3A_215 : memref<128xi32, #tpu.memory_space<vmem>>) semaphore(%arg16 : memref<!tpu.dma_semaphore, #tpu.memory_space<semaphore_mem>>)
        } else {
        }
        %add3A_143 = arith.constant 1 : i32
        %add3A_144 = arith.addi %add3A_82, %add3A_143 : i32
        %dma_wait3A_145 = arith.constant 0 : i32
        %dma_wait3A_146 = tpu.memref_slice %arg7[%add3A_144, %dma_wait3A_145] : memref<40x128xi32, #tpu.memory_space<vmem>> -> memref<1x128xi32, #tpu.memory_space<vmem>>
        %dma_wait3A_147 = tpu.memref_squeeze %dma_wait3A_146 : memref<1x128xi32, #tpu.memory_space<vmem>> -> memref<128xi32, #tpu.memory_space<vmem>>
        %dma_wait3A_148 = arith.constant 0 : i32
        %dma_wait3A_149 = arith.constant 0 : i32
        %dma_wait3A_150 = tpu.memref_slice %arg2[%dma_wait3A_148, %dma_wait3A_149] : memref<10000x128xf32, #tpu.memory_space<hbm>> -> memref<10000x128xf32, #tpu.memory_space<hbm>>
        tpu.wait_indirect_dma semaphore(%arg17 : memref<!tpu.dma_semaphore, #tpu.memory_space<semaphore_mem>>) src(%dma_wait3A_150 : memref<10000x128xf32, #tpu.memory_space<hbm>>) dst(%arg10 : memref<128x128xf32, #tpu.memory_space<vmem>>)
        %get3A_151 = arith.index_cast %add3A_144 : i32 to index
        %get3A_152 = arith.constant 0 : index
        %get3A_153 = tpu.vector_load %arg8[%get3A_151, %get3A_152] {strides = array<i32>} : memref<40x128xi32, #tpu.memory_space<vmem>>, vector<1x16xi32>,
        %get3A_154 = vector.shape_cast %get3A_153 : vector<1x16xi32> to vector<16xi32>
        %swap3A_155 = arith.constant 0 : index
        %swap3A_156 = tpu.vector_load %arg12[%swap3A_155] {strides = array<i32>} : memref<128xi32, #tpu.memory_space<vmem>>, vector<16xi32>,
        tpu.vector_store %arg12[%swap3A_155], %get3A_154 {strides = array<i32>} : memref<128xi32, #tpu.memory_space<vmem>>, vector<16xi32>,
        %get3A_157 = arith.index_cast %add3A_144 : i32 to index
        %get3A_158 = arith.constant 16 : index
        %get3A_159 = tpu.vector_load %arg8[%get3A_157, %get3A_158] {strides = array<i32>} : memref<40x128xi32, #tpu.memory_space<vmem>>, vector<1x16xi32>,
        %get3A_160 = vector.shape_cast %get3A_159 : vector<1x16xi32> to vector<16xi32>
        %swap3A_161 = arith.constant 16 : index
        %swap3A_162 = tpu.vector_load %arg12[%swap3A_161] {strides = array<i32>} : memref<128xi32, #tpu.memory_space<vmem>>, vector<16xi32>,
        tpu.vector_store %arg12[%swap3A_161], %get3A_160 {strides = array<i32>} : memref<128xi32, #tpu.memory_space<vmem>>, vector<16xi32>,
        %get3A_163 = arith.index_cast %add3A_144 : i32 to index
        %get3A_164 = arith.constant 32 : index
        %get3A_165 = tpu.vector_load %arg8[%get3A_163, %get3A_164] {strides = array<i32>} : memref<40x128xi32, #tpu.memory_space<vmem>>, vector<1x16xi32>,
        %get3A_166 = vector.shape_cast %get3A_165 : vector<1x16xi32> to vector<16xi32>
        %swap3A_167 = arith.constant 32 : index
        %swap3A_168 = tpu.vector_load %arg12[%swap3A_167] {strides = array<i32>} : memref<128xi32, #tpu.memory_space<vmem>>, vector<16xi32>,
        tpu.vector_store %arg12[%swap3A_167], %get3A_166 {strides = array<i32>} : memref<128xi32, #tpu.memory_space<vmem>>, vector<16xi32>,
        %get3A_169 = arith.index_cast %add3A_144 : i32 to index
        %get3A_170 = arith.constant 48 : index
        %get3A_171 = tpu.vector_load %arg8[%get3A_169, %get3A_170] {strides = array<i32>} : memref<40x128xi32, #tpu.memory_space<vmem>>, vector<1x16xi32>,
        %get3A_172 = vector.shape_cast %get3A_171 : vector<1x16xi32> to vector<16xi32>
        %swap3A_173 = arith.constant 48 : index
        %swap3A_174 = tpu.vector_load %arg12[%swap3A_173] {strides = array<i32>} : memref<128xi32, #tpu.memory_space<vmem>>, vector<16xi32>,
        tpu.vector_store %arg12[%swap3A_173], %get3A_172 {strides = array<i32>} : memref<128xi32, #tpu.memory_space<vmem>>, vector<16xi32>,
        %get3A_175 = arith.index_cast %add3A_144 : i32 to index
        %get3A_176 = arith.constant 64 : index
        %get3A_177 = tpu.vector_load %arg8[%get3A_175, %get3A_176] {strides = array<i32>} : memref<40x128xi32, #tpu.memory_space<vmem>>, vector<1x16xi32>,
        %get3A_178 = vector.shape_cast %get3A_177 : vector<1x16xi32> to vector<16xi32>
        %swap3A_179 = arith.constant 64 : index
        %swap3A_180 = tpu.vector_load %arg12[%swap3A_179] {strides = array<i32>} : memref<128xi32, #tpu.memory_space<vmem>>, vector<16xi32>,
        tpu.vector_store %arg12[%swap3A_179], %get3A_178 {strides = array<i32>} : memref<128xi32, #tpu.memory_space<vmem>>, vector<16xi32>,
        %get3A_181 = arith.index_cast %add3A_144 : i32 to index
        %get3A_182 = arith.constant 80 : index
        %get3A_183 = tpu.vector_load %arg8[%get3A_181, %get3A_182] {strides = array<i32>} : memref<40x128xi32, #tpu.memory_space<vmem>>, vector<1x16xi32>,
        %get3A_184 = vector.shape_cast %get3A_183 : vector<1x16xi32> to vector<16xi32>
        %swap3A_185 = arith.constant 80 : index
        %swap3A_186 = tpu.vector_load %arg12[%swap3A_185] {strides = array<i32>} : memref<128xi32, #tpu.memory_space<vmem>>, vector<16xi32>,
        tpu.vector_store %arg12[%swap3A_185], %get3A_184 {strides = array<i32>} : memref<128xi32, #tpu.memory_space<vmem>>, vector<16xi32>,
        %get3A_187 = arith.index_cast %add3A_144 : i32 to index
        %get3A_188 = arith.constant 96 : index
        %get3A_189 = tpu.vector_load %arg8[%get3A_187, %get3A_188] {strides = array<i32>} : memref<40x128xi32, #tpu.memory_space<vmem>>, vector<1x16xi32>,
        %get3A_190 = vector.shape_cast %get3A_189 : vector<1x16xi32> to vector<16xi32>
        %swap3A_191 = arith.constant 96 : index
        %swap3A_192 = tpu.vector_load %arg12[%swap3A_191] {strides = array<i32>} : memref<128xi32, #tpu.memory_space<vmem>>, vector<16xi32>,
        tpu.vector_store %arg12[%swap3A_191], %get3A_190 {strides = array<i32>} : memref<128xi32, #tpu.memory_space<vmem>>, vector<16xi32>,
        %get3A_193 = arith.index_cast %add3A_144 : i32 to index
        %get3A_194 = arith.constant 112 : index
        %get3A_195 = tpu.vector_load %arg8[%get3A_193, %get3A_194] {strides = array<i32>} : memref<40x128xi32, #tpu.memory_space<vmem>>, vector<1x16xi32>,
        %get3A_196 = vector.shape_cast %get3A_195 : vector<1x16xi32> to vector<16xi32>
        %swap3A_197 = arith.constant 112 : index
        %swap3A_198 = tpu.vector_load %arg12[%swap3A_197] {strides = array<i32>} : memref<128xi32, #tpu.memory_space<vmem>>, vector<16xi32>,
        tpu.vector_store %arg12[%swap3A_197], %get3A_196 {strides = array<i32>} : memref<128xi32, #tpu.memory_space<vmem>>, vector<16xi32>,
        %dma_start3A_199 = arith.constant 0 : i32
        %dma_start3A_200 = arith.constant 0 : i32
        %dma_start3A_201 = tpu.memref_slice %arg13[%dma_start3A_199, %dma_start3A_200] : memref<10000x128xf32, #tpu.memory_space<vmem_shared>> -> memref<10000x128xf32, #tpu.memory_space<vmem_shared>>
        tpu.enqueue_indirect_dma source(%arg10 : memref<128x128xf32, #tpu.memory_space<vmem>>) target(%dma_start3A_201 : memref<10000x128xf32, #tpu.memory_space<vmem_shared>>) offsets(%arg12 : memref<128xi32, #tpu.memory_space<vmem>>) semaphore(%arg15 : memref<!tpu.dma_semaphore, #tpu.memory_space<semaphore_mem>>) {add = true}
        %add3A_202 = arith.constant 2 : i32
        %add3A_203 = arith.addi %add3A_144, %add3A_202 : i32
        %lt3A_204 = arith.cmpi slt, %add3A_203, %min3A : i32
        %convert_element_type3A_205 = arith.extui %lt3A_204 : i1 to i32
        %cond3A_206 = arith.constant 0 : i32
        %cond3A_207 = arith.cmpi ne, %convert_element_type3A_205, %cond3A_206 : i32
        scf.if %cond3A_207 {
          %dma_wait3A_208 = arith.constant 0 : i32
          %dma_wait3A_209 = arith.constant 0 : i32
          %dma_wait3A_210 = tpu.memref_slice %arg13[%dma_wait3A_208, %dma_wait3A_209] : memref<10000x128xf32, #tpu.memory_space<vmem_shared>> -> memref<10000x128xf32, #tpu.memory_space<vmem_shared>>
          tpu.wait_indirect_dma semaphore(%arg15 : memref<!tpu.dma_semaphore, #tpu.memory_space<semaphore_mem>>) src(%arg10 : memref<128x128xf32, #tpu.memory_space<vmem>>) dst(%dma_wait3A_210 : memref<10000x128xf32, #tpu.memory_space<vmem_shared>>)
          %add3A_211 = arith.constant 2 : i32
          %add3A_212 = arith.addi %add3A_144, %add3A_211 : i32
          %dma_start3A_213 = arith.constant 0 : i32
          %dma_start3A_214 = tpu.memref_slice %arg7[%add3A_212, %dma_start3A_213] : memref<40x128xi32, #tpu.memory_space<vmem>> -> memref<1x128xi32, #tpu.memory_space<vmem>>
          %dma_start3A_215 = tpu.memref_squeeze %dma_start3A_214 : memref<1x128xi32, #tpu.memory_space<vmem>> -> memref<128xi32, #tpu.memory_space<vmem>>
          %dma_start3A_216 = arith.constant 0 : i32
          %dma_start3A_217 = arith.constant 0 : i32
          %dma_start3A_218 = tpu.memref_slice %arg2[%dma_start3A_216, %dma_start3A_217] : memref<10000x128xf32, #tpu.memory_space<hbm>> -> memref<10000x128xf32, #tpu.memory_space<hbm>>
          tpu.enqueue_indirect_dma source(%dma_start3A_218 : memref<10000x128xf32, #tpu.memory_space<hbm>>) target(%arg10 : memref<128x128xf32, #tpu.memory_space<vmem>>) offsets(%dma_start3A_215 : memref<128xi32, #tpu.memory_space<vmem>>) semaphore(%arg17 : memref<!tpu.dma_semaphore, #tpu.memory_space<semaphore_mem>>)
        } else {
        }
      }
      %while3A_79 = arith.constant 1 : i32
      scf.for %while3A_80 = %while3A_77 to %while3A_73 step %while3A_79  : i32 {
        %mul3A_81 = arith.muli %while3A_80, %while3A : i32
        %add3A_82 = arith.addi %while3A_70, %mul3A_81 : i32
        %dma_wait3A_83 = arith.constant 0 : i32
        %dma_wait3A_84 = tpu.memref_slice %arg7[%add3A_82, %dma_wait3A_83] : memref<40x128xi32, #tpu.memory_space<vmem>> -> memref<1x128xi32, #tpu.memory_space<vmem>>
        %dma_wait3A_85 = tpu.memref_squeeze %dma_wait3A_84 : memref<1x128xi32, #tpu.memory_space<vmem>> -> memref<128xi32, #tpu.memory_space<vmem>>
        %dma_wait3A_86 = arith.constant 0 : i32
        %dma_wait3A_87 = arith.constant 0 : i32
        %dma_wait3A_88 = tpu.memref_slice %arg2[%dma_wait3A_86, %dma_wait3A_87] : memref<10000x128xf32, #tpu.memory_space<hbm>> -> memref<10000x128xf32, #tpu.memory_space<hbm>>
        tpu.wait_indirect_dma semaphore(%arg16 : memref<!tpu.dma_semaphore, #tpu.memory_space<semaphore_mem>>) src(%dma_wait3A_88 : memref<10000x128xf32, #tpu.memory_space<hbm>>) dst(%arg9 : memref<128x128xf32, #tpu.memory_space<vmem>>)
        %get3A = arith.index_cast %add3A_82 : i32 to index
        %get3A_89 = arith.constant 0 : index
        %get3A_90 = tpu.vector_load %arg8[%get3A, %get3A_89] {strides = array<i32>} : memref<40x128xi32, #tpu.memory_space<vmem>>, vector<1x16xi32>,
        %get3A_91 = vector.shape_cast %get3A_90 : vector<1x16xi32> to vector<16xi32>
        %swap3A = arith.constant 0 : index
        %swap3A_92 = tpu.vector_load %arg11[%swap3A] {strides = array<i32>} : memref<128xi32, #tpu.memory_space<vmem>>, vector<16xi32>,
        tpu.vector_store %arg11[%swap3A], %get3A_91 {strides = array<i32>} : memref<128xi32, #tpu.memory_space<vmem>>, vector<16xi32>,
        %get3A_93 = arith.index_cast %add3A_82 : i32 to index
        %get3A_94 = arith.constant 16 : index
        %get3A_95 = tpu.vector_load %arg8[%get3A_93, %get3A_94] {strides = array<i32>} : memref<40x128xi32, #tpu.memory_space<vmem>>, vector<1x16xi32>,
        %get3A_96 = vector.shape_cast %get3A_95 : vector<1x16xi32> to vector<16xi32>
        %swap3A_97 = arith.constant 16 : index
        %swap3A_98 = tpu.vector_load %arg11[%swap3A_97] {strides = array<i32>} : memref<128xi32, #tpu.memory_space<vmem>>, vector<16xi32>,
        tpu.vector_store %arg11[%swap3A_97], %get3A_96 {strides = array<i32>} : memref<128xi32, #tpu.memory_space<vmem>>, vector<16xi32>,
        %get3A_99 = arith.index_cast %add3A_82 : i32 to index
        %get3A_100 = arith.constant 32 : index
        %get3A_101 = tpu.vector_load %arg8[%get3A_99, %get3A_100] {strides = array<i32>} : memref<40x128xi32, #tpu.memory_space<vmem>>, vector<1x16xi32>,
        %get3A_102 = vector.shape_cast %get3A_101 : vector<1x16xi32> to vector<16xi32>
        %swap3A_103 = arith.constant 32 : index
        %swap3A_104 = tpu.vector_load %arg11[%swap3A_103] {strides = array<i32>} : memref<128xi32, #tpu.memory_space<vmem>>, vector<16xi32>,
        tpu.vector_store %arg11[%swap3A_103], %get3A_102 {strides = array<i32>} : memref<128xi32, #tpu.memory_space<vmem>>, vector<16xi32>,
        %get3A_105 = arith.index_cast %add3A_82 : i32 to index
        %get3A_106 = arith.constant 48 : index
        %get3A_107 = tpu.vector_load %arg8[%get3A_105, %get3A_106] {strides = array<i32>} : memref<40x128xi32, #tpu.memory_space<vmem>>, vector<1x16xi32>,
        %get3A_108 = vector.shape_cast %get3A_107 : vector<1x16xi32> to vector<16xi32>
        %swap3A_109 = arith.constant 48 : index
        %swap3A_110 = tpu.vector_load %arg11[%swap3A_109] {strides = array<i32>} : memref<128xi32, #tpu.memory_space<vmem>>, vector<16xi32>,
        tpu.vector_store %arg11[%swap3A_109], %get3A_108 {strides = array<i32>} : memref<128xi32, #tpu.memory_space<vmem>>, vector<16xi32>,
        %get3A_111 = arith.index_cast %add3A_82 : i32 to index
        %get3A_112 = arith.constant 64 : index
        %get3A_113 = tpu.vector_load %arg8[%get3A_111, %get3A_112] {strides = array<i32>} : memref<40x128xi32, #tpu.memory_space<vmem>>, vector<1x16xi32>,
        %get3A_114 = vector.shape_cast %get3A_113 : vector<1x16xi32> to vector<16xi32>
        %swap3A_115 = arith.constant 64 : index
        %swap3A_116 = tpu.vector_load %arg11[%swap3A_115] {strides = array<i32>} : memref<128xi32, #tpu.memory_space<vmem>>, vector<16xi32>,
        tpu.vector_store %arg11[%swap3A_115], %get3A_114 {strides = array<i32>} : memref<128xi32, #tpu.memory_space<vmem>>, vector<16xi32>,
        %get3A_117 = arith.index_cast %add3A_82 : i32 to index
        %get3A_118 = arith.constant 80 : index
        %get3A_119 = tpu.vector_load %arg8[%get3A_117, %get3A_118] {strides = array<i32>} : memref<40x128xi32, #tpu.memory_space<vmem>>, vector<1x16xi32>,
        %get3A_120 = vector.shape_cast %get3A_119 : vector<1x16xi32> to vector<16xi32>
        %swap3A_121 = arith.constant 80 : index
        %swap3A_122 = tpu.vector_load %arg11[%swap3A_121] {strides = array<i32>} : memref<128xi32, #tpu.memory_space<vmem>>, vector<16xi32>,
        tpu.vector_store %arg11[%swap3A_121], %get3A_120 {strides = array<i32>} : memref<128xi32, #tpu.memory_space<vmem>>, vector<16xi32>,
        %get3A_123 = arith.index_cast %add3A_82 : i32 to index
        %get3A_124 = arith.constant 96 : index
        %get3A_125 = tpu.vector_load %arg8[%get3A_123, %get3A_124] {strides = array<i32>} : memref<40x128xi32, #tpu.memory_space<vmem>>, vector<1x16xi32>,
        %get3A_126 = vector.shape_cast %get3A_125 : vector<1x16xi32> to vector<16xi32>
        %swap3A_127 = arith.constant 96 : index
        %swap3A_128 = tpu.vector_load %arg11[%swap3A_127] {strides = array<i32>} : memref<128xi32, #tpu.memory_space<vmem>>, vector<16xi32>,
        tpu.vector_store %arg11[%swap3A_127], %get3A_126 {strides = array<i32>} : memref<128xi32, #tpu.memory_space<vmem>>, vector<16xi32>,
        %get3A_129 = arith.index_cast %add3A_82 : i32 to index
        %get3A_130 = arith.constant 112 : index
        %get3A_131 = tpu.vector_load %arg8[%get3A_129, %get3A_130] {strides = array<i32>} : memref<40x128xi32, #tpu.memory_space<vmem>>, vector<1x16xi32>,
        %get3A_132 = vector.shape_cast %get3A_131 : vector<1x16xi32> to vector<16xi32>
        %swap3A_133 = arith.constant 112 : index
        %swap3A_134 = tpu.vector_load %arg11[%swap3A_133] {strides = array<i32>} : memref<128xi32, #tpu.memory_space<vmem>>, vector<16xi32>,
        tpu.vector_store %arg11[%swap3A_133], %get3A_132 {strides = array<i32>} : memref<128xi32, #tpu.memory_space<vmem>>, vector<16xi32>,
        %dma_start3A_135 = arith.constant 0 : i32
        %dma_start3A_136 = arith.constant 0 : i32
        %dma_start3A_137 = tpu.memref_slice %arg13[%dma_start3A_135, %dma_start3A_136] : memref<10000x128xf32, #tpu.memory_space<vmem_shared>> -> memref<10000x128xf32, #tpu.memory_space<vmem_shared>>
        tpu.enqueue_indirect_dma source(%arg9 : memref<128x128xf32, #tpu.memory_space<vmem>>) target(%dma_start3A_137 : memref<10000x128xf32, #tpu.memory_space<vmem_shared>>) offsets(%arg11 : memref<128xi32, #tpu.memory_space<vmem>>) semaphore(%arg14 : memref<!tpu.dma_semaphore, #tpu.memory_space<semaphore_mem>>) {add = true}
        %add3A_138 = arith.constant 2 : i32
        %add3A_139 = arith.addi %add3A_82, %add3A_138 : i32
        %lt3A = arith.cmpi slt, %add3A_139, %min3A : i32
        %convert_element_type3A_140 = arith.extui %lt3A : i1 to i32
        %cond3A_141 = arith.constant 0 : i32
        %cond3A_142 = arith.cmpi ne, %convert_element_type3A_140, %cond3A_141 : i32
        scf.if %cond3A_142 {
          %dma_wait3A_208 = arith.constant 0 : i32
          %dma_wait3A_209 = arith.constant 0 : i32
          %dma_wait3A_210 = tpu.memref_slice %arg13[%dma_wait3A_208, %dma_wait3A_209] : memref<10000x128xf32, #tpu.memory_space<vmem_shared>> -> memref<10000x128xf32, #tpu.memory_space<vmem_shared>>
          tpu.wait_indirect_dma semaphore(%arg14 : memref<!tpu.dma_semaphore, #tpu.memory_space<semaphore_mem>>) src(%arg9 : memref<128x128xf32, #tpu.memory_space<vmem>>) dst(%dma_wait3A_210 : memref<10000x128xf32, #tpu.memory_space<vmem_shared>>)
          %add3A_211 = arith.constant 2 : i32
          %add3A_212 = arith.addi %add3A_82, %add3A_211 : i32
          %dma_start3A_213 = arith.constant 0 : i32
          %dma_start3A_214 = tpu.memref_slice %arg7[%add3A_212, %dma_start3A_213] : memref<40x128xi32, #tpu.memory_space<vmem>> -> memref<1x128xi32, #tpu.memory_space<vmem>>
          %dma_start3A_215 = tpu.memref_squeeze %dma_start3A_214 : memref<1x128xi32, #tpu.memory_space<vmem>> -> memref<128xi32, #tpu.memory_space<vmem>>
          %dma_start3A_216 = arith.constant 0 : i32
          %dma_start3A_217 = arith.constant 0 : i32
          %dma_start3A_218 = tpu.memref_slice %arg2[%dma_start3A_216, %dma_start3A_217] : memref<10000x128xf32, #tpu.memory_space<hbm>> -> memref<10000x128xf32, #tpu.memory_space<hbm>>
          tpu.enqueue_indirect_dma source(%dma_start3A_218 : memref<10000x128xf32, #tpu.memory_space<hbm>>) target(%arg9 : memref<128x128xf32, #tpu.memory_space<vmem>>) offsets(%dma_start3A_215 : memref<128xi32, #tpu.memory_space<vmem>>) semaphore(%arg16 : memref<!tpu.dma_semaphore, #tpu.memory_space<semaphore_mem>>)
        } else {
        }
        %add3A_143 = arith.constant 1 : i32
        %add3A_144 = arith.addi %add3A_82, %add3A_143 : i32
        %dma_wait3A_145 = arith.constant 0 : i32
        %dma_wait3A_146 = tpu.memref_slice %arg7[%add3A_144, %dma_wait3A_145] : memref<40x128xi32, #tpu.memory_space<vmem>> -> memref<1x128xi32, #tpu.memory_space<vmem>>
        %dma_wait3A_147 = tpu.memref_squeeze %dma_wait3A_146 : memref<1x128xi32, #tpu.memory_space<vmem>> -> memref<128xi32, #tpu.memory_space<vmem>>
        %dma_wait3A_148 = arith.constant 0 : i32
        %dma_wait3A_149 = arith.constant 0 : i32
        %dma_wait3A_150 = tpu.memref_slice %arg2[%dma_wait3A_148, %dma_wait3A_149] : memref<10000x128xf32, #tpu.memory_space<hbm>> -> memref<10000x128xf32, #tpu.memory_space<hbm>>
        tpu.wait_indirect_dma semaphore(%arg17 : memref<!tpu.dma_semaphore, #tpu.memory_space<semaphore_mem>>) src(%dma_wait3A_150 : memref<10000x128xf32, #tpu.memory_space<hbm>>) dst(%arg10 : memref<128x128xf32, #tpu.memory_space<vmem>>)
        %get3A_151 = arith.index_cast %add3A_144 : i32 to index
        %get3A_152 = arith.constant 0 : index
        %get3A_153 = tpu.vector_load %arg8[%get3A_151, %get3A_152] {strides = array<i32>} : memref<40x128xi32, #tpu.memory_space<vmem>>, vector<1x16xi32>,
        %get3A_154 = vector.shape_cast %get3A_153 : vector<1x16xi32> to vector<16xi32>
        %swap3A_155 = arith.constant 0 : index
        %swap3A_156 = tpu.vector_load %arg12[%swap3A_155] {strides = array<i32>} : memref<128xi32, #tpu.memory_space<vmem>>, vector<16xi32>,
        tpu.vector_store %arg12[%swap3A_155], %get3A_154 {strides = array<i32>} : memref<128xi32, #tpu.memory_space<vmem>>, vector<16xi32>,
        %get3A_157 = arith.index_cast %add3A_144 : i32 to index
        %get3A_158 = arith.constant 16 : index
        %get3A_159 = tpu.vector_load %arg8[%get3A_157, %get3A_158] {strides = array<i32>} : memref<40x128xi32, #tpu.memory_space<vmem>>, vector<1x16xi32>,
        %get3A_160 = vector.shape_cast %get3A_159 : vector<1x16xi32> to vector<16xi32>
        %swap3A_161 = arith.constant 16 : index
        %swap3A_162 = tpu.vector_load %arg12[%swap3A_161] {strides = array<i32>} : memref<128xi32, #tpu.memory_space<vmem>>, vector<16xi32>,
        tpu.vector_store %arg12[%swap3A_161], %get3A_160 {strides = array<i32>} : memref<128xi32, #tpu.memory_space<vmem>>, vector<16xi32>,
        %get3A_163 = arith.index_cast %add3A_144 : i32 to index
        %get3A_164 = arith.constant 32 : index
        %get3A_165 = tpu.vector_load %arg8[%get3A_163, %get3A_164] {strides = array<i32>} : memref<40x128xi32, #tpu.memory_space<vmem>>, vector<1x16xi32>,
        %get3A_166 = vector.shape_cast %get3A_165 : vector<1x16xi32> to vector<16xi32>
        %swap3A_167 = arith.constant 32 : index
        %swap3A_168 = tpu.vector_load %arg12[%swap3A_167] {strides = array<i32>} : memref<128xi32, #tpu.memory_space<vmem>>, vector<16xi32>,
        tpu.vector_store %arg12[%swap3A_167], %get3A_166 {strides = array<i32>} : memref<128xi32, #tpu.memory_space<vmem>>, vector<16xi32>,
        %get3A_169 = arith.index_cast %add3A_144 : i32 to index
        %get3A_170 = arith.constant 48 : index
        %get3A_171 = tpu.vector_load %arg8[%get3A_169, %get3A_170] {strides = array<i32>} : memref<40x128xi32, #tpu.memory_space<vmem>>, vector<1x16xi32>,
        %get3A_172 = vector.shape_cast %get3A_171 : vector<1x16xi32> to vector<16xi32>
        %swap3A_173 = arith.constant 48 : index
        %swap3A_174 = tpu.vector_load %arg12[%swap3A_173] {strides = array<i32>} : memref<128xi32, #tpu.memory_space<vmem>>, vector<16xi32>,
        tpu.vector_store %arg12[%swap3A_173], %get3A_172 {strides = array<i32>} : memref<128xi32, #tpu.memory_space<vmem>>, vector<16xi32>,
        %get3A_175 = arith.index_cast %add3A_144 : i32 to index
        %get3A_176 = arith.constant 64 : index
        %get3A_177 = tpu.vector_load %arg8[%get3A_175, %get3A_176] {strides = array<i32>} : memref<40x128xi32, #tpu.memory_space<vmem>>, vector<1x16xi32>,
        %get3A_178 = vector.shape_cast %get3A_177 : vector<1x16xi32> to vector<16xi32>
        %swap3A_179 = arith.constant 64 : index
        %swap3A_180 = tpu.vector_load %arg12[%swap3A_179] {strides = array<i32>} : memref<128xi32, #tpu.memory_space<vmem>>, vector<16xi32>,
        tpu.vector_store %arg12[%swap3A_179], %get3A_178 {strides = array<i32>} : memref<128xi32, #tpu.memory_space<vmem>>, vector<16xi32>,
        %get3A_181 = arith.index_cast %add3A_144 : i32 to index
        %get3A_182 = arith.constant 80 : index
        %get3A_183 = tpu.vector_load %arg8[%get3A_181, %get3A_182] {strides = array<i32>} : memref<40x128xi32, #tpu.memory_space<vmem>>, vector<1x16xi32>,
        %get3A_184 = vector.shape_cast %get3A_183 : vector<1x16xi32> to vector<16xi32>
        %swap3A_185 = arith.constant 80 : index
        %swap3A_186 = tpu.vector_load %arg12[%swap3A_185] {strides = array<i32>} : memref<128xi32, #tpu.memory_space<vmem>>, vector<16xi32>,
        tpu.vector_store %arg12[%swap3A_185], %get3A_184 {strides = array<i32>} : memref<128xi32, #tpu.memory_space<vmem>>, vector<16xi32>,
        %get3A_187 = arith.index_cast %add3A_144 : i32 to index
        %get3A_188 = arith.constant 96 : index
        %get3A_189 = tpu.vector_load %arg8[%get3A_187, %get3A_188] {strides = array<i32>} : memref<40x128xi32, #tpu.memory_space<vmem>>, vector<1x16xi32>,
        %get3A_190 = vector.shape_cast %get3A_189 : vector<1x16xi32> to vector<16xi32>
        %swap3A_191 = arith.constant 96 : index
        %swap3A_192 = tpu.vector_load %arg12[%swap3A_191] {strides = array<i32>} : memref<128xi32, #tpu.memory_space<vmem>>, vector<16xi32>,
        tpu.vector_store %arg12[%swap3A_191], %get3A_190 {strides = array<i32>} : memref<128xi32, #tpu.memory_space<vmem>>, vector<16xi32>,
        %get3A_193 = arith.index_cast %add3A_144 : i32 to index
        %get3A_194 = arith.constant 112 : index
        %get3A_195 = tpu.vector_load %arg8[%get3A_193, %get3A_194] {strides = array<i32>} : memref<40x128xi32, #tpu.memory_space<vmem>>, vector<1x16xi32>,
        %get3A_196 = vector.shape_cast %get3A_195 : vector<1x16xi32> to vector<16xi32>
        %swap3A_197 = arith.constant 112 : index
        %swap3A_198 = tpu.vector_load %arg12[%swap3A_197] {strides = array<i32>} : memref<128xi32, #tpu.memory_space<vmem>>, vector<16xi32>,
        tpu.vector_store %arg12[%swap3A_197], %get3A_196 {strides = array<i32>} : memref<128xi32, #tpu.memory_space<vmem>>, vector<16xi32>,
        %dma_start3A_199 = arith.constant 0 : i32
        %dma_start3A_200 = arith.constant 0 : i32
        %dma_start3A_201 = tpu.memref_slice %arg13[%dma_start3A_199, %dma_start3A_200] : memref<10000x128xf32, #tpu.memory_space<vmem_shared>> -> memref<10000x128xf32, #tpu.memory_space<vmem_shared>>
        tpu.enqueue_indirect_dma source(%arg10 : memref<128x128xf32, #tpu.memory_space<vmem>>) target(%dma_start3A_201 : memref<10000x128xf32, #tpu.memory_space<vmem_shared>>) offsets(%arg12 : memref<128xi32, #tpu.memory_space<vmem>>) semaphore(%arg15 : memref<!tpu.dma_semaphore, #tpu.memory_space<semaphore_mem>>) {add = true}
        %add3A_202 = arith.constant 2 : i32
        %add3A_203 = arith.addi %add3A_144, %add3A_202 : i32
        %lt3A_204 = arith.cmpi slt, %add3A_203, %min3A : i32
        %convert_element_type3A_205 = arith.extui %lt3A_204 : i1 to i32
        %cond3A_206 = arith.constant 0 : i32
        %cond3A_207 = arith.cmpi ne, %convert_element_type3A_205, %cond3A_206 : i32
        scf.if %cond3A_207 {
          %dma_wait3A_208 = arith.constant 0 : i32
          %dma_wait3A_209 = arith.constant 0 : i32
          %dma_wait3A_210 = tpu.memref_slice %arg13[%dma_wait3A_208, %dma_wait3A_209] : memref<10000x128xf32, #tpu.memory_space<vmem_shared>> -> memref<10000x128xf32, #tpu.memory_space<vmem_shared>>
          tpu.wait_indirect_dma semaphore(%arg15 : memref<!tpu.dma_semaphore, #tpu.memory_space<semaphore_mem>>) src(%arg10 : memref<128x128xf32, #tpu.memory_space<vmem>>) dst(%dma_wait3A_210 : memref<10000x128xf32, #tpu.memory_space<vmem_shared>>)
          %add3A_211 = arith.constant 2 : i32
          %add3A_212 = arith.addi %add3A_144, %add3A_211 : i32
          %dma_start3A_213 = arith.constant 0 : i32
          %dma_start3A_214 = tpu.memref_slice %arg7[%add3A_212, %dma_start3A_213] : memref<40x128xi32, #tpu.memory_space<vmem>> -> memref<1x128xi32, #tpu.memory_space<vmem>>
          %dma_start3A_215 = tpu.memref_squeeze %dma_start3A_214 : memref<1x128xi32, #tpu.memory_space<vmem>> -> memref<128xi32, #tpu.memory_space<vmem>>
          %dma_start3A_216 = arith.constant 0 : i32
          %dma_start3A_217 = arith.constant 0 : i32
          %dma_start3A_218 = tpu.memref_slice %arg2[%dma_start3A_216, %dma_start3A_217] : memref<10000x128xf32, #tpu.memory_space<hbm>> -> memref<10000x128xf32, #tpu.memory_space<hbm>>
          tpu.enqueue_indirect_dma source(%dma_start3A_218 : memref<10000x128xf32, #tpu.memory_space<hbm>>) target(%arg10 : memref<128x128xf32, #tpu.memory_space<vmem>>) offsets(%dma_start3A_215 : memref<128xi32, #tpu.memory_space<vmem>>) semaphore(%arg17 : memref<!tpu.dma_semaphore, #tpu.memory_space<semaphore_mem>>)
        } else {
        }
      }
    } else {
    }
    %sub3A_20 = arith.constant 40 : i32
    %sub3A_21 = arith.subi %select_n3A_3, %sub3A_20 : i32
    %jit3A_22 = arith.constant 0 : i32
    %jit3A_23 = arith.constant 40 : i32
    %max3A_24 = arith.maxsi %jit3A_22, %sub3A_21 : i32
    %min3A_25 = arith.minsi %jit3A_23, %max3A_24 : i32
    %gt3A_26 = arith.constant 0 : i32
    %gt3A_27 = arith.cmpi sgt, %min3A_25, %gt3A_26 : i32
    %convert_element_type3A_28 = arith.extui %gt3A_27 : i1 to i32
    %cond3A_29 = arith.constant 0 : i32
    %cond3A_30 = arith.cmpi ne, %convert_element_type3A_28, %cond3A_29 : i32
    scf.if %cond3A_30 {
      %mul3A_42 = arith.constant 80 : i32
      %mul3A_43 = arith.muli %add3A, %mul3A_42 : i32
      %add3A_44 = arith.constant 40 : i32
      %add3A_45 = arith.addi %mul3A_43, %add3A_44 : i32
      "tpu.region"() ({
        %run_scoped3A = tpu.sem_alloc : memref<!tpu.dma_semaphore, #tpu.memory_space<semaphore_mem>>
        %dma_start3A_86 = arith.constant 0 : i32
        %dma_start3A_87 = tpu.memref_slice %arg4[%add3A_45, %dma_start3A_86] : memref<2560x128xi32, #tpu.memory_space<hbm>> -> memref<40x128xi32, #tpu.memory_space<hbm>>
        %dma_start3A_88 = arith.constant 0 : i32
        %dma_start3A_89 = tpu.memref_slice %arg4[%add3A_45, %dma_start3A_88] : memref<2560x128xi32, #tpu.memory_space<hbm>> -> memref<40x128xi32, #tpu.memory_space<hbm>>
        tpu.enqueue_dma source(%dma_start3A_89 : memref<40x128xi32, #tpu.memory_space<hbm>>) target(%arg7 : memref<40x128xi32, #tpu.memory_space<vmem>>) target_semaphore(%run_scoped3A : memref<!tpu.dma_semaphore, #tpu.memory_space<semaphore_mem>>)
        %dma_wait3A_90 = arith.constant 0 : i32
        %dma_wait3A_91 = tpu.memref_slice %arg4[%add3A_45, %dma_wait3A_90] : memref<2560x128xi32, #tpu.memory_space<hbm>> -> memref<40x128xi32, #tpu.memory_space<hbm>>
        %dma_wait3A_92 = arith.constant 0 : i32
        %dma_wait3A_93 = tpu.memref_slice %arg4[%add3A_45, %dma_wait3A_92] : memref<2560x128xi32, #tpu.memory_space<hbm>> -> memref<40x128xi32, #tpu.memory_space<hbm>>
        tpu.wait_dma2 semaphore(%run_scoped3A : memref<!tpu.dma_semaphore, #tpu.memory_space<semaphore_mem>>) src(%dma_wait3A_93 : memref<40x128xi32, #tpu.memory_space<hbm>>) dst(%arg7 : memref<40x128xi32, #tpu.memory_space<vmem>>)
        tpu.yield
      }) : () -> ()
      %mul3A_46 = arith.constant 80 : i32
      %mul3A_47 = arith.muli %add3A, %mul3A_46 : i32
      %add3A_48 = arith.constant 40 : i32
      %add3A_49 = arith.addi %mul3A_47, %add3A_48 : i32
      "tpu.region"() ({
        %run_scoped3A = tpu.sem_alloc : memref<!tpu.dma_semaphore, #tpu.memory_space<semaphore_mem>>
        %dma_start3A_86 = arith.constant 0 : i32
        %dma_start3A_87 = tpu.memref_slice %arg5[%add3A_49, %dma_start3A_86] : memref<2560x128xi32, #tpu.memory_space<hbm>> -> memref<40x128xi32, #tpu.memory_space<hbm>>
        %dma_start3A_88 = arith.constant 0 : i32
        %dma_start3A_89 = tpu.memref_slice %arg5[%add3A_49, %dma_start3A_88] : memref<2560x128xi32, #tpu.memory_space<hbm>> -> memref<40x128xi32, #tpu.memory_space<hbm>>
        tpu.enqueue_dma source(%dma_start3A_89 : memref<40x128xi32, #tpu.memory_space<hbm>>) target(%arg8 : memref<40x128xi32, #tpu.memory_space<vmem>>) target_semaphore(%run_scoped3A : memref<!tpu.dma_semaphore, #tpu.memory_space<semaphore_mem>>)
        %dma_wait3A_90 = arith.constant 0 : i32
        %dma_wait3A_91 = tpu.memref_slice %arg5[%add3A_49, %dma_wait3A_90] : memref<2560x128xi32, #tpu.memory_space<hbm>> -> memref<40x128xi32, #tpu.memory_space<hbm>>
        %dma_wait3A_92 = arith.constant 0 : i32
        %dma_wait3A_93 = tpu.memref_slice %arg5[%add3A_49, %dma_wait3A_92] : memref<2560x128xi32, #tpu.memory_space<hbm>> -> memref<40x128xi32, #tpu.memory_space<hbm>>
        tpu.wait_dma2 semaphore(%run_scoped3A : memref<!tpu.dma_semaphore, #tpu.memory_space<semaphore_mem>>) src(%dma_wait3A_93 : memref<40x128xi32, #tpu.memory_space<hbm>>) dst(%arg8 : memref<40x128xi32, #tpu.memory_space<vmem>>)
        tpu.yield
      }) : () -> ()
      %dma_wait3A_50 = arith.constant 0 : i32
      %dma_wait3A_51 = arith.constant 0 : i32
      %dma_wait3A_52 = tpu.memref_slice %arg13[%dma_wait3A_50, %dma_wait3A_51] : memref<10000x128xf32, #tpu.memory_space<vmem_shared>> -> memref<10000x128xf32, #tpu.memory_space<vmem_shared>>
      tpu.wait_indirect_dma semaphore(%arg14 : memref<!tpu.dma_semaphore, #tpu.memory_space<semaphore_mem>>) src(%arg9 : memref<128x128xf32, #tpu.memory_space<vmem>>) dst(%dma_wait3A_52 : memref<10000x128xf32, #tpu.memory_space<vmem_shared>>)
      %dma_wait3A_53 = arith.constant 0 : i32
      %dma_wait3A_54 = arith.constant 0 : i32
      %dma_wait3A_55 = tpu.memref_slice %arg13[%dma_wait3A_53, %dma_wait3A_54] : memref<10000x128xf32, #tpu.memory_space<vmem_shared>> -> memref<10000x128xf32, #tpu.memory_space<vmem_shared>>
      tpu.wait_indirect_dma semaphore(%arg15 : memref<!tpu.dma_semaphore, #tpu.memory_space<semaphore_mem>>) src(%arg10 : memref<128x128xf32, #tpu.memory_space<vmem>>) dst(%dma_wait3A_55 : memref<10000x128xf32, #tpu.memory_space<vmem_shared>>)
      %dma_start3A = arith.constant 0 : i32
      %dma_start3A_56 = arith.constant 0 : i32
      %dma_start3A_57 = tpu.memref_slice %arg7[%dma_start3A, %dma_start3A_56] : memref<40x128xi32, #tpu.memory_space<vmem>> -> memref<1x128xi32, #tpu.memory_space<vmem>>
      %dma_start3A_58 = tpu.memref_squeeze %dma_start3A_57 : memref<1x128xi32, #tpu.memory_space<vmem>> -> memref<128xi32, #tpu.memory_space<vmem>>
      %dma_start3A_59 = arith.constant 0 : i32
      %dma_start3A_60 = arith.constant 0 : i32
      %dma_start3A_61 = tpu.memref_slice %arg2[%dma_start3A_59, %dma_start3A_60] : memref<10000x128xf32, #tpu.memory_space<hbm>> -> memref<10000x128xf32, #tpu.memory_space<hbm>>
      tpu.enqueue_indirect_dma source(%dma_start3A_61 : memref<10000x128xf32, #tpu.memory_space<hbm>>) target(%arg9 : memref<128x128xf32, #tpu.memory_space<vmem>>) offsets(%dma_start3A_58 : memref<128xi32, #tpu.memory_space<vmem>>) semaphore(%arg16 : memref<!tpu.dma_semaphore, #tpu.memory_space<semaphore_mem>>)
      %dma_start3A_62 = arith.constant 1 : i32
      %dma_start3A_63 = arith.constant 0 : i32
      %dma_start3A_64 = tpu.memref_slice %arg7[%dma_start3A_62, %dma_start3A_63] : memref<40x128xi32, #tpu.memory_space<vmem>> -> memref<1x128xi32, #tpu.memory_space<vmem>>
      %dma_start3A_65 = tpu.memref_squeeze %dma_start3A_64 : memref<1x128xi32, #tpu.memory_space<vmem>> -> memref<128xi32, #tpu.memory_space<vmem>>
      %dma_start3A_66 = arith.constant 0 : i32
      %dma_start3A_67 = arith.constant 0 : i32
      %dma_start3A_68 = tpu.memref_slice %arg2[%dma_start3A_66, %dma_start3A_67] : memref<10000x128xf32, #tpu.memory_space<hbm>> -> memref<10000x128xf32, #tpu.memory_space<hbm>>
      tpu.enqueue_indirect_dma source(%dma_start3A_68 : memref<10000x128xf32, #tpu.memory_space<hbm>>) target(%arg10 : memref<128x128xf32, #tpu.memory_space<vmem>>) offsets(%dma_start3A_65 : memref<128xi32, #tpu.memory_space<vmem>>) semaphore(%arg17 : memref<!tpu.dma_semaphore, #tpu.memory_space<semaphore_mem>>)
      %sub3A_69 = arith.constant 0 : i32
      %sub3A_70 = arith.subi %min3A_25, %sub3A_69 : i32
      %sub3A_71 = arith.constant 2 : i32
      %sub3A_72 = arith.constant 1 : i32
      %sub3A_73 = arith.subi %sub3A_71, %sub3A_72 : i32
      %add3A_74 = arith.addi %sub3A_70, %sub3A_73 : i32
      %div3A = arith.constant 2 : i32
      %div3A_75 = arith.divsi %add3A_74, %div3A : i32
      %while3A = arith.constant 2 : i32
      %while3A_76 = arith.constant 0 : i32
      %while3A_77 = arith.constant 0 : i32
      %while3A_78 = arith.subi %div3A_75, %while3A_77 : i32
      %while3A_79 = arith.addi %while3A_77, %while3A_78 : i32
      %while3A_80 = arith.constant 1 : i32
      %while3A_81 = arith.divsi %while3A_78, %while3A_80 : i32
      %while3A_82 = arith.muli %while3A_81, %while3A_80 : i32
      %while3A_83 = arith.addi %while3A_77, %while3A_82 : i32
      %while3A_84 = arith.constant 1 : i32
      scf.for %while3A_86 = %while3A_77 to %while3A_83 step %while3A_84  : i32 {
        %mul3A_87 = arith.muli %while3A_86, %while3A : i32
        %add3A_88 = arith.addi %while3A_76, %mul3A_87 : i32
        %dma_wait3A_89 = arith.constant 0 : i32
        %dma_wait3A_90 = tpu.memref_slice %arg7[%add3A_88, %dma_wait3A_89] : memref<40x128xi32, #tpu.memory_space<vmem>> -> memref<1x128xi32, #tpu.memory_space<vmem>>
        %dma_wait3A_91 = tpu.memref_squeeze %dma_wait3A_90 : memref<1x128xi32, #tpu.memory_space<vmem>> -> memref<128xi32, #tpu.memory_space<vmem>>
        %dma_wait3A_92 = arith.constant 0 : i32
        %dma_wait3A_93 = arith.constant 0 : i32
        %dma_wait3A_94 = tpu.memref_slice %arg2[%dma_wait3A_92, %dma_wait3A_93] : memref<10000x128xf32, #tpu.memory_space<hbm>> -> memref<10000x128xf32, #tpu.memory_space<hbm>>
        tpu.wait_indirect_dma semaphore(%arg16 : memref<!tpu.dma_semaphore, #tpu.memory_space<semaphore_mem>>) src(%dma_wait3A_94 : memref<10000x128xf32, #tpu.memory_space<hbm>>) dst(%arg9 : memref<128x128xf32, #tpu.memory_space<vmem>>)
        %get3A = arith.index_cast %add3A_88 : i32 to index
        %get3A_95 = arith.constant 0 : index
        %get3A_96 = tpu.vector_load %arg8[%get3A, %get3A_95] {strides = array<i32>} : memref<40x128xi32, #tpu.memory_space<vmem>>, vector<1x16xi32>,
        %get3A_97 = vector.shape_cast %get3A_96 : vector<1x16xi32> to vector<16xi32>
        %swap3A = arith.constant 0 : index
        %swap3A_98 = tpu.vector_load %arg11[%swap3A] {strides = array<i32>} : memref<128xi32, #tpu.memory_space<vmem>>, vector<16xi32>,
        tpu.vector_store %arg11[%swap3A], %get3A_97 {strides = array<i32>} : memref<128xi32, #tpu.memory_space<vmem>>, vector<16xi32>,
        %get3A_99 = arith.index_cast %add3A_88 : i32 to index
        %get3A_100 = arith.constant 16 : index
        %get3A_101 = tpu.vector_load %arg8[%get3A_99, %get3A_100] {strides = array<i32>} : memref<40x128xi32, #tpu.memory_space<vmem>>, vector<1x16xi32>,
        %get3A_102 = vector.shape_cast %get3A_101 : vector<1x16xi32> to vector<16xi32>
        %swap3A_103 = arith.constant 16 : index
        %swap3A_104 = tpu.vector_load %arg11[%swap3A_103] {strides = array<i32>} : memref<128xi32, #tpu.memory_space<vmem>>, vector<16xi32>,
        tpu.vector_store %arg11[%swap3A_103], %get3A_102 {strides = array<i32>} : memref<128xi32, #tpu.memory_space<vmem>>, vector<16xi32>,
        %get3A_105 = arith.index_cast %add3A_88 : i32 to index
        %get3A_106 = arith.constant 32 : index
        %get3A_107 = tpu.vector_load %arg8[%get3A_105, %get3A_106] {strides = array<i32>} : memref<40x128xi32, #tpu.memory_space<vmem>>, vector<1x16xi32>,
        %get3A_108 = vector.shape_cast %get3A_107 : vector<1x16xi32> to vector<16xi32>
        %swap3A_109 = arith.constant 32 : index
        %swap3A_110 = tpu.vector_load %arg11[%swap3A_109] {strides = array<i32>} : memref<128xi32, #tpu.memory_space<vmem>>, vector<16xi32>,
        tpu.vector_store %arg11[%swap3A_109], %get3A_108 {strides = array<i32>} : memref<128xi32, #tpu.memory_space<vmem>>, vector<16xi32>,
        %get3A_111 = arith.index_cast %add3A_88 : i32 to index
        %get3A_112 = arith.constant 48 : index
        %get3A_113 = tpu.vector_load %arg8[%get3A_111, %get3A_112] {strides = array<i32>} : memref<40x128xi32, #tpu.memory_space<vmem>>, vector<1x16xi32>,
        %get3A_114 = vector.shape_cast %get3A_113 : vector<1x16xi32> to vector<16xi32>
        %swap3A_115 = arith.constant 48 : index
        %swap3A_116 = tpu.vector_load %arg11[%swap3A_115] {strides = array<i32>} : memref<128xi32, #tpu.memory_space<vmem>>, vector<16xi32>,
        tpu.vector_store %arg11[%swap3A_115], %get3A_114 {strides = array<i32>} : memref<128xi32, #tpu.memory_space<vmem>>, vector<16xi32>,
        %get3A_117 = arith.index_cast %add3A_88 : i32 to index
        %get3A_118 = arith.constant 64 : index
        %get3A_119 = tpu.vector_load %arg8[%get3A_117, %get3A_118] {strides = array<i32>} : memref<40x128xi32, #tpu.memory_space<vmem>>, vector<1x16xi32>,
        %get3A_120 = vector.shape_cast %get3A_119 : vector<1x16xi32> to vector<16xi32>
        %swap3A_121 = arith.constant 64 : index
        %swap3A_122 = tpu.vector_load %arg11[%swap3A_121] {strides = array<i32>} : memref<128xi32, #tpu.memory_space<vmem>>, vector<16xi32>,
        tpu.vector_store %arg11[%swap3A_121], %get3A_120 {strides = array<i32>} : memref<128xi32, #tpu.memory_space<vmem>>, vector<16xi32>,
        %get3A_123 = arith.index_cast %add3A_88 : i32 to index
        %get3A_124 = arith.constant 80 : index
        %get3A_125 = tpu.vector_load %arg8[%get3A_123, %get3A_124] {strides = array<i32>} : memref<40x128xi32, #tpu.memory_space<vmem>>, vector<1x16xi32>,
        %get3A_126 = vector.shape_cast %get3A_125 : vector<1x16xi32> to vector<16xi32>
        %swap3A_127 = arith.constant 80 : index
        %swap3A_128 = tpu.vector_load %arg11[%swap3A_127] {strides = array<i32>} : memref<128xi32, #tpu.memory_space<vmem>>, vector<16xi32>,
        tpu.vector_store %arg11[%swap3A_127], %get3A_126 {strides = array<i32>} : memref<128xi32, #tpu.memory_space<vmem>>, vector<16xi32>,
        %get3A_129 = arith.index_cast %add3A_88 : i32 to index
        %get3A_130 = arith.constant 96 : index
        %get3A_131 = tpu.vector_load %arg8[%get3A_129, %get3A_130] {strides = array<i32>} : memref<40x128xi32, #tpu.memory_space<vmem>>, vector<1x16xi32>,
        %get3A_132 = vector.shape_cast %get3A_131 : vector<1x16xi32> to vector<16xi32>
        %swap3A_133 = arith.constant 96 : index
        %swap3A_134 = tpu.vector_load %arg11[%swap3A_133] {strides = array<i32>} : memref<128xi32, #tpu.memory_space<vmem>>, vector<16xi32>,
        tpu.vector_store %arg11[%swap3A_133], %get3A_132 {strides = array<i32>} : memref<128xi32, #tpu.memory_space<vmem>>, vector<16xi32>,
        %get3A_135 = arith.index_cast %add3A_88 : i32 to index
        %get3A_136 = arith.constant 112 : index
        %get3A_137 = tpu.vector_load %arg8[%get3A_135, %get3A_136] {strides = array<i32>} : memref<40x128xi32, #tpu.memory_space<vmem>>, vector<1x16xi32>,
        %get3A_138 = vector.shape_cast %get3A_137 : vector<1x16xi32> to vector<16xi32>
        %swap3A_139 = arith.constant 112 : index
        %swap3A_140 = tpu.vector_load %arg11[%swap3A_139] {strides = array<i32>} : memref<128xi32, #tpu.memory_space<vmem>>, vector<16xi32>,
        tpu.vector_store %arg11[%swap3A_139], %get3A_138 {strides = array<i32>} : memref<128xi32, #tpu.memory_space<vmem>>, vector<16xi32>,
        %dma_start3A_141 = arith.constant 0 : i32
        %dma_start3A_142 = arith.constant 0 : i32
        %dma_start3A_143 = tpu.memref_slice %arg13[%dma_start3A_141, %dma_start3A_142] : memref<10000x128xf32, #tpu.memory_space<vmem_shared>> -> memref<10000x128xf32, #tpu.memory_space<vmem_shared>>
        tpu.enqueue_indirect_dma source(%arg9 : memref<128x128xf32, #tpu.memory_space<vmem>>) target(%dma_start3A_143 : memref<10000x128xf32, #tpu.memory_space<vmem_shared>>) offsets(%arg11 : memref<128xi32, #tpu.memory_space<vmem>>) semaphore(%arg14 : memref<!tpu.dma_semaphore, #tpu.memory_space<semaphore_mem>>) {add = true}
        %add3A_144 = arith.constant 2 : i32
        %add3A_145 = arith.addi %add3A_88, %add3A_144 : i32
        %lt3A = arith.cmpi slt, %add3A_145, %min3A_25 : i32
        %convert_element_type3A_146 = arith.extui %lt3A : i1 to i32
        %cond3A_147 = arith.constant 0 : i32
        %cond3A_148 = arith.cmpi ne, %convert_element_type3A_146, %cond3A_147 : i32
        scf.if %cond3A_148 {
          %dma_wait3A_214 = arith.constant 0 : i32
          %dma_wait3A_215 = arith.constant 0 : i32
          %dma_wait3A_216 = tpu.memref_slice %arg13[%dma_wait3A_214, %dma_wait3A_215] : memref<10000x128xf32, #tpu.memory_space<vmem_shared>> -> memref<10000x128xf32, #tpu.memory_space<vmem_shared>>
          tpu.wait_indirect_dma semaphore(%arg14 : memref<!tpu.dma_semaphore, #tpu.memory_space<semaphore_mem>>) src(%arg9 : memref<128x128xf32, #tpu.memory_space<vmem>>) dst(%dma_wait3A_216 : memref<10000x128xf32, #tpu.memory_space<vmem_shared>>)
          %add3A_217 = arith.constant 2 : i32
          %add3A_218 = arith.addi %add3A_88, %add3A_217 : i32
          %dma_start3A_219 = arith.constant 0 : i32
          %dma_start3A_220 = tpu.memref_slice %arg7[%add3A_218, %dma_start3A_219] : memref<40x128xi32, #tpu.memory_space<vmem>> -> memref<1x128xi32, #tpu.memory_space<vmem>>
          %dma_start3A_221 = tpu.memref_squeeze %dma_start3A_220 : memref<1x128xi32, #tpu.memory_space<vmem>> -> memref<128xi32, #tpu.memory_space<vmem>>
          %dma_start3A_222 = arith.constant 0 : i32
          %dma_start3A_223 = arith.constant 0 : i32
          %dma_start3A_224 = tpu.memref_slice %arg2[%dma_start3A_222, %dma_start3A_223] : memref<10000x128xf32, #tpu.memory_space<hbm>> -> memref<10000x128xf32, #tpu.memory_space<hbm>>
          tpu.enqueue_indirect_dma source(%dma_start3A_224 : memref<10000x128xf32, #tpu.memory_space<hbm>>) target(%arg9 : memref<128x128xf32, #tpu.memory_space<vmem>>) offsets(%dma_start3A_221 : memref<128xi32, #tpu.memory_space<vmem>>) semaphore(%arg16 : memref<!tpu.dma_semaphore, #tpu.memory_space<semaphore_mem>>)
        } else {
        }
        %add3A_149 = arith.constant 1 : i32
        %add3A_150 = arith.addi %add3A_88, %add3A_149 : i32
        %dma_wait3A_151 = arith.constant 0 : i32
        %dma_wait3A_152 = tpu.memref_slice %arg7[%add3A_150, %dma_wait3A_151] : memref<40x128xi32, #tpu.memory_space<vmem>> -> memref<1x128xi32, #tpu.memory_space<vmem>>
        %dma_wait3A_153 = tpu.memref_squeeze %dma_wait3A_152 : memref<1x128xi32, #tpu.memory_space<vmem>> -> memref<128xi32, #tpu.memory_space<vmem>>
        %dma_wait3A_154 = arith.constant 0 : i32
        %dma_wait3A_155 = arith.constant 0 : i32
        %dma_wait3A_156 = tpu.memref_slice %arg2[%dma_wait3A_154, %dma_wait3A_155] : memref<10000x128xf32, #tpu.memory_space<hbm>> -> memref<10000x128xf32, #tpu.memory_space<hbm>>
        tpu.wait_indirect_dma semaphore(%arg17 : memref<!tpu.dma_semaphore, #tpu.memory_space<semaphore_mem>>) src(%dma_wait3A_156 : memref<10000x128xf32, #tpu.memory_space<hbm>>) dst(%arg10 : memref<128x128xf32, #tpu.memory_space<vmem>>)
        %get3A_157 = arith.index_cast %add3A_150 : i32 to index
        %get3A_158 = arith.constant 0 : index
        %get3A_159 = tpu.vector_load %arg8[%get3A_157, %get3A_158] {strides = array<i32>} : memref<40x128xi32, #tpu.memory_space<vmem>>, vector<1x16xi32>,
        %get3A_160 = vector.shape_cast %get3A_159 : vector<1x16xi32> to vector<16xi32>
        %swap3A_161 = arith.constant 0 : index
        %swap3A_162 = tpu.vector_load %arg12[%swap3A_161] {strides = array<i32>} : memref<128xi32, #tpu.memory_space<vmem>>, vector<16xi32>,
        tpu.vector_store %arg12[%swap3A_161], %get3A_160 {strides = array<i32>} : memref<128xi32, #tpu.memory_space<vmem>>, vector<16xi32>,
        %get3A_163 = arith.index_cast %add3A_150 : i32 to index
        %get3A_164 = arith.constant 16 : index
        %get3A_165 = tpu.vector_load %arg8[%get3A_163, %get3A_164] {strides = array<i32>} : memref<40x128xi32, #tpu.memory_space<vmem>>, vector<1x16xi32>,
        %get3A_166 = vector.shape_cast %get3A_165 : vector<1x16xi32> to vector<16xi32>
        %swap3A_167 = arith.constant 16 : index
        %swap3A_168 = tpu.vector_load %arg12[%swap3A_167] {strides = array<i32>} : memref<128xi32, #tpu.memory_space<vmem>>, vector<16xi32>,
        tpu.vector_store %arg12[%swap3A_167], %get3A_166 {strides = array<i32>} : memref<128xi32, #tpu.memory_space<vmem>>, vector<16xi32>,
        %get3A_169 = arith.index_cast %add3A_150 : i32 to index
        %get3A_170 = arith.constant 32 : index
        %get3A_171 = tpu.vector_load %arg8[%get3A_169, %get3A_170] {strides = array<i32>} : memref<40x128xi32, #tpu.memory_space<vmem>>, vector<1x16xi32>,
        %get3A_172 = vector.shape_cast %get3A_171 : vector<1x16xi32> to vector<16xi32>
        %swap3A_173 = arith.constant 32 : index
        %swap3A_174 = tpu.vector_load %arg12[%swap3A_173] {strides = array<i32>} : memref<128xi32, #tpu.memory_space<vmem>>, vector<16xi32>,
        tpu.vector_store %arg12[%swap3A_173], %get3A_172 {strides = array<i32>} : memref<128xi32, #tpu.memory_space<vmem>>, vector<16xi32>,
        %get3A_175 = arith.index_cast %add3A_150 : i32 to index
        %get3A_176 = arith.constant 48 : index
        %get3A_177 = tpu.vector_load %arg8[%get3A_175, %get3A_176] {strides = array<i32>} : memref<40x128xi32, #tpu.memory_space<vmem>>, vector<1x16xi32>,
        %get3A_178 = vector.shape_cast %get3A_177 : vector<1x16xi32> to vector<16xi32>
        %swap3A_179 = arith.constant 48 : index
        %swap3A_180 = tpu.vector_load %arg12[%swap3A_179] {strides = array<i32>} : memref<128xi32, #tpu.memory_space<vmem>>, vector<16xi32>,
        tpu.vector_store %arg12[%swap3A_179], %get3A_178 {strides = array<i32>} : memref<128xi32, #tpu.memory_space<vmem>>, vector<16xi32>,
        %get3A_181 = arith.index_cast %add3A_150 : i32 to index
        %get3A_182 = arith.constant 64 : index
        %get3A_183 = tpu.vector_load %arg8[%get3A_181, %get3A_182] {strides = array<i32>} : memref<40x128xi32, #tpu.memory_space<vmem>>, vector<1x16xi32>,
        %get3A_184 = vector.shape_cast %get3A_183 : vector<1x16xi32> to vector<16xi32>
        %swap3A_185 = arith.constant 64 : index
        %swap3A_186 = tpu.vector_load %arg12[%swap3A_185] {strides = array<i32>} : memref<128xi32, #tpu.memory_space<vmem>>, vector<16xi32>,
        tpu.vector_store %arg12[%swap3A_185], %get3A_184 {strides = array<i32>} : memref<128xi32, #tpu.memory_space<vmem>>, vector<16xi32>,
        %get3A_187 = arith.index_cast %add3A_150 : i32 to index
        %get3A_188 = arith.constant 80 : index
        %get3A_189 = tpu.vector_load %arg8[%get3A_187, %get3A_188] {strides = array<i32>} : memref<40x128xi32, #tpu.memory_space<vmem>>, vector<1x16xi32>,
        %get3A_190 = vector.shape_cast %get3A_189 : vector<1x16xi32> to vector<16xi32>
        %swap3A_191 = arith.constant 80 : index
        %swap3A_192 = tpu.vector_load %arg12[%swap3A_191] {strides = array<i32>} : memref<128xi32, #tpu.memory_space<vmem>>, vector<16xi32>,
        tpu.vector_store %arg12[%swap3A_191], %get3A_190 {strides = array<i32>} : memref<128xi32, #tpu.memory_space<vmem>>, vector<16xi32>,
        %get3A_193 = arith.index_cast %add3A_150 : i32 to index
        %get3A_194 = arith.constant 96 : index
        %get3A_195 = tpu.vector_load %arg8[%get3A_193, %get3A_194] {strides = array<i32>} : memref<40x128xi32, #tpu.memory_space<vmem>>, vector<1x16xi32>,
        %get3A_196 = vector.shape_cast %get3A_195 : vector<1x16xi32> to vector<16xi32>
        %swap3A_197 = arith.constant 96 : index
        %swap3A_198 = tpu.vector_load %arg12[%swap3A_197] {strides = array<i32>} : memref<128xi32, #tpu.memory_space<vmem>>, vector<16xi32>,
        tpu.vector_store %arg12[%swap3A_197], %get3A_196 {strides = array<i32>} : memref<128xi32, #tpu.memory_space<vmem>>, vector<16xi32>,
        %get3A_199 = arith.index_cast %add3A_150 : i32 to index
        %get3A_200 = arith.constant 112 : index
        %get3A_201 = tpu.vector_load %arg8[%get3A_199, %get3A_200] {strides = array<i32>} : memref<40x128xi32, #tpu.memory_space<vmem>>, vector<1x16xi32>,
        %get3A_202 = vector.shape_cast %get3A_201 : vector<1x16xi32> to vector<16xi32>
        %swap3A_203 = arith.constant 112 : index
        %swap3A_204 = tpu.vector_load %arg12[%swap3A_203] {strides = array<i32>} : memref<128xi32, #tpu.memory_space<vmem>>, vector<16xi32>,
        tpu.vector_store %arg12[%swap3A_203], %get3A_202 {strides = array<i32>} : memref<128xi32, #tpu.memory_space<vmem>>, vector<16xi32>,
        %dma_start3A_205 = arith.constant 0 : i32
        %dma_start3A_206 = arith.constant 0 : i32
        %dma_start3A_207 = tpu.memref_slice %arg13[%dma_start3A_205, %dma_start3A_206] : memref<10000x128xf32, #tpu.memory_space<vmem_shared>> -> memref<10000x128xf32, #tpu.memory_space<vmem_shared>>
        tpu.enqueue_indirect_dma source(%arg10 : memref<128x128xf32, #tpu.memory_space<vmem>>) target(%dma_start3A_207 : memref<10000x128xf32, #tpu.memory_space<vmem_shared>>) offsets(%arg12 : memref<128xi32, #tpu.memory_space<vmem>>) semaphore(%arg15 : memref<!tpu.dma_semaphore, #tpu.memory_space<semaphore_mem>>) {add = true}
        %add3A_208 = arith.constant 2 : i32
        %add3A_209 = arith.addi %add3A_150, %add3A_208 : i32
        %lt3A_210 = arith.cmpi slt, %add3A_209, %min3A_25 : i32
        %convert_element_type3A_211 = arith.extui %lt3A_210 : i1 to i32
        %cond3A_212 = arith.constant 0 : i32
        %cond3A_213 = arith.cmpi ne, %convert_element_type3A_211, %cond3A_212 : i32
        scf.if %cond3A_213 {
          %dma_wait3A_214 = arith.constant 0 : i32
          %dma_wait3A_215 = arith.constant 0 : i32
          %dma_wait3A_216 = tpu.memref_slice %arg13[%dma_wait3A_214, %dma_wait3A_215] : memref<10000x128xf32, #tpu.memory_space<vmem_shared>> -> memref<10000x128xf32, #tpu.memory_space<vmem_shared>>
          tpu.wait_indirect_dma semaphore(%arg15 : memref<!tpu.dma_semaphore, #tpu.memory_space<semaphore_mem>>) src(%arg10 : memref<128x128xf32, #tpu.memory_space<vmem>>) dst(%dma_wait3A_216 : memref<10000x128xf32, #tpu.memory_space<vmem_shared>>)
          %add3A_217 = arith.constant 2 : i32
          %add3A_218 = arith.addi %add3A_150, %add3A_217 : i32
          %dma_start3A_219 = arith.constant 0 : i32
          %dma_start3A_220 = tpu.memref_slice %arg7[%add3A_218, %dma_start3A_219] : memref<40x128xi32, #tpu.memory_space<vmem>> -> memref<1x128xi32, #tpu.memory_space<vmem>>
          %dma_start3A_221 = tpu.memref_squeeze %dma_start3A_220 : memref<1x128xi32, #tpu.memory_space<vmem>> -> memref<128xi32, #tpu.memory_space<vmem>>
          %dma_start3A_222 = arith.constant 0 : i32
          %dma_start3A_223 = arith.constant 0 : i32
          %dma_start3A_224 = tpu.memref_slice %arg2[%dma_start3A_222, %dma_start3A_223] : memref<10000x128xf32, #tpu.memory_space<hbm>> -> memref<10000x128xf32, #tpu.memory_space<hbm>>
          tpu.enqueue_indirect_dma source(%dma_start3A_224 : memref<10000x128xf32, #tpu.memory_space<hbm>>) target(%arg10 : memref<128x128xf32, #tpu.memory_space<vmem>>) offsets(%dma_start3A_221 : memref<128xi32, #tpu.memory_space<vmem>>) semaphore(%arg17 : memref<!tpu.dma_semaphore, #tpu.memory_space<semaphore_mem>>)
        } else {
        }
      }
      %while3A_85 = arith.constant 1 : i32
      scf.for %while3A_86 = %while3A_83 to %while3A_79 step %while3A_85  : i32 {
        %mul3A_87 = arith.muli %while3A_86, %while3A : i32
        %add3A_88 = arith.addi %while3A_76, %mul3A_87 : i32
        %dma_wait3A_89 = arith.constant 0 : i32
        %dma_wait3A_90 = tpu.memref_slice %arg7[%add3A_88, %dma_wait3A_89] : memref<40x128xi32, #tpu.memory_space<vmem>> -> memref<1x128xi32, #tpu.memory_space<vmem>>
        %dma_wait3A_91 = tpu.memref_squeeze %dma_wait3A_90 : memref<1x128xi32, #tpu.memory_space<vmem>> -> memref<128xi32, #tpu.memory_space<vmem>>
        %dma_wait3A_92 = arith.constant 0 : i32
        %dma_wait3A_93 = arith.constant 0 : i32
        %dma_wait3A_94 = tpu.memref_slice %arg2[%dma_wait3A_92, %dma_wait3A_93] : memref<10000x128xf32, #tpu.memory_space<hbm>> -> memref<10000x128xf32, #tpu.memory_space<hbm>>
        tpu.wait_indirect_dma semaphore(%arg16 : memref<!tpu.dma_semaphore, #tpu.memory_space<semaphore_mem>>) src(%dma_wait3A_94 : memref<10000x128xf32, #tpu.memory_space<hbm>>) dst(%arg9 : memref<128x128xf32, #tpu.memory_space<vmem>>)
        %get3A = arith.index_cast %add3A_88 : i32 to index
        %get3A_95 = arith.constant 0 : index
        %get3A_96 = tpu.vector_load %arg8[%get3A, %get3A_95] {strides = array<i32>} : memref<40x128xi32, #tpu.memory_space<vmem>>, vector<1x16xi32>,
        %get3A_97 = vector.shape_cast %get3A_96 : vector<1x16xi32> to vector<16xi32>
        %swap3A = arith.constant 0 : index
        %swap3A_98 = tpu.vector_load %arg11[%swap3A] {strides = array<i32>} : memref<128xi32, #tpu.memory_space<vmem>>, vector<16xi32>,
        tpu.vector_store %arg11[%swap3A], %get3A_97 {strides = array<i32>} : memref<128xi32, #tpu.memory_space<vmem>>, vector<16xi32>,
        %get3A_99 = arith.index_cast %add3A_88 : i32 to index
        %get3A_100 = arith.constant 16 : index
        %get3A_101 = tpu.vector_load %arg8[%get3A_99, %get3A_100] {strides = array<i32>} : memref<40x128xi32, #tpu.memory_space<vmem>>, vector<1x16xi32>,
        %get3A_102 = vector.shape_cast %get3A_101 : vector<1x16xi32> to vector<16xi32>
        %swap3A_103 = arith.constant 16 : index
        %swap3A_104 = tpu.vector_load %arg11[%swap3A_103] {strides = array<i32>} : memref<128xi32, #tpu.memory_space<vmem>>, vector<16xi32>,
        tpu.vector_store %arg11[%swap3A_103], %get3A_102 {strides = array<i32>} : memref<128xi32, #tpu.memory_space<vmem>>, vector<16xi32>,
        %get3A_105 = arith.index_cast %add3A_88 : i32 to index
        %get3A_106 = arith.constant 32 : index
        %get3A_107 = tpu.vector_load %arg8[%get3A_105, %get3A_106] {strides = array<i32>} : memref<40x128xi32, #tpu.memory_space<vmem>>, vector<1x16xi32>,
        %get3A_108 = vector.shape_cast %get3A_107 : vector<1x16xi32> to vector<16xi32>
        %swap3A_109 = arith.constant 32 : index
        %swap3A_110 = tpu.vector_load %arg11[%swap3A_109] {strides = array<i32>} : memref<128xi32, #tpu.memory_space<vmem>>, vector<16xi32>,
        tpu.vector_store %arg11[%swap3A_109], %get3A_108 {strides = array<i32>} : memref<128xi32, #tpu.memory_space<vmem>>, vector<16xi32>,
        %get3A_111 = arith.index_cast %add3A_88 : i32 to index
        %get3A_112 = arith.constant 48 : index
        %get3A_113 = tpu.vector_load %arg8[%get3A_111, %get3A_112] {strides = array<i32>} : memref<40x128xi32, #tpu.memory_space<vmem>>, vector<1x16xi32>,
        %get3A_114 = vector.shape_cast %get3A_113 : vector<1x16xi32> to vector<16xi32>
        %swap3A_115 = arith.constant 48 : index
        %swap3A_116 = tpu.vector_load %arg11[%swap3A_115] {strides = array<i32>} : memref<128xi32, #tpu.memory_space<vmem>>, vector<16xi32>,
        tpu.vector_store %arg11[%swap3A_115], %get3A_114 {strides = array<i32>} : memref<128xi32, #tpu.memory_space<vmem>>, vector<16xi32>,
        %get3A_117 = arith.index_cast %add3A_88 : i32 to index
        %get3A_118 = arith.constant 64 : index
        %get3A_119 = tpu.vector_load %arg8[%get3A_117, %get3A_118] {strides = array<i32>} : memref<40x128xi32, #tpu.memory_space<vmem>>, vector<1x16xi32>,
        %get3A_120 = vector.shape_cast %get3A_119 : vector<1x16xi32> to vector<16xi32>
        %swap3A_121 = arith.constant 64 : index
        %swap3A_122 = tpu.vector_load %arg11[%swap3A_121] {strides = array<i32>} : memref<128xi32, #tpu.memory_space<vmem>>, vector<16xi32>,
        tpu.vector_store %arg11[%swap3A_121], %get3A_120 {strides = array<i32>} : memref<128xi32, #tpu.memory_space<vmem>>, vector<16xi32>,
        %get3A_123 = arith.index_cast %add3A_88 : i32 to index
        %get3A_124 = arith.constant 80 : index
        %get3A_125 = tpu.vector_load %arg8[%get3A_123, %get3A_124] {strides = array<i32>} : memref<40x128xi32, #tpu.memory_space<vmem>>, vector<1x16xi32>,
        %get3A_126 = vector.shape_cast %get3A_125 : vector<1x16xi32> to vector<16xi32>
        %swap3A_127 = arith.constant 80 : index
        %swap3A_128 = tpu.vector_load %arg11[%swap3A_127] {strides = array<i32>} : memref<128xi32, #tpu.memory_space<vmem>>, vector<16xi32>,
        tpu.vector_store %arg11[%swap3A_127], %get3A_126 {strides = array<i32>} : memref<128xi32, #tpu.memory_space<vmem>>, vector<16xi32>,
        %get3A_129 = arith.index_cast %add3A_88 : i32 to index
        %get3A_130 = arith.constant 96 : index
        %get3A_131 = tpu.vector_load %arg8[%get3A_129, %get3A_130] {strides = array<i32>} : memref<40x128xi32, #tpu.memory_space<vmem>>, vector<1x16xi32>,
        %get3A_132 = vector.shape_cast %get3A_131 : vector<1x16xi32> to vector<16xi32>
        %swap3A_133 = arith.constant 96 : index
        %swap3A_134 = tpu.vector_load %arg11[%swap3A_133] {strides = array<i32>} : memref<128xi32, #tpu.memory_space<vmem>>, vector<16xi32>,
        tpu.vector_store %arg11[%swap3A_133], %get3A_132 {strides = array<i32>} : memref<128xi32, #tpu.memory_space<vmem>>, vector<16xi32>,
        %get3A_135 = arith.index_cast %add3A_88 : i32 to index
        %get3A_136 = arith.constant 112 : index
        %get3A_137 = tpu.vector_load %arg8[%get3A_135, %get3A_136] {strides = array<i32>} : memref<40x128xi32, #tpu.memory_space<vmem>>, vector<1x16xi32>,
        %get3A_138 = vector.shape_cast %get3A_137 : vector<1x16xi32> to vector<16xi32>
        %swap3A_139 = arith.constant 112 : index
        %swap3A_140 = tpu.vector_load %arg11[%swap3A_139] {strides = array<i32>} : memref<128xi32, #tpu.memory_space<vmem>>, vector<16xi32>,
        tpu.vector_store %arg11[%swap3A_139], %get3A_138 {strides = array<i32>} : memref<128xi32, #tpu.memory_space<vmem>>, vector<16xi32>,
        %dma_start3A_141 = arith.constant 0 : i32
        %dma_start3A_142 = arith.constant 0 : i32
        %dma_start3A_143 = tpu.memref_slice %arg13[%dma_start3A_141, %dma_start3A_142] : memref<10000x128xf32, #tpu.memory_space<vmem_shared>> -> memref<10000x128xf32, #tpu.memory_space<vmem_shared>>
        tpu.enqueue_indirect_dma source(%arg9 : memref<128x128xf32, #tpu.memory_space<vmem>>) target(%dma_start3A_143 : memref<10000x128xf32, #tpu.memory_space<vmem_shared>>) offsets(%arg11 : memref<128xi32, #tpu.memory_space<vmem>>) semaphore(%arg14 : memref<!tpu.dma_semaphore, #tpu.memory_space<semaphore_mem>>) {add = true}
        %add3A_144 = arith.constant 2 : i32
        %add3A_145 = arith.addi %add3A_88, %add3A_144 : i32
        %lt3A = arith.cmpi slt, %add3A_145, %min3A_25 : i32
        %convert_element_type3A_146 = arith.extui %lt3A : i1 to i32
        %cond3A_147 = arith.constant 0 : i32
        %cond3A_148 = arith.cmpi ne, %convert_element_type3A_146, %cond3A_147 : i32
        scf.if %cond3A_148 {
          %dma_wait3A_214 = arith.constant 0 : i32
          %dma_wait3A_215 = arith.constant 0 : i32
          %dma_wait3A_216 = tpu.memref_slice %arg13[%dma_wait3A_214, %dma_wait3A_215] : memref<10000x128xf32, #tpu.memory_space<vmem_shared>> -> memref<10000x128xf32, #tpu.memory_space<vmem_shared>>
          tpu.wait_indirect_dma semaphore(%arg14 : memref<!tpu.dma_semaphore, #tpu.memory_space<semaphore_mem>>) src(%arg9 : memref<128x128xf32, #tpu.memory_space<vmem>>) dst(%dma_wait3A_216 : memref<10000x128xf32, #tpu.memory_space<vmem_shared>>)
          %add3A_217 = arith.constant 2 : i32
          %add3A_218 = arith.addi %add3A_88, %add3A_217 : i32
          %dma_start3A_219 = arith.constant 0 : i32
          %dma_start3A_220 = tpu.memref_slice %arg7[%add3A_218, %dma_start3A_219] : memref<40x128xi32, #tpu.memory_space<vmem>> -> memref<1x128xi32, #tpu.memory_space<vmem>>
          %dma_start3A_221 = tpu.memref_squeeze %dma_start3A_220 : memref<1x128xi32, #tpu.memory_space<vmem>> -> memref<128xi32, #tpu.memory_space<vmem>>
          %dma_start3A_222 = arith.constant 0 : i32
          %dma_start3A_223 = arith.constant 0 : i32
          %dma_start3A_224 = tpu.memref_slice %arg2[%dma_start3A_222, %dma_start3A_223] : memref<10000x128xf32, #tpu.memory_space<hbm>> -> memref<10000x128xf32, #tpu.memory_space<hbm>>
          tpu.enqueue_indirect_dma source(%dma_start3A_224 : memref<10000x128xf32, #tpu.memory_space<hbm>>) target(%arg9 : memref<128x128xf32, #tpu.memory_space<vmem>>) offsets(%dma_start3A_221 : memref<128xi32, #tpu.memory_space<vmem>>) semaphore(%arg16 : memref<!tpu.dma_semaphore, #tpu.memory_space<semaphore_mem>>)
        } else {
        }
        %add3A_149 = arith.constant 1 : i32
        %add3A_150 = arith.addi %add3A_88, %add3A_149 : i32
        %dma_wait3A_151 = arith.constant 0 : i32
        %dma_wait3A_152 = tpu.memref_slice %arg7[%add3A_150, %dma_wait3A_151] : memref<40x128xi32, #tpu.memory_space<vmem>> -> memref<1x128xi32, #tpu.memory_space<vmem>>
        %dma_wait3A_153 = tpu.memref_squeeze %dma_wait3A_152 : memref<1x128xi32, #tpu.memory_space<vmem>> -> memref<128xi32, #tpu.memory_space<vmem>>
        %dma_wait3A_154 = arith.constant 0 : i32
        %dma_wait3A_155 = arith.constant 0 : i32
        %dma_wait3A_156 = tpu.memref_slice %arg2[%dma_wait3A_154, %dma_wait3A_155] : memref<10000x128xf32, #tpu.memory_space<hbm>> -> memref<10000x128xf32, #tpu.memory_space<hbm>>
        tpu.wait_indirect_dma semaphore(%arg17 : memref<!tpu.dma_semaphore, #tpu.memory_space<semaphore_mem>>) src(%dma_wait3A_156 : memref<10000x128xf32, #tpu.memory_space<hbm>>) dst(%arg10 : memref<128x128xf32, #tpu.memory_space<vmem>>)
        %get3A_157 = arith.index_cast %add3A_150 : i32 to index
        %get3A_158 = arith.constant 0 : index
        %get3A_159 = tpu.vector_load %arg8[%get3A_157, %get3A_158] {strides = array<i32>} : memref<40x128xi32, #tpu.memory_space<vmem>>, vector<1x16xi32>,
        %get3A_160 = vector.shape_cast %get3A_159 : vector<1x16xi32> to vector<16xi32>
        %swap3A_161 = arith.constant 0 : index
        %swap3A_162 = tpu.vector_load %arg12[%swap3A_161] {strides = array<i32>} : memref<128xi32, #tpu.memory_space<vmem>>, vector<16xi32>,
        tpu.vector_store %arg12[%swap3A_161], %get3A_160 {strides = array<i32>} : memref<128xi32, #tpu.memory_space<vmem>>, vector<16xi32>,
        %get3A_163 = arith.index_cast %add3A_150 : i32 to index
        %get3A_164 = arith.constant 16 : index
        %get3A_165 = tpu.vector_load %arg8[%get3A_163, %get3A_164] {strides = array<i32>} : memref<40x128xi32, #tpu.memory_space<vmem>>, vector<1x16xi32>,
        %get3A_166 = vector.shape_cast %get3A_165 : vector<1x16xi32> to vector<16xi32>
        %swap3A_167 = arith.constant 16 : index
        %swap3A_168 = tpu.vector_load %arg12[%swap3A_167] {strides = array<i32>} : memref<128xi32, #tpu.memory_space<vmem>>, vector<16xi32>,
        tpu.vector_store %arg12[%swap3A_167], %get3A_166 {strides = array<i32>} : memref<128xi32, #tpu.memory_space<vmem>>, vector<16xi32>,
        %get3A_169 = arith.index_cast %add3A_150 : i32 to index
        %get3A_170 = arith.constant 32 : index
        %get3A_171 = tpu.vector_load %arg8[%get3A_169, %get3A_170] {strides = array<i32>} : memref<40x128xi32, #tpu.memory_space<vmem>>, vector<1x16xi32>,
        %get3A_172 = vector.shape_cast %get3A_171 : vector<1x16xi32> to vector<16xi32>
        %swap3A_173 = arith.constant 32 : index
        %swap3A_174 = tpu.vector_load %arg12[%swap3A_173] {strides = array<i32>} : memref<128xi32, #tpu.memory_space<vmem>>, vector<16xi32>,
        tpu.vector_store %arg12[%swap3A_173], %get3A_172 {strides = array<i32>} : memref<128xi32, #tpu.memory_space<vmem>>, vector<16xi32>,
        %get3A_175 = arith.index_cast %add3A_150 : i32 to index
        %get3A_176 = arith.constant 48 : index
        %get3A_177 = tpu.vector_load %arg8[%get3A_175, %get3A_176] {strides = array<i32>} : memref<40x128xi32, #tpu.memory_space<vmem>>, vector<1x16xi32>,
        %get3A_178 = vector.shape_cast %get3A_177 : vector<1x16xi32> to vector<16xi32>
        %swap3A_179 = arith.constant 48 : index
        %swap3A_180 = tpu.vector_load %arg12[%swap3A_179] {strides = array<i32>} : memref<128xi32, #tpu.memory_space<vmem>>, vector<16xi32>,
        tpu.vector_store %arg12[%swap3A_179], %get3A_178 {strides = array<i32>} : memref<128xi32, #tpu.memory_space<vmem>>, vector<16xi32>,
        %get3A_181 = arith.index_cast %add3A_150 : i32 to index
        %get3A_182 = arith.constant 64 : index
        %get3A_183 = tpu.vector_load %arg8[%get3A_181, %get3A_182] {strides = array<i32>} : memref<40x128xi32, #tpu.memory_space<vmem>>, vector<1x16xi32>,
        %get3A_184 = vector.shape_cast %get3A_183 : vector<1x16xi32> to vector<16xi32>
        %swap3A_185 = arith.constant 64 : index
        %swap3A_186 = tpu.vector_load %arg12[%swap3A_185] {strides = array<i32>} : memref<128xi32, #tpu.memory_space<vmem>>, vector<16xi32>,
        tpu.vector_store %arg12[%swap3A_185], %get3A_184 {strides = array<i32>} : memref<128xi32, #tpu.memory_space<vmem>>, vector<16xi32>,
        %get3A_187 = arith.index_cast %add3A_150 : i32 to index
        %get3A_188 = arith.constant 80 : index
        %get3A_189 = tpu.vector_load %arg8[%get3A_187, %get3A_188] {strides = array<i32>} : memref<40x128xi32, #tpu.memory_space<vmem>>, vector<1x16xi32>,
        %get3A_190 = vector.shape_cast %get3A_189 : vector<1x16xi32> to vector<16xi32>
        %swap3A_191 = arith.constant 80 : index
        %swap3A_192 = tpu.vector_load %arg12[%swap3A_191] {strides = array<i32>} : memref<128xi32, #tpu.memory_space<vmem>>, vector<16xi32>,
        tpu.vector_store %arg12[%swap3A_191], %get3A_190 {strides = array<i32>} : memref<128xi32, #tpu.memory_space<vmem>>, vector<16xi32>,
        %get3A_193 = arith.index_cast %add3A_150 : i32 to index
        %get3A_194 = arith.constant 96 : index
        %get3A_195 = tpu.vector_load %arg8[%get3A_193, %get3A_194] {strides = array<i32>} : memref<40x128xi32, #tpu.memory_space<vmem>>, vector<1x16xi32>,
        %get3A_196 = vector.shape_cast %get3A_195 : vector<1x16xi32> to vector<16xi32>
        %swap3A_197 = arith.constant 96 : index
        %swap3A_198 = tpu.vector_load %arg12[%swap3A_197] {strides = array<i32>} : memref<128xi32, #tpu.memory_space<vmem>>, vector<16xi32>,
        tpu.vector_store %arg12[%swap3A_197], %get3A_196 {strides = array<i32>} : memref<128xi32, #tpu.memory_space<vmem>>, vector<16xi32>,
        %get3A_199 = arith.index_cast %add3A_150 : i32 to index
        %get3A_200 = arith.constant 112 : index
        %get3A_201 = tpu.vector_load %arg8[%get3A_199, %get3A_200] {strides = array<i32>} : memref<40x128xi32, #tpu.memory_space<vmem>>, vector<1x16xi32>,
        %get3A_202 = vector.shape_cast %get3A_201 : vector<1x16xi32> to vector<16xi32>
        %swap3A_203 = arith.constant 112 : index
        %swap3A_204 = tpu.vector_load %arg12[%swap3A_203] {strides = array<i32>} : memref<128xi32, #tpu.memory_space<vmem>>, vector<16xi32>,
        tpu.vector_store %arg12[%swap3A_203], %get3A_202 {strides = array<i32>} : memref<128xi32, #tpu.memory_space<vmem>>, vector<16xi32>,
        %dma_start3A_205 = arith.constant 0 : i32
        %dma_start3A_206 = arith.constant 0 : i32
        %dma_start3A_207 = tpu.memref_slice %arg13[%dma_start3A_205, %dma_start3A_206] : memref<10000x128xf32, #tpu.memory_space<vmem_shared>> -> memref<10000x128xf32, #tpu.memory_space<vmem_shared>>
        tpu.enqueue_indirect_dma source(%arg10 : memref<128x128xf32, #tpu.memory_space<vmem>>) target(%dma_start3A_207 : memref<10000x128xf32, #tpu.memory_space<vmem_shared>>) offsets(%arg12 : memref<128xi32, #tpu.memory_space<vmem>>) semaphore(%arg15 : memref<!tpu.dma_semaphore, #tpu.memory_space<semaphore_mem>>) {add = true}
        %add3A_208 = arith.constant 2 : i32
        %add3A_209 = arith.addi %add3A_150, %add3A_208 : i32
        %lt3A_210 = arith.cmpi slt, %add3A_209, %min3A_25 : i32
        %convert_element_type3A_211 = arith.extui %lt3A_210 : i1 to i32
        %cond3A_212 = arith.constant 0 : i32
        %cond3A_213 = arith.cmpi ne, %convert_element_type3A_211, %cond3A_212 : i32
        scf.if %cond3A_213 {
          %dma_wait3A_214 = arith.constant 0 : i32
          %dma_wait3A_215 = arith.constant 0 : i32
          %dma_wait3A_216 = tpu.memref_slice %arg13[%dma_wait3A_214, %dma_wait3A_215] : memref<10000x128xf32, #tpu.memory_space<vmem_shared>> -> memref<10000x128xf32, #tpu.memory_space<vmem_shared>>
          tpu.wait_indirect_dma semaphore(%arg15 : memref<!tpu.dma_semaphore, #tpu.memory_space<semaphore_mem>>) src(%arg10 : memref<128x128xf32, #tpu.memory_space<vmem>>) dst(%dma_wait3A_216 : memref<10000x128xf32, #tpu.memory_space<vmem_shared>>)
          %add3A_217 = arith.constant 2 : i32
          %add3A_218 = arith.addi %add3A_150, %add3A_217 : i32
          %dma_start3A_219 = arith.constant 0 : i32
          %dma_start3A_220 = tpu.memref_slice %arg7[%add3A_218, %dma_start3A_219] : memref<40x128xi32, #tpu.memory_space<vmem>> -> memref<1x128xi32, #tpu.memory_space<vmem>>
          %dma_start3A_221 = tpu.memref_squeeze %dma_start3A_220 : memref<1x128xi32, #tpu.memory_space<vmem>> -> memref<128xi32, #tpu.memory_space<vmem>>
          %dma_start3A_222 = arith.constant 0 : i32
          %dma_start3A_223 = arith.constant 0 : i32
          %dma_start3A_224 = tpu.memref_slice %arg2[%dma_start3A_222, %dma_start3A_223] : memref<10000x128xf32, #tpu.memory_space<hbm>> -> memref<10000x128xf32, #tpu.memory_space<hbm>>
          tpu.enqueue_indirect_dma source(%dma_start3A_224 : memref<10000x128xf32, #tpu.memory_space<hbm>>) target(%arg10 : memref<128x128xf32, #tpu.memory_space<vmem>>) offsets(%dma_start3A_221 : memref<128xi32, #tpu.memory_space<vmem>>) semaphore(%arg17 : memref<!tpu.dma_semaphore, #tpu.memory_space<semaphore_mem>>)
        } else {
        }
      }
    } else {
    }
    %dma_wait3A = arith.constant 0 : i32
    %dma_wait3A_31 = arith.constant 0 : i32
    %dma_wait3A_32 = tpu.memref_slice %arg13[%dma_wait3A, %dma_wait3A_31] : memref<10000x128xf32, #tpu.memory_space<vmem_shared>> -> memref<10000x128xf32, #tpu.memory_space<vmem_shared>>
    tpu.wait_indirect_dma semaphore(%arg14 : memref<!tpu.dma_semaphore, #tpu.memory_space<semaphore_mem>>) src(%arg9 : memref<128x128xf32, #tpu.memory_space<vmem>>) dst(%dma_wait3A_32 : memref<10000x128xf32, #tpu.memory_space<vmem_shared>>)
    %dma_wait3A_33 = arith.constant 0 : i32
    %dma_wait3A_34 = arith.constant 0 : i32
    %dma_wait3A_35 = tpu.memref_slice %arg13[%dma_wait3A_33, %dma_wait3A_34] : memref<10000x128xf32, #tpu.memory_space<vmem_shared>> -> memref<10000x128xf32, #tpu.memory_space<vmem_shared>>
    tpu.wait_indirect_dma semaphore(%arg15 : memref<!tpu.dma_semaphore, #tpu.memory_space<semaphore_mem>>) src(%arg10 : memref<128x128xf32, #tpu.memory_space<vmem>>) dst(%dma_wait3A_35 : memref<10000x128xf32, #tpu.memory_space<vmem_shared>>)
    %barrier3A_36 = arith.constant 0 : index
    tpu.barrier barrier_id(%barrier3A_36)
    "tpu.region"() ({
      %run_scoped3A = tpu.sem_alloc : memref<!tpu.dma_semaphore, #tpu.memory_space<semaphore_mem>>
      %dma_start3A = arith.constant 0 : i32
      %dma_start3A_42 = arith.constant 0 : i32
      %dma_start3A_43 = tpu.memref_slice %arg6[%arg0, %dma_start3A, %dma_start3A_42] : memref<2x10000x128xf32, #tpu.memory_space<hbm>> -> memref<1x10000x128xf32, #tpu.memory_space<hbm>>
      %dma_start3A_44 = tpu.memref_squeeze %dma_start3A_43 : memref<1x10000x128xf32, #tpu.memory_space<hbm>> -> memref<10000x128xf32, #tpu.memory_space<hbm>>
      %dma_start3A_45 = arith.constant 0 : i32
      %dma_start3A_46 = tpu.memref_slice %dma_start3A_44[%mul3A_5, %dma_start3A_45] : memref<10000x128xf32, #tpu.memory_space<hbm>> -> memref<624x128xf32, #tpu.memory_space<hbm>>
      %dma_start3A_47 = arith.constant 0 : i32
      %dma_start3A_48 = tpu.memref_slice %arg13[%mul3A_5, %dma_start3A_47] : memref<10000x128xf32, #tpu.memory_space<vmem_shared>> -> memref<624x128xf32, #tpu.memory_space<vmem_shared>>
      tpu.enqueue_dma source(%dma_start3A_48 : memref<624x128xf32, #tpu.memory_space<vmem_shared>>) target(%dma_start3A_46 : memref<624x128xf32, #tpu.memory_space<hbm>>) target_semaphore(%run_scoped3A : memref<!tpu.dma_semaphore, #tpu.memory_space<semaphore_mem>>)
      %dma_wait3A_49 = arith.constant 0 : i32
      %dma_wait3A_50 = arith.constant 0 : i32
      %dma_wait3A_51 = tpu.memref_slice %arg6[%arg0, %dma_wait3A_49, %dma_wait3A_50] : memref<2x10000x128xf32, #tpu.memory_space<hbm>> -> memref<1x10000x128xf32, #tpu.memory_space<hbm>>
      %dma_wait3A_52 = tpu.memref_squeeze %dma_wait3A_51 : memref<1x10000x128xf32, #tpu.memory_space<hbm>> -> memref<10000x128xf32, #tpu.memory_space<hbm>>
      %dma_wait3A_53 = arith.constant 0 : i32
      %dma_wait3A_54 = tpu.memref_slice %dma_wait3A_52[%mul3A_5, %dma_wait3A_53] : memref<10000x128xf32, #tpu.memory_space<hbm>> -> memref<624x128xf32, #tpu.memory_space<hbm>>
      %dma_wait3A_55 = arith.constant 0 : i32
      %dma_wait3A_56 = tpu.memref_slice %arg13[%mul3A_5, %dma_wait3A_55] : memref<10000x128xf32, #tpu.memory_space<vmem_shared>> -> memref<624x128xf32, #tpu.memory_space<vmem_shared>>
      tpu.wait_dma2 semaphore(%run_scoped3A : memref<!tpu.dma_semaphore, #tpu.memory_space<semaphore_mem>>) src(%dma_wait3A_56 : memref<624x128xf32, #tpu.memory_space<vmem_shared>>) dst(%dma_wait3A_54 : memref<624x128xf32, #tpu.memory_space<hbm>>)
      tpu.yield
    }) : () -> ()
    %eq3A_37 = arith.constant 15 : i32
    %eq3A_38 = arith.cmpi eq, %arg1, %eq3A_37 : i32
    %convert_element_type3A_39 = arith.extui %eq3A_38 : i1 to i32
    %cond3A_40 = arith.constant 0 : i32
    %cond3A_41 = arith.cmpi ne, %convert_element_type3A_39, %cond3A_40 : i32
    scf.if %cond3A_41 {
      "tpu.region"() ({
        %run_scoped3A = tpu.sem_alloc : memref<!tpu.dma_semaphore, #tpu.memory_space<semaphore_mem>>
        %dma_start3A = arith.constant 0 : i32
        %dma_start3A_42 = arith.constant 0 : i32
        %dma_start3A_43 = tpu.memref_slice %arg6[%arg0, %dma_start3A, %dma_start3A_42] : memref<2x10000x128xf32, #tpu.memory_space<hbm>> -> memref<1x10000x128xf32, #tpu.memory_space<hbm>>
        %dma_start3A_44 = tpu.memref_squeeze %dma_start3A_43 : memref<1x10000x128xf32, #tpu.memory_space<hbm>> -> memref<10000x128xf32, #tpu.memory_space<hbm>>
        %dma_start3A_45 = arith.constant 9984 : i32
        %dma_start3A_46 = arith.constant 0 : i32
        %dma_start3A_47 = tpu.memref_slice %dma_start3A_44[%dma_start3A_45, %dma_start3A_46] : memref<10000x128xf32, #tpu.memory_space<hbm>> -> memref<16x128xf32, #tpu.memory_space<hbm>>
        %dma_start3A_48 = arith.constant 9984 : i32
        %dma_start3A_49 = arith.constant 0 : i32
        %dma_start3A_50 = tpu.memref_slice %arg13[%dma_start3A_48, %dma_start3A_49] : memref<10000x128xf32, #tpu.memory_space<vmem_shared>> -> memref<16x128xf32, #tpu.memory_space<vmem_shared>>
        tpu.enqueue_dma source(%dma_start3A_50 : memref<16x128xf32, #tpu.memory_space<vmem_shared>>) target(%dma_start3A_47 : memref<16x128xf32, #tpu.memory_space<hbm>>) target_semaphore(%run_scoped3A : memref<!tpu.dma_semaphore, #tpu.memory_space<semaphore_mem>>)
        %dma_wait3A_51 = arith.constant 0 : i32
        %dma_wait3A_52 = arith.constant 0 : i32
        %dma_wait3A_53 = tpu.memref_slice %arg6[%arg0, %dma_wait3A_51, %dma_wait3A_52] : memref<2x10000x128xf32, #tpu.memory_space<hbm>> -> memref<1x10000x128xf32, #tpu.memory_space<hbm>>
        %dma_wait3A_54 = tpu.memref_squeeze %dma_wait3A_53 : memref<1x10000x128xf32, #tpu.memory_space<hbm>> -> memref<10000x128xf32, #tpu.memory_space<hbm>>
        %dma_wait3A_55 = arith.constant 9984 : i32
        %dma_wait3A_56 = arith.constant 0 : i32
        %dma_wait3A_57 = tpu.memref_slice %dma_wait3A_54[%dma_wait3A_55, %dma_wait3A_56] : memref<10000x128xf32, #tpu.memory_space<hbm>> -> memref<16x128xf32, #tpu.memory_space<hbm>>
        %dma_wait3A_58 = arith.constant 9984 : i32
        %dma_wait3A_59 = arith.constant 0 : i32
        %dma_wait3A_60 = tpu.memref_slice %arg13[%dma_wait3A_58, %dma_wait3A_59] : memref<10000x128xf32, #tpu.memory_space<vmem_shared>> -> memref<16x128xf32, #tpu.memory_space<vmem_shared>>
        tpu.wait_dma2 semaphore(%run_scoped3A : memref<!tpu.dma_semaphore, #tpu.memory_space<semaphore_mem>>) src(%dma_wait3A_60 : memref<16x128xf32, #tpu.memory_space<vmem_shared>>) dst(%dma_wait3A_57 : memref<16x128xf32, #tpu.memory_space<hbm>>)
        tpu.yield
      }) : () -> ()
    } else {
    }
    return
  }
}

module attributes {stable_mosaic.version = 14 : i64} {
  func.func @_tdinv_body(%arg0: i32, %arg1: memref<2x640x128xf32, #tpu.memory_space<vmem>>, %arg2: memref<640x128xf32, #tpu.memory_space<vmem>>) attributes {dimension_semantics = [#tpu.dimension_semantics<arbitrary>], iteration_bounds = array<i64: 1>, scalar_prefetch = 0 : i64, scratch_operands = 0 : i64, tpu.core_type = #tpu.core_type<tc>, window_params = [{pipeline_mode = #tpu.pipeline_mode<synchronous>, transform_indices = @transform_0, window_bounds = array<i64: 2, 640, 128>}, {pipeline_mode = #tpu.pipeline_mode<synchronous>, transform_indices = @transform_1, window_bounds = array<i64: 640, 128>}]} {
    %get3A = arith.constant 0 : index
    %get3A_0 = arith.constant 0 : index
    %get3A_1 = arith.constant 0 : index
    %get3A_2 = vector.load %arg1[%get3A, %get3A_0, %get3A_1] : memref<2x640x128xf32, #tpu.memory_space<vmem>>, vector<1x640x128xf32>
    %get3A_3 = vector.shape_cast %get3A_2 : vector<1x640x128xf32> to vector<640x128xf32>
    %add3A = arith.constant 1.000000e+00 : f32
    %add3A_4 = vector.broadcast %add3A : f32 to vector<640x128xf32>
    %add3A_5 = arith.addf %add3A_4, %get3A_3 : vector<640x128xf32>
    %get3A_6 = arith.constant 1 : index
    %get3A_7 = arith.constant 0 : index
    %get3A_8 = arith.constant 0 : index
    %get3A_9 = vector.load %arg1[%get3A_6, %get3A_7, %get3A_8] : memref<2x640x128xf32, #tpu.memory_space<vmem>>, vector<1x640x128xf32>
    %get3A_10 = vector.shape_cast %get3A_9 : vector<1x640x128xf32> to vector<640x128xf32>
    %add3A_11 = arith.addf %add3A_5, %get3A_10 : vector<640x128xf32>
    %rsqrt3A = math.rsqrt %add3A_11 : vector<640x128xf32>
    %swap3A = arith.constant 0 : index
    %swap3A_12 = arith.constant 0 : index
    %swap3A_13 = vector.load %arg2[%swap3A, %swap3A_12] : memref<640x128xf32, #tpu.memory_space<vmem>>, vector<640x128xf32>
    tpu.vector_store %arg2[%swap3A, %swap3A_12], %rsqrt3A {strides = array<i32>} : memref<640x128xf32, #tpu.memory_space<vmem>>, vector<640x128xf32>,
    return
  }
  func.func @transform_0(%arg0: i32) -> (i32, i32, i32) {
    %c0_i32 = arith.constant 0 : i32
    %c0_i32_0 = arith.constant 0 : i32
    %c0_i32_1 = arith.constant 0 : i32
    %c0_i32_2 = arith.constant 0 : i32
    return %c0_i32, %c0_i32_0, %c0_i32_1 : i32, i32, i32
  }
  func.func @transform_1(%arg0: i32) -> (i32, i32) {
    %c0_i32 = arith.constant 0 : i32
    %c0_i32_0 = arith.constant 0 : i32
    %c0_i32_1 = arith.constant 0 : i32
    return %c0_i32, %c0_i32_0 : i32, i32
  }
}

module attributes {stable_mosaic.version = 14 : i64} {
  func.func @_t1_body(%arg0: i32, %arg1: memref<1000x128xf32, #tpu.memory_space<vmem>>, %arg2: memref<128x128xf32, #tpu.memory_space<vmem>>, %arg3: memref<1000x1xf32, #tpu.memory_space<vmem>>, %arg4: memref<1000x128xf32, #tpu.memory_space<vmem>>) attributes {dimension_semantics = [#tpu.dimension_semantics<arbitrary>], iteration_bounds = array<i64: 10>, scalar_prefetch = 0 : i64, scratch_operands = 0 : i64, tpu.core_type = #tpu.core_type<tc>, window_params = [{transform_indices = @transform_0, window_bounds = array<i64: 1000, 128>}, {pipeline_mode = #tpu.pipeline_mode<synchronous>, transform_indices = @transform_1, window_bounds = array<i64: 128, 128>}, {transform_indices = @transform_2, window_bounds = array<i64: 1000, 1>}, {transform_indices = @transform_3, window_bounds = array<i64: 1000, 128>}]} {
    %get3A = arith.constant 0 : index
    %get3A_0 = arith.constant 0 : index
    %get3A_1 = vector.load %arg3[%get3A, %get3A_0] : memref<1000x1xf32, #tpu.memory_space<vmem>>, vector<1000x1xf32>
    %get3A_2 = arith.constant 0 : index
    %get3A_3 = arith.constant 0 : index
    %get3A_4 = vector.load %arg1[%get3A_2, %get3A_3] : memref<1000x128xf32, #tpu.memory_space<vmem>>, vector<1000x128xf32>
    %get3A_5 = arith.constant 0 : index
    %get3A_6 = arith.constant 0 : index
    %get3A_7 = vector.load %arg2[%get3A_5, %get3A_6] : memref<128x128xf32, #tpu.memory_space<vmem>>, vector<128x128xf32>
    %dot_general3A = arith.constant dense<0.000000e+00> : vector<1000x128xf32>
    %dot_general3A_8 = tpu.matmul %get3A_4, %get3A_7, %dot_general3A {dimension_numbers = #tpu.dot_dimension_numbers<[1], [0], [0], [1], [0, 0, 1, 1], [], []>, transpose_lhs_hint = false} : vector<1000x128xf32>, vector<128x128xf32>, vector<1000x128xf32> -> vector<1000x128xf32>
    %mul3A = vector.broadcast %get3A_1 : vector<1000x1xf32> to vector<1000x128xf32>
    %mul3A_9 = arith.mulf %dot_general3A_8, %mul3A : vector<1000x128xf32>
    %swap3A = arith.constant 0 : index
    %swap3A_10 = arith.constant 0 : index
    %swap3A_11 = vector.load %arg4[%swap3A, %swap3A_10] : memref<1000x128xf32, #tpu.memory_space<vmem>>, vector<1000x128xf32>
    tpu.vector_store %arg4[%swap3A, %swap3A_10], %mul3A_9 {strides = array<i32>} : memref<1000x128xf32, #tpu.memory_space<vmem>>, vector<1000x128xf32>,
    return
  }
  func.func @transform_0(%arg0: i32) -> (i32, i32) {
    %c0_i32 = arith.constant 0 : i32
    %c0_i32_0 = arith.constant 0 : i32
    return %arg0, %c0_i32 : i32, i32
  }
  func.func @transform_1(%arg0: i32) -> (i32, i32) {
    %c0_i32 = arith.constant 0 : i32
    %c0_i32_0 = arith.constant 0 : i32
    %c0_i32_1 = arith.constant 0 : i32
    return %c0_i32, %c0_i32_0 : i32, i32
  }
  func.func @transform_2(%arg0: i32) -> (i32, i32) {
    %c0_i32 = arith.constant 0 : i32
    %c0_i32_0 = arith.constant 0 : i32
    return %arg0, %c0_i32 : i32, i32
  }
  func.func @transform_3(%arg0: i32) -> (i32, i32) {
    %c0_i32 = arith.constant 0 : i32
    %c0_i32_0 = arith.constant 0 : i32
    return %arg0, %c0_i32 : i32, i32
  }
}

module attributes {stable_mosaic.version = 14 : i64} {
  func.func @_t2_body(%arg0: i32, %arg1: memref<2x1000x128xf32, #tpu.memory_space<vmem>>, %arg2: memref<1000x1xf32, #tpu.memory_space<vmem>>, %arg3: memref<1x128xf32, #tpu.memory_space<vmem>>, %arg4: memref<128x128xf32, #tpu.memory_space<vmem>>, %arg5: memref<1000x128xf32, #tpu.memory_space<vmem>>) attributes {dimension_semantics = [#tpu.dimension_semantics<arbitrary>], iteration_bounds = array<i64: 10>, scalar_prefetch = 0 : i64, scratch_operands = 0 : i64, tpu.core_type = #tpu.core_type<tc>, window_params = [{transform_indices = @transform_0, window_bounds = array<i64: 2, 1000, 128>}, {transform_indices = @transform_1, window_bounds = array<i64: 1000, 1>}, {pipeline_mode = #tpu.pipeline_mode<synchronous>, transform_indices = @transform_2, window_bounds = array<i64: 1, 128>}, {pipeline_mode = #tpu.pipeline_mode<synchronous>, transform_indices = @transform_3, window_bounds = array<i64: 128, 128>}, {transform_indices = @transform_4, window_bounds = array<i64: 1000, 128>}]} {
    %get3A = arith.constant 0 : index
    %get3A_0 = arith.constant 0 : index
    %get3A_1 = vector.load %arg2[%get3A, %get3A_0] : memref<1000x1xf32, #tpu.memory_space<vmem>>, vector<1000x1xf32>
    %get3A_2 = arith.constant 0 : index
    %get3A_3 = arith.constant 0 : index
    %get3A_4 = arith.constant 0 : index
    %get3A_5 = vector.load %arg1[%get3A_2, %get3A_3, %get3A_4] : memref<2x1000x128xf32, #tpu.memory_space<vmem>>, vector<1x1000x128xf32>
    %get3A_6 = vector.shape_cast %get3A_5 : vector<1x1000x128xf32> to vector<1000x128xf32>
    %get3A_7 = arith.constant 1 : index
    %get3A_8 = arith.constant 0 : index
    %get3A_9 = arith.constant 0 : index
    %get3A_10 = vector.load %arg1[%get3A_7, %get3A_8, %get3A_9] : memref<2x1000x128xf32, #tpu.memory_space<vmem>>, vector<1x1000x128xf32>
    %get3A_11 = vector.shape_cast %get3A_10 : vector<1x1000x128xf32> to vector<1000x128xf32>
    %add3A = arith.addf %get3A_6, %get3A_11 : vector<1000x128xf32>
    %mul3A = vector.broadcast %get3A_1 : vector<1000x1xf32> to vector<1000x128xf32>
    %mul3A_12 = arith.mulf %add3A, %mul3A : vector<1000x128xf32>
    %get3A_13 = arith.constant 0 : index
    %get3A_14 = arith.constant 0 : index
    %get3A_15 = vector.load %arg3[%get3A_13, %get3A_14] : memref<1x128xf32, #tpu.memory_space<vmem>>, vector<1x128xf32>
    %add3A_16 = vector.broadcast %get3A_15 : vector<1x128xf32> to vector<1000x128xf32>
    %add3A_17 = arith.addf %mul3A_12, %add3A_16 : vector<1000x128xf32>
    %max3A = arith.constant 0.000000e+00 : f32
    %max3A_18 = vector.broadcast %max3A : f32 to vector<1000x128xf32>
    %max3A_19 = arith.maximumf %add3A_17, %max3A_18 : vector<1000x128xf32>
    %get3A_20 = arith.constant 0 : index
    %get3A_21 = arith.constant 0 : index
    %get3A_22 = vector.load %arg4[%get3A_20, %get3A_21] : memref<128x128xf32, #tpu.memory_space<vmem>>, vector<128x128xf32>
    %dot_general3A = arith.constant dense<0.000000e+00> : vector<1000x128xf32>
    %dot_general3A_23 = tpu.matmul %max3A_19, %get3A_22, %dot_general3A {dimension_numbers = #tpu.dot_dimension_numbers<[1], [0], [0], [1], [0, 0, 1, 1], [], []>, transpose_lhs_hint = false} : vector<1000x128xf32>, vector<128x128xf32>, vector<1000x128xf32> -> vector<1000x128xf32>
    %mul3A_24 = vector.broadcast %get3A_1 : vector<1000x1xf32> to vector<1000x128xf32>
    %mul3A_25 = arith.mulf %dot_general3A_23, %mul3A_24 : vector<1000x128xf32>
    %swap3A = arith.constant 0 : index
    %swap3A_26 = arith.constant 0 : index
    %swap3A_27 = vector.load %arg5[%swap3A, %swap3A_26] : memref<1000x128xf32, #tpu.memory_space<vmem>>, vector<1000x128xf32>
    tpu.vector_store %arg5[%swap3A, %swap3A_26], %mul3A_25 {strides = array<i32>} : memref<1000x128xf32, #tpu.memory_space<vmem>>, vector<1000x128xf32>,
    return
  }
  func.func @transform_0(%arg0: i32) -> (i32, i32, i32) {
    %c0_i32 = arith.constant 0 : i32
    %c0_i32_0 = arith.constant 0 : i32
    %c0_i32_1 = arith.constant 0 : i32
    return %c0_i32, %arg0, %c0_i32_0 : i32, i32, i32
  }
  func.func @transform_1(%arg0: i32) -> (i32, i32) {
    %c0_i32 = arith.constant 0 : i32
    %c0_i32_0 = arith.constant 0 : i32
    return %arg0, %c0_i32 : i32, i32
  }
  func.func @transform_2(%arg0: i32) -> (i32, i32) {
    %c0_i32 = arith.constant 0 : i32
    %c0_i32_0 = arith.constant 0 : i32
    %c0_i32_1 = arith.constant 0 : i32
    return %c0_i32, %c0_i32_0 : i32, i32
  }
  func.func @transform_3(%arg0: i32) -> (i32, i32) {
    %c0_i32 = arith.constant 0 : i32
    %c0_i32_0 = arith.constant 0 : i32
    %c0_i32_1 = arith.constant 0 : i32
    return %c0_i32, %c0_i32_0 : i32, i32
  }
  func.func @transform_4(%arg0: i32) -> (i32, i32) {
    %c0_i32 = arith.constant 0 : i32
    %c0_i32_0 = arith.constant 0 : i32
    return %arg0, %c0_i32 : i32, i32
  }
}

module attributes {stable_mosaic.version = 14 : i64} {
  func.func @_t3_body(%arg0: i32, %arg1: memref<2x1000x128xf32, #tpu.memory_space<vmem>>, %arg2: memref<1000x1xf32, #tpu.memory_space<vmem>>, %arg3: memref<1x128xf32, #tpu.memory_space<vmem>>, %arg4: memref<1000x1xi32, #tpu.memory_space<vmem>>, %arg5: memref<128x128xf32, #tpu.memory_space<vmem>>, %arg6: memref<1x128xf32, #tpu.memory_space<vmem>>, %arg7: memref<128x8xf32, #tpu.memory_space<vmem>>, %arg8: memref<1x8xf32, #tpu.memory_space<vmem>>, %arg9: memref<64x8xf32, #tpu.memory_space<vmem>>, %arg10: memref<64x128xf32, #tpu.memory_space<vmem>>) attributes {dimension_semantics = [#tpu.dimension_semantics<arbitrary>], iteration_bounds = array<i64: 10>, scalar_prefetch = 0 : i64, scratch_operands = 1 : i64, tpu.core_type = #tpu.core_type<tc>, window_params = [{transform_indices = @transform_0, window_bounds = array<i64: 2, 1000, 128>}, {transform_indices = @transform_1, window_bounds = array<i64: 1000, 1>}, {pipeline_mode = #tpu.pipeline_mode<synchronous>, transform_indices = @transform_2, window_bounds = array<i64: 1, 128>}, {transform_indices = @transform_3, window_bounds = array<i64: 1000, 1>}, {pipeline_mode = #tpu.pipeline_mode<synchronous>, transform_indices = @transform_4, window_bounds = array<i64: 128, 128>}, {pipeline_mode = #tpu.pipeline_mode<synchronous>, transform_indices = @transform_5, window_bounds = array<i64: 1, 128>}, {pipeline_mode = #tpu.pipeline_mode<synchronous>, transform_indices = @transform_6, window_bounds = array<i64: 128, 8>}, {pipeline_mode = #tpu.pipeline_mode<synchronous>, transform_indices = @transform_7, window_bounds = array<i64: 1, 8>}, {pipeline_mode = #tpu.pipeline_mode<synchronous>, transform_indices = @transform_8, window_bounds = array<i64: 64, 8>}]} {
    %eq3A = arith.constant 0 : i32
    %eq3A_0 = arith.cmpi eq, %arg0, %eq3A : i32
    %convert_element_type3A = arith.extui %eq3A_0 : i1 to i32
    %cond3A = arith.constant 0 : i32
    %cond3A_1 = arith.cmpi ne, %convert_element_type3A, %cond3A : i32
    scf.if %cond3A_1 {
      %broadcast_in_dim3A = arith.constant 0xFF800000 : f32
      %broadcast_in_dim3A_42 = vector.broadcast %broadcast_in_dim3A : f32 to vector<64x128xf32>
      %swap3A = arith.constant 0 : index
      %swap3A_43 = arith.constant 0 : index
      %swap3A_44 = vector.load %arg10[%swap3A, %swap3A_43] : memref<64x128xf32, #tpu.memory_space<vmem>>, vector<64x128xf32>
      tpu.vector_store %arg10[%swap3A, %swap3A_43], %broadcast_in_dim3A_42 {strides = array<i32>} : memref<64x128xf32, #tpu.memory_space<vmem>>, vector<64x128xf32>,
    } else {
    }
    %get3A = arith.constant 0 : index
    %get3A_2 = arith.constant 0 : index
    %get3A_3 = vector.load %arg2[%get3A, %get3A_2] : memref<1000x1xf32, #tpu.memory_space<vmem>>, vector<1000x1xf32>
    %get3A_4 = arith.constant 0 : index
    %get3A_5 = arith.constant 0 : index
    %get3A_6 = arith.constant 0 : index
    %get3A_7 = vector.load %arg1[%get3A_4, %get3A_5, %get3A_6] : memref<2x1000x128xf32, #tpu.memory_space<vmem>>, vector<1x1000x128xf32>
    %get3A_8 = vector.shape_cast %get3A_7 : vector<1x1000x128xf32> to vector<1000x128xf32>
    %get3A_9 = arith.constant 1 : index
    %get3A_10 = arith.constant 0 : index
    %get3A_11 = arith.constant 0 : index
    %get3A_12 = vector.load %arg1[%get3A_9, %get3A_10, %get3A_11] : memref<2x1000x128xf32, #tpu.memory_space<vmem>>, vector<1x1000x128xf32>
    %get3A_13 = vector.shape_cast %get3A_12 : vector<1x1000x128xf32> to vector<1000x128xf32>
    %add3A = arith.addf %get3A_8, %get3A_13 : vector<1000x128xf32>
    %mul3A = vector.broadcast %get3A_3 : vector<1000x1xf32> to vector<1000x128xf32>
    %mul3A_14 = arith.mulf %add3A, %mul3A : vector<1000x128xf32>
    %get3A_15 = arith.constant 0 : index
    %get3A_16 = arith.constant 0 : index
    %get3A_17 = vector.load %arg3[%get3A_15, %get3A_16] : memref<1x128xf32, #tpu.memory_space<vmem>>, vector<1x128xf32>
    %add3A_18 = vector.broadcast %get3A_17 : vector<1x128xf32> to vector<1000x128xf32>
    %add3A_19 = arith.addf %mul3A_14, %add3A_18 : vector<1000x128xf32>
    %max3A = arith.constant 0.000000e+00 : f32
    %max3A_20 = vector.broadcast %max3A : f32 to vector<1000x128xf32>
    %max3A_21 = arith.maximumf %add3A_19, %max3A_20 : vector<1000x128xf32>
    %get3A_22 = arith.constant 0 : index
    %get3A_23 = arith.constant 0 : index
    %get3A_24 = vector.load %arg4[%get3A_22, %get3A_23] : memref<1000x1xi32, #tpu.memory_space<vmem>>, vector<1000x1xi32>
    %slice3A = vector.extract_strided_slice %get3A_24 {offsets = [0, 0], sizes = [1, 1], strides = [1, 1]} : vector<1000x1xi32> to vector<1x1xi32>
    %squeeze3A = vector.extract %slice3A[0, 0] : i32 from vector<1x1xi32>
    %slice3A_25 = vector.extract_strided_slice %get3A_24 {offsets = [999, 0], sizes = [1, 1], strides = [1, 1]} : vector<1000x1xi32> to vector<1x1xi32>
    %squeeze3A_26 = vector.extract %slice3A_25[0, 0] : i32 from vector<1x1xi32>
    %add3A_27 = arith.constant 1 : i32
    %add3A_28 = arith.addi %squeeze3A_26, %add3A_27 : i32
    %while3A = arith.constant 0 : i32
    %while3A_29 = arith.subi %add3A_28, %squeeze3A : i32
    %while3A_30 = arith.addi %squeeze3A, %while3A_29 : i32
    %while3A_31 = arith.constant 1 : i32
    %while3A_32 = arith.divsi %while3A_29, %while3A_31 : i32
    %while3A_33 = arith.muli %while3A_32, %while3A_31 : i32
    %while3A_34 = arith.addi %squeeze3A, %while3A_33 : i32
    %while3A_35 = arith.constant 1 : i32
    scf.for %while3A_42 = %squeeze3A to %while3A_34 step %while3A_35  : i32 {
      %eq3A_43 = vector.broadcast %while3A_42 : i32 to vector<1000x1xi32>
      %eq3A_44 = arith.cmpi eq, %get3A_24, %eq3A_43 : vector<1000x1xi32>
      %jit3A = arith.constant 0xFF800000 : f32
      %broadcast_in_dim3A = vector.shape_cast %eq3A_44 : vector<1000x1xi1> to vector<1000x1xi1>
      %broadcast_in_dim3A_45 = vector.broadcast %broadcast_in_dim3A : vector<1000x1xi1> to vector<1000x128xi1>
      %broadcast_in_dim3A_46 = vector.broadcast %jit3A : f32 to vector<1000x128xf32>
      %select_n3A = arith.select %broadcast_in_dim3A_45, %max3A_21, %broadcast_in_dim3A_46 : vector<1000x128xi1>, vector<1000x128xf32>
      %get3A_47 = arith.index_cast %while3A_42 : i32 to index
      %get3A_48 = arith.constant 0 : index
      %get3A_49 = vector.load %arg10[%get3A_47, %get3A_48] : memref<64x128xf32, #tpu.memory_space<vmem>>, vector<1x128xf32>
      %reduce_max3A = arith.constant dense<0xFF800000> : vector<128xf32>
      %reduce_max3A_50 = vector.multi_reduction <maximumf>, %select_n3A, %reduce_max3A [0] : vector<1000x128xf32> to vector<128xf32>
      %broadcast_in_dim3A_51 = vector.shape_cast %reduce_max3A_50 : vector<128xf32> to vector<1x128xf32>
      %max3A_52 = arith.maximumf %get3A_49, %broadcast_in_dim3A_51 : vector<1x128xf32>
      %swap3A = arith.index_cast %while3A_42 : i32 to index
      %swap3A_53 = arith.constant 0 : index
      %swap3A_54 = vector.load %arg10[%swap3A, %swap3A_53] : memref<64x128xf32, #tpu.memory_space<vmem>>, vector<1x128xf32>
      tpu.vector_store %arg10[%swap3A, %swap3A_53], %max3A_52 {strides = array<i32>} : memref<64x128xf32, #tpu.memory_space<vmem>>, vector<1x128xf32>,
    }
    %while3A_36 = arith.constant 1 : i32
    scf.for %while3A_42 = %while3A_34 to %while3A_30 step %while3A_36  : i32 {
      %eq3A_43 = vector.broadcast %while3A_42 : i32 to vector<1000x1xi32>
      %eq3A_44 = arith.cmpi eq, %get3A_24, %eq3A_43 : vector<1000x1xi32>
      %jit3A = arith.constant 0xFF800000 : f32
      %broadcast_in_dim3A = vector.shape_cast %eq3A_44 : vector<1000x1xi1> to vector<1000x1xi1>
      %broadcast_in_dim3A_45 = vector.broadcast %broadcast_in_dim3A : vector<1000x1xi1> to vector<1000x128xi1>
      %broadcast_in_dim3A_46 = vector.broadcast %jit3A : f32 to vector<1000x128xf32>
      %select_n3A = arith.select %broadcast_in_dim3A_45, %max3A_21, %broadcast_in_dim3A_46 : vector<1000x128xi1>, vector<1000x128xf32>
      %get3A_47 = arith.index_cast %while3A_42 : i32 to index
      %get3A_48 = arith.constant 0 : index
      %get3A_49 = vector.load %arg10[%get3A_47, %get3A_48] : memref<64x128xf32, #tpu.memory_space<vmem>>, vector<1x128xf32>
      %reduce_max3A = arith.constant dense<0xFF800000> : vector<128xf32>
      %reduce_max3A_50 = vector.multi_reduction <maximumf>, %select_n3A, %reduce_max3A [0] : vector<1000x128xf32> to vector<128xf32>
      %broadcast_in_dim3A_51 = vector.shape_cast %reduce_max3A_50 : vector<128xf32> to vector<1x128xf32>
      %max3A_52 = arith.maximumf %get3A_49, %broadcast_in_dim3A_51 : vector<1x128xf32>
      %swap3A = arith.index_cast %while3A_42 : i32 to index
      %swap3A_53 = arith.constant 0 : index
      %swap3A_54 = vector.load %arg10[%swap3A, %swap3A_53] : memref<64x128xf32, #tpu.memory_space<vmem>>, vector<1x128xf32>
      tpu.vector_store %arg10[%swap3A, %swap3A_53], %max3A_52 {strides = array<i32>} : memref<64x128xf32, #tpu.memory_space<vmem>>, vector<1x128xf32>,
    }
    %eq3A_37 = arith.constant 9 : i32
    %eq3A_38 = arith.cmpi eq, %arg0, %eq3A_37 : i32
    %convert_element_type3A_39 = arith.extui %eq3A_38 : i1 to i32
    %cond3A_40 = arith.constant 0 : i32
    %cond3A_41 = arith.cmpi ne, %convert_element_type3A_39, %cond3A_40 : i32
    scf.if %cond3A_41 {
      %get3A_42 = arith.constant 0 : index
      %get3A_43 = arith.constant 0 : index
      %get3A_44 = vector.load %arg10[%get3A_42, %get3A_43] : memref<64x128xf32, #tpu.memory_space<vmem>>, vector<64x128xf32>
      %get3A_45 = arith.constant 0 : index
      %get3A_46 = arith.constant 0 : index
      %get3A_47 = vector.load %arg5[%get3A_45, %get3A_46] : memref<128x128xf32, #tpu.memory_space<vmem>>, vector<128x128xf32>
      %dot_general3A = arith.constant dense<0.000000e+00> : vector<64x128xf32>
      %dot_general3A_48 = tpu.matmul %get3A_44, %get3A_47, %dot_general3A {dimension_numbers = #tpu.dot_dimension_numbers<[1], [0], [0], [1], [0, 0, 1, 1], [], []>, transpose_lhs_hint = false} : vector<64x128xf32>, vector<128x128xf32>, vector<64x128xf32> -> vector<64x128xf32>
      %get3A_49 = arith.constant 0 : index
      %get3A_50 = arith.constant 0 : index
      %get3A_51 = vector.load %arg6[%get3A_49, %get3A_50] : memref<1x128xf32, #tpu.memory_space<vmem>>, vector<1x128xf32>
      %add3A_52 = vector.broadcast %get3A_51 : vector<1x128xf32> to vector<64x128xf32>
      %add3A_53 = arith.addf %dot_general3A_48, %add3A_52 : vector<64x128xf32>
      %get3A_54 = arith.constant 0 : index
      %get3A_55 = arith.constant 0 : index
      %get3A_56 = vector.load %arg7[%get3A_54, %get3A_55] : memref<128x8xf32, #tpu.memory_space<vmem>>, vector<128x8xf32>
      %dot_general3A_57 = arith.constant dense<0.000000e+00> : vector<64x8xf32>
      %dot_general3A_58 = tpu.matmul %add3A_53, %get3A_56, %dot_general3A_57 {dimension_numbers = #tpu.dot_dimension_numbers<[1], [0], [0], [1], [0, 0, 1, 1], [], []>, transpose_lhs_hint = false} : vector<64x128xf32>, vector<128x8xf32>, vector<64x8xf32> -> vector<64x8xf32>
      %get3A_59 = arith.constant 0 : index
      %get3A_60 = arith.constant 0 : index
      %get3A_61 = vector.load %arg8[%get3A_59, %get3A_60] : memref<1x8xf32, #tpu.memory_space<vmem>>, vector<1x8xf32>
      %add3A_62 = vector.broadcast %get3A_61 : vector<1x8xf32> to vector<64x8xf32>
      %add3A_63 = arith.addf %dot_general3A_58, %add3A_62 : vector<64x8xf32>
      %swap3A = arith.constant 0 : index
      %swap3A_64 = arith.constant 0 : index
      %swap3A_65 = vector.load %arg9[%swap3A, %swap3A_64] : memref<64x8xf32, #tpu.memory_space<vmem>>, vector<64x8xf32>
      tpu.vector_store %arg9[%swap3A, %swap3A_64], %add3A_63 {strides = array<i32>} : memref<64x8xf32, #tpu.memory_space<vmem>>, vector<64x8xf32>,
    } else {
    }
    return
  }
  func.func @transform_0(%arg0: i32) -> (i32, i32, i32) {
    %c0_i32 = arith.constant 0 : i32
    %c0_i32_0 = arith.constant 0 : i32
    %c0_i32_1 = arith.constant 0 : i32
    return %c0_i32, %arg0, %c0_i32_0 : i32, i32, i32
  }
  func.func @transform_1(%arg0: i32) -> (i32, i32) {
    %c0_i32 = arith.constant 0 : i32
    %c0_i32_0 = arith.constant 0 : i32
    return %arg0, %c0_i32 : i32, i32
  }
  func.func @transform_2(%arg0: i32) -> (i32, i32) {
    %c0_i32 = arith.constant 0 : i32
    %c0_i32_0 = arith.constant 0 : i32
    %c0_i32_1 = arith.constant 0 : i32
    return %c0_i32, %c0_i32_0 : i32, i32
  }
  func.func @transform_3(%arg0: i32) -> (i32, i32) {
    %c0_i32 = arith.constant 0 : i32
    %c0_i32_0 = arith.constant 0 : i32
    return %arg0, %c0_i32 : i32, i32
  }
  func.func @transform_4(%arg0: i32) -> (i32, i32) {
    %c0_i32 = arith.constant 0 : i32
    %c0_i32_0 = arith.constant 0 : i32
    %c0_i32_1 = arith.constant 0 : i32
    return %c0_i32, %c0_i32_0 : i32, i32
  }
  func.func @transform_5(%arg0: i32) -> (i32, i32) {
    %c0_i32 = arith.constant 0 : i32
    %c0_i32_0 = arith.constant 0 : i32
    %c0_i32_1 = arith.constant 0 : i32
    return %c0_i32, %c0_i32_0 : i32, i32
  }
  func.func @transform_6(%arg0: i32) -> (i32, i32) {
    %c0_i32 = arith.constant 0 : i32
    %c0_i32_0 = arith.constant 0 : i32
    %c0_i32_1 = arith.constant 0 : i32
    return %c0_i32, %c0_i32_0 : i32, i32
  }
  func.func @transform_7(%arg0: i32) -> (i32, i32) {
    %c0_i32 = arith.constant 0 : i32
    %c0_i32_0 = arith.constant 0 : i32
    %c0_i32_1 = arith.constant 0 : i32
    return %c0_i32, %c0_i32_0 : i32, i32
  }
  func.func @transform_8(%arg0: i32) -> (i32, i32) {
    %c0_i32 = arith.constant 0 : i32
    %c0_i32_0 = arith.constant 0 : i32
    %c0_i32_1 = arith.constant 0 : i32
    return %c0_i32, %c0_i32_0 : i32, i32
  }
}

</mosaic_0001>

<sc_bundles>
// kernel: kernel.12.cloned.1.call-start
scs
__scs_entry_jumppad:
0x0: {  	(pc) =	sbr.rel $0x88, $3  }
0x1: {  	(tag) =	ssettag $0x0;
	lr =	simm.s32 $0x1  }
0x2: {  	[smem:$0x3F96] =	sst lr;
	_ =	strace $0xD0000000  }
0x3: {  	_ = 	snop  }
0x4: {  	_ = 	snop  }
0x5: {  	_ = 	snop  }
0x6: {  	_ = 	snop  }
0x7: {  	_ = 	snop  }
__scs_overlays_trampoline_lowered:
0x8: {  	[smem:$0x3FA5] =	sst s0  }
0x9: {  	[smem:$0x3FA6] =	sst s1  }
0xa: {  	[smem:$0x3FA7] =	sst s2  }
0xb: {  	[smem:$0x3FA8] =	sst s3  }
0xc: {  	[smem:$0x3FA9] =	sst s4  }
0xd: {  	[smem:$0x3FAA] =	sst s5  }
0xe: {  	[smem:$0x3FAB] =	sst s6  }
0xf: {  	[smem:$0x3FAC] =	sst s7  }
0x10: {  	[smem:$0x3FAD] =	sst s8  }
0x11: {  	[smem:$0x3FAE] =	sst s9;
	s0 =	simm.s32 @!p0 $0x0  }
0x12: {  	s1 =	sld [smem:$0x3F94];
	s0 =	simm.s32 @p0 $0x1  }
0x13: {  	[smem:$0x3FAF] =	sst s0;
	s0 =	simm.s32 @!p1 $0x0  }
0x14: {  	s2 =	sld [smem:$0x3F93];
	s0 =	simm.s32 @p1 $0x1  }
0x15: {  	[smem:$0x3FB0] =	sst s0;
	s0 =	simm.s32 @!p2 $0x0  }
0x16: {  	s3 =	sld [smem:$0x3FDB];
	s0 =	simm.s32 @p2 $0x1  }
0x17: {  	s4 =	simm.s32 $0x1BF5;
	[smem:$0x3FB2] =	sst s0  }
0x18: {  	s0 =	sld [smem:$0x3F95];
	_ =	swait.ge [sflag:s4], $0x0  }
0x19: {  	s7 =	sld [smem:$0x3F96]  }
0x1a: {  	s8 =	sadd.s32 $0xFFFFE003, lr  }
0x1b: {  	s9 =	sadd.s32 $0xFFFFFEF7, lr;
	s5 =	simm.s32 $0xFFFFFFFF;
	p2 =	slt.u32 s8, $0xFFFFF086  }
0x1c: {  	p1 =	slt.u32 s9, $0xF7A;
	s5 =	simm.s32 @!p2 $0x0  }
0x1d: {  	s5 =	simm.s32 @p1 $0x1;
	p0 =	seq.s32 s7, s2  }
0x1e: {  	s7 =	smul.u32 @!p0 $0xF7A, s2;
	p2 =	seq.s32 @!p0 s5, $0x0  }
0x1f: {  	s9 =	smul.u32 $0xF7A, s1;
	s8 =	simm.s32 @!p0 $0x1BF5;
	p2 =	por !p2, p0  }
0x20: {  	[sflag:s8] =	ssyncset.s32 @!p0 $0xFFFFF086;
	s6 =	sadd.s32 @!p0 s3, s7;
	s7 =	simm.s32 @!p0 $0x108  }
0x21: {  	s3 =	sadd.s32 s3, s9;
	s6 =	sadd.s32 @!p0 $0x88, s6;
	s7 =	simm.s32 @p2 $0x1082  }
0x22: {  	[simem:s7], [sflag:s8] =	dma.local @!p0 [hbm:s6], $0xF7A  }
0x23: {  	s9 =	sor.u32 $0xD0000000, s2;
	s6 =	simm.s32 $0x108;
	_ =	swait.ge @!p0 [sflag:s8], $0x0  }
0x24: {  	s3 =	sadd.s32 $0x88, s3;
	s6 =	simm.s32 @!p1 $0x1082;
	[sflag:s4] =	ssyncset.s32 $0xFFFFF086  }
0x25: {  	[simem:s6], [sflag:s4] =	dma.local [hbm:s3], $0xF7A  }
0x26: {  	[smem:$0x3F96] =	sst s1;
	(tag) =	ssettag s2;
	_ =	strace s9  }
0x27: {  	s1 =	sld [smem:$0x3FA6]  }
0x28: {  	s2 =	sld [smem:$0x3FA7]  }
0x29: {  	s4 =	sld [smem:$0x3FA9]  }
0x2a: {  	p0 =	seq.s32 s5, $0x0;
	s5 =	sld [smem:$0x3FAA]  }
0x2b: {  	s6 =	sld [smem:$0x3FAB]  }
0x2c: {  	s7 =	sld [smem:$0x3FAC]  }
0x2d: {  	s3 =	simm.s32 $0x108;
	s8 =	sld [smem:$0x3FAD]  }
0x2e: {  	s3 =	simm.s32 @!p0 $0x1082;
	s9 =	sld [smem:$0x3FAE]  }
0x2f: {  	lr =	sadd.s32 s0, s3;
	s0 =	sld [smem:$0x3FA5]  }
0x30: {  	s3 =	sld [smem:$0x3FA8]  }
0x31: {  	[smem:$0x3FB1] =	sst s10  }
0x32: {  	s10 =	sld [smem:$0x3FAF];
	_ =	sdelay $0x3  }
0x33: {  	p0 =	seq.s32 s10, $0x1;
	s10 =	sld [smem:$0x3FB1];
	_ =	sdelay $0x3  }
0x34: {  	[smem:$0x3FB1] =	sst s10  }
0x35: {  	s10 =	sld [smem:$0x3FB0];
	_ =	sdelay $0x3  }
0x36: {  	p1 =	seq.s32 s10, $0x1;
	s10 =	sld [smem:$0x3FB1];
	_ =	sdelay $0x3  }
0x37: {  	[smem:$0x3FB1] =	sst s10  }
0x38: {  	s10 =	sld [smem:$0x3FB2]  }
0x39: {  	_ = 	snop;
	(pc) =	sbr.ind lr, $3  }
0x3a: {  	_ = 	snop  }
0x3b: {  	_ = 	snop  }
0x3c: {  	p2 =	seq.s32 s10, $0x1;
	s10 =	sld [smem:$0x3FB1]  }
0x3d: {  	_ =	shalt  }
0x3e: {  	_ =	shalt  }
0x3f: {  	_ =	shalt  }
0x40: {  	_ =	shalt  }
0x41: {  	_ =	shalt  }
0x42: {  	_ =	shalt  }
0x43: {  	_ =	shalt  }
0x44: {  	_ =	shalt  }
0x45: {  	_ =	shalt  }
0x46: {  	_ =	shalt  }
0x47: {  	_ =	shalt  }
0x48: {  	_ =	shalt  }
0x49: {  	_ =	shalt  }
0x4a: {  	_ =	shalt  }
0x4b: {  	_ =	shalt  }
0x4c: {  	_ =	shalt  }
0x4d: {  	_ =	shalt  }
0x4e: {  	_ =	shalt  }
0x4f: {  	_ =	shalt  }
0x50: {  	_ =	shalt  }
0x51: {  	_ =	shalt  }
0x52: {  	_ =	shalt  }
0x53: {  	_ =	shalt  }
0x54: {  	_ =	shalt  }
0x55: {  	_ =	shalt  }
0x56: {  	_ =	shalt  }
0x57: {  	_ =	shalt  }
0x58: {  	_ =	shalt  }
0x59: {  	_ =	shalt  }
0x5a: {  	_ =	shalt  }
0x5b: {  	_ =	shalt  }
0x5c: {  	_ =	shalt  }
0x5d: {  	_ =	shalt  }
0x5e: {  	_ =	shalt  }
0x5f: {  	_ =	shalt  }
0x60: {  	_ =	shalt  }
0x61: {  	_ =	shalt  }
0x62: {  	_ =	shalt  }
0x63: {  	_ =	shalt  }
0x64: {  	_ =	shalt  }
0x65: {  	_ =	shalt  }
0x66: {  	_ =	shalt  }
0x67: {  	_ =	shalt  }
0x68: {  	_ =	shalt  }
0x69: {  	_ =	shalt  }
0x6a: {  	_ =	shalt  }
0x6b: {  	_ =	shalt  }
0x6c: {  	_ =	shalt  }
0x6d: {  	_ =	shalt  }
0x6e: {  	_ =	shalt  }
0x6f: {  	_ =	shalt  }
0x70: {  	_ =	shalt  }
0x71: {  	_ =	shalt  }
0x72: {  	_ =	shalt  }
0x73: {  	_ =	shalt  }
0x74: {  	_ =	shalt  }
0x75: {  	_ =	shalt  }
0x76: {  	_ =	shalt  }
0x77: {  	_ =	shalt  }
0x78: {  	_ =	shalt  }
0x79: {  	_ =	shalt  }
0x7a: {  	_ =	shalt  }
0x7b: {  	_ =	shalt  }
0x7c: {  	_ =	shalt  }
0x7d: {  	_ =	shalt  }
0x7e: {  	_ =	shalt  }
0x7f: {  	_ =	shalt  }
0x80: {  	_ =	shalt  }
0x81: {  	_ =	shalt  }
0x82: {  	_ =	shalt  }
0x83: {  	_ =	shalt  }
0x84: {  	_ =	shalt  }
0x85: {  	_ =	shalt  }
0x86: {  	_ =	shalt  }
0x87: {  	_ =	shalt  }
.Lfunc_end0:
.L_simem_size_0:
called_computation.1_lowered:
.L_overlay_start_0:
0x88: {  	s2 =	sld [smem:$0x3FD9]  }
0x89: {  	s3 =	sld [smem:$0x3FFE];
	_ =	sdelay $0x1  }
0x8a: {  	s1 =	srdreg.scid  }
0x8b: {  	s0 =	sand.u32 $0x1, s1  }
0x8c: {  	s16 =	sshll.u32 s0, $0xA;
	s2 =	sadd.s32 s3, s2  }
0x8d: {  	s2 =	sadd.s32 s2, s16  }
0x8e: {  	[smem:$0x3FBD] =	sst s2  }
0x8f: {  	_ = 	snop  }
0x90: {  	(tm) =	ssettm $0x1  }
0x91: {  	s17 =	sld [smem:$0x3FFB];
	_ =	sdelay $0x3  }
0x92: {  	_ =	strace s17  }
0x93: {  	s2 =	sld [smem:$0x3FFC];
	_ =	sdelay $0x3  }
0x94: {  	_ =	strace s2  }
0x95: {  	s2 =	sld [smem:$0x3FFD];
	_ =	sdelay $0x3  }
0x96: {  	_ =	strace s2  }
0x97: {  	_ =	strace $0x8FFFFFFF  }
0x98: {  	s18 =	sld [smem:$0x3FDB];
	_ =	sdelay $0x1  }
0x99: {  	s19 =	simm.s32 $_scs_section_size  }
0x9a: {  	s4 =	simm.s32 $_size__tile_overlayer_lowered;
	s5 =	simm.s32 $_tile_overlayer_lowered  }
0x9b: {  	s22 =	simm.s32 $0x1BFF;
	s21 =	sshll.u32 s5, $0x1;
	s2 =	sadd.s32 s19, s18  }
0x9c: {  	s6 =	simm.s32 $0x0;
	s20 =	sshll.u32 s4, $0x1;
	s4 =	sadd.s32 s21, s2  }
0x9d: {  	[timem:s6], [sflag:s22] =	dma.local [hbm:s4], s20  }
0x9e: {  	_ =	swait.ge [sflag:s22], s20  }
0x9f: {  	s3 =	ssub.s32 $0x0, s20;
	[sflag:s22] =	ssyncset.done $0x0  }
0xa0: {  	[sflag:s22] =	ssyncadd.s32 s3;
	_ =	sdelay $0x1  }
0xa1: {  	s23 =	simm.s32 $0x1B8B  }
0xa2: {  	_ =	swait.ge [sflag:s23], $0x1  }
0xa3: {  	[sflag:s23] =	ssyncset.done $0x0  }
0xa4: {  	s25 =	simm.s32 $0x1B8E;
	s24 =	sld [smem:$0x3FFE];
	[sflag:s23] =	ssyncadd.s32 $0xFFFFFFFF  }
0xa5: {  	s26 =	simm.s32 $execute0_lowered;
	[smem:$0x3FD2] =	sst s25  }
0xa6: {  	s4 =	sshll.u32 s26, $0x1;
	_ =	strace $0x80000049;
	[dreg:$0x1] =	wrdreg $0xFFFFFFFF  }
0xa7: {  	s28 =	simm.s32 $_size_execute0_lowered;
	s2 =	sadd.s32 s2, s4;
	[dreg:$0x0] =	wrdreg $0x0  }
0xa8: {  	s4 =	sshll.u32 s28, $0x1;
	[dreg:$0x2] =	wrdreg s2  }
0xa9: {  	[dreg:$0x3] =	wrdreg s4  }
0xaa: {  	[dreg:$0x4] =	wrdreg $0xC0  }
0xab: {  	_ =	task [dreg:s6], $0x5FFFF  }
0xac: {  	[dreg:$0x1] =	wrdreg $0xFFFFFFFF  }
0xad: {  	[dreg:$0x0] =	wrdreg $0x60  }
0xae: {  	[dreg:$0x2] =	wrdreg s24  }
0xaf: {  	[dreg:$0x3] =	wrdreg $0xA9000  }
0xb0: {  	[dreg:$0x4] =	wrdreg $0x9  }
0xb1: {  	_ =	task.clear_ibuf [dreg:s6], $0x5FFFF;
	_ =	strace $0x90000049  }
0xb2: {  	s29 =	simm.s32 $0x9;
	_ =	strace $0x8000004B  }
0xb3: {  	_ =	swait.ge [sflag:s29], $0x1  }
0xb4: {  	[sflag:s29] =	ssyncadd.s32 $0xFFFFFFFF  }
0xb5: {  	_ =	strace $0x9000004B  }
0xb6: {  	_ =	sfence  }
0xb7: {  	s30 =	sld [smem:$0x0];
	_ =	sdelay $0x2  }
0xb8: {  	s31 =	sshll.u32 s1, $0xD;
	s1 =	sshrl.u32 s1, $0x2  }
0xb9: {  	s3 =	sand.u32 $0x4000, s31;
	s1 =	sadd.s32 s1, s30  }
0xba: {  	s0 =	sor.u32 s3, s0;
	s1 =	sshll.u32 s1, $0x11  }
0xbb: {  	s0 =	sor.u32 s1, s0  }
0xbc: {  	s0 =	sadd.s32 $0x8F2B, s0  }
0xbd: {  	[sflag:s0] =	ssyncadd.remote.s32 $0x1  }
0xbe: {  	_ =	sfence.sel $0xFFFF  }
0xbf: {  	[dreg:$0x0] =	wrdreg $0xFFFFFFFF;
	(pc) =	sbr.abs _section_cstart, $3  }
0xc0: {  	[dreg:$0x1] =	wrdreg $0xFFFFFFFF  }
0xc1: {  	_ =	task.clear_ibuf [dreg:s6], $0x2FFFF;
	_ =	strace $0x9FFFFFFF  }
0xc2: {  	(tm) =	ssettm $0x7FFFFFFF  }
0xc3: {  	_ =	shalt  }
tec
execute0_lowered:
.L_overlay_start_1:
0x0: {  	(tag) =	ssettag $0x1  }
0x1: {  	s0 =	rddreg [dreg:$0x0]  }
0x2: {  	s1 =	rddreg [dreg:$0x1];
	s2 =	simm.s32 $0x0;
	s3 =	srdreg.scid  }
0x3: {  	s13 =	stileid.u32;
	s12 =	simm.s32 $0x14;
	s28 =	simm.s32 $0xA800  }
0x4: {  	s29 =	simm.s32 $0x4;
	s30 =	simm.s32 $0xA880;
	s31 =	simm.s32 $0x1  }
0x5: {  	[smem:$0x7FF] =	sst s2;
	s4 =	sand.u32 $0x1, s3;
	s3 =	sadd.s32 $0x1E000, s0  }
0x6: {  	s11 =	sadd.s32 $0x45200, s0;
	s7 =	sadd.s32 $0x14000, s0;
	s26 =	smul.u32 $0x4E000, s13  }
0x7: {  	s8 =	sadd.s32 $0x2800, s0;
	s6 =	sshll.u32 s13, $0x1;
	s14 =	smul.u32 $0x2700, s13  }
0x8: {  	p2 =	sne.s32 s13, $0xF;
	p3 =	seq.s32 s13, $0xF;
	_ =	strace $0x8000004A  }
0x9: {  	s5 =	smul.u32 $0x27100, s4;
	s25 =	ssub.s32 $0x2, s4;
	s10 =	sor.u32 s4, s6  }
0xa: {  	p1 =	seq.s32 s4, $0x1;
	[dreg:$0x3] =	wrdreg s11;
	s9 =	sshrl.u32 s25, $0x1  }
0xb: {  	p0 =	seq.s32 s10, $0x1F;
	s6 =	sshrl.u32 s26, $0x2;
	s16 =	smul.u32 $0x500, s10  }
0xc: {  	s17 =	sadd.s32 s3, s14;
	s10 =	smul.u32 $0x2800, s10;
	[dreg:$0x4] =	wrdreg s14  }
0xd: {  	s0 =	sadd.s32 s5, s0;
	s15 =	sadd.s32 s6, s1;
	[dreg:$0x6] =	wrdreg s17  }
0xe: {  	s5 =	ssub.s32 s25, s9;
	s6 =	sadd.s32 s11, s14;
	[dreg:$0x5] =	wrdreg s15  }
0xf: {  	s12 =	simm.s32 @!p0 $0x50;
	s9 =	sadd.s32 $0x138000, s1;
	[dreg:$0x7] =	wrdreg s6  }
0x10: {  	s11 =	smin.u32 s12, $0x28;
	s18 =	sadd.s32 s7, s16;
	s4 =	sadd.s32 s8, s16  }
0x11: {  	s19 =	smax.u32 s12, $0x28;
	s10 =	sshrl.u32 s10, $0x3;
	s17 =	sadd.s32 $0x6C400, s0  }
0x12: {  	s25 =	smax.u32 s5, $0x1;
	s0 =	simm.s32 $0x2;
	[dreg:$0x8] =	wrdreg s18  }
0x13: {  	[dreg:$0x9] =	wrdreg s4;
	s20 =	sshrl.u32 s11, $0x1;
	s14 =	sadd.s32 $0xFFFFFFD8, s19  }
0x14: {  	s21 =	sadd.s32 $0x280, s10;
	[dreg:$0xd] =	wrdreg s25;
	s25 =	simm.s32 $0x6800  }
.Ltmp0:
0x15: {  	s22 =	sadd.s32 s7, s21;
	s4 =	sadd.s32 s8, s21;
	(pc) =	sbr.rel .LBB2_1-.Ltmp0, $4  }
0x16: {  	s23 =	sshrl.u32 s14, $0x1;
	s26 =	sadd.s32 $0xFFFFFFFF, s20;
	[dreg:$0xa] =	wrdreg s22  }
0x17: {  	s21 =	simm.s32 $0x5;
	s8 =	simm.s32 $0x0;
	[dreg:$0xb] =	wrdreg s4  }
0x18: {  	s24 =	smax.u32 s23, $0x1;
	[dreg:$0xe] =	wrdreg s26;
	s23 =	simm.s32 $0x80  }
0x19: {  	s26 =	simm.s32 $0x3;
	[dreg:$0xc] =	wrdreg s24;
	s24 =	simm.s32 $0x2800  }
.LBB2_10:
0x1a: {  	[sflag:s12] =	ssyncadd.s32 @!p5 $0xFFFFC000  }
0x1b: {  	[tilespmem:s13], [sflag:$0x4] =	stream.indirect.gather @!p5 [hbm4b:s3+s19], $0x80, s18, s19, $0xb8;
	[tilespmem:$0x1E180] =	vst v63  }
.LBB2_11:
0x1c: {  	_ =	swait.ge [sflag:s31], $0x4000  }
0x1d: {  	[sflag:s31] =	ssyncset.done $0x0  }
0x1e: {  	[sflag:s31] =	ssyncadd.s32 $0xFFFFC000  }
0x1f: {  	_ =	swait.ge [sflag:s0], $0x4000  }
0x20: {  	[sflag:s0] =	ssyncset.done $0x0  }
0x21: {  	[sflag:s0] =	ssyncadd.s32 $0xFFFFC000  }
0x22: {  	[bflag:$0x0] =	sbarrier.arrive $0xFFFF  }
0x23: {  	s4 =	rddreg [dreg:$0x4]  }
0x24: {  	s5 =	sor.u32 $0x1C05, s10;
	s4 =	sadd.s32 s4, s17  }
0x25: {  	[hbm:s4], [sflag:s5] =	dma.local [spmem:s15], $0x2700  }
0x26: {  	_ =	swait.ge [sflag:s21], $0x2700  }
0x27: {  	[sflag:s21] =	ssyncset.done $0x0  }
0x28: {  	s6 =	sshrl.u32 @!p2 s9, $0x3;
	s4 =	sadd.s32 @!p2 $0x27000, s17;
	[sflag:s21] =	ssyncadd.s32 $0xFFFFD900  }
0x29: {  	[hbm:s4], [sflag:s5] =	dma.local @!p2 [spmem:s6], $0x100  }
0x2a: {  	s4 =	simm.s32 @!p2 $0x5  }
0x2b: {  	_ =	swait.ge @!p2 [sflag:s4], $0x100  }
0x2c: {  	s8 =	sadd.s32 $0x1, s8;
	s22 =	rddreg [dreg:$0xd]  }
0x2d: {  	p4 =	sne.s32 s8, s22  }
.Ltmp1:
0x2e: {  	_ = 	snop;
	(pc) =	sbr.rel @!p4 .LBB2_12-.Ltmp1, $3  }
0x2f: {  	_ =	sdelay $0x1  }
0x30: {  	[sflag:s4] =	ssyncset.done @!p2 $0x0  }
0x31: {  	[sflag:s4] =	ssyncadd.s32 @!p2 $0xFFFFFF00  }
.LBB2_1:
.Ltmp2:
0x32: {  	(pc) =	sbr.rel @!p1 .LBB2_2-.Ltmp2, $4  }
0x33: {  	_ = 	snop  }
0x34: {  	s4 =	stileid.u32  }
0x35: {  	s22 =	rddreg [dreg:$0x5];
	s10 =	sshll.u32 s4, $0x6  }
0x36: {  	s15 =	sshrl.u32 s22, $0x3;
	s4 =	sor.u32 $0x1C05, s10  }
0x37: {  	s4 =	sor.u32 $0x1C05, s10;
	s5 =	rddreg [dreg:$0x7]  }
0x38: {  	[spmem:s15], [sflag:s4] =	dma.local [hbm:s5], $0x2700  }
.Ltmp3:
0x39: {  	_ = 	snop;
	(pc) =	sbr.rel @p2 .LBB2_5-.Ltmp3, $4  }
.Ltmp4:
0x3a: {  	_ = 	snop;
	(pc) =	sbr.rel @!p2 .LBB2_4-.Ltmp4, $4  }
0x3b: {  	_ =	swait.ge [sflag:s21], $0x2700  }
0x3c: {  	[sflag:s21] =	ssyncset.done $0x0  }
0x3d: {  	s5 =	rddreg [dreg:$0x3];
	[sflag:s21] =	ssyncadd.s32 $0xFFFFD900  }
0x3e: {  	_ = 	snop  }
.LBB2_2:
.Ltmp5:
0x3f: {  	s5 =	rddreg [dreg:$0x6];
	(pc) =	sbr.rel @!p3 .LBB2_5-.Ltmp5, $4  }
0x40: {  	[spmem:s15], [sflag:s4] =	dma.local [hbm:s5], $0x2700  }
0x41: {  	_ =	swait.ge [sflag:s21], $0x2700  }
0x42: {  	[sflag:s21] =	ssyncset.done $0x0  }
0x43: {  	s5 =	smov.u32 s3;
	[sflag:s21] =	ssyncadd.s32 $0xFFFFD900  }
.LBB2_4:
0x44: {  	s5 =	sadd.s32 $0x27000, s5;
	s7 =	sshrl.u32 s9, $0x3  }
0x45: {  	[spmem:s7], [sflag:s4] =	dma.local [hbm:s5], $0x100  }
0x46: {  	_ =	swait.ge [sflag:s21], $0x100  }
0x47: {  	[sflag:s21] =	ssyncset.done $0x0  }
0x48: {  	[sflag:s21] =	ssyncadd.s32 $0xFFFFFF00  }
.LBB2_5:
0x49: {  	[bflag:$0x0] =	sbarrier.arrive $0xFFFF  }
0x4a: {  	s4 =	rddreg [dreg:$0x8]  }
0x4b: {  	[tilespmem:s2], [sflag:$0x5] =	stream.linear.gather [hbm4b:s4+s2], $0x1400, $0x38;
	[tilespmem:$0x1E180] =	vst v63  }
0x4c: {  	_ =	swait.ge [sflag:s21], $0x1400  }
0x4d: {  	[sflag:s21] =	ssyncset.done $0x0  }
0x4e: {  	s5 =	simm.s32 $0x1400;
	s20 =	rddreg [dreg:$0x9];
	[sflag:s21] =	ssyncadd.s32 $0xFFFFEC00  }
0x4f: {  	[tilespmem:s5], [sflag:$0x5] =	stream.linear.gather [hbm4b:s20+s2], $0x1400, $0x38;
	[tilespmem:$0x1E180] =	vst v63  }
0x50: {  	_ =	swait.ge [sflag:s21], $0x1400  }
0x51: {  	[sflag:s21] =	ssyncset.done $0x0  }
0x52: {  	[sflag:s21] =	ssyncadd.s32 $0xFFFFEC00  }
0x53: {  	[tilespmem:s24], [sflag:$0x3] =	stream.indirect.gather [hbm4b:s3+s23], $0x80, s2, s23, $0xb8;
	[tilespmem:$0x1E180] =	vst v63  }
0x54: {  	_ = 	snop  }
0x55: {  	[tilespmem:s25], [sflag:$0x4] =	stream.indirect.gather [hbm4b:s3+s23], $0x80, s23, s23, $0xb8;
	[tilespmem:$0x1E180] =	vst v63  }
0x56: {  	_ =	swait.ge [sflag:s26], $0x4000  }
0x57: {  	[sflag:s26] =	ssyncset.done $0x0  }
0x58: {  	s7 =	simm.s32 $0x1480;
	[sflag:s26] =	ssyncadd.s32 $0xFFFFC000  }
0x59: {  	v0 =	vld [tilespmem:s7+$0xFFFFFF80];
	_ =	sdelay $0x4  }
0x5a: {  	[tilespmem:$0xA800] =	vst v0  }
0x5b: {  	v0 =	vld [tilespmem:s7+$0xFFFFFF90];
	_ =	sdelay $0x4  }
0x5c: {  	[tilespmem:$0xA810] =	vst v0  }
0x5d: {  	v0 =	vld [tilespmem:s7+$0xFFFFFFA0];
	_ =	sdelay $0x4  }
0x5e: {  	[tilespmem:$0xA820] =	vst v0  }
0x5f: {  	v0 =	vld [tilespmem:s7+$0xFFFFFFB0];
	_ =	sdelay $0x4  }
0x60: {  	[tilespmem:$0xA830] =	vst v0  }
0x61: {  	v0 =	vld [tilespmem:s7+$0xFFFFFFC0];
	_ =	sdelay $0x4  }
0x62: {  	[tilespmem:$0xA840] =	vst v0  }
0x63: {  	v0 =	vld [tilespmem:s7+$0xFFFFFFD0];
	_ =	sdelay $0x4  }
0x64: {  	[tilespmem:$0xA850] =	vst v0  }
0x65: {  	v0 =	vld [tilespmem:s7+$0xFFFFFFE0];
	_ =	sdelay $0x4  }
0x66: {  	[tilespmem:$0xA860] =	vst v0  }
0x67: {  	v0 =	vld [tilespmem:s7+$0xFFFFFFF0];
	_ =	sdelay $0x3  }
0x68: {  	p4 =	sle.u32 s11, $0x2  }
0x69: {  	s4 =	simm.s32 @!p4 $0x1;
	[tilespmem:$0xA870] =	vst v0  }
0x6a: {  	[spmem:s1] =	stream.indirect.scatter.add.f32 [tilespmem:s24], [sflag:$0x1], $0x80, s28, s23, $0xb8;
	[tilespmem:$0x1E180] =	vst v63  }
0x6b: {  	_ =	swait.ge @!p4 [sflag:s4], $0x4000  }
0x6c: {  	s12 =	simm.s32 @!p4 $0x100;
	[sflag:s4] =	ssyncset.done @!p4 $0x0  }
0x6d: {  	s13 =	simm.s32 @!p4 $0x80;
	s5 =	simm.s32 @!p4 $0x2800;
	[sflag:s4] =	ssyncadd.s32 @!p4 $0xFFFFC000  }
0x6e: {  	[tilespmem:s5], [sflag:$0x3] =	stream.indirect.gather @!p4 [hbm4b:s3+s13], $0x80, s12, s13, $0xb8;
	[tilespmem:$0x1E180] =	vst v63  }
0x6f: {  	_ =	swait.ge [sflag:s29], $0x4000  }
0x70: {  	[sflag:s29] =	ssyncset.done $0x0  }
0x71: {  	[sflag:s29] =	ssyncadd.s32 $0xFFFFC000  }
0x72: {  	v63 =	vld [tilespmem:s7+$0x0];
	_ =	sdelay $0x4  }
0x73: {  	[tilespmem:$0xA880] =	vst v63  }
0x74: {  	v0 =	vld [tilespmem:s7+$0x10];
	_ =	sdelay $0x4  }
0x75: {  	[tilespmem:$0xA890] =	vst v0  }
0x76: {  	v0 =	vld [tilespmem:s7+$0x20];
	_ =	sdelay $0x4  }
0x77: {  	[tilespmem:$0xA8A0] =	vst v0  }
0x78: {  	v0 =	vld [tilespmem:s7+$0x30];
	_ =	sdelay $0x4  }
0x79: {  	[tilespmem:$0xA8B0] =	vst v0  }
0x7a: {  	v0 =	vld [tilespmem:s7+$0x40];
	_ =	sdelay $0x4  }
0x7b: {  	[tilespmem:$0xA8C0] =	vst v0  }
0x7c: {  	v0 =	vld [tilespmem:s7+$0x50];
	_ =	sdelay $0x4  }
0x7d: {  	[tilespmem:$0xA8D0] =	vst v0  }
0x7e: {  	v0 =	vld [tilespmem:s7+$0x60];
	_ =	sdelay $0x4  }
0x7f: {  	[tilespmem:$0xA8E0] =	vst v0  }
0x80: {  	v0 =	vld [tilespmem:s7+$0x70]  }
0x81: {  	s22 =	rddreg [dreg:$0xe]  }
0x82: {  	s22 =	sadd.s32 $0xFFFFFFFF, s22  }
0x83: {  	p4 =	sne.s32 s22, $0x0  }
.Ltmp6:
0x84: {  	p5 =	sle.u32 s11, $0x3;
	s18 =	simm.s32 $0x180;
	(pc) =	sbr.rel @!p4 .LBB2_7-.Ltmp6, $4  }
0x85: {  	s16 =	simm.s32 $0x1580;
	s19 =	simm.s32 @!p5 $0x80;
	s13 =	simm.s32 @!p5 $0x2;
	[tilespmem:$0xA8F0] =	vst v0  }
0x86: {  	[spmem:s1] =	stream.indirect.scatter.add.f32 [tilespmem:s25], [sflag:$0x2], $0x80, s30, s23, $0xb8;
	[tilespmem:$0x1E180] =	vst v63  }
0x87: {  	s20 =	simm.s32 @!p5 $0x6800;
	s4 =	simm.s32 $0x180;
	_ =	swait.ge @!p5 [sflag:s13], $0x4000  }
0x88: {  	s5 =	simm.s32 $0x5;
	s12 =	simm.s32 $0x180;
	[sflag:s13] =	ssyncset.done @!p5 $0x0  }
.LBB2_6:
0x89: {  	s4 =	smov.u32 s18;
	s7 =	smov.u32 s16  }
0x8a: {  	s22 =	sadd.s32 $0xFFFFFFFF, s22;
	s18 =	sadd.s32 $0x100, s18;
	[sflag:s13] =	ssyncadd.s32 @!p5 $0xFFFFC000  }
0x8b: {  	[tilespmem:s20], [sflag:$0x4] =	stream.indirect.gather @!p5 [hbm4b:s3+s19], $0x80, s12, s19, $0xb8;
	[tilespmem:$0x1E180] =	vst v63  }
0x8c: {  	p4 =	sne.s32 s22, $0x0;
	s12 =	smov.u32 s18;
	_ =	swait.ge [sflag:s26], $0x4000  }
0x8d: {  	[sflag:s26] =	ssyncset.done $0x0  }
0x8e: {  	[sflag:s26] =	ssyncadd.s32 $0xFFFFC000  }
0x8f: {  	v0 =	vld [tilespmem:s16+$0xFFFFFF80];
	_ =	sdelay $0x4  }
0x90: {  	[tilespmem:$0xA800] =	vst v0  }
0x91: {  	v0 =	vld [tilespmem:s16+$0xFFFFFF90];
	_ =	sdelay $0x4  }
0x92: {  	[tilespmem:$0xA810] =	vst v0  }
0x93: {  	v0 =	vld [tilespmem:s16+$0xFFFFFFA0];
	_ =	sdelay $0x4  }
0x94: {  	[tilespmem:$0xA820] =	vst v0  }
0x95: {  	v0 =	vld [tilespmem:s16+$0xFFFFFFB0];
	_ =	sdelay $0x4  }
0x96: {  	[tilespmem:$0xA830] =	vst v0  }
0x97: {  	v0 =	vld [tilespmem:s16+$0xFFFFFFC0];
	_ =	sdelay $0x4  }
0x98: {  	[tilespmem:$0xA840] =	vst v0  }
0x99: {  	v0 =	vld [tilespmem:s16+$0xFFFFFFD0];
	_ =	sdelay $0x4  }
0x9a: {  	[tilespmem:$0xA850] =	vst v0  }
0x9b: {  	v0 =	vld [tilespmem:s16+$0xFFFFFFE0];
	_ =	sdelay $0x4  }
0x9c: {  	[tilespmem:$0xA860] =	vst v0  }
0x9d: {  	v0 =	vld [tilespmem:s16+$0xFFFFFFF0];
	_ =	sdelay $0x2  }
0x9e: {  	s13 =	sadd.s32 $0xFFFFFFFF, s5  }
0x9f: {  	p5 =	sge.u32 s13, s11  }
0xa0: {  	s13 =	simm.s32 @!p5 $0x1;
	[tilespmem:$0xA870] =	vst v0  }
0xa1: {  	[spmem:s1] =	stream.indirect.scatter.add.f32 [tilespmem:s24], [sflag:$0x1], $0x80, s28, s23, $0xb8;
	[tilespmem:$0x1E180] =	vst v63  }
0xa2: {  	s19 =	simm.s32 @!p5 $0x2800;
	_ =	swait.ge @!p5 [sflag:s13], $0x4000  }
0xa3: {  	s20 =	sadd.s32 @!p5 $0xFFFFFF80, s18;
	s6 =	simm.s32 @!p5 $0x80;
	[sflag:s13] =	ssyncset.done @!p5 $0x0  }
0xa4: {  	[sflag:s13] =	ssyncadd.s32 @!p5 $0xFFFFC000  }
0xa5: {  	[tilespmem:s19], [sflag:$0x3] =	stream.indirect.gather @!p5 [hbm4b:s3+s6], $0x80, s20, s6, $0xb8;
	[tilespmem:$0x1E180] =	vst v63  }
0xa6: {  	_ =	swait.ge [sflag:s29], $0x4000  }
0xa7: {  	[sflag:s29] =	ssyncset.done $0x0  }
0xa8: {  	[sflag:s29] =	ssyncadd.s32 $0xFFFFC000  }
0xa9: {  	v0 =	vld [tilespmem:s16+$0x0];
	_ =	sdelay $0x4  }
0xaa: {  	[tilespmem:$0xA880] =	vst v0  }
0xab: {  	v0 =	vld [tilespmem:s16+$0x10];
	_ =	sdelay $0x4  }
0xac: {  	[tilespmem:$0xA890] =	vst v0  }
0xad: {  	v0 =	vld [tilespmem:s16+$0x20];
	_ =	sdelay $0x4  }
0xae: {  	[tilespmem:$0xA8A0] =	vst v0  }
0xaf: {  	v0 =	vld [tilespmem:s16+$0x30];
	_ =	sdelay $0x4  }
0xb0: {  	[tilespmem:$0xA8B0] =	vst v0  }
0xb1: {  	v0 =	vld [tilespmem:s16+$0x40];
	_ =	sdelay $0x4  }
0xb2: {  	[tilespmem:$0xA8C0] =	vst v0  }
0xb3: {  	v0 =	vld [tilespmem:s16+$0x50];
	_ =	sdelay $0x4  }
0xb4: {  	[tilespmem:$0xA8D0] =	vst v0  }
0xb5: {  	v0 =	vld [tilespmem:s16+$0x60];
	_ =	sdelay $0x4  }
0xb6: {  	[tilespmem:$0xA8E0] =	vst v0  }
0xb7: {  	v0 =	vld [tilespmem:s16+$0x70];
	_ =	sdelay $0x3  }
.Ltmp7:
0xb8: {  	p5 =	sge.u32 s5, s11;
	(pc) =	sbr.rel @p4 .LBB2_6-.Ltmp7, $4  }
0xb9: {  	s13 =	simm.s32 @!p5 $0x2;
	[tilespmem:$0xA8F0] =	vst v0  }
0xba: {  	[spmem:s1] =	stream.indirect.scatter.add.f32 [tilespmem:s25], [sflag:$0x2], $0x80, s30, s23, $0xb8;
	[tilespmem:$0x1E180] =	vst v63  }
0xbb: {  	s5 =	sadd.s32 $0x2, s5;
	s16 =	sadd.s32 $0x100, s16;
	_ =	swait.ge @!p5 [sflag:s13], $0x4000  }
0xbc: {  	s19 =	simm.s32 @!p5 $0x80;
	s20 =	simm.s32 @!p5 $0x6800;
	[sflag:s13] =	ssyncset.done @!p5 $0x0  }
.LBB2_7:
0xbd: {  	[sflag:s13] =	ssyncadd.s32 @!p5 $0xFFFFC000  }
0xbe: {  	[tilespmem:s20], [sflag:$0x4] =	stream.indirect.gather @!p5 [hbm4b:s3+s19], $0x80, s12, s19, $0xb8;
	[tilespmem:$0x1E180] =	vst v63  }
0xbf: {  	_ =	swait.ge [sflag:s26], $0x4000  }
0xc0: {  	[sflag:s26] =	ssyncset.done $0x0  }
0xc1: {  	[sflag:s26] =	ssyncadd.s32 $0xFFFFC000  }
0xc2: {  	v0 =	vld [tilespmem:s7+$0x80];
	_ =	sdelay $0x4  }
0xc3: {  	[tilespmem:$0xA800] =	vst v0  }
0xc4: {  	v0 =	vld [tilespmem:s7+$0x90];
	_ =	sdelay $0x4  }
0xc5: {  	[tilespmem:$0xA810] =	vst v0  }
0xc6: {  	v0 =	vld [tilespmem:s7+$0xA0];
	_ =	sdelay $0x4  }
0xc7: {  	[tilespmem:$0xA820] =	vst v0  }
0xc8: {  	v0 =	vld [tilespmem:s7+$0xB0];
	_ =	sdelay $0x4  }
0xc9: {  	[tilespmem:$0xA830] =	vst v0  }
0xca: {  	v0 =	vld [tilespmem:s7+$0xC0];
	_ =	sdelay $0x4  }
0xcb: {  	[tilespmem:$0xA840] =	vst v0  }
0xcc: {  	v0 =	vld [tilespmem:s7+$0xD0];
	_ =	sdelay $0x4  }
0xcd: {  	[tilespmem:$0xA850] =	vst v0  }
0xce: {  	v0 =	vld [tilespmem:s7+$0xE0];
	_ =	sdelay $0x4  }
0xcf: {  	[tilespmem:$0xA860] =	vst v0  }
0xd0: {  	v0 =	vld [tilespmem:s7+$0xF0];
	_ =	sdelay $0x2  }
0xd1: {  	s6 =	sadd.s32 $0xFFFFFFFF, s5  }
0xd2: {  	p4 =	sge.u32 s6, s11  }
0xd3: {  	s6 =	simm.s32 @!p4 $0x1;
	[tilespmem:$0xA870] =	vst v0  }
0xd4: {  	[spmem:s1] =	stream.indirect.scatter.add.f32 [tilespmem:s24], [sflag:$0x1], $0x80, s28, s23, $0xb8;
	[tilespmem:$0x1E180] =	vst v63  }
0xd5: {  	_ =	swait.ge @!p4 [sflag:s6], $0x4000  }
0xd6: {  	s4 =	sadd.s32 @!p4 $0x80, s4;
	[sflag:s6] =	ssyncset.done @!p4 $0x0  }
0xd7: {  	s12 =	simm.s32 @!p4 $0x2800;
	[sflag:s6] =	ssyncadd.s32 @!p4 $0xFFFFC000;
	s6 =	simm.s32 @!p4 $0x80  }
0xd8: {  	[tilespmem:s12], [sflag:$0x3] =	stream.indirect.gather @!p4 [hbm4b:s3+s6], $0x80, s4, s6, $0xb8;
	[tilespmem:$0x1E180] =	vst v63  }
0xd9: {  	_ =	swait.ge [sflag:s29], $0x4000  }
0xda: {  	[sflag:s29] =	ssyncset.done $0x0  }
0xdb: {  	[sflag:s29] =	ssyncadd.s32 $0xFFFFC000  }
0xdc: {  	v63 =	vld [tilespmem:s7+$0x100];
	_ =	sdelay $0x4  }
0xdd: {  	[tilespmem:$0xA880] =	vst v63  }
0xde: {  	v0 =	vld [tilespmem:s7+$0x110];
	_ =	sdelay $0x4  }
0xdf: {  	[tilespmem:$0xA890] =	vst v0  }
0xe0: {  	v0 =	vld [tilespmem:s7+$0x120];
	_ =	sdelay $0x4  }
0xe1: {  	[tilespmem:$0xA8A0] =	vst v0  }
0xe2: {  	v0 =	vld [tilespmem:s7+$0x130];
	_ =	sdelay $0x4  }
0xe3: {  	[tilespmem:$0xA8B0] =	vst v0  }
0xe4: {  	v0 =	vld [tilespmem:s7+$0x140];
	_ =	sdelay $0x4  }
0xe5: {  	[tilespmem:$0xA8C0] =	vst v0  }
0xe6: {  	v0 =	vld [tilespmem:s7+$0x150];
	_ =	sdelay $0x4  }
0xe7: {  	[tilespmem:$0xA8D0] =	vst v0  }
0xe8: {  	v0 =	vld [tilespmem:s7+$0x160];
	_ =	sdelay $0x4  }
0xe9: {  	[tilespmem:$0xA8E0] =	vst v0  }
0xea: {  	v0 =	vld [tilespmem:s7+$0x170];
	_ =	sdelay $0x4  }
0xeb: {  	p4 =	sge.u32 s5, s11;
	[tilespmem:$0xA8F0] =	vst v0  }
0xec: {  	[spmem:s1] =	stream.indirect.scatter.add.f32 [tilespmem:s25], [sflag:$0x2], $0x80, s30, s23, $0xb8;
	[tilespmem:$0x1E180] =	vst v63  }
.Ltmp8:
0xed: {  	s4 =	simm.s32 @!p4 $0x2;
	(pc) =	sbr.rel @p0 .LBB2_11-.Ltmp8, $4  }
0xee: {  	_ =	swait.ge @!p4 [sflag:s4], $0x4000  }
0xef: {  	s5 =	sadd.s32 $0x100, s18;
	[sflag:s4] =	ssyncset.done @!p4 $0x0  }
0xf0: {  	s6 =	simm.s32 @!p4 $0x6800;
	[sflag:s4] =	ssyncadd.s32 @!p4 $0xFFFFC000;
	s4 =	simm.s32 @!p4 $0x80  }
0xf1: {  	[tilespmem:s6], [sflag:$0x4] =	stream.indirect.gather @!p4 [hbm4b:s3+s4], $0x80, s5, s4, $0xb8;
	[tilespmem:$0x1E180] =	vst v63  }
0xf2: {  	s4 =	rddreg [dreg:$0xa]  }
0xf3: {  	[tilespmem:s2], [sflag:$0x5] =	stream.linear.gather [hbm4b:s4+s2], $0x1400, $0x38;
	[tilespmem:$0x1E180] =	vst v63  }
0xf4: {  	_ =	swait.ge [sflag:s21], $0x1400  }
0xf5: {  	[sflag:s21] =	ssyncset.done $0x0  }
0xf6: {  	s5 =	simm.s32 $0x1400;
	s18 =	rddreg [dreg:$0xb];
	[sflag:s21] =	ssyncadd.s32 $0xFFFFEC00  }
0xf7: {  	[tilespmem:s5], [sflag:$0x5] =	stream.linear.gather [hbm4b:s18+s2], $0x1400, $0x38;
	[tilespmem:$0x1E180] =	vst v63  }
0xf8: {  	_ =	swait.ge [sflag:s21], $0x1400  }
0xf9: {  	[sflag:s21] =	ssyncset.done $0x0  }
0xfa: {  	[sflag:s21] =	ssyncadd.s32 $0xFFFFEC00  }
0xfb: {  	_ =	swait.ge [sflag:s31], $0x4000  }
0xfc: {  	[sflag:s31] =	ssyncset.done $0x0  }
0xfd: {  	s19 =	simm.s32 $0x2;
	[sflag:s31] =	ssyncadd.s32 $0xFFFFC000  }
0xfe: {  	_ =	swait.ge [sflag:s19], $0x4000  }
0xff: {  	[sflag:s19] =	ssyncset.done $0x0  }
0x100: {  	[sflag:s19] =	ssyncadd.s32 $0xFFFFC000  }
0x101: {  	[tilespmem:s24], [sflag:$0x3] =	stream.indirect.gather [hbm4b:s3+s23], $0x80, s2, s23, $0xb8;
	[tilespmem:$0x1E180] =	vst v63  }
0x102: {  	_ = 	snop  }
0x103: {  	[tilespmem:s25], [sflag:$0x4] =	stream.indirect.gather [hbm4b:s3+s23], $0x80, s23, s23, $0xb8;
	[tilespmem:$0x1E180] =	vst v63  }
0x104: {  	_ =	swait.ge [sflag:s26], $0x4000  }
0x105: {  	[sflag:s26] =	ssyncset.done $0x0  }
0x106: {  	s20 =	simm.s32 $0x1480;
	[sflag:s26] =	ssyncadd.s32 $0xFFFFC000  }
0x107: {  	v0 =	vld [tilespmem:s20+$0xFFFFFF80];
	_ =	sdelay $0x4  }
0x108: {  	[tilespmem:$0xA800] =	vst v0  }
0x109: {  	v0 =	vld [tilespmem:s20+$0xFFFFFF90];
	_ =	sdelay $0x4  }
0x10a: {  	[tilespmem:$0xA810] =	vst v0  }
0x10b: {  	v0 =	vld [tilespmem:s20+$0xFFFFFFA0];
	_ =	sdelay $0x4  }
0x10c: {  	[tilespmem:$0xA820] =	vst v0  }
0x10d: {  	v0 =	vld [tilespmem:s20+$0xFFFFFFB0];
	_ =	sdelay $0x4  }
0x10e: {  	[tilespmem:$0xA830] =	vst v0  }
0x10f: {  	v0 =	vld [tilespmem:s20+$0xFFFFFFC0];
	_ =	sdelay $0x4  }
0x110: {  	[tilespmem:$0xA840] =	vst v0  }
0x111: {  	v0 =	vld [tilespmem:s20+$0xFFFFFFD0];
	_ =	sdelay $0x4  }
0x112: {  	[tilespmem:$0xA850] =	vst v0  }
0x113: {  	v0 =	vld [tilespmem:s20+$0xFFFFFFE0];
	_ =	sdelay $0x4  }
0x114: {  	[tilespmem:$0xA860] =	vst v0  }
0x115: {  	v0 =	vld [tilespmem:s20+$0xFFFFFFF0];
	_ =	sdelay $0x3  }
0x116: {  	p4 =	sle.u32 s14, $0x2  }
0x117: {  	s6 =	simm.s32 @!p4 $0x1;
	[tilespmem:$0xA870] =	vst v0  }
0x118: {  	[spmem:s1] =	stream.indirect.scatter.add.f32 [tilespmem:s24], [sflag:$0x1], $0x80, s28, s23, $0xb8;
	[tilespmem:$0x1E180] =	vst v63  }
0x119: {  	_ =	swait.ge @!p4 [sflag:s6], $0x4000  }
0x11a: {  	s7 =	simm.s32 @!p4 $0x80;
	[sflag:s6] =	ssyncset.done @!p4 $0x0  }
0x11b: {  	s12 =	simm.s32 @!p4 $0x2800;
	s5 =	simm.s32 $0x100;
	[sflag:s6] =	ssyncadd.s32 @!p4 $0xFFFFC000  }
0x11c: {  	[tilespmem:s12], [sflag:$0x3] =	stream.indirect.gather @!p4 [hbm4b:s3+s7], $0x80, s5, s7, $0xb8;
	[tilespmem:$0x1E180] =	vst v63  }
0x11d: {  	_ =	swait.ge [sflag:s29], $0x4000  }
0x11e: {  	[sflag:s29] =	ssyncset.done $0x0  }
0x11f: {  	[sflag:s29] =	ssyncadd.s32 $0xFFFFC000  }
0x120: {  	v63 =	vld [tilespmem:s20+$0x0];
	_ =	sdelay $0x4  }
0x121: {  	[tilespmem:$0xA880] =	vst v63  }
0x122: {  	v0 =	vld [tilespmem:s20+$0x10];
	_ =	sdelay $0x4  }
0x123: {  	[tilespmem:$0xA890] =	vst v0  }
0x124: {  	v0 =	vld [tilespmem:s20+$0x20];
	_ =	sdelay $0x4  }
0x125: {  	[tilespmem:$0xA8A0] =	vst v0  }
0x126: {  	v0 =	vld [tilespmem:s20+$0x30];
	_ =	sdelay $0x4  }
0x127: {  	[tilespmem:$0xA8B0] =	vst v0  }
0x128: {  	v0 =	vld [tilespmem:s20+$0x40];
	_ =	sdelay $0x4  }
0x129: {  	[tilespmem:$0xA8C0] =	vst v0  }
0x12a: {  	v0 =	vld [tilespmem:s20+$0x50];
	_ =	sdelay $0x4  }
0x12b: {  	[tilespmem:$0xA8D0] =	vst v0  }
0x12c: {  	v0 =	vld [tilespmem:s20+$0x60];
	_ =	sdelay $0x4  }
0x12d: {  	[tilespmem:$0xA8E0] =	vst v0  }
0x12e: {  	v0 =	vld [tilespmem:s20+$0x70]  }
0x12f: {  	s22 =	rddreg [dreg:$0xc]  }
0x130: {  	s4 =	sadd.s32 $0xFFFFFFFF, s22  }
0x131: {  	p4 =	sne.s32 s4, $0x0  }
.Ltmp9:
0x132: {  	p5 =	sle.u32 s14, $0x3;
	(pc) =	sbr.rel @!p4 .LBB2_10-.Ltmp9, $4  }
0x133: {  	s16 =	simm.s32 $0x4;
	s12 =	simm.s32 @!p5 $0x2;
	[tilespmem:$0xA8F0] =	vst v0  }
0x134: {  	[spmem:s1] =	stream.indirect.scatter.add.f32 [tilespmem:s25], [sflag:$0x2], $0x80, s30, s23, $0xb8;
	[tilespmem:$0x1E180] =	vst v63  }
0x135: {  	s13 =	simm.s32 @!p5 $0x6800;
	s18 =	simm.s32 @!p5 $0x180;
	_ =	swait.ge @!p5 [sflag:s12], $0x4000  }
0x136: {  	s19 =	simm.s32 @!p5 $0x80;
	s7 =	simm.s32 $0x1580;
	[sflag:s12] =	ssyncset.done @!p5 $0x0  }
.LBB2_9:
0x137: {  	s4 =	sadd.s32 $0xFFFFFFFF, s4;
	[sflag:s12] =	ssyncadd.s32 @!p5 $0xFFFFC000;
	s5 =	sadd.s32 $0x100, s5  }
0x138: {  	[tilespmem:s13], [sflag:$0x4] =	stream.indirect.gather @!p5 [hbm4b:s3+s19], $0x80, s18, s19, $0xb8;
	[tilespmem:$0x1E180] =	vst v63  }
0x139: {  	p4 =	sne.s32 s4, $0x0;
	_ =	swait.ge [sflag:s26], $0x4000  }
0x13a: {  	[sflag:s26] =	ssyncset.done $0x0  }
0x13b: {  	[sflag:s26] =	ssyncadd.s32 $0xFFFFC000  }
0x13c: {  	v0 =	vld [tilespmem:s7+$0xFFFFFF80];
	_ =	sdelay $0x4  }
0x13d: {  	[tilespmem:$0xA800] =	vst v0  }
0x13e: {  	v0 =	vld [tilespmem:s7+$0xFFFFFF90];
	_ =	sdelay $0x4  }
0x13f: {  	[tilespmem:$0xA810] =	vst v0  }
0x140: {  	v0 =	vld [tilespmem:s7+$0xFFFFFFA0];
	_ =	sdelay $0x4  }
0x141: {  	[tilespmem:$0xA820] =	vst v0  }
0x142: {  	v0 =	vld [tilespmem:s7+$0xFFFFFFB0];
	_ =	sdelay $0x4  }
0x143: {  	[tilespmem:$0xA830] =	vst v0  }
0x144: {  	v0 =	vld [tilespmem:s7+$0xFFFFFFC0];
	_ =	sdelay $0x4  }
0x145: {  	[tilespmem:$0xA840] =	vst v0  }
0x146: {  	v0 =	vld [tilespmem:s7+$0xFFFFFFD0];
	_ =	sdelay $0x4  }
0x147: {  	[tilespmem:$0xA850] =	vst v0  }
0x148: {  	v0 =	vld [tilespmem:s7+$0xFFFFFFE0];
	_ =	sdelay $0x4  }
0x149: {  	[tilespmem:$0xA860] =	vst v0  }
0x14a: {  	v0 =	vld [tilespmem:s7+$0xFFFFFFF0];
	_ =	sdelay $0x3  }
0x14b: {  	p5 =	sge.u32 s16, s14  }
0x14c: {  	s6 =	simm.s32 @!p5 $0x1;
	[tilespmem:$0xA870] =	vst v0  }
0x14d: {  	[spmem:s1] =	stream.indirect.scatter.add.f32 [tilespmem:s24], [sflag:$0x1], $0x80, s28, s23, $0xb8;
	[tilespmem:$0x1E180] =	vst v63  }
0x14e: {  	_ =	swait.ge @!p5 [sflag:s6], $0x4000  }
0x14f: {  	s12 =	simm.s32 @!p5 $0x80;
	s13 =	simm.s32 @!p5 $0x2800;
	[sflag:s6] =	ssyncset.done @!p5 $0x0  }
0x150: {  	[sflag:s6] =	ssyncadd.s32 @!p5 $0xFFFFC000  }
0x151: {  	[tilespmem:s13], [sflag:$0x3] =	stream.indirect.gather @!p5 [hbm4b:s3+s12], $0x80, s5, s12, $0xb8;
	[tilespmem:$0x1E180] =	vst v63  }
0x152: {  	_ =	swait.ge [sflag:s29], $0x4000  }
0x153: {  	[sflag:s29] =	ssyncset.done $0x0  }
0x154: {  	[sflag:s29] =	ssyncadd.s32 $0xFFFFC000  }
0x155: {  	v0 =	vld [tilespmem:s7+$0x0];
	_ =	sdelay $0x4  }
0x156: {  	[tilespmem:$0xA880] =	vst v0  }
0x157: {  	v0 =	vld [tilespmem:s7+$0x10];
	_ =	sdelay $0x4  }
0x158: {  	[tilespmem:$0xA890] =	vst v0  }
0x159: {  	v0 =	vld [tilespmem:s7+$0x20];
	_ =	sdelay $0x4  }
0x15a: {  	[tilespmem:$0xA8A0] =	vst v0  }
0x15b: {  	v0 =	vld [tilespmem:s7+$0x30];
	_ =	sdelay $0x4  }
0x15c: {  	[tilespmem:$0xA8B0] =	vst v0  }
0x15d: {  	v0 =	vld [tilespmem:s7+$0x40];
	_ =	sdelay $0x4  }
0x15e: {  	[tilespmem:$0xA8C0] =	vst v0  }
0x15f: {  	v0 =	vld [tilespmem:s7+$0x50];
	_ =	sdelay $0x4  }
0x160: {  	[tilespmem:$0xA8D0] =	vst v0  }
0x161: {  	v0 =	vld [tilespmem:s7+$0x60];
	_ =	sdelay $0x4  }
0x162: {  	[tilespmem:$0xA8E0] =	vst v0  }
0x163: {  	v0 =	vld [tilespmem:s7+$0x70];
	_ =	sdelay $0x2  }
0x164: {  	s6 =	sadd.s32 $0x1, s16  }
.Ltmp10:
0x165: {  	p5 =	sge.u32 s6, s14;
	(pc) =	sbr.rel @p4 .LBB2_9-.Ltmp10, $4  }
0x166: {  	s12 =	simm.s32 @!p5 $0x2;
	s7 =	sadd.s32 $0x100, s7;
	[tilespmem:$0xA8F0] =	vst v0  }
0x167: {  	[spmem:s1] =	stream.indirect.scatter.add.f32 [tilespmem:s25], [sflag:$0x2], $0x80, s30, s23, $0xb8;
	[tilespmem:$0x1E180] =	vst v63  }
0x168: {  	s16 =	sadd.s32 $0x2, s16;
	s13 =	simm.s32 @!p5 $0x6800;
	_ =	swait.ge @!p5 [sflag:s12], $0x4000  }
0x169: {  	s18 =	sadd.s32 @!p5 $0x80, s5;
	s19 =	simm.s32 @!p5 $0x80;
	[sflag:s12] =	ssyncset.done @!p5 $0x0  }
.Ltmp11:
0x16a: {  	_ = 	snop;
	(pc) =	sbr.rel .LBB2_10-.Ltmp11, $1  }
0x16b: {  	_ =	sdelay $0x3  }
.LBB2_12:
0x16c: {  	_ =	sfence.sel $0x180000  }
0x16d: {  	[bflag:$0x0] =	sbarrier.arrive $0xFFFF  }
0x16e: {  	_ =	strace $0x9000004A  }
0x16f: {  	s0 =	stileid.u32;
	[bflag:$0x2] =	sbarrier.arrive $0xFFFF  }
0x170: {  	p0 =	sne.s32 s0, $0x0;
	s0 =	rddreg [dreg:$0x2]  }
0x171: {  	s0 =	sadd.s32 @!p0 $0x100000, s0  }
0x172: {  	[sflag:s0] =	ssyncadd.tile.s32 @!p0 $0x1;
	_ =	shalt  }
.Lfunc_end2:
_tile_overlayer_lowered:
.L_overlay_start_2:
0x173: {  	(tag) =	ssettag $0x2  }
0x174: {  	s0 =	rddreg [dreg:$0x0];
	s2 =	stileid.u32  }
0x175: {  	s1 =	rddreg [dreg:$0x1];
	p0 =	sne.s32 s2, $0x0  }
0x176: {  	s3 =	rddreg [dreg:$0x2];
	[bflag:$0x3] =	sbarrier.arrive $0xFFFF;
	s2 =	simm.s32 @!p0 $0x1C05  }
0x177: {  	[timem:s3], [sflag:s2] =	dma.local @!p0 [hbm:s0], s1  }
0x178: {  	s0 =	simm.s32 @!p0 $0x5  }
0x179: {  	_ =	swait.ge @!p0 [sflag:s0], s1  }
0x17a: {  	s1 =	ssub.s32 @!p0 $0x0, s1;
	[sflag:s0] =	ssyncset.done @!p0 $0x0  }
0x17b: {  	[sflag:s0] =	ssyncadd.s32 @!p0 s1  }
0x17c: {  	[bflag:$0x3] =	sbarrier.arrive $0xFFFF  }
0x17d: {  	_ =	shalt  }

// kernel: kernel.15.cloned.1.call-start
scs
__scs_entry_jumppad:
0x0: {  	(pc) =	sbr.rel $0x88, $3  }
0x1: {  	(tag) =	ssettag $0x0;
	lr =	simm.s32 $0x1  }
0x2: {  	[smem:$0x3F96] =	sst lr;
	_ =	strace $0xD0000000  }
0x3: {  	_ = 	snop  }
0x4: {  	_ = 	snop  }
0x5: {  	_ = 	snop  }
0x6: {  	_ = 	snop  }
0x7: {  	_ = 	snop  }
__scs_overlays_trampoline_lowered:
0x8: {  	[smem:$0x3FA5] =	sst s0  }
0x9: {  	[smem:$0x3FA6] =	sst s1  }
0xa: {  	[smem:$0x3FA7] =	sst s2  }
0xb: {  	[smem:$0x3FA8] =	sst s3  }
0xc: {  	[smem:$0x3FA9] =	sst s4  }
0xd: {  	[smem:$0x3FAA] =	sst s5  }
0xe: {  	[smem:$0x3FAB] =	sst s6  }
0xf: {  	[smem:$0x3FAC] =	sst s7  }
0x10: {  	[smem:$0x3FAD] =	sst s8  }
0x11: {  	[smem:$0x3FAE] =	sst s9;
	s0 =	simm.s32 @!p0 $0x0  }
0x12: {  	s1 =	sld [smem:$0x3F94];
	s0 =	simm.s32 @p0 $0x1  }
0x13: {  	[smem:$0x3FAF] =	sst s0;
	s0 =	simm.s32 @!p1 $0x0  }
0x14: {  	s2 =	sld [smem:$0x3F93];
	s0 =	simm.s32 @p1 $0x1  }
0x15: {  	[smem:$0x3FB0] =	sst s0;
	s0 =	simm.s32 @!p2 $0x0  }
0x16: {  	s3 =	sld [smem:$0x3FDB];
	s0 =	simm.s32 @p2 $0x1  }
0x17: {  	s4 =	simm.s32 $0x1BF5;
	[smem:$0x3FB2] =	sst s0  }
0x18: {  	s0 =	sld [smem:$0x3F95];
	_ =	swait.ge [sflag:s4], $0x0  }
0x19: {  	s7 =	sld [smem:$0x3F96]  }
0x1a: {  	s8 =	sadd.s32 $0xFFFFE003, lr  }
0x1b: {  	s9 =	sadd.s32 $0xFFFFFEF7, lr;
	s5 =	simm.s32 $0xFFFFFFFF;
	p2 =	slt.u32 s8, $0xFFFFF086  }
0x1c: {  	p1 =	slt.u32 s9, $0xF7A;
	s5 =	simm.s32 @!p2 $0x0  }
0x1d: {  	s5 =	simm.s32 @p1 $0x1;
	p0 =	seq.s32 s7, s2  }
0x1e: {  	s7 =	smul.u32 @!p0 $0xF7A, s2;
	p2 =	seq.s32 @!p0 s5, $0x0  }
0x1f: {  	s9 =	smul.u32 $0xF7A, s1;
	s8 =	simm.s32 @!p0 $0x1BF5;
	p2 =	por !p2, p0  }
0x20: {  	[sflag:s8] =	ssyncset.s32 @!p0 $0xFFFFF086;
	s6 =	sadd.s32 @!p0 s3, s7;
	s7 =	simm.s32 @!p0 $0x108  }
0x21: {  	s3 =	sadd.s32 s3, s9;
	s6 =	sadd.s32 @!p0 $0x88, s6;
	s7 =	simm.s32 @p2 $0x1082  }
0x22: {  	[simem:s7], [sflag:s8] =	dma.local @!p0 [hbm:s6], $0xF7A  }
0x23: {  	s9 =	sor.u32 $0xD0000000, s2;
	s6 =	simm.s32 $0x108;
	_ =	swait.ge @!p0 [sflag:s8], $0x0  }
0x24: {  	s3 =	sadd.s32 $0x88, s3;
	s6 =	simm.s32 @!p1 $0x1082;
	[sflag:s4] =	ssyncset.s32 $0xFFFFF086  }
0x25: {  	[simem:s6], [sflag:s4] =	dma.local [hbm:s3], $0xF7A  }
0x26: {  	[smem:$0x3F96] =	sst s1;
	(tag) =	ssettag s2;
	_ =	strace s9  }
0x27: {  	s1 =	sld [smem:$0x3FA6]  }
0x28: {  	s2 =	sld [smem:$0x3FA7]  }
0x29: {  	s4 =	sld [smem:$0x3FA9]  }
0x2a: {  	p0 =	seq.s32 s5, $0x0;
	s5 =	sld [smem:$0x3FAA]  }
0x2b: {  	s6 =	sld [smem:$0x3FAB]  }
0x2c: {  	s7 =	sld [smem:$0x3FAC]  }
0x2d: {  	s3 =	simm.s32 $0x108;
	s8 =	sld [smem:$0x3FAD]  }
0x2e: {  	s3 =	simm.s32 @!p0 $0x1082;
	s9 =	sld [smem:$0x3FAE]  }
0x2f: {  	lr =	sadd.s32 s0, s3;
	s0 =	sld [smem:$0x3FA5]  }
0x30: {  	s3 =	sld [smem:$0x3FA8]  }
0x31: {  	[smem:$0x3FB1] =	sst s10  }
0x32: {  	s10 =	sld [smem:$0x3FAF];
	_ =	sdelay $0x3  }
0x33: {  	p0 =	seq.s32 s10, $0x1;
	s10 =	sld [smem:$0x3FB1];
	_ =	sdelay $0x3  }
0x34: {  	[smem:$0x3FB1] =	sst s10  }
0x35: {  	s10 =	sld [smem:$0x3FB0];
	_ =	sdelay $0x3  }
0x36: {  	p1 =	seq.s32 s10, $0x1;
	s10 =	sld [smem:$0x3FB1];
	_ =	sdelay $0x3  }
0x37: {  	[smem:$0x3FB1] =	sst s10  }
0x38: {  	s10 =	sld [smem:$0x3FB2]  }
0x39: {  	_ = 	snop;
	(pc) =	sbr.ind lr, $3  }
0x3a: {  	_ = 	snop  }
0x3b: {  	_ = 	snop  }
0x3c: {  	p2 =	seq.s32 s10, $0x1;
	s10 =	sld [smem:$0x3FB1]  }
0x3d: {  	_ =	shalt  }
0x3e: {  	_ =	shalt  }
0x3f: {  	_ =	shalt  }
0x40: {  	_ =	shalt  }
0x41: {  	_ =	shalt  }
0x42: {  	_ =	shalt  }
0x43: {  	_ =	shalt  }
0x44: {  	_ =	shalt  }
0x45: {  	_ =	shalt  }
0x46: {  	_ =	shalt  }
0x47: {  	_ =	shalt  }
0x48: {  	_ =	shalt  }
0x49: {  	_ =	shalt  }
0x4a: {  	_ =	shalt  }
0x4b: {  	_ =	shalt  }
0x4c: {  	_ =	shalt  }
0x4d: {  	_ =	shalt  }
0x4e: {  	_ =	shalt  }
0x4f: {  	_ =	shalt  }
0x50: {  	_ =	shalt  }
0x51: {  	_ =	shalt  }
0x52: {  	_ =	shalt  }
0x53: {  	_ =	shalt  }
0x54: {  	_ =	shalt  }
0x55: {  	_ =	shalt  }
0x56: {  	_ =	shalt  }
0x57: {  	_ =	shalt  }
0x58: {  	_ =	shalt  }
0x59: {  	_ =	shalt  }
0x5a: {  	_ =	shalt  }
0x5b: {  	_ =	shalt  }
0x5c: {  	_ =	shalt  }
0x5d: {  	_ =	shalt  }
0x5e: {  	_ =	shalt  }
0x5f: {  	_ =	shalt  }
0x60: {  	_ =	shalt  }
0x61: {  	_ =	shalt  }
0x62: {  	_ =	shalt  }
0x63: {  	_ =	shalt  }
0x64: {  	_ =	shalt  }
0x65: {  	_ =	shalt  }
0x66: {  	_ =	shalt  }
0x67: {  	_ =	shalt  }
0x68: {  	_ =	shalt  }
0x69: {  	_ =	shalt  }
0x6a: {  	_ =	shalt  }
0x6b: {  	_ =	shalt  }
0x6c: {  	_ =	shalt  }
0x6d: {  	_ =	shalt  }
0x6e: {  	_ =	shalt  }
0x6f: {  	_ =	shalt  }
0x70: {  	_ =	shalt  }
0x71: {  	_ =	shalt  }
0x72: {  	_ =	shalt  }
0x73: {  	_ =	shalt  }
0x74: {  	_ =	shalt  }
0x75: {  	_ =	shalt  }
0x76: {  	_ =	shalt  }
0x77: {  	_ =	shalt  }
0x78: {  	_ =	shalt  }
0x79: {  	_ =	shalt  }
0x7a: {  	_ =	shalt  }
0x7b: {  	_ =	shalt  }
0x7c: {  	_ =	shalt  }
0x7d: {  	_ =	shalt  }
0x7e: {  	_ =	shalt  }
0x7f: {  	_ =	shalt  }
0x80: {  	_ =	shalt  }
0x81: {  	_ =	shalt  }
0x82: {  	_ =	shalt  }
0x83: {  	_ =	shalt  }
0x84: {  	_ =	shalt  }
0x85: {  	_ =	shalt  }
0x86: {  	_ =	shalt  }
0x87: {  	_ =	shalt  }
.Lfunc_end0:
.L_simem_size_0:
called_computation.2_lowered:
.L_overlay_start_0:
0x88: {  	s2 =	sld [smem:$0x3FD9]  }
0x89: {  	s3 =	sld [smem:$0x3FFE];
	_ =	sdelay $0x1  }
0x8a: {  	s1 =	srdreg.scid  }
0x8b: {  	s0 =	sand.u32 $0x1, s1  }
0x8c: {  	s16 =	sshll.u32 s0, $0xA;
	s2 =	sadd.s32 s3, s2  }
0x8d: {  	s2 =	sadd.s32 s2, s16  }
0x8e: {  	[smem:$0x3FBD] =	sst s2  }
0x8f: {  	_ = 	snop  }
0x90: {  	(tm) =	ssettm $0x1  }
0x91: {  	s17 =	sld [smem:$0x3FFB];
	_ =	sdelay $0x3  }
0x92: {  	_ =	strace s17  }
0x93: {  	s2 =	sld [smem:$0x3FFC];
	_ =	sdelay $0x3  }
0x94: {  	_ =	strace s2  }
0x95: {  	s2 =	sld [smem:$0x3FFD];
	_ =	sdelay $0x3  }
0x96: {  	_ =	strace s2  }
0x97: {  	_ =	strace $0x8FFFFFFF  }
0x98: {  	s18 =	sld [smem:$0x3FDB];
	_ =	sdelay $0x1  }
0x99: {  	s19 =	simm.s32 $_scs_section_size  }
0x9a: {  	s4 =	simm.s32 $_size__tile_overlayer_lowered;
	s5 =	simm.s32 $_tile_overlayer_lowered  }
0x9b: {  	s22 =	simm.s32 $0x1BFF;
	s21 =	sshll.u32 s5, $0x1;
	s2 =	sadd.s32 s19, s18  }
0x9c: {  	s6 =	simm.s32 $0x0;
	s20 =	sshll.u32 s4, $0x1;
	s4 =	sadd.s32 s21, s2  }
0x9d: {  	[timem:s6], [sflag:s22] =	dma.local [hbm:s4], s20  }
0x9e: {  	_ =	swait.ge [sflag:s22], s20  }
0x9f: {  	s3 =	ssub.s32 $0x0, s20;
	[sflag:s22] =	ssyncset.done $0x0  }
0xa0: {  	[sflag:s22] =	ssyncadd.s32 s3;
	_ =	sdelay $0x1  }
0xa1: {  	s23 =	simm.s32 $0x1B8B  }
0xa2: {  	_ =	swait.ge [sflag:s23], $0x1  }
0xa3: {  	[sflag:s23] =	ssyncset.done $0x0  }
0xa4: {  	s25 =	simm.s32 $0x1B8E;
	s24 =	sld [smem:$0x3FFE];
	[sflag:s23] =	ssyncadd.s32 $0xFFFFFFFF  }
0xa5: {  	s26 =	simm.s32 $execute0_lowered;
	[smem:$0x3FD2] =	sst s25  }
0xa6: {  	s4 =	sshll.u32 s26, $0x1;
	_ =	strace $0x8000004C;
	[dreg:$0x1] =	wrdreg $0xFFFFFFFF  }
0xa7: {  	s28 =	simm.s32 $_size_execute0_lowered;
	s2 =	sadd.s32 s2, s4;
	[dreg:$0x0] =	wrdreg $0x0  }
0xa8: {  	s4 =	sshll.u32 s28, $0x1;
	[dreg:$0x2] =	wrdreg s2  }
0xa9: {  	[dreg:$0x3] =	wrdreg s4  }
0xaa: {  	[dreg:$0x4] =	wrdreg $0xC0  }
0xab: {  	_ =	task [dreg:s6], $0x5FFFF  }
0xac: {  	[dreg:$0x1] =	wrdreg $0xFFFFFFFF  }
0xad: {  	[dreg:$0x0] =	wrdreg $0x60  }
0xae: {  	[dreg:$0x2] =	wrdreg s24  }
0xaf: {  	[dreg:$0x3] =	wrdreg $0xA9000  }
0xb0: {  	[dreg:$0x4] =	wrdreg $0x9  }
0xb1: {  	_ =	task.clear_ibuf [dreg:s6], $0x5FFFF;
	_ =	strace $0x9000004C  }
0xb2: {  	s29 =	simm.s32 $0x9;
	_ =	strace $0x8000004E  }
0xb3: {  	_ =	swait.ge [sflag:s29], $0x1  }
0xb4: {  	[sflag:s29] =	ssyncadd.s32 $0xFFFFFFFF  }
0xb5: {  	_ =	strace $0x9000004E  }
0xb6: {  	_ =	sfence  }
0xb7: {  	s30 =	sld [smem:$0x0];
	_ =	sdelay $0x2  }
0xb8: {  	s31 =	sshll.u32 s1, $0xD;
	s1 =	sshrl.u32 s1, $0x2  }
0xb9: {  	s3 =	sand.u32 $0x4000, s31;
	s1 =	sadd.s32 s1, s30  }
0xba: {  	s0 =	sor.u32 s3, s0;
	s1 =	sshll.u32 s1, $0x11  }
0xbb: {  	s0 =	sor.u32 s1, s0  }
0xbc: {  	s0 =	sadd.s32 $0x8F2B, s0  }
0xbd: {  	[sflag:s0] =	ssyncadd.remote.s32 $0x1  }
0xbe: {  	_ =	sfence.sel $0xFFFF  }
0xbf: {  	[dreg:$0x0] =	wrdreg $0xFFFFFFFF;
	(pc) =	sbr.abs _section_cstart, $3  }
0xc0: {  	[dreg:$0x1] =	wrdreg $0xFFFFFFFF  }
0xc1: {  	_ =	task.clear_ibuf [dreg:s6], $0x2FFFF;
	_ =	strace $0x9FFFFFFF  }
0xc2: {  	(tm) =	ssettm $0x7FFFFFFF  }
0xc3: {  	_ =	shalt  }
tec
execute0_lowered:
.L_overlay_start_1:
0x0: {  	(tag) =	ssettag $0x1  }
0x1: {  	s0 =	rddreg [dreg:$0x0]  }
0x2: {  	s1 =	rddreg [dreg:$0x1];
	s2 =	simm.s32 $0x0;
	s3 =	srdreg.scid  }
0x3: {  	s13 =	stileid.u32;
	s12 =	simm.s32 $0x14;
	s28 =	simm.s32 $0xA800  }
0x4: {  	s29 =	simm.s32 $0x4;
	s30 =	simm.s32 $0xA880;
	s31 =	simm.s32 $0x1  }
0x5: {  	[smem:$0x7FF] =	sst s2;
	s4 =	sand.u32 $0x1, s3;
	s3 =	sadd.s32 $0x1E000, s0  }
0x6: {  	s11 =	sadd.s32 $0x45200, s0;
	s7 =	sadd.s32 $0x14000, s0;
	s26 =	smul.u32 $0x4E000, s13  }
0x7: {  	s8 =	sadd.s32 $0x2800, s0;
	s6 =	sshll.u32 s13, $0x1;
	s14 =	smul.u32 $0x2700, s13  }
0x8: {  	p2 =	sne.s32 s13, $0xF;
	p3 =	seq.s32 s13, $0xF;
	_ =	strace $0x8000004D  }
0x9: {  	s5 =	smul.u32 $0x27100, s4;
	s25 =	ssub.s32 $0x2, s4;
	s10 =	sor.u32 s4, s6  }
0xa: {  	p1 =	seq.s32 s4, $0x1;
	[dreg:$0x3] =	wrdreg s11;
	s9 =	sshrl.u32 s25, $0x1  }
0xb: {  	p0 =	seq.s32 s10, $0x1F;
	s6 =	sshrl.u32 s26, $0x2;
	s16 =	smul.u32 $0x500, s10  }
0xc: {  	s17 =	sadd.s32 s3, s14;
	s10 =	smul.u32 $0x2800, s10;
	[dreg:$0x4] =	wrdreg s14  }
0xd: {  	s0 =	sadd.s32 s5, s0;
	s15 =	sadd.s32 s6, s1;
	[dreg:$0x6] =	wrdreg s17  }
0xe: {  	s5 =	ssub.s32 s25, s9;
	s6 =	sadd.s32 s11, s14;
	[dreg:$0x5] =	wrdreg s15  }
0xf: {  	s12 =	simm.s32 @!p0 $0x50;
	s9 =	sadd.s32 $0x138000, s1;
	[dreg:$0x7] =	wrdreg s6  }
0x10: {  	s11 =	smin.u32 s12, $0x28;
	s18 =	sadd.s32 s7, s16;
	s4 =	sadd.s32 s8, s16  }
0x11: {  	s19 =	smax.u32 s12, $0x28;
	s10 =	sshrl.u32 s10, $0x3;
	s17 =	sadd.s32 $0x6C400, s0  }
0x12: {  	s25 =	smax.u32 s5, $0x1;
	s0 =	simm.s32 $0x2;
	[dreg:$0x8] =	wrdreg s18  }
0x13: {  	[dreg:$0x9] =	wrdreg s4;
	s20 =	sshrl.u32 s11, $0x1;
	s14 =	sadd.s32 $0xFFFFFFD8, s19  }
0x14: {  	s21 =	sadd.s32 $0x280, s10;
	[dreg:$0xd] =	wrdreg s25;
	s25 =	simm.s32 $0x6800  }
.Ltmp0:
0x15: {  	s22 =	sadd.s32 s7, s21;
	s4 =	sadd.s32 s8, s21;
	(pc) =	sbr.rel .LBB2_1-.Ltmp0, $4  }
0x16: {  	s23 =	sshrl.u32 s14, $0x1;
	s26 =	sadd.s32 $0xFFFFFFFF, s20;
	[dreg:$0xa] =	wrdreg s22  }
0x17: {  	s21 =	simm.s32 $0x5;
	s8 =	simm.s32 $0x0;
	[dreg:$0xb] =	wrdreg s4  }
0x18: {  	s24 =	smax.u32 s23, $0x1;
	[dreg:$0xe] =	wrdreg s26;
	s23 =	simm.s32 $0x80  }
0x19: {  	s26 =	simm.s32 $0x3;
	[dreg:$0xc] =	wrdreg s24;
	s24 =	simm.s32 $0x2800  }
.LBB2_10:
0x1a: {  	[sflag:s12] =	ssyncadd.s32 @!p5 $0xFFFFC000  }
0x1b: {  	[tilespmem:s13], [sflag:$0x4] =	stream.indirect.gather @!p5 [hbm4b:s3+s19], $0x80, s18, s19, $0xb8;
	[tilespmem:$0x1E180] =	vst v63  }
.LBB2_11:
0x1c: {  	_ =	swait.ge [sflag:s31], $0x4000  }
0x1d: {  	[sflag:s31] =	ssyncset.done $0x0  }
0x1e: {  	[sflag:s31] =	ssyncadd.s32 $0xFFFFC000  }
0x1f: {  	_ =	swait.ge [sflag:s0], $0x4000  }
0x20: {  	[sflag:s0] =	ssyncset.done $0x0  }
0x21: {  	[sflag:s0] =	ssyncadd.s32 $0xFFFFC000  }
0x22: {  	[bflag:$0x0] =	sbarrier.arrive $0xFFFF  }
0x23: {  	s4 =	rddreg [dreg:$0x4]  }
0x24: {  	s5 =	sor.u32 $0x1C05, s10;
	s4 =	sadd.s32 s4, s17  }
0x25: {  	[hbm:s4], [sflag:s5] =	dma.local [spmem:s15], $0x2700  }
0x26: {  	_ =	swait.ge [sflag:s21], $0x2700  }
0x27: {  	[sflag:s21] =	ssyncset.done $0x0  }
0x28: {  	s6 =	sshrl.u32 @!p2 s9, $0x3;
	s4 =	sadd.s32 @!p2 $0x27000, s17;
	[sflag:s21] =	ssyncadd.s32 $0xFFFFD900  }
0x29: {  	[hbm:s4], [sflag:s5] =	dma.local @!p2 [spmem:s6], $0x100  }
0x2a: {  	s4 =	simm.s32 @!p2 $0x5  }
0x2b: {  	_ =	swait.ge @!p2 [sflag:s4], $0x100  }
0x2c: {  	s8 =	sadd.s32 $0x1, s8;
	s22 =	rddreg [dreg:$0xd]  }
0x2d: {  	p4 =	sne.s32 s8, s22  }
.Ltmp1:
0x2e: {  	_ = 	snop;
	(pc) =	sbr.rel @!p4 .LBB2_12-.Ltmp1, $3  }
0x2f: {  	_ =	sdelay $0x1  }
0x30: {  	[sflag:s4] =	ssyncset.done @!p2 $0x0  }
0x31: {  	[sflag:s4] =	ssyncadd.s32 @!p2 $0xFFFFFF00  }
.LBB2_1:
.Ltmp2:
0x32: {  	(pc) =	sbr.rel @!p1 .LBB2_2-.Ltmp2, $4  }
0x33: {  	_ = 	snop  }
0x34: {  	s4 =	stileid.u32  }
0x35: {  	s22 =	rddreg [dreg:$0x5];
	s10 =	sshll.u32 s4, $0x6  }
0x36: {  	s15 =	sshrl.u32 s22, $0x3;
	s4 =	sor.u32 $0x1C05, s10  }
0x37: {  	s4 =	sor.u32 $0x1C05, s10;
	s5 =	rddreg [dreg:$0x7]  }
0x38: {  	[spmem:s15], [sflag:s4] =	dma.local [hbm:s5], $0x2700  }
.Ltmp3:
0x39: {  	_ = 	snop;
	(pc) =	sbr.rel @p2 .LBB2_5-.Ltmp3, $4  }
.Ltmp4:
0x3a: {  	_ = 	snop;
	(pc) =	sbr.rel @!p2 .LBB2_4-.Ltmp4, $4  }
0x3b: {  	_ =	swait.ge [sflag:s21], $0x2700  }
0x3c: {  	[sflag:s21] =	ssyncset.done $0x0  }
0x3d: {  	s5 =	rddreg [dreg:$0x3];
	[sflag:s21] =	ssyncadd.s32 $0xFFFFD900  }
0x3e: {  	_ = 	snop  }
.LBB2_2:
.Ltmp5:
0x3f: {  	s5 =	rddreg [dreg:$0x6];
	(pc) =	sbr.rel @!p3 .LBB2_5-.Ltmp5, $4  }
0x40: {  	[spmem:s15], [sflag:s4] =	dma.local [hbm:s5], $0x2700  }
0x41: {  	_ =	swait.ge [sflag:s21], $0x2700  }
0x42: {  	[sflag:s21] =	ssyncset.done $0x0  }
0x43: {  	s5 =	smov.u32 s3;
	[sflag:s21] =	ssyncadd.s32 $0xFFFFD900  }
.LBB2_4:
0x44: {  	s5 =	sadd.s32 $0x27000, s5;
	s7 =	sshrl.u32 s9, $0x3  }
0x45: {  	[spmem:s7], [sflag:s4] =	dma.local [hbm:s5], $0x100  }
0x46: {  	_ =	swait.ge [sflag:s21], $0x100  }
0x47: {  	[sflag:s21] =	ssyncset.done $0x0  }
0x48: {  	[sflag:s21] =	ssyncadd.s32 $0xFFFFFF00  }
.LBB2_5:
0x49: {  	[bflag:$0x0] =	sbarrier.arrive $0xFFFF  }
0x4a: {  	s4 =	rddreg [dreg:$0x8]  }
0x4b: {  	[tilespmem:s2], [sflag:$0x5] =	stream.linear.gather [hbm4b:s4+s2], $0x1400, $0x38;
	[tilespmem:$0x1E180] =	vst v63  }
0x4c: {  	_ =	swait.ge [sflag:s21], $0x1400  }
0x4d: {  	[sflag:s21] =	ssyncset.done $0x0  }
0x4e: {  	s5 =	simm.s32 $0x1400;
	s20 =	rddreg [dreg:$0x9];
	[sflag:s21] =	ssyncadd.s32 $0xFFFFEC00  }
0x4f: {  	[tilespmem:s5], [sflag:$0x5] =	stream.linear.gather [hbm4b:s20+s2], $0x1400, $0x38;
	[tilespmem:$0x1E180] =	vst v63  }
0x50: {  	_ =	swait.ge [sflag:s21], $0x1400  }
0x51: {  	[sflag:s21] =	ssyncset.done $0x0  }
0x52: {  	[sflag:s21] =	ssyncadd.s32 $0xFFFFEC00  }
0x53: {  	[tilespmem:s24], [sflag:$0x3] =	stream.indirect.gather [hbm4b:s3+s23], $0x80, s2, s23, $0xb8;
	[tilespmem:$0x1E180] =	vst v63  }
0x54: {  	_ = 	snop  }
0x55: {  	[tilespmem:s25], [sflag:$0x4] =	stream.indirect.gather [hbm4b:s3+s23], $0x80, s23, s23, $0xb8;
	[tilespmem:$0x1E180] =	vst v63  }
0x56: {  	_ =	swait.ge [sflag:s26], $0x4000  }
0x57: {  	[sflag:s26] =	ssyncset.done $0x0  }
0x58: {  	s7 =	simm.s32 $0x1480;
	[sflag:s26] =	ssyncadd.s32 $0xFFFFC000  }
0x59: {  	v0 =	vld [tilespmem:s7+$0xFFFFFF80];
	_ =	sdelay $0x4  }
0x5a: {  	[tilespmem:$0xA800] =	vst v0  }
0x5b: {  	v0 =	vld [tilespmem:s7+$0xFFFFFF90];
	_ =	sdelay $0x4  }
0x5c: {  	[tilespmem:$0xA810] =	vst v0  }
0x5d: {  	v0 =	vld [tilespmem:s7+$0xFFFFFFA0];
	_ =	sdelay $0x4  }
0x5e: {  	[tilespmem:$0xA820] =	vst v0  }
0x5f: {  	v0 =	vld [tilespmem:s7+$0xFFFFFFB0];
	_ =	sdelay $0x4  }
0x60: {  	[tilespmem:$0xA830] =	vst v0  }
0x61: {  	v0 =	vld [tilespmem:s7+$0xFFFFFFC0];
	_ =	sdelay $0x4  }
0x62: {  	[tilespmem:$0xA840] =	vst v0  }
0x63: {  	v0 =	vld [tilespmem:s7+$0xFFFFFFD0];
	_ =	sdelay $0x4  }
0x64: {  	[tilespmem:$0xA850] =	vst v0  }
0x65: {  	v0 =	vld [tilespmem:s7+$0xFFFFFFE0];
	_ =	sdelay $0x4  }
0x66: {  	[tilespmem:$0xA860] =	vst v0  }
0x67: {  	v0 =	vld [tilespmem:s7+$0xFFFFFFF0];
	_ =	sdelay $0x3  }
0x68: {  	p4 =	sle.u32 s11, $0x2  }
0x69: {  	s4 =	simm.s32 @!p4 $0x1;
	[tilespmem:$0xA870] =	vst v0  }
0x6a: {  	[spmem:s1] =	stream.indirect.scatter.add.f32 [tilespmem:s24], [sflag:$0x1], $0x80, s28, s23, $0xb8;
	[tilespmem:$0x1E180] =	vst v63  }
0x6b: {  	_ =	swait.ge @!p4 [sflag:s4], $0x4000  }
0x6c: {  	s12 =	simm.s32 @!p4 $0x100;
	[sflag:s4] =	ssyncset.done @!p4 $0x0  }
0x6d: {  	s13 =	simm.s32 @!p4 $0x80;
	s5 =	simm.s32 @!p4 $0x2800;
	[sflag:s4] =	ssyncadd.s32 @!p4 $0xFFFFC000  }
0x6e: {  	[tilespmem:s5], [sflag:$0x3] =	stream.indirect.gather @!p4 [hbm4b:s3+s13], $0x80, s12, s13, $0xb8;
	[tilespmem:$0x1E180] =	vst v63  }
0x6f: {  	_ =	swait.ge [sflag:s29], $0x4000  }
0x70: {  	[sflag:s29] =	ssyncset.done $0x0  }
0x71: {  	[sflag:s29] =	ssyncadd.s32 $0xFFFFC000  }
0x72: {  	v63 =	vld [tilespmem:s7+$0x0];
	_ =	sdelay $0x4  }
0x73: {  	[tilespmem:$0xA880] =	vst v63  }
0x74: {  	v0 =	vld [tilespmem:s7+$0x10];
	_ =	sdelay $0x4  }
0x75: {  	[tilespmem:$0xA890] =	vst v0  }
0x76: {  	v0 =	vld [tilespmem:s7+$0x20];
	_ =	sdelay $0x4  }
0x77: {  	[tilespmem:$0xA8A0] =	vst v0  }
0x78: {  	v0 =	vld [tilespmem:s7+$0x30];
	_ =	sdelay $0x4  }
0x79: {  	[tilespmem:$0xA8B0] =	vst v0  }
0x7a: {  	v0 =	vld [tilespmem:s7+$0x40];
	_ =	sdelay $0x4  }
0x7b: {  	[tilespmem:$0xA8C0] =	vst v0  }
0x7c: {  	v0 =	vld [tilespmem:s7+$0x50];
	_ =	sdelay $0x4  }
0x7d: {  	[tilespmem:$0xA8D0] =	vst v0  }
0x7e: {  	v0 =	vld [tilespmem:s7+$0x60];
	_ =	sdelay $0x4  }
0x7f: {  	[tilespmem:$0xA8E0] =	vst v0  }
0x80: {  	v0 =	vld [tilespmem:s7+$0x70]  }
0x81: {  	s22 =	rddreg [dreg:$0xe]  }
0x82: {  	s22 =	sadd.s32 $0xFFFFFFFF, s22  }
0x83: {  	p4 =	sne.s32 s22, $0x0  }
.Ltmp6:
0x84: {  	p5 =	sle.u32 s11, $0x3;
	s18 =	simm.s32 $0x180;
	(pc) =	sbr.rel @!p4 .LBB2_7-.Ltmp6, $4  }
0x85: {  	s16 =	simm.s32 $0x1580;
	s19 =	simm.s32 @!p5 $0x80;
	s13 =	simm.s32 @!p5 $0x2;
	[tilespmem:$0xA8F0] =	vst v0  }
0x86: {  	[spmem:s1] =	stream.indirect.scatter.add.f32 [tilespmem:s25], [sflag:$0x2], $0x80, s30, s23, $0xb8;
	[tilespmem:$0x1E180] =	vst v63  }
0x87: {  	s20 =	simm.s32 @!p5 $0x6800;
	s4 =	simm.s32 $0x180;
	_ =	swait.ge @!p5 [sflag:s13], $0x4000  }
0x88: {  	s5 =	simm.s32 $0x5;
	s12 =	simm.s32 $0x180;
	[sflag:s13] =	ssyncset.done @!p5 $0x0  }
.LBB2_6:
0x89: {  	s4 =	smov.u32 s18;
	s7 =	smov.u32 s16  }
0x8a: {  	s22 =	sadd.s32 $0xFFFFFFFF, s22;
	s18 =	sadd.s32 $0x100, s18;
	[sflag:s13] =	ssyncadd.s32 @!p5 $0xFFFFC000  }
0x8b: {  	[tilespmem:s20], [sflag:$0x4] =	stream.indirect.gather @!p5 [hbm4b:s3+s19], $0x80, s12, s19, $0xb8;
	[tilespmem:$0x1E180] =	vst v63  }
0x8c: {  	p4 =	sne.s32 s22, $0x0;
	s12 =	smov.u32 s18;
	_ =	swait.ge [sflag:s26], $0x4000  }
0x8d: {  	[sflag:s26] =	ssyncset.done $0x0  }
0x8e: {  	[sflag:s26] =	ssyncadd.s32 $0xFFFFC000  }
0x8f: {  	v0 =	vld [tilespmem:s16+$0xFFFFFF80];
	_ =	sdelay $0x4  }
0x90: {  	[tilespmem:$0xA800] =	vst v0  }
0x91: {  	v0 =	vld [tilespmem:s16+$0xFFFFFF90];
	_ =	sdelay $0x4  }
0x92: {  	[tilespmem:$0xA810] =	vst v0  }
0x93: {  	v0 =	vld [tilespmem:s16+$0xFFFFFFA0];
	_ =	sdelay $0x4  }
0x94: {  	[tilespmem:$0xA820] =	vst v0  }
0x95: {  	v0 =	vld [tilespmem:s16+$0xFFFFFFB0];
	_ =	sdelay $0x4  }
0x96: {  	[tilespmem:$0xA830] =	vst v0  }
0x97: {  	v0 =	vld [tilespmem:s16+$0xFFFFFFC0];
	_ =	sdelay $0x4  }
0x98: {  	[tilespmem:$0xA840] =	vst v0  }
0x99: {  	v0 =	vld [tilespmem:s16+$0xFFFFFFD0];
	_ =	sdelay $0x4  }
0x9a: {  	[tilespmem:$0xA850] =	vst v0  }
0x9b: {  	v0 =	vld [tilespmem:s16+$0xFFFFFFE0];
	_ =	sdelay $0x4  }
0x9c: {  	[tilespmem:$0xA860] =	vst v0  }
0x9d: {  	v0 =	vld [tilespmem:s16+$0xFFFFFFF0];
	_ =	sdelay $0x2  }
0x9e: {  	s13 =	sadd.s32 $0xFFFFFFFF, s5  }
0x9f: {  	p5 =	sge.u32 s13, s11  }
0xa0: {  	s13 =	simm.s32 @!p5 $0x1;
	[tilespmem:$0xA870] =	vst v0  }
0xa1: {  	[spmem:s1] =	stream.indirect.scatter.add.f32 [tilespmem:s24], [sflag:$0x1], $0x80, s28, s23, $0xb8;
	[tilespmem:$0x1E180] =	vst v63  }
0xa2: {  	s19 =	simm.s32 @!p5 $0x2800;
	_ =	swait.ge @!p5 [sflag:s13], $0x4000  }
0xa3: {  	s20 =	sadd.s32 @!p5 $0xFFFFFF80, s18;
	s6 =	simm.s32 @!p5 $0x80;
	[sflag:s13] =	ssyncset.done @!p5 $0x0  }
0xa4: {  	[sflag:s13] =	ssyncadd.s32 @!p5 $0xFFFFC000  }
0xa5: {  	[tilespmem:s19], [sflag:$0x3] =	stream.indirect.gather @!p5 [hbm4b:s3+s6], $0x80, s20, s6, $0xb8;
	[tilespmem:$0x1E180] =	vst v63  }
0xa6: {  	_ =	swait.ge [sflag:s29], $0x4000  }
0xa7: {  	[sflag:s29] =	ssyncset.done $0x0  }
0xa8: {  	[sflag:s29] =	ssyncadd.s32 $0xFFFFC000  }
0xa9: {  	v0 =	vld [tilespmem:s16+$0x0];
	_ =	sdelay $0x4  }
0xaa: {  	[tilespmem:$0xA880] =	vst v0  }
0xab: {  	v0 =	vld [tilespmem:s16+$0x10];
	_ =	sdelay $0x4  }
0xac: {  	[tilespmem:$0xA890] =	vst v0  }
0xad: {  	v0 =	vld [tilespmem:s16+$0x20];
	_ =	sdelay $0x4  }
0xae: {  	[tilespmem:$0xA8A0] =	vst v0  }
0xaf: {  	v0 =	vld [tilespmem:s16+$0x30];
	_ =	sdelay $0x4  }
0xb0: {  	[tilespmem:$0xA8B0] =	vst v0  }
0xb1: {  	v0 =	vld [tilespmem:s16+$0x40];
	_ =	sdelay $0x4  }
0xb2: {  	[tilespmem:$0xA8C0] =	vst v0  }
0xb3: {  	v0 =	vld [tilespmem:s16+$0x50];
	_ =	sdelay $0x4  }
0xb4: {  	[tilespmem:$0xA8D0] =	vst v0  }
0xb5: {  	v0 =	vld [tilespmem:s16+$0x60];
	_ =	sdelay $0x4  }
0xb6: {  	[tilespmem:$0xA8E0] =	vst v0  }
0xb7: {  	v0 =	vld [tilespmem:s16+$0x70];
	_ =	sdelay $0x3  }
.Ltmp7:
0xb8: {  	p5 =	sge.u32 s5, s11;
	(pc) =	sbr.rel @p4 .LBB2_6-.Ltmp7, $4  }
0xb9: {  	s13 =	simm.s32 @!p5 $0x2;
	[tilespmem:$0xA8F0] =	vst v0  }
0xba: {  	[spmem:s1] =	stream.indirect.scatter.add.f32 [tilespmem:s25], [sflag:$0x2], $0x80, s30, s23, $0xb8;
	[tilespmem:$0x1E180] =	vst v63  }
0xbb: {  	s5 =	sadd.s32 $0x2, s5;
	s16 =	sadd.s32 $0x100, s16;
	_ =	swait.ge @!p5 [sflag:s13], $0x4000  }
0xbc: {  	s19 =	simm.s32 @!p5 $0x80;
	s20 =	simm.s32 @!p5 $0x6800;
	[sflag:s13] =	ssyncset.done @!p5 $0x0  }
.LBB2_7:
0xbd: {  	[sflag:s13] =	ssyncadd.s32 @!p5 $0xFFFFC000  }
0xbe: {  	[tilespmem:s20], [sflag:$0x4] =	stream.indirect.gather @!p5 [hbm4b:s3+s19], $0x80, s12, s19, $0xb8;
	[tilespmem:$0x1E180] =	vst v63  }
0xbf: {  	_ =	swait.ge [sflag:s26], $0x4000  }
0xc0: {  	[sflag:s26] =	ssyncset.done $0x0  }
0xc1: {  	[sflag:s26] =	ssyncadd.s32 $0xFFFFC000  }
0xc2: {  	v0 =	vld [tilespmem:s7+$0x80];
	_ =	sdelay $0x4  }
0xc3: {  	[tilespmem:$0xA800] =	vst v0  }
0xc4: {  	v0 =	vld [tilespmem:s7+$0x90];
	_ =	sdelay $0x4  }
0xc5: {  	[tilespmem:$0xA810] =	vst v0  }
0xc6: {  	v0 =	vld [tilespmem:s7+$0xA0];
	_ =	sdelay $0x4  }
0xc7: {  	[tilespmem:$0xA820] =	vst v0  }
0xc8: {  	v0 =	vld [tilespmem:s7+$0xB0];
	_ =	sdelay $0x4  }
0xc9: {  	[tilespmem:$0xA830] =	vst v0  }
0xca: {  	v0 =	vld [tilespmem:s7+$0xC0];
	_ =	sdelay $0x4  }
0xcb: {  	[tilespmem:$0xA840] =	vst v0  }
0xcc: {  	v0 =	vld [tilespmem:s7+$0xD0];
	_ =	sdelay $0x4  }
0xcd: {  	[tilespmem:$0xA850] =	vst v0  }
0xce: {  	v0 =	vld [tilespmem:s7+$0xE0];
	_ =	sdelay $0x4  }
0xcf: {  	[tilespmem:$0xA860] =	vst v0  }
0xd0: {  	v0 =	vld [tilespmem:s7+$0xF0];
	_ =	sdelay $0x2  }
0xd1: {  	s6 =	sadd.s32 $0xFFFFFFFF, s5  }
0xd2: {  	p4 =	sge.u32 s6, s11  }
0xd3: {  	s6 =	simm.s32 @!p4 $0x1;
	[tilespmem:$0xA870] =	vst v0  }
0xd4: {  	[spmem:s1] =	stream.indirect.scatter.add.f32 [tilespmem:s24], [sflag:$0x1], $0x80, s28, s23, $0xb8;
	[tilespmem:$0x1E180] =	vst v63  }
0xd5: {  	_ =	swait.ge @!p4 [sflag:s6], $0x4000  }
0xd6: {  	s4 =	sadd.s32 @!p4 $0x80, s4;
	[sflag:s6] =	ssyncset.done @!p4 $0x0  }
0xd7: {  	s12 =	simm.s32 @!p4 $0x2800;
	[sflag:s6] =	ssyncadd.s32 @!p4 $0xFFFFC000;
	s6 =	simm.s32 @!p4 $0x80  }
0xd8: {  	[tilespmem:s12], [sflag:$0x3] =	stream.indirect.gather @!p4 [hbm4b:s3+s6], $0x80, s4, s6, $0xb8;
	[tilespmem:$0x1E180] =	vst v63  }
0xd9: {  	_ =	swait.ge [sflag:s29], $0x4000  }
0xda: {  	[sflag:s29] =	ssyncset.done $0x0  }
0xdb: {  	[sflag:s29] =	ssyncadd.s32 $0xFFFFC000  }
0xdc: {  	v63 =	vld [tilespmem:s7+$0x100];
	_ =	sdelay $0x4  }
0xdd: {  	[tilespmem:$0xA880] =	vst v63  }
0xde: {  	v0 =	vld [tilespmem:s7+$0x110];
	_ =	sdelay $0x4  }
0xdf: {  	[tilespmem:$0xA890] =	vst v0  }
0xe0: {  	v0 =	vld [tilespmem:s7+$0x120];
	_ =	sdelay $0x4  }
0xe1: {  	[tilespmem:$0xA8A0] =	vst v0  }
0xe2: {  	v0 =	vld [tilespmem:s7+$0x130];
	_ =	sdelay $0x4  }
0xe3: {  	[tilespmem:$0xA8B0] =	vst v0  }
0xe4: {  	v0 =	vld [tilespmem:s7+$0x140];
	_ =	sdelay $0x4  }
0xe5: {  	[tilespmem:$0xA8C0] =	vst v0  }
0xe6: {  	v0 =	vld [tilespmem:s7+$0x150];
	_ =	sdelay $0x4  }
0xe7: {  	[tilespmem:$0xA8D0] =	vst v0  }
0xe8: {  	v0 =	vld [tilespmem:s7+$0x160];
	_ =	sdelay $0x4  }
0xe9: {  	[tilespmem:$0xA8E0] =	vst v0  }
0xea: {  	v0 =	vld [tilespmem:s7+$0x170];
	_ =	sdelay $0x4  }
0xeb: {  	p4 =	sge.u32 s5, s11;
	[tilespmem:$0xA8F0] =	vst v0  }
0xec: {  	[spmem:s1] =	stream.indirect.scatter.add.f32 [tilespmem:s25], [sflag:$0x2], $0x80, s30, s23, $0xb8;
	[tilespmem:$0x1E180] =	vst v63  }
.Ltmp8:
0xed: {  	s4 =	simm.s32 @!p4 $0x2;
	(pc) =	sbr.rel @p0 .LBB2_11-.Ltmp8, $4  }
0xee: {  	_ =	swait.ge @!p4 [sflag:s4], $0x4000  }
0xef: {  	s5 =	sadd.s32 $0x100, s18;
	[sflag:s4] =	ssyncset.done @!p4 $0x0  }
0xf0: {  	s6 =	simm.s32 @!p4 $0x6800;
	[sflag:s4] =	ssyncadd.s32 @!p4 $0xFFFFC000;
	s4 =	simm.s32 @!p4 $0x80  }
0xf1: {  	[tilespmem:s6], [sflag:$0x4] =	stream.indirect.gather @!p4 [hbm4b:s3+s4], $0x80, s5, s4, $0xb8;
	[tilespmem:$0x1E180] =	vst v63  }
0xf2: {  	s4 =	rddreg [dreg:$0xa]  }
0xf3: {  	[tilespmem:s2], [sflag:$0x5] =	stream.linear.gather [hbm4b:s4+s2], $0x1400, $0x38;
	[tilespmem:$0x1E180] =	vst v63  }
0xf4: {  	_ =	swait.ge [sflag:s21], $0x1400  }
0xf5: {  	[sflag:s21] =	ssyncset.done $0x0  }
0xf6: {  	s5 =	simm.s32 $0x1400;
	s18 =	rddreg [dreg:$0xb];
	[sflag:s21] =	ssyncadd.s32 $0xFFFFEC00  }
0xf7: {  	[tilespmem:s5], [sflag:$0x5] =	stream.linear.gather [hbm4b:s18+s2], $0x1400, $0x38;
	[tilespmem:$0x1E180] =	vst v63  }
0xf8: {  	_ =	swait.ge [sflag:s21], $0x1400  }
0xf9: {  	[sflag:s21] =	ssyncset.done $0x0  }
0xfa: {  	[sflag:s21] =	ssyncadd.s32 $0xFFFFEC00  }
0xfb: {  	_ =	swait.ge [sflag:s31], $0x4000  }
0xfc: {  	[sflag:s31] =	ssyncset.done $0x0  }
0xfd: {  	s19 =	simm.s32 $0x2;
	[sflag:s31] =	ssyncadd.s32 $0xFFFFC000  }
0xfe: {  	_ =	swait.ge [sflag:s19], $0x4000  }
0xff: {  	[sflag:s19] =	ssyncset.done $0x0  }
0x100: {  	[sflag:s19] =	ssyncadd.s32 $0xFFFFC000  }
0x101: {  	[tilespmem:s24], [sflag:$0x3] =	stream.indirect.gather [hbm4b:s3+s23], $0x80, s2, s23, $0xb8;
	[tilespmem:$0x1E180] =	vst v63  }
0x102: {  	_ = 	snop  }
0x103: {  	[tilespmem:s25], [sflag:$0x4] =	stream.indirect.gather [hbm4b:s3+s23], $0x80, s23, s23, $0xb8;
	[tilespmem:$0x1E180] =	vst v63  }
0x104: {  	_ =	swait.ge [sflag:s26], $0x4000  }
0x105: {  	[sflag:s26] =	ssyncset.done $0x0  }
0x106: {  	s20 =	simm.s32 $0x1480;
	[sflag:s26] =	ssyncadd.s32 $0xFFFFC000  }
0x107: {  	v0 =	vld [tilespmem:s20+$0xFFFFFF80];
	_ =	sdelay $0x4  }
0x108: {  	[tilespmem:$0xA800] =	vst v0  }
0x109: {  	v0 =	vld [tilespmem:s20+$0xFFFFFF90];
	_ =	sdelay $0x4  }
0x10a: {  	[tilespmem:$0xA810] =	vst v0  }
0x10b: {  	v0 =	vld [tilespmem:s20+$0xFFFFFFA0];
	_ =	sdelay $0x4  }
0x10c: {  	[tilespmem:$0xA820] =	vst v0  }
0x10d: {  	v0 =	vld [tilespmem:s20+$0xFFFFFFB0];
	_ =	sdelay $0x4  }
0x10e: {  	[tilespmem:$0xA830] =	vst v0  }
0x10f: {  	v0 =	vld [tilespmem:s20+$0xFFFFFFC0];
	_ =	sdelay $0x4  }
0x110: {  	[tilespmem:$0xA840] =	vst v0  }
0x111: {  	v0 =	vld [tilespmem:s20+$0xFFFFFFD0];
	_ =	sdelay $0x4  }
0x112: {  	[tilespmem:$0xA850] =	vst v0  }
0x113: {  	v0 =	vld [tilespmem:s20+$0xFFFFFFE0];
	_ =	sdelay $0x4  }
0x114: {  	[tilespmem:$0xA860] =	vst v0  }
0x115: {  	v0 =	vld [tilespmem:s20+$0xFFFFFFF0];
	_ =	sdelay $0x3  }
0x116: {  	p4 =	sle.u32 s14, $0x2  }
0x117: {  	s6 =	simm.s32 @!p4 $0x1;
	[tilespmem:$0xA870] =	vst v0  }
0x118: {  	[spmem:s1] =	stream.indirect.scatter.add.f32 [tilespmem:s24], [sflag:$0x1], $0x80, s28, s23, $0xb8;
	[tilespmem:$0x1E180] =	vst v63  }
0x119: {  	_ =	swait.ge @!p4 [sflag:s6], $0x4000  }
0x11a: {  	s7 =	simm.s32 @!p4 $0x80;
	[sflag:s6] =	ssyncset.done @!p4 $0x0  }
0x11b: {  	s12 =	simm.s32 @!p4 $0x2800;
	s5 =	simm.s32 $0x100;
	[sflag:s6] =	ssyncadd.s32 @!p4 $0xFFFFC000  }
0x11c: {  	[tilespmem:s12], [sflag:$0x3] =	stream.indirect.gather @!p4 [hbm4b:s3+s7], $0x80, s5, s7, $0xb8;
	[tilespmem:$0x1E180] =	vst v63  }
0x11d: {  	_ =	swait.ge [sflag:s29], $0x4000  }
0x11e: {  	[sflag:s29] =	ssyncset.done $0x0  }
0x11f: {  	[sflag:s29] =	ssyncadd.s32 $0xFFFFC000  }
0x120: {  	v63 =	vld [tilespmem:s20+$0x0];
	_ =	sdelay $0x4  }
0x121: {  	[tilespmem:$0xA880] =	vst v63  }
0x122: {  	v0 =	vld [tilespmem:s20+$0x10];
	_ =	sdelay $0x4  }
0x123: {  	[tilespmem:$0xA890] =	vst v0  }
0x124: {  	v0 =	vld [tilespmem:s20+$0x20];
	_ =	sdelay $0x4  }
0x125: {  	[tilespmem:$0xA8A0] =	vst v0  }
0x126: {  	v0 =	vld [tilespmem:s20+$0x30];
	_ =	sdelay $0x4  }
0x127: {  	[tilespmem:$0xA8B0] =	vst v0  }
0x128: {  	v0 =	vld [tilespmem:s20+$0x40];
	_ =	sdelay $0x4  }
0x129: {  	[tilespmem:$0xA8C0] =	vst v0  }
0x12a: {  	v0 =	vld [tilespmem:s20+$0x50];
	_ =	sdelay $0x4  }
0x12b: {  	[tilespmem:$0xA8D0] =	vst v0  }
0x12c: {  	v0 =	vld [tilespmem:s20+$0x60];
	_ =	sdelay $0x4  }
0x12d: {  	[tilespmem:$0xA8E0] =	vst v0  }
0x12e: {  	v0 =	vld [tilespmem:s20+$0x70]  }
0x12f: {  	s22 =	rddreg [dreg:$0xc]  }
0x130: {  	s4 =	sadd.s32 $0xFFFFFFFF, s22  }
0x131: {  	p4 =	sne.s32 s4, $0x0  }
.Ltmp9:
0x132: {  	p5 =	sle.u32 s14, $0x3;
	(pc) =	sbr.rel @!p4 .LBB2_10-.Ltmp9, $4  }
0x133: {  	s16 =	simm.s32 $0x4;
	s12 =	simm.s32 @!p5 $0x2;
	[tilespmem:$0xA8F0] =	vst v0  }
0x134: {  	[spmem:s1] =	stream.indirect.scatter.add.f32 [tilespmem:s25], [sflag:$0x2], $0x80, s30, s23, $0xb8;
	[tilespmem:$0x1E180] =	vst v63  }
0x135: {  	s13 =	simm.s32 @!p5 $0x6800;
	s18 =	simm.s32 @!p5 $0x180;
	_ =	swait.ge @!p5 [sflag:s12], $0x4000  }
0x136: {  	s19 =	simm.s32 @!p5 $0x80;
	s7 =	simm.s32 $0x1580;
	[sflag:s12] =	ssyncset.done @!p5 $0x0  }
.LBB2_9:
0x137: {  	s4 =	sadd.s32 $0xFFFFFFFF, s4;
	[sflag:s12] =	ssyncadd.s32 @!p5 $0xFFFFC000;
	s5 =	sadd.s32 $0x100, s5  }
0x138: {  	[tilespmem:s13], [sflag:$0x4] =	stream.indirect.gather @!p5 [hbm4b:s3+s19], $0x80, s18, s19, $0xb8;
	[tilespmem:$0x1E180] =	vst v63  }
0x139: {  	p4 =	sne.s32 s4, $0x0;
	_ =	swait.ge [sflag:s26], $0x4000  }
0x13a: {  	[sflag:s26] =	ssyncset.done $0x0  }
0x13b: {  	[sflag:s26] =	ssyncadd.s32 $0xFFFFC000  }
0x13c: {  	v0 =	vld [tilespmem:s7+$0xFFFFFF80];
	_ =	sdelay $0x4  }
0x13d: {  	[tilespmem:$0xA800] =	vst v0  }
0x13e: {  	v0 =	vld [tilespmem:s7+$0xFFFFFF90];
	_ =	sdelay $0x4  }
0x13f: {  	[tilespmem:$0xA810] =	vst v0  }
0x140: {  	v0 =	vld [tilespmem:s7+$0xFFFFFFA0];
	_ =	sdelay $0x4  }
0x141: {  	[tilespmem:$0xA820] =	vst v0  }
0x142: {  	v0 =	vld [tilespmem:s7+$0xFFFFFFB0];
	_ =	sdelay $0x4  }
0x143: {  	[tilespmem:$0xA830] =	vst v0  }
0x144: {  	v0 =	vld [tilespmem:s7+$0xFFFFFFC0];
	_ =	sdelay $0x4  }
0x145: {  	[tilespmem:$0xA840] =	vst v0  }
0x146: {  	v0 =	vld [tilespmem:s7+$0xFFFFFFD0];
	_ =	sdelay $0x4  }
0x147: {  	[tilespmem:$0xA850] =	vst v0  }
0x148: {  	v0 =	vld [tilespmem:s7+$0xFFFFFFE0];
	_ =	sdelay $0x4  }
0x149: {  	[tilespmem:$0xA860] =	vst v0  }
0x14a: {  	v0 =	vld [tilespmem:s7+$0xFFFFFFF0];
	_ =	sdelay $0x3  }
0x14b: {  	p5 =	sge.u32 s16, s14  }
0x14c: {  	s6 =	simm.s32 @!p5 $0x1;
	[tilespmem:$0xA870] =	vst v0  }
0x14d: {  	[spmem:s1] =	stream.indirect.scatter.add.f32 [tilespmem:s24], [sflag:$0x1], $0x80, s28, s23, $0xb8;
	[tilespmem:$0x1E180] =	vst v63  }
0x14e: {  	_ =	swait.ge @!p5 [sflag:s6], $0x4000  }
0x14f: {  	s12 =	simm.s32 @!p5 $0x80;
	s13 =	simm.s32 @!p5 $0x2800;
	[sflag:s6] =	ssyncset.done @!p5 $0x0  }
0x150: {  	[sflag:s6] =	ssyncadd.s32 @!p5 $0xFFFFC000  }
0x151: {  	[tilespmem:s13], [sflag:$0x3] =	stream.indirect.gather @!p5 [hbm4b:s3+s12], $0x80, s5, s12, $0xb8;
	[tilespmem:$0x1E180] =	vst v63  }
0x152: {  	_ =	swait.ge [sflag:s29], $0x4000  }
0x153: {  	[sflag:s29] =	ssyncset.done $0x0  }
0x154: {  	[sflag:s29] =	ssyncadd.s32 $0xFFFFC000  }
0x155: {  	v0 =	vld [tilespmem:s7+$0x0];
	_ =	sdelay $0x4  }
0x156: {  	[tilespmem:$0xA880] =	vst v0  }
0x157: {  	v0 =	vld [tilespmem:s7+$0x10];
	_ =	sdelay $0x4  }
0x158: {  	[tilespmem:$0xA890] =	vst v0  }
0x159: {  	v0 =	vld [tilespmem:s7+$0x20];
	_ =	sdelay $0x4  }
0x15a: {  	[tilespmem:$0xA8A0] =	vst v0  }
0x15b: {  	v0 =	vld [tilespmem:s7+$0x30];
	_ =	sdelay $0x4  }
0x15c: {  	[tilespmem:$0xA8B0] =	vst v0  }
0x15d: {  	v0 =	vld [tilespmem:s7+$0x40];
	_ =	sdelay $0x4  }
0x15e: {  	[tilespmem:$0xA8C0] =	vst v0  }
0x15f: {  	v0 =	vld [tilespmem:s7+$0x50];
	_ =	sdelay $0x4  }
0x160: {  	[tilespmem:$0xA8D0] =	vst v0  }
0x161: {  	v0 =	vld [tilespmem:s7+$0x60];
	_ =	sdelay $0x4  }
0x162: {  	[tilespmem:$0xA8E0] =	vst v0  }
0x163: {  	v0 =	vld [tilespmem:s7+$0x70];
	_ =	sdelay $0x2  }
0x164: {  	s6 =	sadd.s32 $0x1, s16  }
.Ltmp10:
0x165: {  	p5 =	sge.u32 s6, s14;
	(pc) =	sbr.rel @p4 .LBB2_9-.Ltmp10, $4  }
0x166: {  	s12 =	simm.s32 @!p5 $0x2;
	s7 =	sadd.s32 $0x100, s7;
	[tilespmem:$0xA8F0] =	vst v0  }
0x167: {  	[spmem:s1] =	stream.indirect.scatter.add.f32 [tilespmem:s25], [sflag:$0x2], $0x80, s30, s23, $0xb8;
	[tilespmem:$0x1E180] =	vst v63  }
0x168: {  	s16 =	sadd.s32 $0x2, s16;
	s13 =	simm.s32 @!p5 $0x6800;
	_ =	swait.ge @!p5 [sflag:s12], $0x4000  }
0x169: {  	s18 =	sadd.s32 @!p5 $0x80, s5;
	s19 =	simm.s32 @!p5 $0x80;
	[sflag:s12] =	ssyncset.done @!p5 $0x0  }
.Ltmp11:
0x16a: {  	_ = 	snop;
	(pc) =	sbr.rel .LBB2_10-.Ltmp11, $1  }
0x16b: {  	_ =	sdelay $0x3  }
.LBB2_12:
0x16c: {  	_ =	sfence.sel $0x180000  }
0x16d: {  	[bflag:$0x0] =	sbarrier.arrive $0xFFFF  }
0x16e: {  	_ =	strace $0x9000004D  }
0x16f: {  	s0 =	stileid.u32;
	[bflag:$0x2] =	sbarrier.arrive $0xFFFF  }
0x170: {  	p0 =	sne.s32 s0, $0x0;
	s0 =	rddreg [dreg:$0x2]  }
0x171: {  	s0 =	sadd.s32 @!p0 $0x100000, s0  }
0x172: {  	[sflag:s0] =	ssyncadd.tile.s32 @!p0 $0x1;
	_ =	shalt  }
.Lfunc_end2:
_tile_overlayer_lowered:
.L_overlay_start_2:
0x173: {  	(tag) =	ssettag $0x2  }
0x174: {  	s0 =	rddreg [dreg:$0x0];
	s2 =	stileid.u32  }
0x175: {  	s1 =	rddreg [dreg:$0x1];
	p0 =	sne.s32 s2, $0x0  }
0x176: {  	s3 =	rddreg [dreg:$0x2];
	[bflag:$0x3] =	sbarrier.arrive $0xFFFF;
	s2 =	simm.s32 @!p0 $0x1C05  }
0x177: {  	[timem:s3], [sflag:s2] =	dma.local @!p0 [hbm:s0], s1  }
0x178: {  	s0 =	simm.s32 @!p0 $0x5  }
0x179: {  	_ =	swait.ge @!p0 [sflag:s0], s1  }
0x17a: {  	s1 =	ssub.s32 @!p0 $0x0, s1;
	[sflag:s0] =	ssyncset.done @!p0 $0x0  }
0x17b: {  	[sflag:s0] =	ssyncadd.s32 @!p0 s1  }
0x17c: {  	[bflag:$0x3] =	sbarrier.arrive $0xFFFF  }
0x17d: {  	_ =	shalt  }

// kernel: kernel.9.cloned.1.call-start
scs
__scs_entry_jumppad:
0x0: {  	(pc) =	sbr.rel $0x88, $3  }
0x1: {  	(tag) =	ssettag $0x0;
	lr =	simm.s32 $0x1  }
0x2: {  	[smem:$0x3F96] =	sst lr;
	_ =	strace $0xD0000000  }
0x3: {  	_ = 	snop  }
0x4: {  	_ = 	snop  }
0x5: {  	_ = 	snop  }
0x6: {  	_ = 	snop  }
0x7: {  	_ = 	snop  }
__scs_overlays_trampoline_lowered:
0x8: {  	[smem:$0x3FA5] =	sst s0  }
0x9: {  	[smem:$0x3FA6] =	sst s1  }
0xa: {  	[smem:$0x3FA7] =	sst s2  }
0xb: {  	[smem:$0x3FA8] =	sst s3  }
0xc: {  	[smem:$0x3FA9] =	sst s4  }
0xd: {  	[smem:$0x3FAA] =	sst s5  }
0xe: {  	[smem:$0x3FAB] =	sst s6  }
0xf: {  	[smem:$0x3FAC] =	sst s7  }
0x10: {  	[smem:$0x3FAD] =	sst s8  }
0x11: {  	[smem:$0x3FAE] =	sst s9;
	s0 =	simm.s32 @!p0 $0x0  }
0x12: {  	s1 =	sld [smem:$0x3F94];
	s0 =	simm.s32 @p0 $0x1  }
0x13: {  	[smem:$0x3FAF] =	sst s0;
	s0 =	simm.s32 @!p1 $0x0  }
0x14: {  	s2 =	sld [smem:$0x3F93];
	s0 =	simm.s32 @p1 $0x1  }
0x15: {  	[smem:$0x3FB0] =	sst s0;
	s0 =	simm.s32 @!p2 $0x0  }
0x16: {  	s3 =	sld [smem:$0x3FDB];
	s0 =	simm.s32 @p2 $0x1  }
0x17: {  	s4 =	simm.s32 $0x1BF5;
	[smem:$0x3FB2] =	sst s0  }
0x18: {  	s0 =	sld [smem:$0x3F95];
	_ =	swait.ge [sflag:s4], $0x0  }
0x19: {  	s7 =	sld [smem:$0x3F96]  }
0x1a: {  	s8 =	sadd.s32 $0xFFFFE003, lr  }
0x1b: {  	s9 =	sadd.s32 $0xFFFFFEF7, lr;
	s5 =	simm.s32 $0xFFFFFFFF;
	p2 =	slt.u32 s8, $0xFFFFF086  }
0x1c: {  	p1 =	slt.u32 s9, $0xF7A;
	s5 =	simm.s32 @!p2 $0x0  }
0x1d: {  	s5 =	simm.s32 @p1 $0x1;
	p0 =	seq.s32 s7, s2  }
0x1e: {  	s7 =	smul.u32 @!p0 $0xF7A, s2;
	p2 =	seq.s32 @!p0 s5, $0x0  }
0x1f: {  	s9 =	smul.u32 $0xF7A, s1;
	s8 =	simm.s32 @!p0 $0x1BF5;
	p2 =	por !p2, p0  }
0x20: {  	[sflag:s8] =	ssyncset.s32 @!p0 $0xFFFFF086;
	s6 =	sadd.s32 @!p0 s3, s7;
	s7 =	simm.s32 @!p0 $0x108  }
0x21: {  	s3 =	sadd.s32 s3, s9;
	s6 =	sadd.s32 @!p0 $0x88, s6;
	s7 =	simm.s32 @p2 $0x1082  }
0x22: {  	[simem:s7], [sflag:s8] =	dma.local @!p0 [hbm:s6], $0xF7A  }
0x23: {  	s9 =	sor.u32 $0xD0000000, s2;
	s6 =	simm.s32 $0x108;
	_ =	swait.ge @!p0 [sflag:s8], $0x0  }
0x24: {  	s3 =	sadd.s32 $0x88, s3;
	s6 =	simm.s32 @!p1 $0x1082;
	[sflag:s4] =	ssyncset.s32 $0xFFFFF086  }
0x25: {  	[simem:s6], [sflag:s4] =	dma.local [hbm:s3], $0xF7A  }
0x26: {  	[smem:$0x3F96] =	sst s1;
	(tag) =	ssettag s2;
	_ =	strace s9  }
0x27: {  	s1 =	sld [smem:$0x3FA6]  }
0x28: {  	s2 =	sld [smem:$0x3FA7]  }
0x29: {  	s4 =	sld [smem:$0x3FA9]  }
0x2a: {  	p0 =	seq.s32 s5, $0x0;
	s5 =	sld [smem:$0x3FAA]  }
0x2b: {  	s6 =	sld [smem:$0x3FAB]  }
0x2c: {  	s7 =	sld [smem:$0x3FAC]  }
0x2d: {  	s3 =	simm.s32 $0x108;
	s8 =	sld [smem:$0x3FAD]  }
0x2e: {  	s3 =	simm.s32 @!p0 $0x1082;
	s9 =	sld [smem:$0x3FAE]  }
0x2f: {  	lr =	sadd.s32 s0, s3;
	s0 =	sld [smem:$0x3FA5]  }
0x30: {  	s3 =	sld [smem:$0x3FA8]  }
0x31: {  	[smem:$0x3FB1] =	sst s10  }
0x32: {  	s10 =	sld [smem:$0x3FAF];
	_ =	sdelay $0x3  }
0x33: {  	p0 =	seq.s32 s10, $0x1;
	s10 =	sld [smem:$0x3FB1];
	_ =	sdelay $0x3  }
0x34: {  	[smem:$0x3FB1] =	sst s10  }
0x35: {  	s10 =	sld [smem:$0x3FB0];
	_ =	sdelay $0x3  }
0x36: {  	p1 =	seq.s32 s10, $0x1;
	s10 =	sld [smem:$0x3FB1];
	_ =	sdelay $0x3  }
0x37: {  	[smem:$0x3FB1] =	sst s10  }
0x38: {  	s10 =	sld [smem:$0x3FB2]  }
0x39: {  	_ = 	snop;
	(pc) =	sbr.ind lr, $3  }
0x3a: {  	_ = 	snop  }
0x3b: {  	_ = 	snop  }
0x3c: {  	p2 =	seq.s32 s10, $0x1;
	s10 =	sld [smem:$0x3FB1]  }
0x3d: {  	_ =	shalt  }
0x3e: {  	_ =	shalt  }
0x3f: {  	_ =	shalt  }
0x40: {  	_ =	shalt  }
0x41: {  	_ =	shalt  }
0x42: {  	_ =	shalt  }
0x43: {  	_ =	shalt  }
0x44: {  	_ =	shalt  }
0x45: {  	_ =	shalt  }
0x46: {  	_ =	shalt  }
0x47: {  	_ =	shalt  }
0x48: {  	_ =	shalt  }
0x49: {  	_ =	shalt  }
0x4a: {  	_ =	shalt  }
0x4b: {  	_ =	shalt  }
0x4c: {  	_ =	shalt  }
0x4d: {  	_ =	shalt  }
0x4e: {  	_ =	shalt  }
0x4f: {  	_ =	shalt  }
0x50: {  	_ =	shalt  }
0x51: {  	_ =	shalt  }
0x52: {  	_ =	shalt  }
0x53: {  	_ =	shalt  }
0x54: {  	_ =	shalt  }
0x55: {  	_ =	shalt  }
0x56: {  	_ =	shalt  }
0x57: {  	_ =	shalt  }
0x58: {  	_ =	shalt  }
0x59: {  	_ =	shalt  }
0x5a: {  	_ =	shalt  }
0x5b: {  	_ =	shalt  }
0x5c: {  	_ =	shalt  }
0x5d: {  	_ =	shalt  }
0x5e: {  	_ =	shalt  }
0x5f: {  	_ =	shalt  }
0x60: {  	_ =	shalt  }
0x61: {  	_ =	shalt  }
0x62: {  	_ =	shalt  }
0x63: {  	_ =	shalt  }
0x64: {  	_ =	shalt  }
0x65: {  	_ =	shalt  }
0x66: {  	_ =	shalt  }
0x67: {  	_ =	shalt  }
0x68: {  	_ =	shalt  }
0x69: {  	_ =	shalt  }
0x6a: {  	_ =	shalt  }
0x6b: {  	_ =	shalt  }
0x6c: {  	_ =	shalt  }
0x6d: {  	_ =	shalt  }
0x6e: {  	_ =	shalt  }
0x6f: {  	_ =	shalt  }
0x70: {  	_ =	shalt  }
0x71: {  	_ =	shalt  }
0x72: {  	_ =	shalt  }
0x73: {  	_ =	shalt  }
0x74: {  	_ =	shalt  }
0x75: {  	_ =	shalt  }
0x76: {  	_ =	shalt  }
0x77: {  	_ =	shalt  }
0x78: {  	_ =	shalt  }
0x79: {  	_ =	shalt  }
0x7a: {  	_ =	shalt  }
0x7b: {  	_ =	shalt  }
0x7c: {  	_ =	shalt  }
0x7d: {  	_ =	shalt  }
0x7e: {  	_ =	shalt  }
0x7f: {  	_ =	shalt  }
0x80: {  	_ =	shalt  }
0x81: {  	_ =	shalt  }
0x82: {  	_ =	shalt  }
0x83: {  	_ =	shalt  }
0x84: {  	_ =	shalt  }
0x85: {  	_ =	shalt  }
0x86: {  	_ =	shalt  }
0x87: {  	_ =	shalt  }
.Lfunc_end0:
.L_simem_size_0:
called_computation_lowered:
.L_overlay_start_0:
0x88: {  	s2 =	sld [smem:$0x3FD9]  }
0x89: {  	s3 =	sld [smem:$0x3FFE];
	_ =	sdelay $0x1  }
0x8a: {  	s1 =	srdreg.scid  }
0x8b: {  	s0 =	sand.u32 $0x1, s1  }
0x8c: {  	s16 =	sshll.u32 s0, $0xA;
	s2 =	sadd.s32 s3, s2  }
0x8d: {  	s2 =	sadd.s32 s2, s16  }
0x8e: {  	[smem:$0x3FBD] =	sst s2  }
0x8f: {  	_ = 	snop  }
0x90: {  	(tm) =	ssettm $0x1  }
0x91: {  	s17 =	sld [smem:$0x3FFB];
	_ =	sdelay $0x3  }
0x92: {  	_ =	strace s17  }
0x93: {  	s2 =	sld [smem:$0x3FFC];
	_ =	sdelay $0x3  }
0x94: {  	_ =	strace s2  }
0x95: {  	s2 =	sld [smem:$0x3FFD];
	_ =	sdelay $0x3  }
0x96: {  	_ =	strace s2  }
0x97: {  	_ =	strace $0x8FFFFFFF  }
0x98: {  	s18 =	sld [smem:$0x3FDB];
	_ =	sdelay $0x1  }
0x99: {  	s19 =	simm.s32 $_scs_section_size  }
0x9a: {  	s4 =	simm.s32 $_size__tile_overlayer_lowered;
	s5 =	simm.s32 $_tile_overlayer_lowered  }
0x9b: {  	s22 =	simm.s32 $0x1BFF;
	s21 =	sshll.u32 s5, $0x1;
	s2 =	sadd.s32 s19, s18  }
0x9c: {  	s6 =	simm.s32 $0x0;
	s20 =	sshll.u32 s4, $0x1;
	s4 =	sadd.s32 s21, s2  }
0x9d: {  	[timem:s6], [sflag:s22] =	dma.local [hbm:s4], s20  }
0x9e: {  	_ =	swait.ge [sflag:s22], s20  }
0x9f: {  	s3 =	ssub.s32 $0x0, s20;
	[sflag:s22] =	ssyncset.done $0x0  }
0xa0: {  	[sflag:s22] =	ssyncadd.s32 s3;
	_ =	sdelay $0x1  }
0xa1: {  	s23 =	simm.s32 $0x1B8B  }
0xa2: {  	_ =	swait.ge [sflag:s23], $0x1  }
0xa3: {  	[sflag:s23] =	ssyncset.done $0x0  }
0xa4: {  	s25 =	simm.s32 $0x1B8E;
	s24 =	sld [smem:$0x3FFE];
	[sflag:s23] =	ssyncadd.s32 $0xFFFFFFFF  }
0xa5: {  	s26 =	simm.s32 $execute0_lowered;
	[smem:$0x3FD2] =	sst s25  }
0xa6: {  	s4 =	sshll.u32 s26, $0x1;
	_ =	strace $0x80000046;
	[dreg:$0x1] =	wrdreg $0xFFFFFFFF  }
0xa7: {  	s28 =	simm.s32 $_size_execute0_lowered;
	s2 =	sadd.s32 s2, s4;
	[dreg:$0x0] =	wrdreg $0x0  }
0xa8: {  	s4 =	sshll.u32 s28, $0x1;
	[dreg:$0x2] =	wrdreg s2  }
0xa9: {  	[dreg:$0x3] =	wrdreg s4  }
0xaa: {  	[dreg:$0x4] =	wrdreg $0xC0  }
0xab: {  	_ =	task [dreg:s6], $0x5FFFF  }
0xac: {  	[dreg:$0x1] =	wrdreg $0xFFFFFFFF  }
0xad: {  	[dreg:$0x0] =	wrdreg $0x60  }
0xae: {  	[dreg:$0x2] =	wrdreg s24  }
0xaf: {  	[dreg:$0x3] =	wrdreg $0x168800  }
0xb0: {  	[dreg:$0x4] =	wrdreg $0x9  }
0xb1: {  	_ =	task.clear_ibuf [dreg:s6], $0x5FFFF;
	_ =	strace $0x90000046  }
0xb2: {  	s29 =	simm.s32 $0x9;
	_ =	strace $0x80000048  }
0xb3: {  	_ =	swait.ge [sflag:s29], $0x1  }
0xb4: {  	[sflag:s29] =	ssyncadd.s32 $0xFFFFFFFF  }
0xb5: {  	_ =	strace $0x90000048  }
0xb6: {  	_ =	sfence  }
0xb7: {  	s30 =	sld [smem:$0x0];
	_ =	sdelay $0x2  }
0xb8: {  	s31 =	sshll.u32 s1, $0xD;
	s1 =	sshrl.u32 s1, $0x2  }
0xb9: {  	s3 =	sand.u32 $0x4000, s31;
	s1 =	sadd.s32 s1, s30  }
0xba: {  	s0 =	sor.u32 s3, s0;
	s1 =	sshll.u32 s1, $0x11  }
0xbb: {  	s0 =	sor.u32 s1, s0  }
0xbc: {  	s0 =	sadd.s32 $0x8F2B, s0  }
0xbd: {  	[sflag:s0] =	ssyncadd.remote.s32 $0x1  }
0xbe: {  	_ =	sfence.sel $0xFFFF  }
0xbf: {  	[dreg:$0x0] =	wrdreg $0xFFFFFFFF;
	(pc) =	sbr.abs _section_cstart, $3  }
0xc0: {  	[dreg:$0x1] =	wrdreg $0xFFFFFFFF  }
0xc1: {  	_ =	task.clear_ibuf [dreg:s6], $0x2FFFF;
	_ =	strace $0x9FFFFFFF  }
0xc2: {  	(tm) =	ssettm $0x7FFFFFFF  }
0xc3: {  	_ =	shalt  }
tec
execute0_lowered:
.L_overlay_start_1:
0x0: {  	(tag) =	ssettag $0x1  }
0x1: {  	s5 =	rddreg [dreg:$0x0];
	s1 =	srdreg.scid  }
0x2: {  	s0 =	stileid.u32;
	s2 =	rddreg [dreg:$0x1];
	v0 =	vimm.f32 $1.000000000e+00;
	v1 =	vlaneseq.u32  }
0x3: {  	s3 =	simm.s32 $0x0;
	s13 =	simm.s32 $0x80;
	s14 =	simm.s32 $0x16800;
	v2 =	vor.u32 $0x10, v1;
	v3 =	vor.u32 $0x20, v1;
	v4 =	vor.u32 $0x30, v1  }
0x4: {  	s15 =	simm.s32 $0x6800;
	s16 =	simm.s32 $0xA800;
	s17 =	simm.s32 $0xE800;
	v5 =	vor.u32 $0x40, v1;
	v6 =	vor.u32 $0x50, v1;
	v7 =	vor.u32 $0x60, v1  }
0x5: {  	s18 =	simm.s32 $0x12800;
	s6 =	sand.u32 $0x1, s1;
	s1 =	rddreg [dreg:$0x2];
	v8 =	vor.u32 $0x70, v1;
	v9 =	vor.u32 $0x80, v1;
	v10 =	vor.u32 $0x90, v1  }
0x6: {  	s4 =	sshll.u32 s0, $0x1;
	[smem:$0x7FF] =	sst s3;
	v11 =	vor.u32 $0xA0, v1;
	v12 =	vor.u32 $0xB0, v1;
	v13 =	vor.u32 $0xC0, v1;
	s11 =	smul.u32 $0x5000, s0  }
0x7: {  	v14 =	vor.u32 $0xD0, v1;
	v15 =	vor.u32 $0xE0, v1;
	v16 =	vor.u32 $0xF0, v1;
	s19 =	smul.u32 $0x280, s0;
	s31 =	sshll.u32 s0, $0x6;
	s7 =	sor.u32 s6, s4  }
0x8: {  	v17 =	vor.u32 $0x100, v1;
	v18 =	vor.u32 $0x110, v1;
	v19 =	vor.u32 $0x120, v1;
	_ =	strace $0x80000047;
	s8 =	smul.u32 $0x2800, s6;
	s6 =	ssub.s32 $0x2, s6  }
0x9: {  	v20 =	vor.u32 $0x130, v1;
	v21 =	vor.u32 $0x140, v1;
	v22 =	vor.u32 $0x150, v1;
	s4 =	smul.u32 $0x500, s7;
	s10 =	sshrl.u32 s6, $0x1;
	p0 =	seq.s32 s7, $0x1F  }
0xa: {  	v23 =	vor.u32 $0x160, v1;
	v24 =	vor.u32 $0x170, v1;
	v25 =	vor.u32 $0x180, v1;
	s30 =	sshrl.u32 s11, $0x2;
	s11 =	sor.u32 $0x1C01, s31;
	s8 =	sadd.s32 s8, s5  }
0xb: {  	v26 =	vor.u32 $0x190, v1;
	v27 =	vor.u32 $0x1A0, v1;
	v28 =	vor.u32 $0x1B0, v1;
	s10 =	ssub.s32 s6, s10;
	s12 =	sadd.s32 s30, s2;
	s9 =	sadd.s32 s4, s5  }
0xc: {  	v29 =	vor.u32 $0x1C0, v1;
	v30 =	vor.u32 $0x1D0, v1;
	v31 =	vor.u32 $0x1E0, v1;
	s4 =	sadd.s32 $0xC800, s5;
	s5 =	simm.s32 $0x14;
	s20 =	sadd.s32 $0xF000, s8  }
0xd: {  	v32 =	vor.u32 $0x1F0, v1;
	v33 =	vor.u32 $0x200, v1;
	v34 =	vor.u32 $0x210, v1;
	s8 =	smax.u32 s10, $0x1;
	s10 =	simm.s32 $0x2800;
	s12 =	sshrl.u32 s12, $0x3  }
0xe: {  	v35 =	vor.u32 $0x220, v1;
	v36 =	vor.u32 $0x230, v1;
	v37 =	vor.u32 $0x240, v1;
	s5 =	simm.s32 @!p0 $0x50;
	s6 =	sadd.s32 $0x2800, s9;
	s7 =	sadd.s32 s4, s19  }
0xf: {  	v38 =	vor.u32 $0x250, v1;
	v39 =	vor.u32 $0x260, v1;
	v40 =	vor.u32 $0x270, v1;
	s9 =	simm.s32 $0x1;
	s19 =	sadd.s32 s19, s20;
	s20 =	simm.s32 $0x0  }
.LBB2_1:
0x10: {  	[tilespmem:s3], [sflag:$0x1] =	stream.linear.gather [hbm4b:s6+s3], $0x2800, $0x38;
	[tilespmem:$0x17C80] =	vst v63  }
0x11: {  	_ =	swait.ge [sflag:s9], $0x2800  }
0x12: {  	[sflag:s9] =	ssyncset.done $0x0  }
0x13: {  	[sflag:s9] =	ssyncadd.s32 $0xFFFFD800  }
0x14: {  	[tilespmem:s10], [sflag:$0x1] =	stream.linear.gather [hbm4b:s4+s3], $0x14000, $0x38;
	[tilespmem:$0x17C80] =	vst v63  }
0x15: {  	_ =	swait.ge [sflag:s9], $0x14000  }
0x16: {  	[sflag:s9] =	ssyncset.done $0x0  }
0x17: {  	[sflag:s9] =	ssyncadd.s32 $0xFFFEC000  }
0x18: {  	[spmem:s12], [sflag:s11] =	dma.local [hbm:s7], $0x280  }
0x19: {  	_ =	swait.ge [sflag:s9], $0x280  }
0x1a: {  	[sflag:s9] =	ssyncset.done $0x0  }
0x1b: {  	s21 =	simm.s32 $0x40;
	s22 =	smov.u32 s5;
	[sflag:s9] =	ssyncadd.s32 $0xFFFFFD80  }
.LBB2_2:
0x1c: {  	v41 =	vld [tilespmem:s21+$0xFFFFFFC0];
	_ =	sdelay $0x7  }
0x1d: {  	[tilespmem:v41+s10+$0x0] =	vst.idx.add.f32.msk $0xffff, v0  }
0x1e: {  	v41 =	vld [tilespmem:s21+$0xFFFFFFD0];
	_ =	sdelay $0x7  }
0x1f: {  	[tilespmem:v41+s10+$0x0] =	vst.idx.add.f32.msk $0xffff, v0  }
0x20: {  	v41 =	vld [tilespmem:s21+$0xFFFFFFE0];
	_ =	sdelay $0x7  }
0x21: {  	[tilespmem:v41+s10+$0x0] =	vst.idx.add.f32.msk $0xffff, v0  }
0x22: {  	v41 =	vld [tilespmem:s21+$0xFFFFFFF0];
	_ =	sdelay $0x7  }
0x23: {  	[tilespmem:v41+s10+$0x0] =	vst.idx.add.f32.msk $0xffff, v0  }
0x24: {  	v41 =	vld [tilespmem:s21+$0x0];
	_ =	sdelay $0x7  }
0x25: {  	[tilespmem:v41+s10+$0x0] =	vst.idx.add.f32.msk $0xffff, v0  }
0x26: {  	v41 =	vld [tilespmem:s21+$0x10];
	_ =	sdelay $0x7  }
0x27: {  	[tilespmem:v41+s10+$0x0] =	vst.idx.add.f32.msk $0xffff, v0  }
0x28: {  	v41 =	vld [tilespmem:s21+$0x20];
	_ =	sdelay $0x7  }
0x29: {  	[tilespmem:v41+s10+$0x0] =	vst.idx.add.f32.msk $0xffff, v0  }
0x2a: {  	v41 =	vld [tilespmem:s21+$0x30];
	_ =	sdelay $0x2  }
0x2b: {  	p0 =	sne.s32 s22, $0x1  }
.Ltmp0:
0x2c: {  	_ = 	snop;
	(pc) =	sbr.rel @p0 .LBB2_2-.Ltmp0, $2  }
0x2d: {  	_ =	sdelay $0x2  }
0x2e: {  	s22 =	sadd.s32 $0xFFFFFFFF, s22;
	s21 =	sadd.s32 $0x80, s21;
	[tilespmem:v41+s10+$0x0] =	vst.idx.add.f32.msk $0xffff, v0  }
0x2f: {  	[bflag:$0x0] =	sbarrier.arrive $0xFFFF  }
0x30: {  	[tilespmem:$0x16800] =	vst v1  }
0x31: {  	[tilespmem:$0x16810] =	vst v2  }
0x32: {  	[tilespmem:$0x16820] =	vst v3  }
0x33: {  	[tilespmem:$0x16830] =	vst v4  }
0x34: {  	[tilespmem:$0x16840] =	vst v5  }
0x35: {  	[tilespmem:$0x16850] =	vst v6  }
0x36: {  	[tilespmem:$0x16860] =	vst v7  }
0x37: {  	[tilespmem:$0x16870] =	vst v8  }
0x38: {  	[spmem:s2] =	stream.indirect.scatter.add.f32 [tilespmem:s10], [sflag:$0x1], $0x80, s14, s13, $0xb8;
	[tilespmem:$0x17C80] =	vst v63  }
0x39: {  	_ =	swait.ge [sflag:s9], $0x4000  }
0x3a: {  	[sflag:s9] =	ssyncset.done $0x0  }
0x3b: {  	[sflag:s9] =	ssyncadd.s32 $0xFFFFC000  }
0x3c: {  	[tilespmem:$0x16800] =	vst v9  }
0x3d: {  	[tilespmem:$0x16810] =	vst v10  }
0x3e: {  	[tilespmem:$0x16820] =	vst v11  }
0x3f: {  	[tilespmem:$0x16830] =	vst v12  }
0x40: {  	[tilespmem:$0x16840] =	vst v13  }
0x41: {  	[tilespmem:$0x16850] =	vst v14  }
0x42: {  	[tilespmem:$0x16860] =	vst v15  }
0x43: {  	[tilespmem:$0x16870] =	vst v16  }
0x44: {  	[spmem:s2] =	stream.indirect.scatter.add.f32 [tilespmem:s15], [sflag:$0x1], $0x80, s14, s13, $0xb8;
	[tilespmem:$0x17C80] =	vst v63  }
0x45: {  	_ =	swait.ge [sflag:s9], $0x4000  }
0x46: {  	[sflag:s9] =	ssyncset.done $0x0  }
0x47: {  	[sflag:s9] =	ssyncadd.s32 $0xFFFFC000  }
0x48: {  	[tilespmem:$0x16800] =	vst v17  }
0x49: {  	[tilespmem:$0x16810] =	vst v18  }
0x4a: {  	[tilespmem:$0x16820] =	vst v19  }
0x4b: {  	[tilespmem:$0x16830] =	vst v20  }
0x4c: {  	[tilespmem:$0x16840] =	vst v21  }
0x4d: {  	[tilespmem:$0x16850] =	vst v22  }
0x4e: {  	[tilespmem:$0x16860] =	vst v23  }
0x4f: {  	[tilespmem:$0x16870] =	vst v24  }
0x50: {  	[spmem:s2] =	stream.indirect.scatter.add.f32 [tilespmem:s16], [sflag:$0x1], $0x80, s14, s13, $0xb8;
	[tilespmem:$0x17C80] =	vst v63  }
0x51: {  	_ =	swait.ge [sflag:s9], $0x4000  }
0x52: {  	[sflag:s9] =	ssyncset.done $0x0  }
0x53: {  	[sflag:s9] =	ssyncadd.s32 $0xFFFFC000  }
0x54: {  	[tilespmem:$0x16800] =	vst v25  }
0x55: {  	[tilespmem:$0x16810] =	vst v26  }
0x56: {  	[tilespmem:$0x16820] =	vst v27  }
0x57: {  	[tilespmem:$0x16830] =	vst v28  }
0x58: {  	[tilespmem:$0x16840] =	vst v29  }
0x59: {  	[tilespmem:$0x16850] =	vst v30  }
0x5a: {  	[tilespmem:$0x16860] =	vst v31  }
0x5b: {  	[tilespmem:$0x16870] =	vst v32  }
0x5c: {  	[spmem:s2] =	stream.indirect.scatter.add.f32 [tilespmem:s17], [sflag:$0x1], $0x80, s14, s13, $0xb8;
	[tilespmem:$0x17C80] =	vst v63  }
0x5d: {  	_ =	swait.ge [sflag:s9], $0x4000  }
0x5e: {  	[sflag:s9] =	ssyncset.done $0x0  }
0x5f: {  	[sflag:s9] =	ssyncadd.s32 $0xFFFFC000  }
0x60: {  	[tilespmem:$0x16800] =	vst v33  }
0x61: {  	[tilespmem:$0x16810] =	vst v34  }
0x62: {  	[tilespmem:$0x16820] =	vst v35  }
0x63: {  	[tilespmem:$0x16830] =	vst v36  }
0x64: {  	[tilespmem:$0x16840] =	vst v37  }
0x65: {  	[tilespmem:$0x16850] =	vst v38  }
0x66: {  	[tilespmem:$0x16860] =	vst v39  }
0x67: {  	[tilespmem:$0x16870] =	vst v40  }
0x68: {  	[spmem:s2] =	stream.indirect.scatter.add.f32 [tilespmem:s18], [sflag:$0x1], $0x80, s14, s13, $0xb8;
	[tilespmem:$0x17C80] =	vst v63  }
0x69: {  	_ =	swait.ge [sflag:s9], $0x4000  }
0x6a: {  	s20 =	sadd.s32 $0x1, s20;
	[sflag:s9] =	ssyncset.done $0x0  }
0x6b: {  	p0 =	sne.s32 s20, s8;
	[sflag:s9] =	ssyncadd.s32 $0xFFFFC000  }
.Ltmp1:
0x6c: {  	[bflag:$0x0] =	sbarrier.arrive $0xFFFF;
	(pc) =	sbr.rel @p0 .LBB2_1-.Ltmp1, $4  }
0x6d: {  	[hbm:s19], [sflag:s11] =	dma.local [spmem:s12], $0x280  }
0x6e: {  	_ =	swait.ge [sflag:s9], $0x280  }
0x6f: {  	[sflag:s9] =	ssyncset.done $0x0  }
0x70: {  	[sflag:s9] =	ssyncadd.s32 $0xFFFFFD80  }
0x71: {  	_ =	sfence.sel $0x180000  }
0x72: {  	[bflag:$0x0] =	sbarrier.arrive $0xFFFF  }
0x73: {  	p0 =	sne.s32 s0, $0x0;
	_ =	strace $0x90000047  }
0x74: {  	s0 =	sadd.s32 @!p0 $0x100000, s1;
	[bflag:$0x2] =	sbarrier.arrive $0xFFFF  }
0x75: {  	[sflag:s0] =	ssyncadd.tile.s32 @!p0 $0x1;
	_ =	shalt  }
.Lfunc_end2:
_tile_overlayer_lowered:
.L_overlay_start_2:
0x76: {  	(tag) =	ssettag $0x2  }
0x77: {  	s0 =	rddreg [dreg:$0x0];
	s2 =	stileid.u32  }
0x78: {  	s1 =	rddreg [dreg:$0x1];
	p0 =	sne.s32 s2, $0x0  }
0x79: {  	s3 =	rddreg [dreg:$0x2];
	[bflag:$0x3] =	sbarrier.arrive $0xFFFF;
	s2 =	simm.s32 @!p0 $0x1C01  }
0x7a: {  	[timem:s3], [sflag:s2] =	dma.local @!p0 [hbm:s0], s1  }
0x7b: {  	s0 =	simm.s32 @!p0 $0x1  }
0x7c: {  	_ =	swait.ge @!p0 [sflag:s0], s1  }
0x7d: {  	s1 =	ssub.s32 @!p0 $0x0, s1;
	[sflag:s0] =	ssyncset.done @!p0 $0x0  }
0x7e: {  	[sflag:s0] =	ssyncadd.s32 @!p0 s1  }
0x7f: {  	[bflag:$0x3] =	sbarrier.arrive $0xFFFF  }
0x80: {  	_ =	shalt  }

</sc_bundles>
